<compile_context>
chip_gen: v7x
topology: tpu7x:2x2x1
jax: 0.10.2.dev20260603
libtpu: 0.0.44.dev20260713+nightly
codegen_flags: <defaults>
</compile_context>

<pallas_src>
import jax
import jax.numpy as jnp
from jax import lax
from jax.experimental import pallas as pl
from jax.experimental.pallas import tpu as pltpu
from jax.experimental.pallas import tpu_sc as plsc

VOCAB = 1000000
EMBED = 64
EMBED_PAD = 128
BATCH = 16384
CTX = 50

NC = 2
NS = 16
NW = NC * NS

ROWS_PER_DMA = 8
CHUNK = ROWS_PER_DMA * CTX
CHUNK_PAD = 400
RPW = BATCH // NW
CPW = RPW // ROWS_PER_DMA
GSIZE = 1
NGRP = CPW // GSIZE
GROWS = GSIZE * ROWS_PER_DMA
NLANE = EMBED // 16
INV_CTX = 1.0 / CTX


def _cbow_body(idx_hbm, table_hbm, out_hbm, idx_v, buf_v, out_v, sem0, sem1):
    wid = lax.axis_index("s") * NC + lax.axis_index("c")
    base_chunk = wid * CPW

    pltpu.sync_copy(idx_hbm.at[pl.ds(base_chunk * CHUNK_PAD, CPW * CHUNK_PAD)],
                    idx_v)

    sems = (sem0, sem1)

    def issue_group(g, parity):
        for k in range(GSIZE):
            c = g * GSIZE + k
            pltpu.make_async_copy(
                table_hbm.at[idx_v.at[pl.ds(c * CHUNK_PAD, CHUNK_PAD)]],
                buf_v.at[parity, k],
                sems[parity],
            ).start()

    def drain_group(g, parity):
        for k in range(GSIZE):
            c = g * GSIZE + k
            pltpu.make_async_copy(
                table_hbm.at[idx_v.at[pl.ds(c * CHUNK_PAD, CHUNK_PAD)]],
                buf_v.at[parity, k],
                sems[parity],
            ).wait()

    def reduce_group(g, parity):
        def row_body(rr, carry):
            c = rr // ROWS_PER_DMA
            r = rr % ROWS_PER_DMA
            j0 = r * CTX
            acc = [buf_v[parity, c, j0, pl.ds(16 * q, 16)] for q in range(NLANE)]
            for j in range(1, CTX):
                for q in range(NLANE):
                    acc[q] += buf_v[parity, c, j0 + j, pl.ds(16 * q, 16)]
            orow = g * GROWS + rr
            for q in range(NLANE):
                out_v[orow, pl.ds(16 * q, 16)] = acc[q] * INV_CTX
            return carry
        lax.fori_loop(0, GROWS, row_body, 0, unroll=False)

    issue_group(0, 0)

    def group_body(g, carry):
        parity = lax.rem(g, 2)

        @pl.when(g + 1 < NGRP)
        def _issue_next():
            nparity = lax.rem(g + 1, 2)

            @pl.when(nparity == 0)
            def _():
                issue_group(g + 1, 0)

            @pl.when(nparity == 1)
            def _():
                issue_group(g + 1, 1)

        @pl.when(parity == 0)
        def _p0():
            drain_group(g, 0)
            reduce_group(g, 0)

        @pl.when(parity == 1)
        def _p1():
            drain_group(g, 1)
            reduce_group(g, 1)

        return carry

    lax.fori_loop(0, NGRP, group_body, 0, unroll=False)

    pltpu.sync_copy(out_v, out_hbm.at[pl.ds(wid * RPW, RPW)])


@jax.jit
def _cbow(idx_padded, table):
    mesh = plsc.VectorSubcoreMesh(core_axis_name="c", subcore_axis_name="s")
    f = pl.kernel(
        _cbow_body,
        out_type=jax.ShapeDtypeStruct((BATCH, EMBED), jnp.float32),
        mesh=mesh,
        scratch_types=[
            pltpu.VMEM((CPW * CHUNK_PAD,), jnp.int32),
            pltpu.VMEM((2, GSIZE, CHUNK_PAD, EMBED), jnp.float32),
            pltpu.VMEM((RPW, EMBED), jnp.float32),
            pltpu.SemaphoreType.DMA,
            pltpu.SemaphoreType.DMA,
        ],
        compiler_params=pltpu.CompilerParams(use_tc_tiling_on_sc=False),
    )
    return f(idx_padded, table)


def kernel(inputs, table):
    idx = inputs.astype(jnp.int32).reshape(BATCH // ROWS_PER_DMA, CHUNK)
    idx = jnp.pad(idx, ((0, 0), (0, CHUNK_PAD - CHUNK))).reshape(-1)
    return _cbow(idx, table)

# --- scband reference (transcript-rebuilt; emitter-appended) ---
"""Pipeline reference for scband-cbowmodel-55705725829170 (READ-ONLY COPY).

The authoritative reference and input builder live on the scoring server;
editing this copy changes nothing except your own understanding.
"""

import jax, jax.numpy as jnp
import numpy as np

VOCAB = 1000000
EMBED = 64
BATCH = 16384
CTX = 50

def setup_inputs(seed: int = 0) -> dict:
    key = jax.random.key(seed)
    k1, k2 = jax.random.split(key)
    inputs = jax.random.randint(k1, (BATCH, CTX), 0, VOCAB, dtype=jnp.int64 if jax.config.jax_enable_x64 else jnp.int32)
    table = jax.random.normal(k2, (VOCAB, EMBED), dtype=jnp.float32) * 0.05
    return {"inputs": inputs, "table": table}

def reference(inputs, table):
    # Embedding lookup: gather rows of the table
    embed = jnp.take(table, inputs, axis=0)  # [B, CTX, EMBED]
    # CBOW: mean over context window
    return jnp.mean(embed, axis=1)  # [B, EMBED]

if __name__ == "__main__":
    import jax
    _d = setup_inputs()
    print(jax.jit(kernel)(*tuple(_d.values())))

</pallas_src>

<mosaic_0001>
#map = affine_map<(d0, d1) -> (0)>
#map1 = affine_map<(d0, d1) -> (0, 0)>
module attributes {stable_mosaic.version = 14 : i64} {
  func.func @_cbow_body(%arg0: i32, %arg1: i32, %arg2: memref<819200xi32, #tpu.memory_space<hbm>>, %arg3: memref<1000000x64xf32, #tpu.memory_space<hbm>>, %arg4: memref<16384x64xf32, #tpu.memory_space<hbm>>, %arg5: memref<25600xi32, #tpu.memory_space<vmem>>, %arg6: memref<2x1x400x64xf32, #tpu.memory_space<vmem>>, %arg7: memref<512x64xf32, #tpu.memory_space<vmem>>, %arg8: memref<!tpu.dma_semaphore, #tpu.memory_space<semaphore_mem>>, %arg9: memref<!tpu.dma_semaphore, #tpu.memory_space<semaphore_mem>>) attributes {dimension_semantics = [#tpu.dimension_semantics<core_parallel>, #tpu.dimension_semantics<subcore_parallel>], iteration_bounds = array<i64: 2, 16>, scalar_prefetch = 0 : i64, scratch_operands = 5 : i64, tpu.core_type = #tpu.core_type<sc_vector_subcore>, window_params = [{transform_indices = #map}, {transform_indices = #map1}, {transform_indices = #map1}]} {
    %mul3A = arith.constant 2 : i32
    %mul3A_0 = arith.muli %arg1, %mul3A : i32
    %add3A = arith.addi %mul3A_0, %arg0 : i32
    %mul3A_1 = arith.constant 64 : i32
    %mul3A_2 = arith.muli %add3A, %mul3A_1 : i32
    %mul3A_3 = arith.constant 400 : i32
    %mul3A_4 = arith.muli %mul3A_2, %mul3A_3 : i32
    "tpu.region"() ({
      %run_scoped3A = tpu.sem_alloc : memref<!tpu.dma_semaphore, #tpu.memory_space<semaphore_mem>>
      %dma_start3A_22 = tpu.memref_slice %arg2[%mul3A_4] : memref<819200xi32, #tpu.memory_space<hbm>> -> memref<25600xi32, #tpu.memory_space<hbm>>
      %dma_start3A_23 = tpu.memref_slice %arg2[%mul3A_4] : memref<819200xi32, #tpu.memory_space<hbm>> -> memref<25600xi32, #tpu.memory_space<hbm>>
      tpu.enqueue_dma source(%dma_start3A_23 : memref<25600xi32, #tpu.memory_space<hbm>>) target(%arg5 : memref<25600xi32, #tpu.memory_space<vmem>>) target_semaphore(%run_scoped3A : memref<!tpu.dma_semaphore, #tpu.memory_space<semaphore_mem>>)
      %dma_wait3A = tpu.memref_slice %arg2[%mul3A_4] : memref<819200xi32, #tpu.memory_space<hbm>> -> memref<25600xi32, #tpu.memory_space<hbm>>
      %dma_wait3A_24 = tpu.memref_slice %arg2[%mul3A_4] : memref<819200xi32, #tpu.memory_space<hbm>> -> memref<25600xi32, #tpu.memory_space<hbm>>
      tpu.wait_dma2 semaphore(%run_scoped3A : memref<!tpu.dma_semaphore, #tpu.memory_space<semaphore_mem>>) src(%dma_wait3A_24 : memref<25600xi32, #tpu.memory_space<hbm>>) dst(%arg5 : memref<25600xi32, #tpu.memory_space<vmem>>)
      tpu.yield
    }) : () -> ()
    %dma_start3A = arith.constant 0 : i32
    %dma_start3A_5 = arith.constant 0 : i32
    %dma_start3A_6 = arith.constant 0 : i32
    %dma_start3A_7 = arith.constant 0 : i32
    %dma_start3A_8 = tpu.memref_slice %arg6[%dma_start3A, %dma_start3A_5, %dma_start3A_6, %dma_start3A_7] : memref<2x1x400x64xf32, #tpu.memory_space<vmem>> -> memref<1x1x400x64xf32, #tpu.memory_space<vmem>>
    %dma_start3A_9 = tpu.memref_squeeze %dma_start3A_8 : memref<1x1x400x64xf32, #tpu.memory_space<vmem>> -> memref<400x64xf32, #tpu.memory_space<vmem>>
    %dma_start3A_10 = arith.constant 0 : i32
    %dma_start3A_11 = tpu.memref_slice %arg5[%dma_start3A_10] : memref<25600xi32, #tpu.memory_space<vmem>> -> memref<400xi32, #tpu.memory_space<vmem>>
    %dma_start3A_12 = arith.constant 0 : i32
    %dma_start3A_13 = arith.constant 0 : i32
    %dma_start3A_14 = tpu.memref_slice %arg3[%dma_start3A_12, %dma_start3A_13] : memref<1000000x64xf32, #tpu.memory_space<hbm>> -> memref<1000000x64xf32, #tpu.memory_space<hbm>>
    tpu.enqueue_indirect_dma source(%dma_start3A_14 : memref<1000000x64xf32, #tpu.memory_space<hbm>>) target(%dma_start3A_9 : memref<400x64xf32, #tpu.memory_space<vmem>>) offsets(%dma_start3A_11 : memref<400xi32, #tpu.memory_space<vmem>>) semaphore(%arg8 : memref<!tpu.dma_semaphore, #tpu.memory_space<semaphore_mem>>)
    %scan3A = arith.constant 0 : i32
    %scan3A_15 = arith.constant 0 : i32
    %scan3A_16 = arith.constant 64 : i32
    %scan3A_17 = arith.addi %scan3A_15, %scan3A_16 : i32
    %scan3A_18 = arith.constant 1 : i32
    scf.for %scan3A_22 = %scan3A_15 to %scan3A_17 step %scan3A_18  : i32 {
      %rem3A = arith.constant 2 : i32
      %rem3A_23 = arith.remsi %scan3A_22, %rem3A : i32
      %add3A_24 = arith.constant 1 : i32
      %add3A_25 = arith.addi %scan3A_22, %add3A_24 : i32
      %lt3A = arith.constant 64 : i32
      %lt3A_26 = arith.cmpi slt, %add3A_25, %lt3A : i32
      %convert_element_type3A = arith.extui %lt3A_26 : i1 to i32
      %cond3A = arith.constant 0 : i32
      %cond3A_27 = arith.cmpi ne, %convert_element_type3A, %cond3A : i32
      scf.if %cond3A_27 {
        %add3A_37 = arith.constant 1 : i32
        %add3A_38 = arith.addi %scan3A_22, %add3A_37 : i32
        %rem3A_39 = arith.constant 2 : i32
        %rem3A_40 = arith.remsi %add3A_38, %rem3A_39 : i32
        %eq3A_41 = arith.constant 0 : i32
        %eq3A_42 = arith.cmpi eq, %rem3A_40, %eq3A_41 : i32
        %convert_element_type3A_43 = arith.extui %eq3A_42 : i1 to i32
        %cond3A_44 = arith.constant 0 : i32
        %cond3A_45 = arith.cmpi ne, %convert_element_type3A_43, %cond3A_44 : i32
        scf.if %cond3A_45 {
          %add3A_51 = arith.constant 1 : i32
          %add3A_52 = arith.addi %scan3A_22, %add3A_51 : i32
          %mul3A_53 = arith.constant 1 : i32
          %mul3A_54 = arith.muli %add3A_52, %mul3A_53 : i32
          %add3A_55 = arith.constant 0 : i32
          %add3A_56 = arith.addi %mul3A_54, %add3A_55 : i32
          %mul3A_57 = arith.constant 400 : i32
          %mul3A_58 = arith.muli %add3A_56, %mul3A_57 : i32
          %dma_start3A_59 = arith.constant 0 : i32
          %dma_start3A_60 = arith.constant 0 : i32
          %dma_start3A_61 = arith.constant 0 : i32
          %dma_start3A_62 = arith.constant 0 : i32
          %dma_start3A_63 = tpu.memref_slice %arg6[%dma_start3A_59, %dma_start3A_60, %dma_start3A_61, %dma_start3A_62] : memref<2x1x400x64xf32, #tpu.memory_space<vmem>> -> memref<1x1x400x64xf32, #tpu.memory_space<vmem>>
          %dma_start3A_64 = tpu.memref_squeeze %dma_start3A_63 : memref<1x1x400x64xf32, #tpu.memory_space<vmem>> -> memref<400x64xf32, #tpu.memory_space<vmem>>
          %dma_start3A_65 = tpu.memref_slice %arg5[%mul3A_58] : memref<25600xi32, #tpu.memory_space<vmem>> -> memref<400xi32, #tpu.memory_space<vmem>>
          %dma_start3A_66 = arith.constant 0 : i32
          %dma_start3A_67 = arith.constant 0 : i32
          %dma_start3A_68 = tpu.memref_slice %arg3[%dma_start3A_66, %dma_start3A_67] : memref<1000000x64xf32, #tpu.memory_space<hbm>> -> memref<1000000x64xf32, #tpu.memory_space<hbm>>
          tpu.enqueue_indirect_dma source(%dma_start3A_68 : memref<1000000x64xf32, #tpu.memory_space<hbm>>) target(%dma_start3A_64 : memref<400x64xf32, #tpu.memory_space<vmem>>) offsets(%dma_start3A_65 : memref<400xi32, #tpu.memory_space<vmem>>) semaphore(%arg8 : memref<!tpu.dma_semaphore, #tpu.memory_space<semaphore_mem>>)
        } else {
        }
        %eq3A_46 = arith.constant 1 : i32
        %eq3A_47 = arith.cmpi eq, %rem3A_40, %eq3A_46 : i32
        %convert_element_type3A_48 = arith.extui %eq3A_47 : i1 to i32
        %cond3A_49 = arith.constant 0 : i32
        %cond3A_50 = arith.cmpi ne, %convert_element_type3A_48, %cond3A_49 : i32
        scf.if %cond3A_50 {
          %add3A_51 = arith.constant 1 : i32
          %add3A_52 = arith.addi %scan3A_22, %add3A_51 : i32
          %mul3A_53 = arith.constant 1 : i32
          %mul3A_54 = arith.muli %add3A_52, %mul3A_53 : i32
          %add3A_55 = arith.constant 0 : i32
          %add3A_56 = arith.addi %mul3A_54, %add3A_55 : i32
          %mul3A_57 = arith.constant 400 : i32
          %mul3A_58 = arith.muli %add3A_56, %mul3A_57 : i32
          %dma_start3A_59 = arith.constant 1 : i32
          %dma_start3A_60 = arith.constant 0 : i32
          %dma_start3A_61 = arith.constant 0 : i32
          %dma_start3A_62 = arith.constant 0 : i32
          %dma_start3A_63 = tpu.memref_slice %arg6[%dma_start3A_59, %dma_start3A_60, %dma_start3A_61, %dma_start3A_62] : memref<2x1x400x64xf32, #tpu.memory_space<vmem>> -> memref<1x1x400x64xf32, #tpu.memory_space<vmem>>
          %dma_start3A_64 = tpu.memref_squeeze %dma_start3A_63 : memref<1x1x400x64xf32, #tpu.memory_space<vmem>> -> memref<400x64xf32, #tpu.memory_space<vmem>>
          %dma_start3A_65 = tpu.memref_slice %arg5[%mul3A_58] : memref<25600xi32, #tpu.memory_space<vmem>> -> memref<400xi32, #tpu.memory_space<vmem>>
          %dma_start3A_66 = arith.constant 0 : i32
          %dma_start3A_67 = arith.constant 0 : i32
          %dma_start3A_68 = tpu.memref_slice %arg3[%dma_start3A_66, %dma_start3A_67] : memref<1000000x64xf32, #tpu.memory_space<hbm>> -> memref<1000000x64xf32, #tpu.memory_space<hbm>>
          tpu.enqueue_indirect_dma source(%dma_start3A_68 : memref<1000000x64xf32, #tpu.memory_space<hbm>>) target(%dma_start3A_64 : memref<400x64xf32, #tpu.memory_space<vmem>>) offsets(%dma_start3A_65 : memref<400xi32, #tpu.memory_space<vmem>>) semaphore(%arg9 : memref<!tpu.dma_semaphore, #tpu.memory_space<semaphore_mem>>)
        } else {
        }
      } else {
      }
      %eq3A = arith.constant 0 : i32
      %eq3A_28 = arith.cmpi eq, %rem3A_23, %eq3A : i32
      %convert_element_type3A_29 = arith.extui %eq3A_28 : i1 to i32
      %cond3A_30 = arith.constant 0 : i32
      %cond3A_31 = arith.cmpi ne, %convert_element_type3A_29, %cond3A_30 : i32
      scf.if %cond3A_31 {
        %mul3A_37 = arith.constant 1 : i32
        %mul3A_38 = arith.muli %scan3A_22, %mul3A_37 : i32
        %add3A_39 = arith.constant 0 : i32
        %add3A_40 = arith.addi %mul3A_38, %add3A_39 : i32
        %mul3A_41 = arith.constant 400 : i32
        %mul3A_42 = arith.muli %add3A_40, %mul3A_41 : i32
        %dma_wait3A = arith.constant 0 : i32
        %dma_wait3A_43 = arith.constant 0 : i32
        %dma_wait3A_44 = arith.constant 0 : i32
        %dma_wait3A_45 = arith.constant 0 : i32
        %dma_wait3A_46 = tpu.memref_slice %arg6[%dma_wait3A, %dma_wait3A_43, %dma_wait3A_44, %dma_wait3A_45] : memref<2x1x400x64xf32, #tpu.memory_space<vmem>> -> memref<1x1x400x64xf32, #tpu.memory_space<vmem>>
        %dma_wait3A_47 = tpu.memref_squeeze %dma_wait3A_46 : memref<1x1x400x64xf32, #tpu.memory_space<vmem>> -> memref<400x64xf32, #tpu.memory_space<vmem>>
        %dma_wait3A_48 = tpu.memref_slice %arg5[%mul3A_42] : memref<25600xi32, #tpu.memory_space<vmem>> -> memref<400xi32, #tpu.memory_space<vmem>>
        %dma_wait3A_49 = arith.constant 0 : i32
        %dma_wait3A_50 = arith.constant 0 : i32
        %dma_wait3A_51 = tpu.memref_slice %arg3[%dma_wait3A_49, %dma_wait3A_50] : memref<1000000x64xf32, #tpu.memory_space<hbm>> -> memref<1000000x64xf32, #tpu.memory_space<hbm>>
        tpu.wait_indirect_dma semaphore(%arg8 : memref<!tpu.dma_semaphore, #tpu.memory_space<semaphore_mem>>) src(%dma_wait3A_51 : memref<1000000x64xf32, #tpu.memory_space<hbm>>) dst(%dma_wait3A_47 : memref<400x64xf32, #tpu.memory_space<vmem>>)
        %scan3A_52 = arith.constant 0 : i32
        %scan3A_53 = arith.constant 0 : i32
        %scan3A_54 = arith.constant 8 : i32
        %scan3A_55 = arith.addi %scan3A_53, %scan3A_54 : i32
        %scan3A_56 = arith.constant 1 : i32
        scf.for %scan3A_58 = %scan3A_53 to %scan3A_55 step %scan3A_56  : i32 {
          %jit3A = arith.constant 8 : i32
          %div3A = arith.divsi %scan3A_58, %jit3A : i32
          %sign3A = arith.constant 0 : i32
          %sign3A_59 = arith.cmpi sgt, %scan3A_58, %sign3A : i32
          %sign3A_60 = arith.extui %sign3A_59 : i1 to i32
          %sign3A_61 = arith.constant 0 : i32
          %sign3A_62 = arith.cmpi slt, %scan3A_58, %sign3A_61 : i32
          %sign3A_63 = arith.extui %sign3A_62 : i1 to i32
          %sign3A_64 = arith.subi %sign3A_60, %sign3A_63 : i32
          %sign3A_65 = arith.constant 0 : i32
          %sign3A_66 = arith.cmpi sgt, %jit3A, %sign3A_65 : i32
          %sign3A_67 = arith.extui %sign3A_66 : i1 to i32
          %sign3A_68 = arith.constant 0 : i32
          %sign3A_69 = arith.cmpi slt, %jit3A, %sign3A_68 : i32
          %sign3A_70 = arith.extui %sign3A_69 : i1 to i32
          %sign3A_71 = arith.subi %sign3A_67, %sign3A_70 : i32
          %ne3A = arith.cmpi ne, %sign3A_64, %sign3A_71 : i32
          %rem3A_72 = arith.remsi %scan3A_58, %jit3A : i32
          %ne3A_73 = arith.constant 0 : i32
          %ne3A_74 = arith.cmpi ne, %rem3A_72, %ne3A_73 : i32
          %and3A = arith.andi %ne3A, %ne3A_74 : i1
          %sub3A = arith.constant 1 : i32
          %sub3A_75 = arith.subi %div3A, %sub3A : i32
          %select_n3A = arith.select %and3A, %sub3A_75, %div3A : i32
          %jit3A_76 = arith.constant 8 : i32
          %eq3A_77 = arith.constant 0 : i32
          %eq3A_78 = arith.cmpi eq, %jit3A_76, %eq3A_77 : i32
          %jit3A_79 = arith.constant 1 : i32
          %select_n3A_80 = arith.select %eq3A_78, %jit3A_79, %jit3A_76 : i32
          %rem3A_81 = arith.remsi %scan3A_58, %select_n3A_80 : i32
          %ne3A_82 = arith.constant 0 : i32
          %ne3A_83 = arith.cmpi ne, %rem3A_81, %ne3A_82 : i32
          %lt3A_84 = arith.constant 0 : i32
          %lt3A_85 = arith.cmpi slt, %rem3A_81, %lt3A_84 : i32
          %lt3A_86 = arith.constant 0 : i32
          %lt3A_87 = arith.cmpi slt, %select_n3A_80, %lt3A_86 : i32
          %ne3A_88 = arith.xori %lt3A_85, %lt3A_87 : i1
          %and3A_89 = arith.andi %ne3A_88, %ne3A_83 : i1
          %add3A_90 = arith.addi %rem3A_81, %select_n3A_80 : i32
          %select_n3A_91 = arith.select %and3A_89, %add3A_90, %rem3A_81 : i32
          %mul3A_92 = arith.constant 50 : i32
          %mul3A_93 = arith.muli %select_n3A_91, %mul3A_92 : i32
          %get3A = arith.constant 0 : i32
          %get3A_94 = arith.index_cast %get3A : i32 to index
          %get3A_95 = arith.index_cast %select_n3A : i32 to index
          %get3A_96 = arith.index_cast %mul3A_93 : i32 to index
          %get3A_97 = arith.constant 0 : index
          %get3A_98 = tpu.vector_load %arg6[%get3A_94, %get3A_95, %get3A_96, %get3A_97] {strides = array<i32>} : memref<2x1x400x64xf32, #tpu.memory_space<vmem>>, vector<1x1x1x16xf32>,
          %get3A_99 = vector.shape_cast %get3A_98 : vector<1x1x1x16xf32> to vector<16xf32>
          %get3A_100 = arith.constant 0 : i32
          %get3A_101 = arith.index_cast %get3A_100 : i32 to index
          %get3A_102 = arith.index_cast %select_n3A : i32 to index
          %get3A_103 = arith.index_cast %mul3A_93 : i32 to index
          %get3A_104 = arith.constant 16 : index
          %get3A_105 = tpu.vector_load %arg6[%get3A_101, %get3A_102, %get3A_103, %get3A_104] {strides = array<i32>} : memref<2x1x400x64xf32, #tpu.memory_space<vmem>>, vector<1x1x1x16xf32>,
          %get3A_106 = vector.shape_cast %get3A_105 : vector<1x1x1x16xf32> to vector<16xf32>
          %get3A_107 = arith.constant 0 : i32
          %get3A_108 = arith.index_cast %get3A_107 : i32 to index
          %get3A_109 = arith.index_cast %select_n3A : i32 to index
          %get3A_110 = arith.index_cast %mul3A_93 : i32 to index
          %get3A_111 = arith.constant 32 : index
          %get3A_112 = tpu.vector_load %arg6[%get3A_108, %get3A_109, %get3A_110, %get3A_111] {strides = array<i32>} : memref<2x1x400x64xf32, #tpu.memory_space<vmem>>, vector<1x1x1x16xf32>,
          %get3A_113 = vector.shape_cast %get3A_112 : vector<1x1x1x16xf32> to vector<16xf32>
          %get3A_114 = arith.constant 0 : i32
          %get3A_115 = arith.index_cast %get3A_114 : i32 to index
          %get3A_116 = arith.index_cast %select_n3A : i32 to index
          %get3A_117 = arith.index_cast %mul3A_93 : i32 to index
          %get3A_118 = arith.constant 48 : index
          %get3A_119 = tpu.vector_load %arg6[%get3A_115, %get3A_116, %get3A_117, %get3A_118] {strides = array<i32>} : memref<2x1x400x64xf32, #tpu.memory_space<vmem>>, vector<1x1x1x16xf32>,
          %get3A_120 = vector.shape_cast %get3A_119 : vector<1x1x1x16xf32> to vector<16xf32>
          %add3A_121 = arith.constant 1 : i32
          %add3A_122 = arith.addi %mul3A_93, %add3A_121 : i32
          %get3A_123 = arith.constant 0 : i32
          %get3A_124 = arith.index_cast %get3A_123 : i32 to index
          %get3A_125 = arith.index_cast %select_n3A : i32 to index
          %get3A_126 = arith.index_cast %add3A_122 : i32 to index
          %get3A_127 = arith.constant 0 : index
          %get3A_128 = tpu.vector_load %arg6[%get3A_124, %get3A_125, %get3A_126, %get3A_127] {strides = array<i32>} : memref<2x1x400x64xf32, #tpu.memory_space<vmem>>, vector<1x1x1x16xf32>,
          %get3A_129 = vector.shape_cast %get3A_128 : vector<1x1x1x16xf32> to vector<16xf32>
          %add3A_130 = arith.addf %get3A_99, %get3A_129 : vector<16xf32>
          %add3A_131 = arith.constant 1 : i32
          %add3A_132 = arith.addi %mul3A_93, %add3A_131 : i32
          %get3A_133 = arith.constant 0 : i32
          %get3A_134 = arith.index_cast %get3A_133 : i32 to index
          %get3A_135 = arith.index_cast %select_n3A : i32 to index
          %get3A_136 = arith.index_cast %add3A_132 : i32 to index
          %get3A_137 = arith.constant 16 : index
          %get3A_138 = tpu.vector_load %arg6[%get3A_134, %get3A_135, %get3A_136, %get3A_137] {strides = array<i32>} : memref<2x1x400x64xf32, #tpu.memory_space<vmem>>, vector<1x1x1x16xf32>,
          %get3A_139 = vector.shape_cast %get3A_138 : vector<1x1x1x16xf32> to vector<16xf32>
          %add3A_140 = arith.addf %get3A_106, %get3A_139 : vector<16xf32>
          %add3A_141 = arith.constant 1 : i32
          %add3A_142 = arith.addi %mul3A_93, %add3A_141 : i32
          %get3A_143 = arith.constant 0 : i32
          %get3A_144 = arith.index_cast %get3A_143 : i32 to index
          %get3A_145 = arith.index_cast %select_n3A : i32 to index
          %get3A_146 = arith.index_cast %add3A_142 : i32 to index
          %get3A_147 = arith.constant 32 : index
          %get3A_148 = tpu.vector_load %arg6[%get3A_144, %get3A_145, %get3A_146, %get3A_147] {strides = array<i32>} : memref<2x1x400x64xf32, #tpu.memory_space<vmem>>, vector<1x1x1x16xf32>,
          %get3A_149 = vector.shape_cast %get3A_148 : vector<1x1x1x16xf32> to vector<16xf32>
          %add3A_150 = arith.addf %get3A_113, %get3A_149 : vector<16xf32>
          %add3A_151 = arith.constant 1 : i32
          %add3A_152 = arith.addi %mul3A_93, %add3A_151 : i32
          %get3A_153 = arith.constant 0 : i32
          %get3A_154 = arith.index_cast %get3A_153 : i32 to index
          %get3A_155 = arith.index_cast %select_n3A : i32 to index
          %get3A_156 = arith.index_cast %add3A_152 : i32 to index
          %get3A_157 = arith.constant 48 : index
          %get3A_158 = tpu.vector_load %arg6[%get3A_154, %get3A_155, %get3A_156, %get3A_157] {strides = array<i32>} : memref<2x1x400x64xf32, #tpu.memory_space<vmem>>, vector<1x1x1x16xf32>,
          %get3A_159 = vector.shape_cast %get3A_158 : vector<1x1x1x16xf32> to vector<16xf32>
          %add3A_160 = arith.addf %get3A_120, %get3A_159 : vector<16xf32>
          %add3A_161 = arith.constant 2 : i32
          %add3A_162 = arith.addi %mul3A_93, %add3A_161 : i32
          %get3A_163 = arith.constant 0 : i32
          %get3A_164 = arith.index_cast %get3A_163 : i32 to index
          %get3A_165 = arith.index_cast %select_n3A : i32 to index
          %get3A_166 = arith.index_cast %add3A_162 : i32 to index
          %get3A_167 = arith.constant 0 : index
          %get3A_168 = tpu.vector_load %arg6[%get3A_164, %get3A_165, %get3A_166, %get3A_167] {strides = array<i32>} : memref<2x1x400x64xf32, #tpu.memory_space<vmem>>, vector<1x1x1x16xf32>,
          %get3A_169 = vector.shape_cast %get3A_168 : vector<1x1x1x16xf32> to vector<16xf32>
          %add3A_170 = arith.addf %add3A_130, %get3A_169 : vector<16xf32>
          %add3A_171 = arith.constant 2 : i32
          %add3A_172 = arith.addi %mul3A_93, %add3A_171 : i32
          %get3A_173 = arith.constant 0 : i32
          %get3A_174 = arith.index_cast %get3A_173 : i32 to index
          %get3A_175 = arith.index_cast %select_n3A : i32 to index
          %get3A_176 = arith.index_cast %add3A_172 : i32 to index
          %get3A_177 = arith.constant 16 : index
          %get3A_178 = tpu.vector_load %arg6[%get3A_174, %get3A_175, %get3A_176, %get3A_177] {strides = array<i32>} : memref<2x1x400x64xf32, #tpu.memory_space<vmem>>, vector<1x1x1x16xf32>,
          %get3A_179 = vector.shape_cast %get3A_178 : vector<1x1x1x16xf32> to vector<16xf32>
          %add3A_180 = arith.addf %add3A_140, %get3A_179 : vector<16xf32>
          %add3A_181 = arith.constant 2 : i32
          %add3A_182 = arith.addi %mul3A_93, %add3A_181 : i32
          %get3A_183 = arith.constant 0 : i32
          %get3A_184 = arith.index_cast %get3A_183 : i32 to index
          %get3A_185 = arith.index_cast %select_n3A : i32 to index
          %get3A_186 = arith.index_cast %add3A_182 : i32 to index
          %get3A_187 = arith.constant 32 : index
          %get3A_188 = tpu.vector_load %arg6[%get3A_184, %get3A_185, %get3A_186, %get3A_187] {strides = array<i32>} : memref<2x1x400x64xf32, #tpu.memory_space<vmem>>, vector<1x1x1x16xf32>,
          %get3A_189 = vector.shape_cast %get3A_188 : vector<1x1x1x16xf32> to vector<16xf32>
          %add3A_190 = arith.addf %add3A_150, %get3A_189 : vector<16xf32>
          %add3A_191 = arith.constant 2 : i32
          %add3A_192 = arith.addi %mul3A_93, %add3A_191 : i32
          %get3A_193 = arith.constant 0 : i32
          %get3A_194 = arith.index_cast %get3A_193 : i32 to index
          %get3A_195 = arith.index_cast %select_n3A : i32 to index
          %get3A_196 = arith.index_cast %add3A_192 : i32 to index
          %get3A_197 = arith.constant 48 : index
          %get3A_198 = tpu.vector_load %arg6[%get3A_194, %get3A_195, %get3A_196, %get3A_197] {strides = array<i32>} : memref<2x1x400x64xf32, #tpu.memory_space<vmem>>, vector<1x1x1x16xf32>,
          %get3A_199 = vector.shape_cast %get3A_198 : vector<1x1x1x16xf32> to vector<16xf32>
          %add3A_200 = arith.addf %add3A_160, %get3A_199 : vector<16xf32>
          %add3A_201 = arith.constant 3 : i32
          %add3A_202 = arith.addi %mul3A_93, %add3A_201 : i32
          %get3A_203 = arith.constant 0 : i32
          %get3A_204 = arith.index_cast %get3A_203 : i32 to index
          %get3A_205 = arith.index_cast %select_n3A : i32 to index
          %get3A_206 = arith.index_cast %add3A_202 : i32 to index
          %get3A_207 = arith.constant 0 : index
          %get3A_208 = tpu.vector_load %arg6[%get3A_204, %get3A_205, %get3A_206, %get3A_207] {strides = array<i32>} : memref<2x1x400x64xf32, #tpu.memory_space<vmem>>, vector<1x1x1x16xf32>,
          %get3A_209 = vector.shape_cast %get3A_208 : vector<1x1x1x16xf32> to vector<16xf32>
          %add3A_210 = arith.addf %add3A_170, %get3A_209 : vector<16xf32>
          %add3A_211 = arith.constant 3 : i32
          %add3A_212 = arith.addi %mul3A_93, %add3A_211 : i32
          %get3A_213 = arith.constant 0 : i32
          %get3A_214 = arith.index_cast %get3A_213 : i32 to index
          %get3A_215 = arith.index_cast %select_n3A : i32 to index
          %get3A_216 = arith.index_cast %add3A_212 : i32 to index
          %get3A_217 = arith.constant 16 : index
          %get3A_218 = tpu.vector_load %arg6[%get3A_214, %get3A_215, %get3A_216, %get3A_217] {strides = array<i32>} : memref<2x1x400x64xf32, #tpu.memory_space<vmem>>, vector<1x1x1x16xf32>,
          %get3A_219 = vector.shape_cast %get3A_218 : vector<1x1x1x16xf32> to vector<16xf32>
          %add3A_220 = arith.addf %add3A_180, %get3A_219 : vector<16xf32>
          %add3A_221 = arith.constant 3 : i32
          %add3A_222 = arith.addi %mul3A_93, %add3A_221 : i32
          %get3A_223 = arith.constant 0 : i32
          %get3A_224 = arith.index_cast %get3A_223 : i32 to index
          %get3A_225 = arith.index_cast %select_n3A : i32 to index
          %get3A_226 = arith.index_cast %add3A_222 : i32 to index
          %get3A_227 = arith.constant 32 : index
          %get3A_228 = tpu.vector_load %arg6[%get3A_224, %get3A_225, %get3A_226, %get3A_227] {strides = array<i32>} : memref<2x1x400x64xf32, #tpu.memory_space<vmem>>, vector<1x1x1x16xf32>,
          %get3A_229 = vector.shape_cast %get3A_228 : vector<1x1x1x16xf32> to vector<16xf32>
          %add3A_230 = arith.addf %add3A_190, %get3A_229 : vector<16xf32>
          %add3A_231 = arith.constant 3 : i32
          %add3A_232 = arith.addi %mul3A_93, %add3A_231 : i32
          %get3A_233 = arith.constant 0 : i32
          %get3A_234 = arith.index_cast %get3A_233 : i32 to index
          %get3A_235 = arith.index_cast %select_n3A : i32 to index
          %get3A_236 = arith.index_cast %add3A_232 : i32 to index
          %get3A_237 = arith.constant 48 : index
          %get3A_238 = tpu.vector_load %arg6[%get3A_234, %get3A_235, %get3A_236, %get3A_237] {strides = array<i32>} : memref<2x1x400x64xf32, #tpu.memory_space<vmem>>, vector<1x1x1x16xf32>,
          %get3A_239 = vector.shape_cast %get3A_238 : vector<1x1x1x16xf32> to vector<16xf32>
          %add3A_240 = arith.addf %add3A_200, %get3A_239 : vector<16xf32>
          %add3A_241 = arith.constant 4 : i32
          %add3A_242 = arith.addi %mul3A_93, %add3A_241 : i32
          %get3A_243 = arith.constant 0 : i32
          %get3A_244 = arith.index_cast %get3A_243 : i32 to index
          %get3A_245 = arith.index_cast %select_n3A : i32 to index
          %get3A_246 = arith.index_cast %add3A_242 : i32 to index
          %get3A_247 = arith.constant 0 : index
          %get3A_248 = tpu.vector_load %arg6[%get3A_244, %get3A_245, %get3A_246, %get3A_247] {strides = array<i32>} : memref<2x1x400x64xf32, #tpu.memory_space<vmem>>, vector<1x1x1x16xf32>,
          %get3A_249 = vector.shape_cast %get3A_248 : vector<1x1x1x16xf32> to vector<16xf32>
          %add3A_250 = arith.addf %add3A_210, %get3A_249 : vector<16xf32>
          %add3A_251 = arith.constant 4 : i32
          %add3A_252 = arith.addi %mul3A_93, %add3A_251 : i32
          %get3A_253 = arith.constant 0 : i32
          %get3A_254 = arith.index_cast %get3A_253 : i32 to index
          %get3A_255 = arith.index_cast %select_n3A : i32 to index
          %get3A_256 = arith.index_cast %add3A_252 : i32 to index
          %get3A_257 = arith.constant 16 : index
          %get3A_258 = tpu.vector_load %arg6[%get3A_254, %get3A_255, %get3A_256, %get3A_257] {strides = array<i32>} : memref<2x1x400x64xf32, #tpu.memory_space<vmem>>, vector<1x1x1x16xf32>,
          %get3A_259 = vector.shape_cast %get3A_258 : vector<1x1x1x16xf32> to vector<16xf32>
          %add3A_260 = arith.addf %add3A_220, %get3A_259 : vector<16xf32>
          %add3A_261 = arith.constant 4 : i32
          %add3A_262 = arith.addi %mul3A_93, %add3A_261 : i32
          %get3A_263 = arith.constant 0 : i32
          %get3A_264 = arith.index_cast %get3A_263 : i32 to index
          %get3A_265 = arith.index_cast %select_n3A : i32 to index
          %get3A_266 = arith.index_cast %add3A_262 : i32 to index
          %get3A_267 = arith.constant 32 : index
          %get3A_268 = tpu.vector_load %arg6[%get3A_264, %get3A_265, %get3A_266, %get3A_267] {strides = array<i32>} : memref<2x1x400x64xf32, #tpu.memory_space<vmem>>, vector<1x1x1x16xf32>,
          %get3A_269 = vector.shape_cast %get3A_268 : vector<1x1x1x16xf32> to vector<16xf32>
          %add3A_270 = arith.addf %add3A_230, %get3A_269 : vector<16xf32>
          %add3A_271 = arith.constant 4 : i32
          %add3A_272 = arith.addi %mul3A_93, %add3A_271 : i32
          %get3A_273 = arith.constant 0 : i32
          %get3A_274 = arith.index_cast %get3A_273 : i32 to index
          %get3A_275 = arith.index_cast %select_n3A : i32 to index
          %get3A_276 = arith.index_cast %add3A_272 : i32 to index
          %get3A_277 = arith.constant 48 : index
          %get3A_278 = tpu.vector_load %arg6[%get3A_274, %get3A_275, %get3A_276, %get3A_277] {strides = array<i32>} : memref<2x1x400x64xf32, #tpu.memory_space<vmem>>, vector<1x1x1x16xf32>,
          %get3A_279 = vector.shape_cast %get3A_278 : vector<1x1x1x16xf32> to vector<16xf32>
          %add3A_280 = arith.addf %add3A_240, %get3A_279 : vector<16xf32>
          %add3A_281 = arith.constant 5 : i32
          %add3A_282 = arith.addi %mul3A_93, %add3A_281 : i32
          %get3A_283 = arith.constant 0 : i32
          %get3A_284 = arith.index_cast %get3A_283 : i32 to index
          %get3A_285 = arith.index_cast %select_n3A : i32 to index
          %get3A_286 = arith.index_cast %add3A_282 : i32 to index
          %get3A_287 = arith.constant 0 : index
          %get3A_288 = tpu.vector_load %arg6[%get3A_284, %get3A_285, %get3A_286, %get3A_287] {strides = array<i32>} : memref<2x1x400x64xf32, #tpu.memory_space<vmem>>, vector<1x1x1x16xf32>,
          %get3A_289 = vector.shape_cast %get3A_288 : vector<1x1x1x16xf32> to vector<16xf32>
          %add3A_290 = arith.addf %add3A_250, %get3A_289 : vector<16xf32>
          %add3A_291 = arith.constant 5 : i32
          %add3A_292 = arith.addi %mul3A_93, %add3A_291 : i32
          %get3A_293 = arith.constant 0 : i32
          %get3A_294 = arith.index_cast %get3A_293 : i32 to index
          %get3A_295 = arith.index_cast %select_n3A : i32 to index
          %get3A_296 = arith.index_cast %add3A_292 : i32 to index
          %get3A_297 = arith.constant 16 : index
          %get3A_298 = tpu.vector_load %arg6[%get3A_294, %get3A_295, %get3A_296, %get3A_297] {strides = array<i32>} : memref<2x1x400x64xf32, #tpu.memory_space<vmem>>, vector<1x1x1x16xf32>,
          %get3A_299 = vector.shape_cast %get3A_298 : vector<1x1x1x16xf32> to vector<16xf32>
          %add3A_300 = arith.addf %add3A_260, %get3A_299 : vector<16xf32>
          %add3A_301 = arith.constant 5 : i32
          %add3A_302 = arith.addi %mul3A_93, %add3A_301 : i32
          %get3A_303 = arith.constant 0 : i32
          %get3A_304 = arith.index_cast %get3A_303 : i32 to index
          %get3A_305 = arith.index_cast %select_n3A : i32 to index
          %get3A_306 = arith.index_cast %add3A_302 : i32 to index
          %get3A_307 = arith.constant 32 : index
          %get3A_308 = tpu.vector_load %arg6[%get3A_304, %get3A_305, %get3A_306, %get3A_307] {strides = array<i32>} : memref<2x1x400x64xf32, #tpu.memory_space<vmem>>, vector<1x1x1x16xf32>,
          %get3A_309 = vector.shape_cast %get3A_308 : vector<1x1x1x16xf32> to vector<16xf32>
          %add3A_310 = arith.addf %add3A_270, %get3A_309 : vector<16xf32>
          %add3A_311 = arith.constant 5 : i32
          %add3A_312 = arith.addi %mul3A_93, %add3A_311 : i32
          %get3A_313 = arith.constant 0 : i32
          %get3A_314 = arith.index_cast %get3A_313 : i32 to index
          %get3A_315 = arith.index_cast %select_n3A : i32 to index
          %get3A_316 = arith.index_cast %add3A_312 : i32 to index
          %get3A_317 = arith.constant 48 : index
          %get3A_318 = tpu.vector_load %arg6[%get3A_314, %get3A_315, %get3A_316, %get3A_317] {strides = array<i32>} : memref<2x1x400x64xf32, #tpu.memory_space<vmem>>, vector<1x1x1x16xf32>,
          %get3A_319 = vector.shape_cast %get3A_318 : vector<1x1x1x16xf32> to vector<16xf32>
          %add3A_320 = arith.addf %add3A_280, %get3A_319 : vector<16xf32>
          %add3A_321 = arith.constant 6 : i32
          %add3A_322 = arith.addi %mul3A_93, %add3A_321 : i32
          %get3A_323 = arith.constant 0 : i32
          %get3A_324 = arith.index_cast %get3A_323 : i32 to index
          %get3A_325 = arith.index_cast %select_n3A : i32 to index
          %get3A_326 = arith.index_cast %add3A_322 : i32 to index
          %get3A_327 = arith.constant 0 : index
          %get3A_328 = tpu.vector_load %arg6[%get3A_324, %get3A_325, %get3A_326, %get3A_327] {strides = array<i32>} : memref<2x1x400x64xf32, #tpu.memory_space<vmem>>, vector<1x1x1x16xf32>,
          %get3A_329 = vector.shape_cast %get3A_328 : vector<1x1x1x16xf32> to vector<16xf32>
          %add3A_330 = arith.addf %add3A_290, %get3A_329 : vector<16xf32>
          %add3A_331 = arith.constant 6 : i32
          %add3A_332 = arith.addi %mul3A_93, %add3A_331 : i32
          %get3A_333 = arith.constant 0 : i32
          %get3A_334 = arith.index_cast %get3A_333 : i32 to index
          %get3A_335 = arith.index_cast %select_n3A : i32 to index
          %get3A_336 = arith.index_cast %add3A_332 : i32 to index
          %get3A_337 = arith.constant 16 : index
          %get3A_338 = tpu.vector_load %arg6[%get3A_334, %get3A_335, %get3A_336, %get3A_337] {strides = array<i32>} : memref<2x1x400x64xf32, #tpu.memory_space<vmem>>, vector<1x1x1x16xf32>,
          %get3A_339 = vector.shape_cast %get3A_338 : vector<1x1x1x16xf32> to vector<16xf32>
          %add3A_340 = arith.addf %add3A_300, %get3A_339 : vector<16xf32>
          %add3A_341 = arith.constant 6 : i32
          %add3A_342 = arith.addi %mul3A_93, %add3A_341 : i32
          %get3A_343 = arith.constant 0 : i32
          %get3A_344 = arith.index_cast %get3A_343 : i32 to index
          %get3A_345 = arith.index_cast %select_n3A : i32 to index
          %get3A_346 = arith.index_cast %add3A_342 : i32 to index
          %get3A_347 = arith.constant 32 : index
          %get3A_348 = tpu.vector_load %arg6[%get3A_344, %get3A_345, %get3A_346, %get3A_347] {strides = array<i32>} : memref<2x1x400x64xf32, #tpu.memory_space<vmem>>, vector<1x1x1x16xf32>,
          %get3A_349 = vector.shape_cast %get3A_348 : vector<1x1x1x16xf32> to vector<16xf32>
          %add3A_350 = arith.addf %add3A_310, %get3A_349 : vector<16xf32>
          %add3A_351 = arith.constant 6 : i32
          %add3A_352 = arith.addi %mul3A_93, %add3A_351 : i32
          %get3A_353 = arith.constant 0 : i32
          %get3A_354 = arith.index_cast %get3A_353 : i32 to index
          %get3A_355 = arith.index_cast %select_n3A : i32 to index
          %get3A_356 = arith.index_cast %add3A_352 : i32 to index
          %get3A_357 = arith.constant 48 : index
          %get3A_358 = tpu.vector_load %arg6[%get3A_354, %get3A_355, %get3A_356, %get3A_357] {strides = array<i32>} : memref<2x1x400x64xf32, #tpu.memory_space<vmem>>, vector<1x1x1x16xf32>,
          %get3A_359 = vector.shape_cast %get3A_358 : vector<1x1x1x16xf32> to vector<16xf32>
          %add3A_360 = arith.addf %add3A_320, %get3A_359 : vector<16xf32>
          %add3A_361 = arith.constant 7 : i32
          %add3A_362 = arith.addi %mul3A_93, %add3A_361 : i32
          %get3A_363 = arith.constant 0 : i32
          %get3A_364 = arith.index_cast %get3A_363 : i32 to index
          %get3A_365 = arith.index_cast %select_n3A : i32 to index
          %get3A_366 = arith.index_cast %add3A_362 : i32 to index
          %get3A_367 = arith.constant 0 : index
          %get3A_368 = tpu.vector_load %arg6[%get3A_364, %get3A_365, %get3A_366, %get3A_367] {strides = array<i32>} : memref<2x1x400x64xf32, #tpu.memory_space<vmem>>, vector<1x1x1x16xf32>,
          %get3A_369 = vector.shape_cast %get3A_368 : vector<1x1x1x16xf32> to vector<16xf32>
          %add3A_370 = arith.addf %add3A_330, %get3A_369 : vector<16xf32>
          %add3A_371 = arith.constant 7 : i32
          %add3A_372 = arith.addi %mul3A_93, %add3A_371 : i32
          %get3A_373 = arith.constant 0 : i32
          %get3A_374 = arith.index_cast %get3A_373 : i32 to index
          %get3A_375 = arith.index_cast %select_n3A : i32 to index
          %get3A_376 = arith.index_cast %add3A_372 : i32 to index
          %get3A_377 = arith.constant 16 : index
          %get3A_378 = tpu.vector_load %arg6[%get3A_374, %get3A_375, %get3A_376, %get3A_377] {strides = array<i32>} : memref<2x1x400x64xf32, #tpu.memory_space<vmem>>, vector<1x1x1x16xf32>,
          %get3A_379 = vector.shape_cast %get3A_378 : vector<1x1x1x16xf32> to vector<16xf32>
          %add3A_380 = arith.addf %add3A_340, %get3A_379 : vector<16xf32>
          %add3A_381 = arith.constant 7 : i32
          %add3A_382 = arith.addi %mul3A_93, %add3A_381 : i32
          %get3A_383 = arith.constant 0 : i32
          %get3A_384 = arith.index_cast %get3A_383 : i32 to index
          %get3A_385 = arith.index_cast %select_n3A : i32 to index
          %get3A_386 = arith.index_cast %add3A_382 : i32 to index
          %get3A_387 = arith.constant 32 : index
          %get3A_388 = tpu.vector_load %arg6[%get3A_384, %get3A_385, %get3A_386, %get3A_387] {strides = array<i32>} : memref<2x1x400x64xf32, #tpu.memory_space<vmem>>, vector<1x1x1x16xf32>,
          %get3A_389 = vector.shape_cast %get3A_388 : vector<1x1x1x16xf32> to vector<16xf32>
          %add3A_390 = arith.addf %add3A_350, %get3A_389 : vector<16xf32>
          %add3A_391 = arith.constant 7 : i32
          %add3A_392 = arith.addi %mul3A_93, %add3A_391 : i32
          %get3A_393 = arith.constant 0 : i32
          %get3A_394 = arith.index_cast %get3A_393 : i32 to index
          %get3A_395 = arith.index_cast %select_n3A : i32 to index
          %get3A_396 = arith.index_cast %add3A_392 : i32 to index
          %get3A_397 = arith.constant 48 : index
          %get3A_398 = tpu.vector_load %arg6[%get3A_394, %get3A_395, %get3A_396, %get3A_397] {strides = array<i32>} : memref<2x1x400x64xf32, #tpu.memory_space<vmem>>, vector<1x1x1x16xf32>,
          %get3A_399 = vector.shape_cast %get3A_398 : vector<1x1x1x16xf32> to vector<16xf32>
          %add3A_400 = arith.addf %add3A_360, %get3A_399 : vector<16xf32>
          %add3A_401 = arith.constant 8 : i32
          %add3A_402 = arith.addi %mul3A_93, %add3A_401 : i32
          %get3A_403 = arith.constant 0 : i32
          %get3A_404 = arith.index_cast %get3A_403 : i32 to index
          %get3A_405 = arith.index_cast %select_n3A : i32 to index
          %get3A_406 = arith.index_cast %add3A_402 : i32 to index
          %get3A_407 = arith.constant 0 : index
          %get3A_408 = tpu.vector_load %arg6[%get3A_404, %get3A_405, %get3A_406, %get3A_407] {strides = array<i32>} : memref<2x1x400x64xf32, #tpu.memory_space<vmem>>, vector<1x1x1x16xf32>,
          %get3A_409 = vector.shape_cast %get3A_408 : vector<1x1x1x16xf32> to vector<16xf32>
          %add3A_410 = arith.addf %add3A_370, %get3A_409 : vector<16xf32>
          %add3A_411 = arith.constant 8 : i32
          %add3A_412 = arith.addi %mul3A_93, %add3A_411 : i32
          %get3A_413 = arith.constant 0 : i32
          %get3A_414 = arith.index_cast %get3A_413 : i32 to index
          %get3A_415 = arith.index_cast %select_n3A : i32 to index
          %get3A_416 = arith.index_cast %add3A_412 : i32 to index
          %get3A_417 = arith.constant 16 : index
          %get3A_418 = tpu.vector_load %arg6[%get3A_414, %get3A_415, %get3A_416, %get3A_417] {strides = array<i32>} : memref<2x1x400x64xf32, #tpu.memory_space<vmem>>, vector<1x1x1x16xf32>,
          %get3A_419 = vector.shape_cast %get3A_418 : vector<1x1x1x16xf32> to vector<16xf32>
          %add3A_420 = arith.addf %add3A_380, %get3A_419 : vector<16xf32>
          %add3A_421 = arith.constant 8 : i32
          %add3A_422 = arith.addi %mul3A_93, %add3A_421 : i32
          %get3A_423 = arith.constant 0 : i32
          %get3A_424 = arith.index_cast %get3A_423 : i32 to index
          %get3A_425 = arith.index_cast %select_n3A : i32 to index
          %get3A_426 = arith.index_cast %add3A_422 : i32 to index
          %get3A_427 = arith.constant 32 : index
          %get3A_428 = tpu.vector_load %arg6[%get3A_424, %get3A_425, %get3A_426, %get3A_427] {strides = array<i32>} : memref<2x1x400x64xf32, #tpu.memory_space<vmem>>, vector<1x1x1x16xf32>,
          %get3A_429 = vector.shape_cast %get3A_428 : vector<1x1x1x16xf32> to vector<16xf32>
          %add3A_430 = arith.addf %add3A_390, %get3A_429 : vector<16xf32>
          %add3A_431 = arith.constant 8 : i32
          %add3A_432 = arith.addi %mul3A_93, %add3A_431 : i32
          %get3A_433 = arith.constant 0 : i32
          %get3A_434 = arith.index_cast %get3A_433 : i32 to index
          %get3A_435 = arith.index_cast %select_n3A : i32 to index
          %get3A_436 = arith.index_cast %add3A_432 : i32 to index
          %get3A_437 = arith.constant 48 : index
          %get3A_438 = tpu.vector_load %arg6[%get3A_434, %get3A_435, %get3A_436, %get3A_437] {strides = array<i32>} : memref<2x1x400x64xf32, #tpu.memory_space<vmem>>, vector<1x1x1x16xf32>,
          %get3A_439 = vector.shape_cast %get3A_438 : vector<1x1x1x16xf32> to vector<16xf32>
          %add3A_440 = arith.addf %add3A_400, %get3A_439 : vector<16xf32>
          %add3A_441 = arith.constant 9 : i32
          %add3A_442 = arith.addi %mul3A_93, %add3A_441 : i32
          %get3A_443 = arith.constant 0 : i32
          %get3A_444 = arith.index_cast %get3A_443 : i32 to index
          %get3A_445 = arith.index_cast %select_n3A : i32 to index
          %get3A_446 = arith.index_cast %add3A_442 : i32 to index
          %get3A_447 = arith.constant 0 : index
          %get3A_448 = tpu.vector_load %arg6[%get3A_444, %get3A_445, %get3A_446, %get3A_447] {strides = array<i32>} : memref<2x1x400x64xf32, #tpu.memory_space<vmem>>, vector<1x1x1x16xf32>,
          %get3A_449 = vector.shape_cast %get3A_448 : vector<1x1x1x16xf32> to vector<16xf32>
          %add3A_450 = arith.addf %add3A_410, %get3A_449 : vector<16xf32>
          %add3A_451 = arith.constant 9 : i32
          %add3A_452 = arith.addi %mul3A_93, %add3A_451 : i32
          %get3A_453 = arith.constant 0 : i32
          %get3A_454 = arith.index_cast %get3A_453 : i32 to index
          %get3A_455 = arith.index_cast %select_n3A : i32 to index
          %get3A_456 = arith.index_cast %add3A_452 : i32 to index
          %get3A_457 = arith.constant 16 : index
          %get3A_458 = tpu.vector_load %arg6[%get3A_454, %get3A_455, %get3A_456, %get3A_457] {strides = array<i32>} : memref<2x1x400x64xf32, #tpu.memory_space<vmem>>, vector<1x1x1x16xf32>,
          %get3A_459 = vector.shape_cast %get3A_458 : vector<1x1x1x16xf32> to vector<16xf32>
          %add3A_460 = arith.addf %add3A_420, %get3A_459 : vector<16xf32>
          %add3A_461 = arith.constant 9 : i32
          %add3A_462 = arith.addi %mul3A_93, %add3A_461 : i32
          %get3A_463 = arith.constant 0 : i32
          %get3A_464 = arith.index_cast %get3A_463 : i32 to index
          %get3A_465 = arith.index_cast %select_n3A : i32 to index
          %get3A_466 = arith.index_cast %add3A_462 : i32 to index
          %get3A_467 = arith.constant 32 : index
          %get3A_468 = tpu.vector_load %arg6[%get3A_464, %get3A_465, %get3A_466, %get3A_467] {strides = array<i32>} : memref<2x1x400x64xf32, #tpu.memory_space<vmem>>, vector<1x1x1x16xf32>,
          %get3A_469 = vector.shape_cast %get3A_468 : vector<1x1x1x16xf32> to vector<16xf32>
          %add3A_470 = arith.addf %add3A_430, %get3A_469 : vector<16xf32>
          %add3A_471 = arith.constant 9 : i32
          %add3A_472 = arith.addi %mul3A_93, %add3A_471 : i32
          %get3A_473 = arith.constant 0 : i32
          %get3A_474 = arith.index_cast %get3A_473 : i32 to index
          %get3A_475 = arith.index_cast %select_n3A : i32 to index
          %get3A_476 = arith.index_cast %add3A_472 : i32 to index
          %get3A_477 = arith.constant 48 : index
          %get3A_478 = tpu.vector_load %arg6[%get3A_474, %get3A_475, %get3A_476, %get3A_477] {strides = array<i32>} : memref<2x1x400x64xf32, #tpu.memory_space<vmem>>, vector<1x1x1x16xf32>,
          %get3A_479 = vector.shape_cast %get3A_478 : vector<1x1x1x16xf32> to vector<16xf32>
          %add3A_480 = arith.addf %add3A_440, %get3A_479 : vector<16xf32>
          %add3A_481 = arith.constant 10 : i32
          %add3A_482 = arith.addi %mul3A_93, %add3A_481 : i32
          %get3A_483 = arith.constant 0 : i32
          %get3A_484 = arith.index_cast %get3A_483 : i32 to index
          %get3A_485 = arith.index_cast %select_n3A : i32 to index
          %get3A_486 = arith.index_cast %add3A_482 : i32 to index
          %get3A_487 = arith.constant 0 : index
          %get3A_488 = tpu.vector_load %arg6[%get3A_484, %get3A_485, %get3A_486, %get3A_487] {strides = array<i32>} : memref<2x1x400x64xf32, #tpu.memory_space<vmem>>, vector<1x1x1x16xf32>,
          %get3A_489 = vector.shape_cast %get3A_488 : vector<1x1x1x16xf32> to vector<16xf32>
          %add3A_490 = arith.addf %add3A_450, %get3A_489 : vector<16xf32>
          %add3A_491 = arith.constant 10 : i32
          %add3A_492 = arith.addi %mul3A_93, %add3A_491 : i32
          %get3A_493 = arith.constant 0 : i32
          %get3A_494 = arith.index_cast %get3A_493 : i32 to index
          %get3A_495 = arith.index_cast %select_n3A : i32 to index
          %get3A_496 = arith.index_cast %add3A_492 : i32 to index
          %get3A_497 = arith.constant 16 : index
          %get3A_498 = tpu.vector_load %arg6[%get3A_494, %get3A_495, %get3A_496, %get3A_497] {strides = array<i32>} : memref<2x1x400x64xf32, #tpu.memory_space<vmem>>, vector<1x1x1x16xf32>,
          %get3A_499 = vector.shape_cast %get3A_498 : vector<1x1x1x16xf32> to vector<16xf32>
          %add3A_500 = arith.addf %add3A_460, %get3A_499 : vector<16xf32>
          %add3A_501 = arith.constant 10 : i32
          %add3A_502 = arith.addi %mul3A_93, %add3A_501 : i32
          %get3A_503 = arith.constant 0 : i32
          %get3A_504 = arith.index_cast %get3A_503 : i32 to index
          %get3A_505 = arith.index_cast %select_n3A : i32 to index
          %get3A_506 = arith.index_cast %add3A_502 : i32 to index
          %get3A_507 = arith.constant 32 : index
          %get3A_508 = tpu.vector_load %arg6[%get3A_504, %get3A_505, %get3A_506, %get3A_507] {strides = array<i32>} : memref<2x1x400x64xf32, #tpu.memory_space<vmem>>, vector<1x1x1x16xf32>,
          %get3A_509 = vector.shape_cast %get3A_508 : vector<1x1x1x16xf32> to vector<16xf32>
          %add3A_510 = arith.addf %add3A_470, %get3A_509 : vector<16xf32>
          %add3A_511 = arith.constant 10 : i32
          %add3A_512 = arith.addi %mul3A_93, %add3A_511 : i32
          %get3A_513 = arith.constant 0 : i32
          %get3A_514 = arith.index_cast %get3A_513 : i32 to index
          %get3A_515 = arith.index_cast %select_n3A : i32 to index
          %get3A_516 = arith.index_cast %add3A_512 : i32 to index
          %get3A_517 = arith.constant 48 : index
          %get3A_518 = tpu.vector_load %arg6[%get3A_514, %get3A_515, %get3A_516, %get3A_517] {strides = array<i32>} : memref<2x1x400x64xf32, #tpu.memory_space<vmem>>, vector<1x1x1x16xf32>,
          %get3A_519 = vector.shape_cast %get3A_518 : vector<1x1x1x16xf32> to vector<16xf32>
          %add3A_520 = arith.addf %add3A_480, %get3A_519 : vector<16xf32>
          %add3A_521 = arith.constant 11 : i32
          %add3A_522 = arith.addi %mul3A_93, %add3A_521 : i32
          %get3A_523 = arith.constant 0 : i32
          %get3A_524 = arith.index_cast %get3A_523 : i32 to index
          %get3A_525 = arith.index_cast %select_n3A : i32 to index
          %get3A_526 = arith.index_cast %add3A_522 : i32 to index
          %get3A_527 = arith.constant 0 : index
          %get3A_528 = tpu.vector_load %arg6[%get3A_524, %get3A_525, %get3A_526, %get3A_527] {strides = array<i32>} : memref<2x1x400x64xf32, #tpu.memory_space<vmem>>, vector<1x1x1x16xf32>,
          %get3A_529 = vector.shape_cast %get3A_528 : vector<1x1x1x16xf32> to vector<16xf32>
          %add3A_530 = arith.addf %add3A_490, %get3A_529 : vector<16xf32>
          %add3A_531 = arith.constant 11 : i32
          %add3A_532 = arith.addi %mul3A_93, %add3A_531 : i32
          %get3A_533 = arith.constant 0 : i32
          %get3A_534 = arith.index_cast %get3A_533 : i32 to index
          %get3A_535 = arith.index_cast %select_n3A : i32 to index
          %get3A_536 = arith.index_cast %add3A_532 : i32 to index
          %get3A_537 = arith.constant 16 : index
          %get3A_538 = tpu.vector_load %arg6[%get3A_534, %get3A_535, %get3A_536, %get3A_537] {strides = array<i32>} : memref<2x1x400x64xf32, #tpu.memory_space<vmem>>, vector<1x1x1x16xf32>,
          %get3A_539 = vector.shape_cast %get3A_538 : vector<1x1x1x16xf32> to vector<16xf32>
          %add3A_540 = arith.addf %add3A_500, %get3A_539 : vector<16xf32>
          %add3A_541 = arith.constant 11 : i32
          %add3A_542 = arith.addi %mul3A_93, %add3A_541 : i32
          %get3A_543 = arith.constant 0 : i32
          %get3A_544 = arith.index_cast %get3A_543 : i32 to index
          %get3A_545 = arith.index_cast %select_n3A : i32 to index
          %get3A_546 = arith.index_cast %add3A_542 : i32 to index
          %get3A_547 = arith.constant 32 : index
          %get3A_548 = tpu.vector_load %arg6[%get3A_544, %get3A_545, %get3A_546, %get3A_547] {strides = array<i32>} : memref<2x1x400x64xf32, #tpu.memory_space<vmem>>, vector<1x1x1x16xf32>,
          %get3A_549 = vector.shape_cast %get3A_548 : vector<1x1x1x16xf32> to vector<16xf32>
          %add3A_550 = arith.addf %add3A_510, %get3A_549 : vector<16xf32>
          %add3A_551 = arith.constant 11 : i32
          %add3A_552 = arith.addi %mul3A_93, %add3A_551 : i32
          %get3A_553 = arith.constant 0 : i32
          %get3A_554 = arith.index_cast %get3A_553 : i32 to index
          %get3A_555 = arith.index_cast %select_n3A : i32 to index
          %get3A_556 = arith.index_cast %add3A_552 : i32 to index
          %get3A_557 = arith.constant 48 : index
          %get3A_558 = tpu.vector_load %arg6[%get3A_554, %get3A_555, %get3A_556, %get3A_557] {strides = array<i32>} : memref<2x1x400x64xf32, #tpu.memory_space<vmem>>, vector<1x1x1x16xf32>,
          %get3A_559 = vector.shape_cast %get3A_558 : vector<1x1x1x16xf32> to vector<16xf32>
          %add3A_560 = arith.addf %add3A_520, %get3A_559 : vector<16xf32>
          %add3A_561 = arith.constant 12 : i32
          %add3A_562 = arith.addi %mul3A_93, %add3A_561 : i32
          %get3A_563 = arith.constant 0 : i32
          %get3A_564 = arith.index_cast %get3A_563 : i32 to index
          %get3A_565 = arith.index_cast %select_n3A : i32 to index
          %get3A_566 = arith.index_cast %add3A_562 : i32 to index
          %get3A_567 = arith.constant 0 : index
          %get3A_568 = tpu.vector_load %arg6[%get3A_564, %get3A_565, %get3A_566, %get3A_567] {strides = array<i32>} : memref<2x1x400x64xf32, #tpu.memory_space<vmem>>, vector<1x1x1x16xf32>,
          %get3A_569 = vector.shape_cast %get3A_568 : vector<1x1x1x16xf32> to vector<16xf32>
          %add3A_570 = arith.addf %add3A_530, %get3A_569 : vector<16xf32>
          %add3A_571 = arith.constant 12 : i32
          %add3A_572 = arith.addi %mul3A_93, %add3A_571 : i32
          %get3A_573 = arith.constant 0 : i32
          %get3A_574 = arith.index_cast %get3A_573 : i32 to index
          %get3A_575 = arith.index_cast %select_n3A : i32 to index
          %get3A_576 = arith.index_cast %add3A_572 : i32 to index
          %get3A_577 = arith.constant 16 : index
          %get3A_578 = tpu.vector_load %arg6[%get3A_574, %get3A_575, %get3A_576, %get3A_577] {strides = array<i32>} : memref<2x1x400x64xf32, #tpu.memory_space<vmem>>, vector<1x1x1x16xf32>,
          %get3A_579 = vector.shape_cast %get3A_578 : vector<1x1x1x16xf32> to vector<16xf32>
          %add3A_580 = arith.addf %add3A_540, %get3A_579 : vector<16xf32>
          %add3A_581 = arith.constant 12 : i32
          %add3A_582 = arith.addi %mul3A_93, %add3A_581 : i32
          %get3A_583 = arith.constant 0 : i32
          %get3A_584 = arith.index_cast %get3A_583 : i32 to index
          %get3A_585 = arith.index_cast %select_n3A : i32 to index
          %get3A_586 = arith.index_cast %add3A_582 : i32 to index
          %get3A_587 = arith.constant 32 : index
          %get3A_588 = tpu.vector_load %arg6[%get3A_584, %get3A_585, %get3A_586, %get3A_587] {strides = array<i32>} : memref<2x1x400x64xf32, #tpu.memory_space<vmem>>, vector<1x1x1x16xf32>,
          %get3A_589 = vector.shape_cast %get3A_588 : vector<1x1x1x16xf32> to vector<16xf32>
          %add3A_590 = arith.addf %add3A_550, %get3A_589 : vector<16xf32>
          %add3A_591 = arith.constant 12 : i32
          %add3A_592 = arith.addi %mul3A_93, %add3A_591 : i32
          %get3A_593 = arith.constant 0 : i32
          %get3A_594 = arith.index_cast %get3A_593 : i32 to index
          %get3A_595 = arith.index_cast %select_n3A : i32 to index
          %get3A_596 = arith.index_cast %add3A_592 : i32 to index
          %get3A_597 = arith.constant 48 : index
          %get3A_598 = tpu.vector_load %arg6[%get3A_594, %get3A_595, %get3A_596, %get3A_597] {strides = array<i32>} : memref<2x1x400x64xf32, #tpu.memory_space<vmem>>, vector<1x1x1x16xf32>,
          %get3A_599 = vector.shape_cast %get3A_598 : vector<1x1x1x16xf32> to vector<16xf32>
          %add3A_600 = arith.addf %add3A_560, %get3A_599 : vector<16xf32>
          %add3A_601 = arith.constant 13 : i32
          %add3A_602 = arith.addi %mul3A_93, %add3A_601 : i32
          %get3A_603 = arith.constant 0 : i32
          %get3A_604 = arith.index_cast %get3A_603 : i32 to index
          %get3A_605 = arith.index_cast %select_n3A : i32 to index
          %get3A_606 = arith.index_cast %add3A_602 : i32 to index
          %get3A_607 = arith.constant 0 : index
          %get3A_608 = tpu.vector_load %arg6[%get3A_604, %get3A_605, %get3A_606, %get3A_607] {strides = array<i32>} : memref<2x1x400x64xf32, #tpu.memory_space<vmem>>, vector<1x1x1x16xf32>,
          %get3A_609 = vector.shape_cast %get3A_608 : vector<1x1x1x16xf32> to vector<16xf32>
          %add3A_610 = arith.addf %add3A_570, %get3A_609 : vector<16xf32>
          %add3A_611 = arith.constant 13 : i32
          %add3A_612 = arith.addi %mul3A_93, %add3A_611 : i32
          %get3A_613 = arith.constant 0 : i32
          %get3A_614 = arith.index_cast %get3A_613 : i32 to index
          %get3A_615 = arith.index_cast %select_n3A : i32 to index
          %get3A_616 = arith.index_cast %add3A_612 : i32 to index
          %get3A_617 = arith.constant 16 : index
          %get3A_618 = tpu.vector_load %arg6[%get3A_614, %get3A_615, %get3A_616, %get3A_617] {strides = array<i32>} : memref<2x1x400x64xf32, #tpu.memory_space<vmem>>, vector<1x1x1x16xf32>,
          %get3A_619 = vector.shape_cast %get3A_618 : vector<1x1x1x16xf32> to vector<16xf32>
          %add3A_620 = arith.addf %add3A_580, %get3A_619 : vector<16xf32>
          %add3A_621 = arith.constant 13 : i32
          %add3A_622 = arith.addi %mul3A_93, %add3A_621 : i32
          %get3A_623 = arith.constant 0 : i32
          %get3A_624 = arith.index_cast %get3A_623 : i32 to index
          %get3A_625 = arith.index_cast %select_n3A : i32 to index
          %get3A_626 = arith.index_cast %add3A_622 : i32 to index
          %get3A_627 = arith.constant 32 : index
          %get3A_628 = tpu.vector_load %arg6[%get3A_624, %get3A_625, %get3A_626, %get3A_627] {strides = array<i32>} : memref<2x1x400x64xf32, #tpu.memory_space<vmem>>, vector<1x1x1x16xf32>,
          %get3A_629 = vector.shape_cast %get3A_628 : vector<1x1x1x16xf32> to vector<16xf32>
          %add3A_630 = arith.addf %add3A_590, %get3A_629 : vector<16xf32>
          %add3A_631 = arith.constant 13 : i32
          %add3A_632 = arith.addi %mul3A_93, %add3A_631 : i32
          %get3A_633 = arith.constant 0 : i32
          %get3A_634 = arith.index_cast %get3A_633 : i32 to index
          %get3A_635 = arith.index_cast %select_n3A : i32 to index
          %get3A_636 = arith.index_cast %add3A_632 : i32 to index
          %get3A_637 = arith.constant 48 : index
          %get3A_638 = tpu.vector_load %arg6[%get3A_634, %get3A_635, %get3A_636, %get3A_637] {strides = array<i32>} : memref<2x1x400x64xf32, #tpu.memory_space<vmem>>, vector<1x1x1x16xf32>,
          %get3A_639 = vector.shape_cast %get3A_638 : vector<1x1x1x16xf32> to vector<16xf32>
          %add3A_640 = arith.addf %add3A_600, %get3A_639 : vector<16xf32>
          %add3A_641 = arith.constant 14 : i32
          %add3A_642 = arith.addi %mul3A_93, %add3A_641 : i32
          %get3A_643 = arith.constant 0 : i32
          %get3A_644 = arith.index_cast %get3A_643 : i32 to index
          %get3A_645 = arith.index_cast %select_n3A : i32 to index
          %get3A_646 = arith.index_cast %add3A_642 : i32 to index
          %get3A_647 = arith.constant 0 : index
          %get3A_648 = tpu.vector_load %arg6[%get3A_644, %get3A_645, %get3A_646, %get3A_647] {strides = array<i32>} : memref<2x1x400x64xf32, #tpu.memory_space<vmem>>, vector<1x1x1x16xf32>,
          %get3A_649 = vector.shape_cast %get3A_648 : vector<1x1x1x16xf32> to vector<16xf32>
          %add3A_650 = arith.addf %add3A_610, %get3A_649 : vector<16xf32>
          %add3A_651 = arith.constant 14 : i32
          %add3A_652 = arith.addi %mul3A_93, %add3A_651 : i32
          %get3A_653 = arith.constant 0 : i32
          %get3A_654 = arith.index_cast %get3A_653 : i32 to index
          %get3A_655 = arith.index_cast %select_n3A : i32 to index
          %get3A_656 = arith.index_cast %add3A_652 : i32 to index
          %get3A_657 = arith.constant 16 : index
          %get3A_658 = tpu.vector_load %arg6[%get3A_654, %get3A_655, %get3A_656, %get3A_657] {strides = array<i32>} : memref<2x1x400x64xf32, #tpu.memory_space<vmem>>, vector<1x1x1x16xf32>,
          %get3A_659 = vector.shape_cast %get3A_658 : vector<1x1x1x16xf32> to vector<16xf32>
          %add3A_660 = arith.addf %add3A_620, %get3A_659 : vector<16xf32>
          %add3A_661 = arith.constant 14 : i32
          %add3A_662 = arith.addi %mul3A_93, %add3A_661 : i32
          %get3A_663 = arith.constant 0 : i32
          %get3A_664 = arith.index_cast %get3A_663 : i32 to index
          %get3A_665 = arith.index_cast %select_n3A : i32 to index
          %get3A_666 = arith.index_cast %add3A_662 : i32 to index
          %get3A_667 = arith.constant 32 : index
          %get3A_668 = tpu.vector_load %arg6[%get3A_664, %get3A_665, %get3A_666, %get3A_667] {strides = array<i32>} : memref<2x1x400x64xf32, #tpu.memory_space<vmem>>, vector<1x1x1x16xf32>,
          %get3A_669 = vector.shape_cast %get3A_668 : vector<1x1x1x16xf32> to vector<16xf32>
          %add3A_670 = arith.addf %add3A_630, %get3A_669 : vector<16xf32>
          %add3A_671 = arith.constant 14 : i32
          %add3A_672 = arith.addi %mul3A_93, %add3A_671 : i32
          %get3A_673 = arith.constant 0 : i32
          %get3A_674 = arith.index_cast %get3A_673 : i32 to index
          %get3A_675 = arith.index_cast %select_n3A : i32 to index
          %get3A_676 = arith.index_cast %add3A_672 : i32 to index
          %get3A_677 = arith.constant 48 : index
          %get3A_678 = tpu.vector_load %arg6[%get3A_674, %get3A_675, %get3A_676, %get3A_677] {strides = array<i32>} : memref<2x1x400x64xf32, #tpu.memory_space<vmem>>, vector<1x1x1x16xf32>,
          %get3A_679 = vector.shape_cast %get3A_678 : vector<1x1x1x16xf32> to vector<16xf32>
          %add3A_680 = arith.addf %add3A_640, %get3A_679 : vector<16xf32>
          %add3A_681 = arith.constant 15 : i32
          %add3A_682 = arith.addi %mul3A_93, %add3A_681 : i32
          %get3A_683 = arith.constant 0 : i32
          %get3A_684 = arith.index_cast %get3A_683 : i32 to index
          %get3A_685 = arith.index_cast %select_n3A : i32 to index
          %get3A_686 = arith.index_cast %add3A_682 : i32 to index
          %get3A_687 = arith.constant 0 : index
          %get3A_688 = tpu.vector_load %arg6[%get3A_684, %get3A_685, %get3A_686, %get3A_687] {strides = array<i32>} : memref<2x1x400x64xf32, #tpu.memory_space<vmem>>, vector<1x1x1x16xf32>,
          %get3A_689 = vector.shape_cast %get3A_688 : vector<1x1x1x16xf32> to vector<16xf32>
          %add3A_690 = arith.addf %add3A_650, %get3A_689 : vector<16xf32>
          %add3A_691 = arith.constant 15 : i32
          %add3A_692 = arith.addi %mul3A_93, %add3A_691 : i32
          %get3A_693 = arith.constant 0 : i32
          %get3A_694 = arith.index_cast %get3A_693 : i32 to index
          %get3A_695 = arith.index_cast %select_n3A : i32 to index
          %get3A_696 = arith.index_cast %add3A_692 : i32 to index
          %get3A_697 = arith.constant 16 : index
          %get3A_698 = tpu.vector_load %arg6[%get3A_694, %get3A_695, %get3A_696, %get3A_697] {strides = array<i32>} : memref<2x1x400x64xf32, #tpu.memory_space<vmem>>, vector<1x1x1x16xf32>,
          %get3A_699 = vector.shape_cast %get3A_698 : vector<1x1x1x16xf32> to vector<16xf32>
          %add3A_700 = arith.addf %add3A_660, %get3A_699 : vector<16xf32>
          %add3A_701 = arith.constant 15 : i32
          %add3A_702 = arith.addi %mul3A_93, %add3A_701 : i32
          %get3A_703 = arith.constant 0 : i32
          %get3A_704 = arith.index_cast %get3A_703 : i32 to index
          %get3A_705 = arith.index_cast %select_n3A : i32 to index
          %get3A_706 = arith.index_cast %add3A_702 : i32 to index
          %get3A_707 = arith.constant 32 : index
          %get3A_708 = tpu.vector_load %arg6[%get3A_704, %get3A_705, %get3A_706, %get3A_707] {strides = array<i32>} : memref<2x1x400x64xf32, #tpu.memory_space<vmem>>, vector<1x1x1x16xf32>,
          %get3A_709 = vector.shape_cast %get3A_708 : vector<1x1x1x16xf32> to vector<16xf32>
          %add3A_710 = arith.addf %add3A_670, %get3A_709 : vector<16xf32>
          %add3A_711 = arith.constant 15 : i32
          %add3A_712 = arith.addi %mul3A_93, %add3A_711 : i32
          %get3A_713 = arith.constant 0 : i32
          %get3A_714 = arith.index_cast %get3A_713 : i32 to index
          %get3A_715 = arith.index_cast %select_n3A : i32 to index
          %get3A_716 = arith.index_cast %add3A_712 : i32 to index
          %get3A_717 = arith.constant 48 : index
          %get3A_718 = tpu.vector_load %arg6[%get3A_714, %get3A_715, %get3A_716, %get3A_717] {strides = array<i32>} : memref<2x1x400x64xf32, #tpu.memory_space<vmem>>, vector<1x1x1x16xf32>,
          %get3A_719 = vector.shape_cast %get3A_718 : vector<1x1x1x16xf32> to vector<16xf32>
          %add3A_720 = arith.addf %add3A_680, %get3A_719 : vector<16xf32>
          %add3A_721 = arith.constant 16 : i32
          %add3A_722 = arith.addi %mul3A_93, %add3A_721 : i32
          %get3A_723 = arith.constant 0 : i32
          %get3A_724 = arith.index_cast %get3A_723 : i32 to index
          %get3A_725 = arith.index_cast %select_n3A : i32 to index
          %get3A_726 = arith.index_cast %add3A_722 : i32 to index
          %get3A_727 = arith.constant 0 : index
          %get3A_728 = tpu.vector_load %arg6[%get3A_724, %get3A_725, %get3A_726, %get3A_727] {strides = array<i32>} : memref<2x1x400x64xf32, #tpu.memory_space<vmem>>, vector<1x1x1x16xf32>,
          %get3A_729 = vector.shape_cast %get3A_728 : vector<1x1x1x16xf32> to vector<16xf32>
          %add3A_730 = arith.addf %add3A_690, %get3A_729 : vector<16xf32>
          %add3A_731 = arith.constant 16 : i32
          %add3A_732 = arith.addi %mul3A_93, %add3A_731 : i32
          %get3A_733 = arith.constant 0 : i32
          %get3A_734 = arith.index_cast %get3A_733 : i32 to index
          %get3A_735 = arith.index_cast %select_n3A : i32 to index
          %get3A_736 = arith.index_cast %add3A_732 : i32 to index
          %get3A_737 = arith.constant 16 : index
          %get3A_738 = tpu.vector_load %arg6[%get3A_734, %get3A_735, %get3A_736, %get3A_737] {strides = array<i32>} : memref<2x1x400x64xf32, #tpu.memory_space<vmem>>, vector<1x1x1x16xf32>,
          %get3A_739 = vector.shape_cast %get3A_738 : vector<1x1x1x16xf32> to vector<16xf32>
          %add3A_740 = arith.addf %add3A_700, %get3A_739 : vector<16xf32>
          %add3A_741 = arith.constant 16 : i32
          %add3A_742 = arith.addi %mul3A_93, %add3A_741 : i32
          %get3A_743 = arith.constant 0 : i32
          %get3A_744 = arith.index_cast %get3A_743 : i32 to index
          %get3A_745 = arith.index_cast %select_n3A : i32 to index
          %get3A_746 = arith.index_cast %add3A_742 : i32 to index
          %get3A_747 = arith.constant 32 : index
          %get3A_748 = tpu.vector_load %arg6[%get3A_744, %get3A_745, %get3A_746, %get3A_747] {strides = array<i32>} : memref<2x1x400x64xf32, #tpu.memory_space<vmem>>, vector<1x1x1x16xf32>,
          %get3A_749 = vector.shape_cast %get3A_748 : vector<1x1x1x16xf32> to vector<16xf32>
          %add3A_750 = arith.addf %add3A_710, %get3A_749 : vector<16xf32>
          %add3A_751 = arith.constant 16 : i32
          %add3A_752 = arith.addi %mul3A_93, %add3A_751 : i32
          %get3A_753 = arith.constant 0 : i32
          %get3A_754 = arith.index_cast %get3A_753 : i32 to index
          %get3A_755 = arith.index_cast %select_n3A : i32 to index
          %get3A_756 = arith.index_cast %add3A_752 : i32 to index
          %get3A_757 = arith.constant 48 : index
          %get3A_758 = tpu.vector_load %arg6[%get3A_754, %get3A_755, %get3A_756, %get3A_757] {strides = array<i32>} : memref<2x1x400x64xf32, #tpu.memory_space<vmem>>, vector<1x1x1x16xf32>,
          %get3A_759 = vector.shape_cast %get3A_758 : vector<1x1x1x16xf32> to vector<16xf32>
          %add3A_760 = arith.addf %add3A_720, %get3A_759 : vector<16xf32>
          %add3A_761 = arith.constant 17 : i32
          %add3A_762 = arith.addi %mul3A_93, %add3A_761 : i32
          %get3A_763 = arith.constant 0 : i32
          %get3A_764 = arith.index_cast %get3A_763 : i32 to index
          %get3A_765 = arith.index_cast %select_n3A : i32 to index
          %get3A_766 = arith.index_cast %add3A_762 : i32 to index
          %get3A_767 = arith.constant 0 : index
          %get3A_768 = tpu.vector_load %arg6[%get3A_764, %get3A_765, %get3A_766, %get3A_767] {strides = array<i32>} : memref<2x1x400x64xf32, #tpu.memory_space<vmem>>, vector<1x1x1x16xf32>,
          %get3A_769 = vector.shape_cast %get3A_768 : vector<1x1x1x16xf32> to vector<16xf32>
          %add3A_770 = arith.addf %add3A_730, %get3A_769 : vector<16xf32>
          %add3A_771 = arith.constant 17 : i32
          %add3A_772 = arith.addi %mul3A_93, %add3A_771 : i32
          %get3A_773 = arith.constant 0 : i32
          %get3A_774 = arith.index_cast %get3A_773 : i32 to index
          %get3A_775 = arith.index_cast %select_n3A : i32 to index
          %get3A_776 = arith.index_cast %add3A_772 : i32 to index
          %get3A_777 = arith.constant 16 : index
          %get3A_778 = tpu.vector_load %arg6[%get3A_774, %get3A_775, %get3A_776, %get3A_777] {strides = array<i32>} : memref<2x1x400x64xf32, #tpu.memory_space<vmem>>, vector<1x1x1x16xf32>,
          %get3A_779 = vector.shape_cast %get3A_778 : vector<1x1x1x16xf32> to vector<16xf32>
          %add3A_780 = arith.addf %add3A_740, %get3A_779 : vector<16xf32>
          %add3A_781 = arith.constant 17 : i32
          %add3A_782 = arith.addi %mul3A_93, %add3A_781 : i32
          %get3A_783 = arith.constant 0 : i32
          %get3A_784 = arith.index_cast %get3A_783 : i32 to index
          %get3A_785 = arith.index_cast %select_n3A : i32 to index
          %get3A_786 = arith.index_cast %add3A_782 : i32 to index
          %get3A_787 = arith.constant 32 : index
          %get3A_788 = tpu.vector_load %arg6[%get3A_784, %get3A_785, %get3A_786, %get3A_787] {strides = array<i32>} : memref<2x1x400x64xf32, #tpu.memory_space<vmem>>, vector<1x1x1x16xf32>,
          %get3A_789 = vector.shape_cast %get3A_788 : vector<1x1x1x16xf32> to vector<16xf32>
          %add3A_790 = arith.addf %add3A_750, %get3A_789 : vector<16xf32>
          %add3A_791 = arith.constant 17 : i32
          %add3A_792 = arith.addi %mul3A_93, %add3A_791 : i32
          %get3A_793 = arith.constant 0 : i32
          %get3A_794 = arith.index_cast %get3A_793 : i32 to index
          %get3A_795 = arith.index_cast %select_n3A : i32 to index
          %get3A_796 = arith.index_cast %add3A_792 : i32 to index
          %get3A_797 = arith.constant 48 : index
          %get3A_798 = tpu.vector_load %arg6[%get3A_794, %get3A_795, %get3A_796, %get3A_797] {strides = array<i32>} : memref<2x1x400x64xf32, #tpu.memory_space<vmem>>, vector<1x1x1x16xf32>,
          %get3A_799 = vector.shape_cast %get3A_798 : vector<1x1x1x16xf32> to vector<16xf32>
          %add3A_800 = arith.addf %add3A_760, %get3A_799 : vector<16xf32>
          %add3A_801 = arith.constant 18 : i32
          %add3A_802 = arith.addi %mul3A_93, %add3A_801 : i32
          %get3A_803 = arith.constant 0 : i32
          %get3A_804 = arith.index_cast %get3A_803 : i32 to index
          %get3A_805 = arith.index_cast %select_n3A : i32 to index
          %get3A_806 = arith.index_cast %add3A_802 : i32 to index
          %get3A_807 = arith.constant 0 : index
          %get3A_808 = tpu.vector_load %arg6[%get3A_804, %get3A_805, %get3A_806, %get3A_807] {strides = array<i32>} : memref<2x1x400x64xf32, #tpu.memory_space<vmem>>, vector<1x1x1x16xf32>,
          %get3A_809 = vector.shape_cast %get3A_808 : vector<1x1x1x16xf32> to vector<16xf32>
          %add3A_810 = arith.addf %add3A_770, %get3A_809 : vector<16xf32>
          %add3A_811 = arith.constant 18 : i32
          %add3A_812 = arith.addi %mul3A_93, %add3A_811 : i32
          %get3A_813 = arith.constant 0 : i32
          %get3A_814 = arith.index_cast %get3A_813 : i32 to index
          %get3A_815 = arith.index_cast %select_n3A : i32 to index
          %get3A_816 = arith.index_cast %add3A_812 : i32 to index
          %get3A_817 = arith.constant 16 : index
          %get3A_818 = tpu.vector_load %arg6[%get3A_814, %get3A_815, %get3A_816, %get3A_817] {strides = array<i32>} : memref<2x1x400x64xf32, #tpu.memory_space<vmem>>, vector<1x1x1x16xf32>,
          %get3A_819 = vector.shape_cast %get3A_818 : vector<1x1x1x16xf32> to vector<16xf32>
          %add3A_820 = arith.addf %add3A_780, %get3A_819 : vector<16xf32>
          %add3A_821 = arith.constant 18 : i32
          %add3A_822 = arith.addi %mul3A_93, %add3A_821 : i32
          %get3A_823 = arith.constant 0 : i32
          %get3A_824 = arith.index_cast %get3A_823 : i32 to index
          %get3A_825 = arith.index_cast %select_n3A : i32 to index
          %get3A_826 = arith.index_cast %add3A_822 : i32 to index
          %get3A_827 = arith.constant 32 : index
          %get3A_828 = tpu.vector_load %arg6[%get3A_824, %get3A_825, %get3A_826, %get3A_827] {strides = array<i32>} : memref<2x1x400x64xf32, #tpu.memory_space<vmem>>, vector<1x1x1x16xf32>,
          %get3A_829 = vector.shape_cast %get3A_828 : vector<1x1x1x16xf32> to vector<16xf32>
          %add3A_830 = arith.addf %add3A_790, %get3A_829 : vector<16xf32>
          %add3A_831 = arith.constant 18 : i32
          %add3A_832 = arith.addi %mul3A_93, %add3A_831 : i32
          %get3A_833 = arith.constant 0 : i32
          %get3A_834 = arith.index_cast %get3A_833 : i32 to index
          %get3A_835 = arith.index_cast %select_n3A : i32 to index
          %get3A_836 = arith.index_cast %add3A_832 : i32 to index
          %get3A_837 = arith.constant 48 : index
          %get3A_838 = tpu.vector_load %arg6[%get3A_834, %get3A_835, %get3A_836, %get3A_837] {strides = array<i32>} : memref<2x1x400x64xf32, #tpu.memory_space<vmem>>, vector<1x1x1x16xf32>,
          %get3A_839 = vector.shape_cast %get3A_838 : vector<1x1x1x16xf32> to vector<16xf32>
          %add3A_840 = arith.addf %add3A_800, %get3A_839 : vector<16xf32>
          %add3A_841 = arith.constant 19 : i32
          %add3A_842 = arith.addi %mul3A_93, %add3A_841 : i32
          %get3A_843 = arith.constant 0 : i32
          %get3A_844 = arith.index_cast %get3A_843 : i32 to index
          %get3A_845 = arith.index_cast %select_n3A : i32 to index
          %get3A_846 = arith.index_cast %add3A_842 : i32 to index
          %get3A_847 = arith.constant 0 : index
          %get3A_848 = tpu.vector_load %arg6[%get3A_844, %get3A_845, %get3A_846, %get3A_847] {strides = array<i32>} : memref<2x1x400x64xf32, #tpu.memory_space<vmem>>, vector<1x1x1x16xf32>,
          %get3A_849 = vector.shape_cast %get3A_848 : vector<1x1x1x16xf32> to vector<16xf32>
          %add3A_850 = arith.addf %add3A_810, %get3A_849 : vector<16xf32>
          %add3A_851 = arith.constant 19 : i32
          %add3A_852 = arith.addi %mul3A_93, %add3A_851 : i32
          %get3A_853 = arith.constant 0 : i32
          %get3A_854 = arith.index_cast %get3A_853 : i32 to index
          %get3A_855 = arith.index_cast %select_n3A : i32 to index
          %get3A_856 = arith.index_cast %add3A_852 : i32 to index
          %get3A_857 = arith.constant 16 : index
          %get3A_858 = tpu.vector_load %arg6[%get3A_854, %get3A_855, %get3A_856, %get3A_857] {strides = array<i32>} : memref<2x1x400x64xf32, #tpu.memory_space<vmem>>, vector<1x1x1x16xf32>,
          %get3A_859 = vector.shape_cast %get3A_858 : vector<1x1x1x16xf32> to vector<16xf32>
          %add3A_860 = arith.addf %add3A_820, %get3A_859 : vector<16xf32>
          %add3A_861 = arith.constant 19 : i32
          %add3A_862 = arith.addi %mul3A_93, %add3A_861 : i32
          %get3A_863 = arith.constant 0 : i32
          %get3A_864 = arith.index_cast %get3A_863 : i32 to index
          %get3A_865 = arith.index_cast %select_n3A : i32 to index
          %get3A_866 = arith.index_cast %add3A_862 : i32 to index
          %get3A_867 = arith.constant 32 : index
          %get3A_868 = tpu.vector_load %arg6[%get3A_864, %get3A_865, %get3A_866, %get3A_867] {strides = array<i32>} : memref<2x1x400x64xf32, #tpu.memory_space<vmem>>, vector<1x1x1x16xf32>,
          %get3A_869 = vector.shape_cast %get3A_868 : vector<1x1x1x16xf32> to vector<16xf32>
          %add3A_870 = arith.addf %add3A_830, %get3A_869 : vector<16xf32>
          %add3A_871 = arith.constant 19 : i32
          %add3A_872 = arith.addi %mul3A_93, %add3A_871 : i32
          %get3A_873 = arith.constant 0 : i32
          %get3A_874 = arith.index_cast %get3A_873 : i32 to index
          %get3A_875 = arith.index_cast %select_n3A : i32 to index
          %get3A_876 = arith.index_cast %add3A_872 : i32 to index
          %get3A_877 = arith.constant 48 : index
          %get3A_878 = tpu.vector_load %arg6[%get3A_874, %get3A_875, %get3A_876, %get3A_877] {strides = array<i32>} : memref<2x1x400x64xf32, #tpu.memory_space<vmem>>, vector<1x1x1x16xf32>,
          %get3A_879 = vector.shape_cast %get3A_878 : vector<1x1x1x16xf32> to vector<16xf32>
          %add3A_880 = arith.addf %add3A_840, %get3A_879 : vector<16xf32>
          %add3A_881 = arith.constant 20 : i32
          %add3A_882 = arith.addi %mul3A_93, %add3A_881 : i32
          %get3A_883 = arith.constant 0 : i32
          %get3A_884 = arith.index_cast %get3A_883 : i32 to index
          %get3A_885 = arith.index_cast %select_n3A : i32 to index
          %get3A_886 = arith.index_cast %add3A_882 : i32 to index
          %get3A_887 = arith.constant 0 : index
          %get3A_888 = tpu.vector_load %arg6[%get3A_884, %get3A_885, %get3A_886, %get3A_887] {strides = array<i32>} : memref<2x1x400x64xf32, #tpu.memory_space<vmem>>, vector<1x1x1x16xf32>,
          %get3A_889 = vector.shape_cast %get3A_888 : vector<1x1x1x16xf32> to vector<16xf32>
          %add3A_890 = arith.addf %add3A_850, %get3A_889 : vector<16xf32>
          %add3A_891 = arith.constant 20 : i32
          %add3A_892 = arith.addi %mul3A_93, %add3A_891 : i32
          %get3A_893 = arith.constant 0 : i32
          %get3A_894 = arith.index_cast %get3A_893 : i32 to index
          %get3A_895 = arith.index_cast %select_n3A : i32 to index
          %get3A_896 = arith.index_cast %add3A_892 : i32 to index
          %get3A_897 = arith.constant 16 : index
          %get3A_898 = tpu.vector_load %arg6[%get3A_894, %get3A_895, %get3A_896, %get3A_897] {strides = array<i32>} : memref<2x1x400x64xf32, #tpu.memory_space<vmem>>, vector<1x1x1x16xf32>,
          %get3A_899 = vector.shape_cast %get3A_898 : vector<1x1x1x16xf32> to vector<16xf32>
          %add3A_900 = arith.addf %add3A_860, %get3A_899 : vector<16xf32>
          %add3A_901 = arith.constant 20 : i32
          %add3A_902 = arith.addi %mul3A_93, %add3A_901 : i32
          %get3A_903 = arith.constant 0 : i32
          %get3A_904 = arith.index_cast %get3A_903 : i32 to index
          %get3A_905 = arith.index_cast %select_n3A : i32 to index
          %get3A_906 = arith.index_cast %add3A_902 : i32 to index
          %get3A_907 = arith.constant 32 : index
          %get3A_908 = tpu.vector_load %arg6[%get3A_904, %get3A_905, %get3A_906, %get3A_907] {strides = array<i32>} : memref<2x1x400x64xf32, #tpu.memory_space<vmem>>, vector<1x1x1x16xf32>,
          %get3A_909 = vector.shape_cast %get3A_908 : vector<1x1x1x16xf32> to vector<16xf32>
          %add3A_910 = arith.addf %add3A_870, %get3A_909 : vector<16xf32>
          %add3A_911 = arith.constant 20 : i32
          %add3A_912 = arith.addi %mul3A_93, %add3A_911 : i32
          %get3A_913 = arith.constant 0 : i32
          %get3A_914 = arith.index_cast %get3A_913 : i32 to index
          %get3A_915 = arith.index_cast %select_n3A : i32 to index
          %get3A_916 = arith.index_cast %add3A_912 : i32 to index
          %get3A_917 = arith.constant 48 : index
          %get3A_918 = tpu.vector_load %arg6[%get3A_914, %get3A_915, %get3A_916, %get3A_917] {strides = array<i32>} : memref<2x1x400x64xf32, #tpu.memory_space<vmem>>, vector<1x1x1x16xf32>,
          %get3A_919 = vector.shape_cast %get3A_918 : vector<1x1x1x16xf32> to vector<16xf32>
          %add3A_920 = arith.addf %add3A_880, %get3A_919 : vector<16xf32>
          %add3A_921 = arith.constant 21 : i32
          %add3A_922 = arith.addi %mul3A_93, %add3A_921 : i32
          %get3A_923 = arith.constant 0 : i32
          %get3A_924 = arith.index_cast %get3A_923 : i32 to index
          %get3A_925 = arith.index_cast %select_n3A : i32 to index
          %get3A_926 = arith.index_cast %add3A_922 : i32 to index
          %get3A_927 = arith.constant 0 : index
          %get3A_928 = tpu.vector_load %arg6[%get3A_924, %get3A_925, %get3A_926, %get3A_927] {strides = array<i32>} : memref<2x1x400x64xf32, #tpu.memory_space<vmem>>, vector<1x1x1x16xf32>,
          %get3A_929 = vector.shape_cast %get3A_928 : vector<1x1x1x16xf32> to vector<16xf32>
          %add3A_930 = arith.addf %add3A_890, %get3A_929 : vector<16xf32>
          %add3A_931 = arith.constant 21 : i32
          %add3A_932 = arith.addi %mul3A_93, %add3A_931 : i32
          %get3A_933 = arith.constant 0 : i32
          %get3A_934 = arith.index_cast %get3A_933 : i32 to index
          %get3A_935 = arith.index_cast %select_n3A : i32 to index
          %get3A_936 = arith.index_cast %add3A_932 : i32 to index
          %get3A_937 = arith.constant 16 : index
          %get3A_938 = tpu.vector_load %arg6[%get3A_934, %get3A_935, %get3A_936, %get3A_937] {strides = array<i32>} : memref<2x1x400x64xf32, #tpu.memory_space<vmem>>, vector<1x1x1x16xf32>,
          %get3A_939 = vector.shape_cast %get3A_938 : vector<1x1x1x16xf32> to vector<16xf32>
          %add3A_940 = arith.addf %add3A_900, %get3A_939 : vector<16xf32>
          %add3A_941 = arith.constant 21 : i32
          %add3A_942 = arith.addi %mul3A_93, %add3A_941 : i32
          %get3A_943 = arith.constant 0 : i32
          %get3A_944 = arith.index_cast %get3A_943 : i32 to index
          %get3A_945 = arith.index_cast %select_n3A : i32 to index
          %get3A_946 = arith.index_cast %add3A_942 : i32 to index
          %get3A_947 = arith.constant 32 : index
          %get3A_948 = tpu.vector_load %arg6[%get3A_944, %get3A_945, %get3A_946, %get3A_947] {strides = array<i32>} : memref<2x1x400x64xf32, #tpu.memory_space<vmem>>, vector<1x1x1x16xf32>,
          %get3A_949 = vector.shape_cast %get3A_948 : vector<1x1x1x16xf32> to vector<16xf32>
          %add3A_950 = arith.addf %add3A_910, %get3A_949 : vector<16xf32>
          %add3A_951 = arith.constant 21 : i32
          %add3A_952 = arith.addi %mul3A_93, %add3A_951 : i32
          %get3A_953 = arith.constant 0 : i32
          %get3A_954 = arith.index_cast %get3A_953 : i32 to index
          %get3A_955 = arith.index_cast %select_n3A : i32 to index
          %get3A_956 = arith.index_cast %add3A_952 : i32 to index
          %get3A_957 = arith.constant 48 : index
          %get3A_958 = tpu.vector_load %arg6[%get3A_954, %get3A_955, %get3A_956, %get3A_957] {strides = array<i32>} : memref<2x1x400x64xf32, #tpu.memory_space<vmem>>, vector<1x1x1x16xf32>,
          %get3A_959 = vector.shape_cast %get3A_958 : vector<1x1x1x16xf32> to vector<16xf32>
          %add3A_960 = arith.addf %add3A_920, %get3A_959 : vector<16xf32>
          %add3A_961 = arith.constant 22 : i32
          %add3A_962 = arith.addi %mul3A_93, %add3A_961 : i32
          %get3A_963 = arith.constant 0 : i32
          %get3A_964 = arith.index_cast %get3A_963 : i32 to index
          %get3A_965 = arith.index_cast %select_n3A : i32 to index
          %get3A_966 = arith.index_cast %add3A_962 : i32 to index
          %get3A_967 = arith.constant 0 : index
          %get3A_968 = tpu.vector_load %arg6[%get3A_964, %get3A_965, %get3A_966, %get3A_967] {strides = array<i32>} : memref<2x1x400x64xf32, #tpu.memory_space<vmem>>, vector<1x1x1x16xf32>,
          %get3A_969 = vector.shape_cast %get3A_968 : vector<1x1x1x16xf32> to vector<16xf32>
          %add3A_970 = arith.addf %add3A_930, %get3A_969 : vector<16xf32>
          %add3A_971 = arith.constant 22 : i32
          %add3A_972 = arith.addi %mul3A_93, %add3A_971 : i32
          %get3A_973 = arith.constant 0 : i32
          %get3A_974 = arith.index_cast %get3A_973 : i32 to index
          %get3A_975 = arith.index_cast %select_n3A : i32 to index
          %get3A_976 = arith.index_cast %add3A_972 : i32 to index
          %get3A_977 = arith.constant 16 : index
          %get3A_978 = tpu.vector_load %arg6[%get3A_974, %get3A_975, %get3A_976, %get3A_977] {strides = array<i32>} : memref<2x1x400x64xf32, #tpu.memory_space<vmem>>, vector<1x1x1x16xf32>,
          %get3A_979 = vector.shape_cast %get3A_978 : vector<1x1x1x16xf32> to vector<16xf32>
          %add3A_980 = arith.addf %add3A_940, %get3A_979 : vector<16xf32>
          %add3A_981 = arith.constant 22 : i32
          %add3A_982 = arith.addi %mul3A_93, %add3A_981 : i32
          %get3A_983 = arith.constant 0 : i32
          %get3A_984 = arith.index_cast %get3A_983 : i32 to index
          %get3A_985 = arith.index_cast %select_n3A : i32 to index
          %get3A_986 = arith.index_cast %add3A_982 : i32 to index
          %get3A_987 = arith.constant 32 : index
          %get3A_988 = tpu.vector_load %arg6[%get3A_984, %get3A_985, %get3A_986, %get3A_987] {strides = array<i32>} : memref<2x1x400x64xf32, #tpu.memory_space<vmem>>, vector<1x1x1x16xf32>,
          %get3A_989 = vector.shape_cast %get3A_988 : vector<1x1x1x16xf32> to vector<16xf32>
          %add3A_990 = arith.addf %add3A_950, %get3A_989 : vector<16xf32>
          %add3A_991 = arith.constant 22 : i32
          %add3A_992 = arith.addi %mul3A_93, %add3A_991 : i32
          %get3A_993 = arith.constant 0 : i32
          %get3A_994 = arith.index_cast %get3A_993 : i32 to index
          %get3A_995 = arith.index_cast %select_n3A : i32 to index
          %get3A_996 = arith.index_cast %add3A_992 : i32 to index
          %get3A_997 = arith.constant 48 : index
          %get3A_998 = tpu.vector_load %arg6[%get3A_994, %get3A_995, %get3A_996, %get3A_997] {strides = array<i32>} : memref<2x1x400x64xf32, #tpu.memory_space<vmem>>, vector<1x1x1x16xf32>,
          %get3A_999 = vector.shape_cast %get3A_998 : vector<1x1x1x16xf32> to vector<16xf32>
          %add3A_1000 = arith.addf %add3A_960, %get3A_999 : vector<16xf32>
          %add3A_1001 = arith.constant 23 : i32
          %add3A_1002 = arith.addi %mul3A_93, %add3A_1001 : i32
          %get3A_1003 = arith.constant 0 : i32
          %get3A_1004 = arith.index_cast %get3A_1003 : i32 to index
          %get3A_1005 = arith.index_cast %select_n3A : i32 to index
          %get3A_1006 = arith.index_cast %add3A_1002 : i32 to index
          %get3A_1007 = arith.constant 0 : index
          %get3A_1008 = tpu.vector_load %arg6[%get3A_1004, %get3A_1005, %get3A_1006, %get3A_1007] {strides = array<i32>} : memref<2x1x400x64xf32, #tpu.memory_space<vmem>>, vector<1x1x1x16xf32>,
          %get3A_1009 = vector.shape_cast %get3A_1008 : vector<1x1x1x16xf32> to vector<16xf32>
          %add3A_1010 = arith.addf %add3A_970, %get3A_1009 : vector<16xf32>
          %add3A_1011 = arith.constant 23 : i32
          %add3A_1012 = arith.addi %mul3A_93, %add3A_1011 : i32
          %get3A_1013 = arith.constant 0 : i32
          %get3A_1014 = arith.index_cast %get3A_1013 : i32 to index
          %get3A_1015 = arith.index_cast %select_n3A : i32 to index
          %get3A_1016 = arith.index_cast %add3A_1012 : i32 to index
          %get3A_1017 = arith.constant 16 : index
          %get3A_1018 = tpu.vector_load %arg6[%get3A_1014, %get3A_1015, %get3A_1016, %get3A_1017] {strides = array<i32>} : memref<2x1x400x64xf32, #tpu.memory_space<vmem>>, vector<1x1x1x16xf32>,
          %get3A_1019 = vector.shape_cast %get3A_1018 : vector<1x1x1x16xf32> to vector<16xf32>
          %add3A_1020 = arith.addf %add3A_980, %get3A_1019 : vector<16xf32>
          %add3A_1021 = arith.constant 23 : i32
          %add3A_1022 = arith.addi %mul3A_93, %add3A_1021 : i32
          %get3A_1023 = arith.constant 0 : i32
          %get3A_1024 = arith.index_cast %get3A_1023 : i32 to index
          %get3A_1025 = arith.index_cast %select_n3A : i32 to index
          %get3A_1026 = arith.index_cast %add3A_1022 : i32 to index
          %get3A_1027 = arith.constant 32 : index
          %get3A_1028 = tpu.vector_load %arg6[%get3A_1024, %get3A_1025, %get3A_1026, %get3A_1027] {strides = array<i32>} : memref<2x1x400x64xf32, #tpu.memory_space<vmem>>, vector<1x1x1x16xf32>,
          %get3A_1029 = vector.shape_cast %get3A_1028 : vector<1x1x1x16xf32> to vector<16xf32>
          %add3A_1030 = arith.addf %add3A_990, %get3A_1029 : vector<16xf32>
          %add3A_1031 = arith.constant 23 : i32
          %add3A_1032 = arith.addi %mul3A_93, %add3A_1031 : i32
          %get3A_1033 = arith.constant 0 : i32
          %get3A_1034 = arith.index_cast %get3A_1033 : i32 to index
          %get3A_1035 = arith.index_cast %select_n3A : i32 to index
          %get3A_1036 = arith.index_cast %add3A_1032 : i32 to index
          %get3A_1037 = arith.constant 48 : index
          %get3A_1038 = tpu.vector_load %arg6[%get3A_1034, %get3A_1035, %get3A_1036, %get3A_1037] {strides = array<i32>} : memref<2x1x400x64xf32, #tpu.memory_space<vmem>>, vector<1x1x1x16xf32>,
          %get3A_1039 = vector.shape_cast %get3A_1038 : vector<1x1x1x16xf32> to vector<16xf32>
          %add3A_1040 = arith.addf %add3A_1000, %get3A_1039 : vector<16xf32>
          %add3A_1041 = arith.constant 24 : i32
          %add3A_1042 = arith.addi %mul3A_93, %add3A_1041 : i32
          %get3A_1043 = arith.constant 0 : i32
          %get3A_1044 = arith.index_cast %get3A_1043 : i32 to index
          %get3A_1045 = arith.index_cast %select_n3A : i32 to index
          %get3A_1046 = arith.index_cast %add3A_1042 : i32 to index
          %get3A_1047 = arith.constant 0 : index
          %get3A_1048 = tpu.vector_load %arg6[%get3A_1044, %get3A_1045, %get3A_1046, %get3A_1047] {strides = array<i32>} : memref<2x1x400x64xf32, #tpu.memory_space<vmem>>, vector<1x1x1x16xf32>,
          %get3A_1049 = vector.shape_cast %get3A_1048 : vector<1x1x1x16xf32> to vector<16xf32>
          %add3A_1050 = arith.addf %add3A_1010, %get3A_1049 : vector<16xf32>
          %add3A_1051 = arith.constant 24 : i32
          %add3A_1052 = arith.addi %mul3A_93, %add3A_1051 : i32
          %get3A_1053 = arith.constant 0 : i32
          %get3A_1054 = arith.index_cast %get3A_1053 : i32 to index
          %get3A_1055 = arith.index_cast %select_n3A : i32 to index
          %get3A_1056 = arith.index_cast %add3A_1052 : i32 to index
          %get3A_1057 = arith.constant 16 : index
          %get3A_1058 = tpu.vector_load %arg6[%get3A_1054, %get3A_1055, %get3A_1056, %get3A_1057] {strides = array<i32>} : memref<2x1x400x64xf32, #tpu.memory_space<vmem>>, vector<1x1x1x16xf32>,
          %get3A_1059 = vector.shape_cast %get3A_1058 : vector<1x1x1x16xf32> to vector<16xf32>
          %add3A_1060 = arith.addf %add3A_1020, %get3A_1059 : vector<16xf32>
          %add3A_1061 = arith.constant 24 : i32
          %add3A_1062 = arith.addi %mul3A_93, %add3A_1061 : i32
          %get3A_1063 = arith.constant 0 : i32
          %get3A_1064 = arith.index_cast %get3A_1063 : i32 to index
          %get3A_1065 = arith.index_cast %select_n3A : i32 to index
          %get3A_1066 = arith.index_cast %add3A_1062 : i32 to index
          %get3A_1067 = arith.constant 32 : index
          %get3A_1068 = tpu.vector_load %arg6[%get3A_1064, %get3A_1065, %get3A_1066, %get3A_1067] {strides = array<i32>} : memref<2x1x400x64xf32, #tpu.memory_space<vmem>>, vector<1x1x1x16xf32>,
          %get3A_1069 = vector.shape_cast %get3A_1068 : vector<1x1x1x16xf32> to vector<16xf32>
          %add3A_1070 = arith.addf %add3A_1030, %get3A_1069 : vector<16xf32>
          %add3A_1071 = arith.constant 24 : i32
          %add3A_1072 = arith.addi %mul3A_93, %add3A_1071 : i32
          %get3A_1073 = arith.constant 0 : i32
          %get3A_1074 = arith.index_cast %get3A_1073 : i32 to index
          %get3A_1075 = arith.index_cast %select_n3A : i32 to index
          %get3A_1076 = arith.index_cast %add3A_1072 : i32 to index
          %get3A_1077 = arith.constant 48 : index
          %get3A_1078 = tpu.vector_load %arg6[%get3A_1074, %get3A_1075, %get3A_1076, %get3A_1077] {strides = array<i32>} : memref<2x1x400x64xf32, #tpu.memory_space<vmem>>, vector<1x1x1x16xf32>,
          %get3A_1079 = vector.shape_cast %get3A_1078 : vector<1x1x1x16xf32> to vector<16xf32>
          %add3A_1080 = arith.addf %add3A_1040, %get3A_1079 : vector<16xf32>
          %add3A_1081 = arith.constant 25 : i32
          %add3A_1082 = arith.addi %mul3A_93, %add3A_1081 : i32
          %get3A_1083 = arith.constant 0 : i32
          %get3A_1084 = arith.index_cast %get3A_1083 : i32 to index
          %get3A_1085 = arith.index_cast %select_n3A : i32 to index
          %get3A_1086 = arith.index_cast %add3A_1082 : i32 to index
          %get3A_1087 = arith.constant 0 : index
          %get3A_1088 = tpu.vector_load %arg6[%get3A_1084, %get3A_1085, %get3A_1086, %get3A_1087] {strides = array<i32>} : memref<2x1x400x64xf32, #tpu.memory_space<vmem>>, vector<1x1x1x16xf32>,
          %get3A_1089 = vector.shape_cast %get3A_1088 : vector<1x1x1x16xf32> to vector<16xf32>
          %add3A_1090 = arith.addf %add3A_1050, %get3A_1089 : vector<16xf32>
          %add3A_1091 = arith.constant 25 : i32
          %add3A_1092 = arith.addi %mul3A_93, %add3A_1091 : i32
          %get3A_1093 = arith.constant 0 : i32
          %get3A_1094 = arith.index_cast %get3A_1093 : i32 to index
          %get3A_1095 = arith.index_cast %select_n3A : i32 to index
          %get3A_1096 = arith.index_cast %add3A_1092 : i32 to index
          %get3A_1097 = arith.constant 16 : index
          %get3A_1098 = tpu.vector_load %arg6[%get3A_1094, %get3A_1095, %get3A_1096, %get3A_1097] {strides = array<i32>} : memref<2x1x400x64xf32, #tpu.memory_space<vmem>>, vector<1x1x1x16xf32>,
          %get3A_1099 = vector.shape_cast %get3A_1098 : vector<1x1x1x16xf32> to vector<16xf32>
          %add3A_1100 = arith.addf %add3A_1060, %get3A_1099 : vector<16xf32>
          %add3A_1101 = arith.constant 25 : i32
          %add3A_1102 = arith.addi %mul3A_93, %add3A_1101 : i32
          %get3A_1103 = arith.constant 0 : i32
          %get3A_1104 = arith.index_cast %get3A_1103 : i32 to index
          %get3A_1105 = arith.index_cast %select_n3A : i32 to index
          %get3A_1106 = arith.index_cast %add3A_1102 : i32 to index
          %get3A_1107 = arith.constant 32 : index
          %get3A_1108 = tpu.vector_load %arg6[%get3A_1104, %get3A_1105, %get3A_1106, %get3A_1107] {strides = array<i32>} : memref<2x1x400x64xf32, #tpu.memory_space<vmem>>, vector<1x1x1x16xf32>,
          %get3A_1109 = vector.shape_cast %get3A_1108 : vector<1x1x1x16xf32> to vector<16xf32>
          %add3A_1110 = arith.addf %add3A_1070, %get3A_1109 : vector<16xf32>
          %add3A_1111 = arith.constant 25 : i32
          %add3A_1112 = arith.addi %mul3A_93, %add3A_1111 : i32
          %get3A_1113 = arith.constant 0 : i32
          %get3A_1114 = arith.index_cast %get3A_1113 : i32 to index
          %get3A_1115 = arith.index_cast %select_n3A : i32 to index
          %get3A_1116 = arith.index_cast %add3A_1112 : i32 to index
          %get3A_1117 = arith.constant 48 : index
          %get3A_1118 = tpu.vector_load %arg6[%get3A_1114, %get3A_1115, %get3A_1116, %get3A_1117] {strides = array<i32>} : memref<2x1x400x64xf32, #tpu.memory_space<vmem>>, vector<1x1x1x16xf32>,
          %get3A_1119 = vector.shape_cast %get3A_1118 : vector<1x1x1x16xf32> to vector<16xf32>
          %add3A_1120 = arith.addf %add3A_1080, %get3A_1119 : vector<16xf32>
          %add3A_1121 = arith.constant 26 : i32
          %add3A_1122 = arith.addi %mul3A_93, %add3A_1121 : i32
          %get3A_1123 = arith.constant 0 : i32
          %get3A_1124 = arith.index_cast %get3A_1123 : i32 to index
          %get3A_1125 = arith.index_cast %select_n3A : i32 to index
          %get3A_1126 = arith.index_cast %add3A_1122 : i32 to index
          %get3A_1127 = arith.constant 0 : index
          %get3A_1128 = tpu.vector_load %arg6[%get3A_1124, %get3A_1125, %get3A_1126, %get3A_1127] {strides = array<i32>} : memref<2x1x400x64xf32, #tpu.memory_space<vmem>>, vector<1x1x1x16xf32>,
          %get3A_1129 = vector.shape_cast %get3A_1128 : vector<1x1x1x16xf32> to vector<16xf32>
          %add3A_1130 = arith.addf %add3A_1090, %get3A_1129 : vector<16xf32>
          %add3A_1131 = arith.constant 26 : i32
          %add3A_1132 = arith.addi %mul3A_93, %add3A_1131 : i32
          %get3A_1133 = arith.constant 0 : i32
          %get3A_1134 = arith.index_cast %get3A_1133 : i32 to index
          %get3A_1135 = arith.index_cast %select_n3A : i32 to index
          %get3A_1136 = arith.index_cast %add3A_1132 : i32 to index
          %get3A_1137 = arith.constant 16 : index
          %get3A_1138 = tpu.vector_load %arg6[%get3A_1134, %get3A_1135, %get3A_1136, %get3A_1137] {strides = array<i32>} : memref<2x1x400x64xf32, #tpu.memory_space<vmem>>, vector<1x1x1x16xf32>,
          %get3A_1139 = vector.shape_cast %get3A_1138 : vector<1x1x1x16xf32> to vector<16xf32>
          %add3A_1140 = arith.addf %add3A_1100, %get3A_1139 : vector<16xf32>
          %add3A_1141 = arith.constant 26 : i32
          %add3A_1142 = arith.addi %mul3A_93, %add3A_1141 : i32
          %get3A_1143 = arith.constant 0 : i32
          %get3A_1144 = arith.index_cast %get3A_1143 : i32 to index
          %get3A_1145 = arith.index_cast %select_n3A : i32 to index
          %get3A_1146 = arith.index_cast %add3A_1142 : i32 to index
          %get3A_1147 = arith.constant 32 : index
          %get3A_1148 = tpu.vector_load %arg6[%get3A_1144, %get3A_1145, %get3A_1146, %get3A_1147] {strides = array<i32>} : memref<2x1x400x64xf32, #tpu.memory_space<vmem>>, vector<1x1x1x16xf32>,
          %get3A_1149 = vector.shape_cast %get3A_1148 : vector<1x1x1x16xf32> to vector<16xf32>
          %add3A_1150 = arith.addf %add3A_1110, %get3A_1149 : vector<16xf32>
          %add3A_1151 = arith.constant 26 : i32
          %add3A_1152 = arith.addi %mul3A_93, %add3A_1151 : i32
          %get3A_1153 = arith.constant 0 : i32
          %get3A_1154 = arith.index_cast %get3A_1153 : i32 to index
          %get3A_1155 = arith.index_cast %select_n3A : i32 to index
          %get3A_1156 = arith.index_cast %add3A_1152 : i32 to index
          %get3A_1157 = arith.constant 48 : index
          %get3A_1158 = tpu.vector_load %arg6[%get3A_1154, %get3A_1155, %get3A_1156, %get3A_1157] {strides = array<i32>} : memref<2x1x400x64xf32, #tpu.memory_space<vmem>>, vector<1x1x1x16xf32>,
          %get3A_1159 = vector.shape_cast %get3A_1158 : vector<1x1x1x16xf32> to vector<16xf32>
          %add3A_1160 = arith.addf %add3A_1120, %get3A_1159 : vector<16xf32>
          %add3A_1161 = arith.constant 27 : i32
          %add3A_1162 = arith.addi %mul3A_93, %add3A_1161 : i32
          %get3A_1163 = arith.constant 0 : i32
          %get3A_1164 = arith.index_cast %get3A_1163 : i32 to index
          %get3A_1165 = arith.index_cast %select_n3A : i32 to index
          %get3A_1166 = arith.index_cast %add3A_1162 : i32 to index
          %get3A_1167 = arith.constant 0 : index
          %get3A_1168 = tpu.vector_load %arg6[%get3A_1164, %get3A_1165, %get3A_1166, %get3A_1167] {strides = array<i32>} : memref<2x1x400x64xf32, #tpu.memory_space<vmem>>, vector<1x1x1x16xf32>,
          %get3A_1169 = vector.shape_cast %get3A_1168 : vector<1x1x1x16xf32> to vector<16xf32>
          %add3A_1170 = arith.addf %add3A_1130, %get3A_1169 : vector<16xf32>
          %add3A_1171 = arith.constant 27 : i32
          %add3A_1172 = arith.addi %mul3A_93, %add3A_1171 : i32
          %get3A_1173 = arith.constant 0 : i32
          %get3A_1174 = arith.index_cast %get3A_1173 : i32 to index
          %get3A_1175 = arith.index_cast %select_n3A : i32 to index
          %get3A_1176 = arith.index_cast %add3A_1172 : i32 to index
          %get3A_1177 = arith.constant 16 : index
          %get3A_1178 = tpu.vector_load %arg6[%get3A_1174, %get3A_1175, %get3A_1176, %get3A_1177] {strides = array<i32>} : memref<2x1x400x64xf32, #tpu.memory_space<vmem>>, vector<1x1x1x16xf32>,
          %get3A_1179 = vector.shape_cast %get3A_1178 : vector<1x1x1x16xf32> to vector<16xf32>
          %add3A_1180 = arith.addf %add3A_1140, %get3A_1179 : vector<16xf32>
          %add3A_1181 = arith.constant 27 : i32
          %add3A_1182 = arith.addi %mul3A_93, %add3A_1181 : i32
          %get3A_1183 = arith.constant 0 : i32
          %get3A_1184 = arith.index_cast %get3A_1183 : i32 to index
          %get3A_1185 = arith.index_cast %select_n3A : i32 to index
          %get3A_1186 = arith.index_cast %add3A_1182 : i32 to index
          %get3A_1187 = arith.constant 32 : index
          %get3A_1188 = tpu.vector_load %arg6[%get3A_1184, %get3A_1185, %get3A_1186, %get3A_1187] {strides = array<i32>} : memref<2x1x400x64xf32, #tpu.memory_space<vmem>>, vector<1x1x1x16xf32>,
          %get3A_1189 = vector.shape_cast %get3A_1188 : vector<1x1x1x16xf32> to vector<16xf32>
          %add3A_1190 = arith.addf %add3A_1150, %get3A_1189 : vector<16xf32>
          %add3A_1191 = arith.constant 27 : i32
          %add3A_1192 = arith.addi %mul3A_93, %add3A_1191 : i32
          %get3A_1193 = arith.constant 0 : i32
          %get3A_1194 = arith.index_cast %get3A_1193 : i32 to index
          %get3A_1195 = arith.index_cast %select_n3A : i32 to index
          %get3A_1196 = arith.index_cast %add3A_1192 : i32 to index
          %get3A_1197 = arith.constant 48 : index
          %get3A_1198 = tpu.vector_load %arg6[%get3A_1194, %get3A_1195, %get3A_1196, %get3A_1197] {strides = array<i32>} : memref<2x1x400x64xf32, #tpu.memory_space<vmem>>, vector<1x1x1x16xf32>,
          %get3A_1199 = vector.shape_cast %get3A_1198 : vector<1x1x1x16xf32> to vector<16xf32>
          %add3A_1200 = arith.addf %add3A_1160, %get3A_1199 : vector<16xf32>
          %add3A_1201 = arith.constant 28 : i32
          %add3A_1202 = arith.addi %mul3A_93, %add3A_1201 : i32
          %get3A_1203 = arith.constant 0 : i32
          %get3A_1204 = arith.index_cast %get3A_1203 : i32 to index
          %get3A_1205 = arith.index_cast %select_n3A : i32 to index
          %get3A_1206 = arith.index_cast %add3A_1202 : i32 to index
          %get3A_1207 = arith.constant 0 : index
          %get3A_1208 = tpu.vector_load %arg6[%get3A_1204, %get3A_1205, %get3A_1206, %get3A_1207] {strides = array<i32>} : memref<2x1x400x64xf32, #tpu.memory_space<vmem>>, vector<1x1x1x16xf32>,
          %get3A_1209 = vector.shape_cast %get3A_1208 : vector<1x1x1x16xf32> to vector<16xf32>
          %add3A_1210 = arith.addf %add3A_1170, %get3A_1209 : vector<16xf32>
          %add3A_1211 = arith.constant 28 : i32
          %add3A_1212 = arith.addi %mul3A_93, %add3A_1211 : i32
          %get3A_1213 = arith.constant 0 : i32
          %get3A_1214 = arith.index_cast %get3A_1213 : i32 to index
          %get3A_1215 = arith.index_cast %select_n3A : i32 to index
          %get3A_1216 = arith.index_cast %add3A_1212 : i32 to index
          %get3A_1217 = arith.constant 16 : index
          %get3A_1218 = tpu.vector_load %arg6[%get3A_1214, %get3A_1215, %get3A_1216, %get3A_1217] {strides = array<i32>} : memref<2x1x400x64xf32, #tpu.memory_space<vmem>>, vector<1x1x1x16xf32>,
          %get3A_1219 = vector.shape_cast %get3A_1218 : vector<1x1x1x16xf32> to vector<16xf32>
          %add3A_1220 = arith.addf %add3A_1180, %get3A_1219 : vector<16xf32>
          %add3A_1221 = arith.constant 28 : i32
          %add3A_1222 = arith.addi %mul3A_93, %add3A_1221 : i32
          %get3A_1223 = arith.constant 0 : i32
          %get3A_1224 = arith.index_cast %get3A_1223 : i32 to index
          %get3A_1225 = arith.index_cast %select_n3A : i32 to index
          %get3A_1226 = arith.index_cast %add3A_1222 : i32 to index
          %get3A_1227 = arith.constant 32 : index
          %get3A_1228 = tpu.vector_load %arg6[%get3A_1224, %get3A_1225, %get3A_1226, %get3A_1227] {strides = array<i32>} : memref<2x1x400x64xf32, #tpu.memory_space<vmem>>, vector<1x1x1x16xf32>,
          %get3A_1229 = vector.shape_cast %get3A_1228 : vector<1x1x1x16xf32> to vector<16xf32>
          %add3A_1230 = arith.addf %add3A_1190, %get3A_1229 : vector<16xf32>
          %add3A_1231 = arith.constant 28 : i32
          %add3A_1232 = arith.addi %mul3A_93, %add3A_1231 : i32
          %get3A_1233 = arith.constant 0 : i32
          %get3A_1234 = arith.index_cast %get3A_1233 : i32 to index
          %get3A_1235 = arith.index_cast %select_n3A : i32 to index
          %get3A_1236 = arith.index_cast %add3A_1232 : i32 to index
          %get3A_1237 = arith.constant 48 : index
          %get3A_1238 = tpu.vector_load %arg6[%get3A_1234, %get3A_1235, %get3A_1236, %get3A_1237] {strides = array<i32>} : memref<2x1x400x64xf32, #tpu.memory_space<vmem>>, vector<1x1x1x16xf32>,
          %get3A_1239 = vector.shape_cast %get3A_1238 : vector<1x1x1x16xf32> to vector<16xf32>
          %add3A_1240 = arith.addf %add3A_1200, %get3A_1239 : vector<16xf32>
          %add3A_1241 = arith.constant 29 : i32
          %add3A_1242 = arith.addi %mul3A_93, %add3A_1241 : i32
          %get3A_1243 = arith.constant 0 : i32
          %get3A_1244 = arith.index_cast %get3A_1243 : i32 to index
          %get3A_1245 = arith.index_cast %select_n3A : i32 to index
          %get3A_1246 = arith.index_cast %add3A_1242 : i32 to index
          %get3A_1247 = arith.constant 0 : index
          %get3A_1248 = tpu.vector_load %arg6[%get3A_1244, %get3A_1245, %get3A_1246, %get3A_1247] {strides = array<i32>} : memref<2x1x400x64xf32, #tpu.memory_space<vmem>>, vector<1x1x1x16xf32>,
          %get3A_1249 = vector.shape_cast %get3A_1248 : vector<1x1x1x16xf32> to vector<16xf32>
          %add3A_1250 = arith.addf %add3A_1210, %get3A_1249 : vector<16xf32>
          %add3A_1251 = arith.constant 29 : i32
          %add3A_1252 = arith.addi %mul3A_93, %add3A_1251 : i32
          %get3A_1253 = arith.constant 0 : i32
          %get3A_1254 = arith.index_cast %get3A_1253 : i32 to index
          %get3A_1255 = arith.index_cast %select_n3A : i32 to index
          %get3A_1256 = arith.index_cast %add3A_1252 : i32 to index
          %get3A_1257 = arith.constant 16 : index
          %get3A_1258 = tpu.vector_load %arg6[%get3A_1254, %get3A_1255, %get3A_1256, %get3A_1257] {strides = array<i32>} : memref<2x1x400x64xf32, #tpu.memory_space<vmem>>, vector<1x1x1x16xf32>,
          %get3A_1259 = vector.shape_cast %get3A_1258 : vector<1x1x1x16xf32> to vector<16xf32>
          %add3A_1260 = arith.addf %add3A_1220, %get3A_1259 : vector<16xf32>
          %add3A_1261 = arith.constant 29 : i32
          %add3A_1262 = arith.addi %mul3A_93, %add3A_1261 : i32
          %get3A_1263 = arith.constant 0 : i32
          %get3A_1264 = arith.index_cast %get3A_1263 : i32 to index
          %get3A_1265 = arith.index_cast %select_n3A : i32 to index
          %get3A_1266 = arith.index_cast %add3A_1262 : i32 to index
          %get3A_1267 = arith.constant 32 : index
          %get3A_1268 = tpu.vector_load %arg6[%get3A_1264, %get3A_1265, %get3A_1266, %get3A_1267] {strides = array<i32>} : memref<2x1x400x64xf32, #tpu.memory_space<vmem>>, vector<1x1x1x16xf32>,
          %get3A_1269 = vector.shape_cast %get3A_1268 : vector<1x1x1x16xf32> to vector<16xf32>
          %add3A_1270 = arith.addf %add3A_1230, %get3A_1269 : vector<16xf32>
          %add3A_1271 = arith.constant 29 : i32
          %add3A_1272 = arith.addi %mul3A_93, %add3A_1271 : i32
          %get3A_1273 = arith.constant 0 : i32
          %get3A_1274 = arith.index_cast %get3A_1273 : i32 to index
          %get3A_1275 = arith.index_cast %select_n3A : i32 to index
          %get3A_1276 = arith.index_cast %add3A_1272 : i32 to index
          %get3A_1277 = arith.constant 48 : index
          %get3A_1278 = tpu.vector_load %arg6[%get3A_1274, %get3A_1275, %get3A_1276, %get3A_1277] {strides = array<i32>} : memref<2x1x400x64xf32, #tpu.memory_space<vmem>>, vector<1x1x1x16xf32>,
          %get3A_1279 = vector.shape_cast %get3A_1278 : vector<1x1x1x16xf32> to vector<16xf32>
          %add3A_1280 = arith.addf %add3A_1240, %get3A_1279 : vector<16xf32>
          %add3A_1281 = arith.constant 30 : i32
          %add3A_1282 = arith.addi %mul3A_93, %add3A_1281 : i32
          %get3A_1283 = arith.constant 0 : i32
          %get3A_1284 = arith.index_cast %get3A_1283 : i32 to index
          %get3A_1285 = arith.index_cast %select_n3A : i32 to index
          %get3A_1286 = arith.index_cast %add3A_1282 : i32 to index
          %get3A_1287 = arith.constant 0 : index
          %get3A_1288 = tpu.vector_load %arg6[%get3A_1284, %get3A_1285, %get3A_1286, %get3A_1287] {strides = array<i32>} : memref<2x1x400x64xf32, #tpu.memory_space<vmem>>, vector<1x1x1x16xf32>,
          %get3A_1289 = vector.shape_cast %get3A_1288 : vector<1x1x1x16xf32> to vector<16xf32>
          %add3A_1290 = arith.addf %add3A_1250, %get3A_1289 : vector<16xf32>
          %add3A_1291 = arith.constant 30 : i32
          %add3A_1292 = arith.addi %mul3A_93, %add3A_1291 : i32
          %get3A_1293 = arith.constant 0 : i32
          %get3A_1294 = arith.index_cast %get3A_1293 : i32 to index
          %get3A_1295 = arith.index_cast %select_n3A : i32 to index
          %get3A_1296 = arith.index_cast %add3A_1292 : i32 to index
          %get3A_1297 = arith.constant 16 : index
          %get3A_1298 = tpu.vector_load %arg6[%get3A_1294, %get3A_1295, %get3A_1296, %get3A_1297] {strides = array<i32>} : memref<2x1x400x64xf32, #tpu.memory_space<vmem>>, vector<1x1x1x16xf32>,
          %get3A_1299 = vector.shape_cast %get3A_1298 : vector<1x1x1x16xf32> to vector<16xf32>
          %add3A_1300 = arith.addf %add3A_1260, %get3A_1299 : vector<16xf32>
          %add3A_1301 = arith.constant 30 : i32
          %add3A_1302 = arith.addi %mul3A_93, %add3A_1301 : i32
          %get3A_1303 = arith.constant 0 : i32
          %get3A_1304 = arith.index_cast %get3A_1303 : i32 to index
          %get3A_1305 = arith.index_cast %select_n3A : i32 to index
          %get3A_1306 = arith.index_cast %add3A_1302 : i32 to index
          %get3A_1307 = arith.constant 32 : index
          %get3A_1308 = tpu.vector_load %arg6[%get3A_1304, %get3A_1305, %get3A_1306, %get3A_1307] {strides = array<i32>} : memref<2x1x400x64xf32, #tpu.memory_space<vmem>>, vector<1x1x1x16xf32>,
          %get3A_1309 = vector.shape_cast %get3A_1308 : vector<1x1x1x16xf32> to vector<16xf32>
          %add3A_1310 = arith.addf %add3A_1270, %get3A_1309 : vector<16xf32>
          %add3A_1311 = arith.constant 30 : i32
          %add3A_1312 = arith.addi %mul3A_93, %add3A_1311 : i32
          %get3A_1313 = arith.constant 0 : i32
          %get3A_1314 = arith.index_cast %get3A_1313 : i32 to index
          %get3A_1315 = arith.index_cast %select_n3A : i32 to index
          %get3A_1316 = arith.index_cast %add3A_1312 : i32 to index
          %get3A_1317 = arith.constant 48 : index
          %get3A_1318 = tpu.vector_load %arg6[%get3A_1314, %get3A_1315, %get3A_1316, %get3A_1317] {strides = array<i32>} : memref<2x1x400x64xf32, #tpu.memory_space<vmem>>, vector<1x1x1x16xf32>,
          %get3A_1319 = vector.shape_cast %get3A_1318 : vector<1x1x1x16xf32> to vector<16xf32>
          %add3A_1320 = arith.addf %add3A_1280, %get3A_1319 : vector<16xf32>
          %add3A_1321 = arith.constant 31 : i32
          %add3A_1322 = arith.addi %mul3A_93, %add3A_1321 : i32
          %get3A_1323 = arith.constant 0 : i32
          %get3A_1324 = arith.index_cast %get3A_1323 : i32 to index
          %get3A_1325 = arith.index_cast %select_n3A : i32 to index
          %get3A_1326 = arith.index_cast %add3A_1322 : i32 to index
          %get3A_1327 = arith.constant 0 : index
          %get3A_1328 = tpu.vector_load %arg6[%get3A_1324, %get3A_1325, %get3A_1326, %get3A_1327] {strides = array<i32>} : memref<2x1x400x64xf32, #tpu.memory_space<vmem>>, vector<1x1x1x16xf32>,
          %get3A_1329 = vector.shape_cast %get3A_1328 : vector<1x1x1x16xf32> to vector<16xf32>
          %add3A_1330 = arith.addf %add3A_1290, %get3A_1329 : vector<16xf32>
          %add3A_1331 = arith.constant 31 : i32
          %add3A_1332 = arith.addi %mul3A_93, %add3A_1331 : i32
          %get3A_1333 = arith.constant 0 : i32
          %get3A_1334 = arith.index_cast %get3A_1333 : i32 to index
          %get3A_1335 = arith.index_cast %select_n3A : i32 to index
          %get3A_1336 = arith.index_cast %add3A_1332 : i32 to index
          %get3A_1337 = arith.constant 16 : index
          %get3A_1338 = tpu.vector_load %arg6[%get3A_1334, %get3A_1335, %get3A_1336, %get3A_1337] {strides = array<i32>} : memref<2x1x400x64xf32, #tpu.memory_space<vmem>>, vector<1x1x1x16xf32>,
          %get3A_1339 = vector.shape_cast %get3A_1338 : vector<1x1x1x16xf32> to vector<16xf32>
          %add3A_1340 = arith.addf %add3A_1300, %get3A_1339 : vector<16xf32>
          %add3A_1341 = arith.constant 31 : i32
          %add3A_1342 = arith.addi %mul3A_93, %add3A_1341 : i32
          %get3A_1343 = arith.constant 0 : i32
          %get3A_1344 = arith.index_cast %get3A_1343 : i32 to index
          %get3A_1345 = arith.index_cast %select_n3A : i32 to index
          %get3A_1346 = arith.index_cast %add3A_1342 : i32 to index
          %get3A_1347 = arith.constant 32 : index
          %get3A_1348 = tpu.vector_load %arg6[%get3A_1344, %get3A_1345, %get3A_1346, %get3A_1347] {strides = array<i32>} : memref<2x1x400x64xf32, #tpu.memory_space<vmem>>, vector<1x1x1x16xf32>,
          %get3A_1349 = vector.shape_cast %get3A_1348 : vector<1x1x1x16xf32> to vector<16xf32>
          %add3A_1350 = arith.addf %add3A_1310, %get3A_1349 : vector<16xf32>
          %add3A_1351 = arith.constant 31 : i32
          %add3A_1352 = arith.addi %mul3A_93, %add3A_1351 : i32
          %get3A_1353 = arith.constant 0 : i32
          %get3A_1354 = arith.index_cast %get3A_1353 : i32 to index
          %get3A_1355 = arith.index_cast %select_n3A : i32 to index
          %get3A_1356 = arith.index_cast %add3A_1352 : i32 to index
          %get3A_1357 = arith.constant 48 : index
          %get3A_1358 = tpu.vector_load %arg6[%get3A_1354, %get3A_1355, %get3A_1356, %get3A_1357] {strides = array<i32>} : memref<2x1x400x64xf32, #tpu.memory_space<vmem>>, vector<1x1x1x16xf32>,
          %get3A_1359 = vector.shape_cast %get3A_1358 : vector<1x1x1x16xf32> to vector<16xf32>
          %add3A_1360 = arith.addf %add3A_1320, %get3A_1359 : vector<16xf32>
          %add3A_1361 = arith.constant 32 : i32
          %add3A_1362 = arith.addi %mul3A_93, %add3A_1361 : i32
          %get3A_1363 = arith.constant 0 : i32
          %get3A_1364 = arith.index_cast %get3A_1363 : i32 to index
          %get3A_1365 = arith.index_cast %select_n3A : i32 to index
          %get3A_1366 = arith.index_cast %add3A_1362 : i32 to index
          %get3A_1367 = arith.constant 0 : index
          %get3A_1368 = tpu.vector_load %arg6[%get3A_1364, %get3A_1365, %get3A_1366, %get3A_1367] {strides = array<i32>} : memref<2x1x400x64xf32, #tpu.memory_space<vmem>>, vector<1x1x1x16xf32>,
          %get3A_1369 = vector.shape_cast %get3A_1368 : vector<1x1x1x16xf32> to vector<16xf32>
          %add3A_1370 = arith.addf %add3A_1330, %get3A_1369 : vector<16xf32>
          %add3A_1371 = arith.constant 32 : i32
          %add3A_1372 = arith.addi %mul3A_93, %add3A_1371 : i32
          %get3A_1373 = arith.constant 0 : i32
          %get3A_1374 = arith.index_cast %get3A_1373 : i32 to index
          %get3A_1375 = arith.index_cast %select_n3A : i32 to index
          %get3A_1376 = arith.index_cast %add3A_1372 : i32 to index
          %get3A_1377 = arith.constant 16 : index
          %get3A_1378 = tpu.vector_load %arg6[%get3A_1374, %get3A_1375, %get3A_1376, %get3A_1377] {strides = array<i32>} : memref<2x1x400x64xf32, #tpu.memory_space<vmem>>, vector<1x1x1x16xf32>,
          %get3A_1379 = vector.shape_cast %get3A_1378 : vector<1x1x1x16xf32> to vector<16xf32>
          %add3A_1380 = arith.addf %add3A_1340, %get3A_1379 : vector<16xf32>
          %add3A_1381 = arith.constant 32 : i32
          %add3A_1382 = arith.addi %mul3A_93, %add3A_1381 : i32
          %get3A_1383 = arith.constant 0 : i32
          %get3A_1384 = arith.index_cast %get3A_1383 : i32 to index
          %get3A_1385 = arith.index_cast %select_n3A : i32 to index
          %get3A_1386 = arith.index_cast %add3A_1382 : i32 to index
          %get3A_1387 = arith.constant 32 : index
          %get3A_1388 = tpu.vector_load %arg6[%get3A_1384, %get3A_1385, %get3A_1386, %get3A_1387] {strides = array<i32>} : memref<2x1x400x64xf32, #tpu.memory_space<vmem>>, vector<1x1x1x16xf32>,
          %get3A_1389 = vector.shape_cast %get3A_1388 : vector<1x1x1x16xf32> to vector<16xf32>
          %add3A_1390 = arith.addf %add3A_1350, %get3A_1389 : vector<16xf32>
          %add3A_1391 = arith.constant 32 : i32
          %add3A_1392 = arith.addi %mul3A_93, %add3A_1391 : i32
          %get3A_1393 = arith.constant 0 : i32
          %get3A_1394 = arith.index_cast %get3A_1393 : i32 to index
          %get3A_1395 = arith.index_cast %select_n3A : i32 to index
          %get3A_1396 = arith.index_cast %add3A_1392 : i32 to index
          %get3A_1397 = arith.constant 48 : index
          %get3A_1398 = tpu.vector_load %arg6[%get3A_1394, %get3A_1395, %get3A_1396, %get3A_1397] {strides = array<i32>} : memref<2x1x400x64xf32, #tpu.memory_space<vmem>>, vector<1x1x1x16xf32>,
          %get3A_1399 = vector.shape_cast %get3A_1398 : vector<1x1x1x16xf32> to vector<16xf32>
          %add3A_1400 = arith.addf %add3A_1360, %get3A_1399 : vector<16xf32>
          %add3A_1401 = arith.constant 33 : i32
          %add3A_1402 = arith.addi %mul3A_93, %add3A_1401 : i32
          %get3A_1403 = arith.constant 0 : i32
          %get3A_1404 = arith.index_cast %get3A_1403 : i32 to index
          %get3A_1405 = arith.index_cast %select_n3A : i32 to index
          %get3A_1406 = arith.index_cast %add3A_1402 : i32 to index
          %get3A_1407 = arith.constant 0 : index
          %get3A_1408 = tpu.vector_load %arg6[%get3A_1404, %get3A_1405, %get3A_1406, %get3A_1407] {strides = array<i32>} : memref<2x1x400x64xf32, #tpu.memory_space<vmem>>, vector<1x1x1x16xf32>,
          %get3A_1409 = vector.shape_cast %get3A_1408 : vector<1x1x1x16xf32> to vector<16xf32>
          %add3A_1410 = arith.addf %add3A_1370, %get3A_1409 : vector<16xf32>
          %add3A_1411 = arith.constant 33 : i32
          %add3A_1412 = arith.addi %mul3A_93, %add3A_1411 : i32
          %get3A_1413 = arith.constant 0 : i32
          %get3A_1414 = arith.index_cast %get3A_1413 : i32 to index
          %get3A_1415 = arith.index_cast %select_n3A : i32 to index
          %get3A_1416 = arith.index_cast %add3A_1412 : i32 to index
          %get3A_1417 = arith.constant 16 : index
          %get3A_1418 = tpu.vector_load %arg6[%get3A_1414, %get3A_1415, %get3A_1416, %get3A_1417] {strides = array<i32>} : memref<2x1x400x64xf32, #tpu.memory_space<vmem>>, vector<1x1x1x16xf32>,
          %get3A_1419 = vector.shape_cast %get3A_1418 : vector<1x1x1x16xf32> to vector<16xf32>
          %add3A_1420 = arith.addf %add3A_1380, %get3A_1419 : vector<16xf32>
          %add3A_1421 = arith.constant 33 : i32
          %add3A_1422 = arith.addi %mul3A_93, %add3A_1421 : i32
          %get3A_1423 = arith.constant 0 : i32
          %get3A_1424 = arith.index_cast %get3A_1423 : i32 to index
          %get3A_1425 = arith.index_cast %select_n3A : i32 to index
          %get3A_1426 = arith.index_cast %add3A_1422 : i32 to index
          %get3A_1427 = arith.constant 32 : index
          %get3A_1428 = tpu.vector_load %arg6[%get3A_1424, %get3A_1425, %get3A_1426, %get3A_1427] {strides = array<i32>} : memref<2x1x400x64xf32, #tpu.memory_space<vmem>>, vector<1x1x1x16xf32>,
          %get3A_1429 = vector.shape_cast %get3A_1428 : vector<1x1x1x16xf32> to vector<16xf32>
          %add3A_1430 = arith.addf %add3A_1390, %get3A_1429 : vector<16xf32>
          %add3A_1431 = arith.constant 33 : i32
          %add3A_1432 = arith.addi %mul3A_93, %add3A_1431 : i32
          %get3A_1433 = arith.constant 0 : i32
          %get3A_1434 = arith.index_cast %get3A_1433 : i32 to index
          %get3A_1435 = arith.index_cast %select_n3A : i32 to index
          %get3A_1436 = arith.index_cast %add3A_1432 : i32 to index
          %get3A_1437 = arith.constant 48 : index
          %get3A_1438 = tpu.vector_load %arg6[%get3A_1434, %get3A_1435, %get3A_1436, %get3A_1437] {strides = array<i32>} : memref<2x1x400x64xf32, #tpu.memory_space<vmem>>, vector<1x1x1x16xf32>,
          %get3A_1439 = vector.shape_cast %get3A_1438 : vector<1x1x1x16xf32> to vector<16xf32>
          %add3A_1440 = arith.addf %add3A_1400, %get3A_1439 : vector<16xf32>
          %add3A_1441 = arith.constant 34 : i32
          %add3A_1442 = arith.addi %mul3A_93, %add3A_1441 : i32
          %get3A_1443 = arith.constant 0 : i32
          %get3A_1444 = arith.index_cast %get3A_1443 : i32 to index
          %get3A_1445 = arith.index_cast %select_n3A : i32 to index
          %get3A_1446 = arith.index_cast %add3A_1442 : i32 to index
          %get3A_1447 = arith.constant 0 : index
          %get3A_1448 = tpu.vector_load %arg6[%get3A_1444, %get3A_1445, %get3A_1446, %get3A_1447] {strides = array<i32>} : memref<2x1x400x64xf32, #tpu.memory_space<vmem>>, vector<1x1x1x16xf32>,
          %get3A_1449 = vector.shape_cast %get3A_1448 : vector<1x1x1x16xf32> to vector<16xf32>
          %add3A_1450 = arith.addf %add3A_1410, %get3A_1449 : vector<16xf32>
          %add3A_1451 = arith.constant 34 : i32
          %add3A_1452 = arith.addi %mul3A_93, %add3A_1451 : i32
          %get3A_1453 = arith.constant 0 : i32
          %get3A_1454 = arith.index_cast %get3A_1453 : i32 to index
          %get3A_1455 = arith.index_cast %select_n3A : i32 to index
          %get3A_1456 = arith.index_cast %add3A_1452 : i32 to index
          %get3A_1457 = arith.constant 16 : index
          %get3A_1458 = tpu.vector_load %arg6[%get3A_1454, %get3A_1455, %get3A_1456, %get3A_1457] {strides = array<i32>} : memref<2x1x400x64xf32, #tpu.memory_space<vmem>>, vector<1x1x1x16xf32>,
          %get3A_1459 = vector.shape_cast %get3A_1458 : vector<1x1x1x16xf32> to vector<16xf32>
          %add3A_1460 = arith.addf %add3A_1420, %get3A_1459 : vector<16xf32>
          %add3A_1461 = arith.constant 34 : i32
          %add3A_1462 = arith.addi %mul3A_93, %add3A_1461 : i32
          %get3A_1463 = arith.constant 0 : i32
          %get3A_1464 = arith.index_cast %get3A_1463 : i32 to index
          %get3A_1465 = arith.index_cast %select_n3A : i32 to index
          %get3A_1466 = arith.index_cast %add3A_1462 : i32 to index
          %get3A_1467 = arith.constant 32 : index
          %get3A_1468 = tpu.vector_load %arg6[%get3A_1464, %get3A_1465, %get3A_1466, %get3A_1467] {strides = array<i32>} : memref<2x1x400x64xf32, #tpu.memory_space<vmem>>, vector<1x1x1x16xf32>,
          %get3A_1469 = vector.shape_cast %get3A_1468 : vector<1x1x1x16xf32> to vector<16xf32>
          %add3A_1470 = arith.addf %add3A_1430, %get3A_1469 : vector<16xf32>
          %add3A_1471 = arith.constant 34 : i32
          %add3A_1472 = arith.addi %mul3A_93, %add3A_1471 : i32
          %get3A_1473 = arith.constant 0 : i32
          %get3A_1474 = arith.index_cast %get3A_1473 : i32 to index
          %get3A_1475 = arith.index_cast %select_n3A : i32 to index
          %get3A_1476 = arith.index_cast %add3A_1472 : i32 to index
          %get3A_1477 = arith.constant 48 : index
          %get3A_1478 = tpu.vector_load %arg6[%get3A_1474, %get3A_1475, %get3A_1476, %get3A_1477] {strides = array<i32>} : memref<2x1x400x64xf32, #tpu.memory_space<vmem>>, vector<1x1x1x16xf32>,
          %get3A_1479 = vector.shape_cast %get3A_1478 : vector<1x1x1x16xf32> to vector<16xf32>
          %add3A_1480 = arith.addf %add3A_1440, %get3A_1479 : vector<16xf32>
          %add3A_1481 = arith.constant 35 : i32
          %add3A_1482 = arith.addi %mul3A_93, %add3A_1481 : i32
          %get3A_1483 = arith.constant 0 : i32
          %get3A_1484 = arith.index_cast %get3A_1483 : i32 to index
          %get3A_1485 = arith.index_cast %select_n3A : i32 to index
          %get3A_1486 = arith.index_cast %add3A_1482 : i32 to index
          %get3A_1487 = arith.constant 0 : index
          %get3A_1488 = tpu.vector_load %arg6[%get3A_1484, %get3A_1485, %get3A_1486, %get3A_1487] {strides = array<i32>} : memref<2x1x400x64xf32, #tpu.memory_space<vmem>>, vector<1x1x1x16xf32>,
          %get3A_1489 = vector.shape_cast %get3A_1488 : vector<1x1x1x16xf32> to vector<16xf32>
          %add3A_1490 = arith.addf %add3A_1450, %get3A_1489 : vector<16xf32>
          %add3A_1491 = arith.constant 35 : i32
          %add3A_1492 = arith.addi %mul3A_93, %add3A_1491 : i32
          %get3A_1493 = arith.constant 0 : i32
          %get3A_1494 = arith.index_cast %get3A_1493 : i32 to index
          %get3A_1495 = arith.index_cast %select_n3A : i32 to index
          %get3A_1496 = arith.index_cast %add3A_1492 : i32 to index
          %get3A_1497 = arith.constant 16 : index
          %get3A_1498 = tpu.vector_load %arg6[%get3A_1494, %get3A_1495, %get3A_1496, %get3A_1497] {strides = array<i32>} : memref<2x1x400x64xf32, #tpu.memory_space<vmem>>, vector<1x1x1x16xf32>,
          %get3A_1499 = vector.shape_cast %get3A_1498 : vector<1x1x1x16xf32> to vector<16xf32>
          %add3A_1500 = arith.addf %add3A_1460, %get3A_1499 : vector<16xf32>
          %add3A_1501 = arith.constant 35 : i32
          %add3A_1502 = arith.addi %mul3A_93, %add3A_1501 : i32
          %get3A_1503 = arith.constant 0 : i32
          %get3A_1504 = arith.index_cast %get3A_1503 : i32 to index
          %get3A_1505 = arith.index_cast %select_n3A : i32 to index
          %get3A_1506 = arith.index_cast %add3A_1502 : i32 to index
          %get3A_1507 = arith.constant 32 : index
          %get3A_1508 = tpu.vector_load %arg6[%get3A_1504, %get3A_1505, %get3A_1506, %get3A_1507] {strides = array<i32>} : memref<2x1x400x64xf32, #tpu.memory_space<vmem>>, vector<1x1x1x16xf32>,
          %get3A_1509 = vector.shape_cast %get3A_1508 : vector<1x1x1x16xf32> to vector<16xf32>
          %add3A_1510 = arith.addf %add3A_1470, %get3A_1509 : vector<16xf32>
          %add3A_1511 = arith.constant 35 : i32
          %add3A_1512 = arith.addi %mul3A_93, %add3A_1511 : i32
          %get3A_1513 = arith.constant 0 : i32
          %get3A_1514 = arith.index_cast %get3A_1513 : i32 to index
          %get3A_1515 = arith.index_cast %select_n3A : i32 to index
          %get3A_1516 = arith.index_cast %add3A_1512 : i32 to index
          %get3A_1517 = arith.constant 48 : index
          %get3A_1518 = tpu.vector_load %arg6[%get3A_1514, %get3A_1515, %get3A_1516, %get3A_1517] {strides = array<i32>} : memref<2x1x400x64xf32, #tpu.memory_space<vmem>>, vector<1x1x1x16xf32>,
          %get3A_1519 = vector.shape_cast %get3A_1518 : vector<1x1x1x16xf32> to vector<16xf32>
          %add3A_1520 = arith.addf %add3A_1480, %get3A_1519 : vector<16xf32>
          %add3A_1521 = arith.constant 36 : i32
          %add3A_1522 = arith.addi %mul3A_93, %add3A_1521 : i32
          %get3A_1523 = arith.constant 0 : i32
          %get3A_1524 = arith.index_cast %get3A_1523 : i32 to index
          %get3A_1525 = arith.index_cast %select_n3A : i32 to index
          %get3A_1526 = arith.index_cast %add3A_1522 : i32 to index
          %get3A_1527 = arith.constant 0 : index
          %get3A_1528 = tpu.vector_load %arg6[%get3A_1524, %get3A_1525, %get3A_1526, %get3A_1527] {strides = array<i32>} : memref<2x1x400x64xf32, #tpu.memory_space<vmem>>, vector<1x1x1x16xf32>,
          %get3A_1529 = vector.shape_cast %get3A_1528 : vector<1x1x1x16xf32> to vector<16xf32>
          %add3A_1530 = arith.addf %add3A_1490, %get3A_1529 : vector<16xf32>
          %add3A_1531 = arith.constant 36 : i32
          %add3A_1532 = arith.addi %mul3A_93, %add3A_1531 : i32
          %get3A_1533 = arith.constant 0 : i32
          %get3A_1534 = arith.index_cast %get3A_1533 : i32 to index
          %get3A_1535 = arith.index_cast %select_n3A : i32 to index
          %get3A_1536 = arith.index_cast %add3A_1532 : i32 to index
          %get3A_1537 = arith.constant 16 : index
          %get3A_1538 = tpu.vector_load %arg6[%get3A_1534, %get3A_1535, %get3A_1536, %get3A_1537] {strides = array<i32>} : memref<2x1x400x64xf32, #tpu.memory_space<vmem>>, vector<1x1x1x16xf32>,
          %get3A_1539 = vector.shape_cast %get3A_1538 : vector<1x1x1x16xf32> to vector<16xf32>
          %add3A_1540 = arith.addf %add3A_1500, %get3A_1539 : vector<16xf32>
          %add3A_1541 = arith.constant 36 : i32
          %add3A_1542 = arith.addi %mul3A_93, %add3A_1541 : i32
          %get3A_1543 = arith.constant 0 : i32
          %get3A_1544 = arith.index_cast %get3A_1543 : i32 to index
          %get3A_1545 = arith.index_cast %select_n3A : i32 to index
          %get3A_1546 = arith.index_cast %add3A_1542 : i32 to index
          %get3A_1547 = arith.constant 32 : index
          %get3A_1548 = tpu.vector_load %arg6[%get3A_1544, %get3A_1545, %get3A_1546, %get3A_1547] {strides = array<i32>} : memref<2x1x400x64xf32, #tpu.memory_space<vmem>>, vector<1x1x1x16xf32>,
          %get3A_1549 = vector.shape_cast %get3A_1548 : vector<1x1x1x16xf32> to vector<16xf32>
          %add3A_1550 = arith.addf %add3A_1510, %get3A_1549 : vector<16xf32>
          %add3A_1551 = arith.constant 36 : i32
          %add3A_1552 = arith.addi %mul3A_93, %add3A_1551 : i32
          %get3A_1553 = arith.constant 0 : i32
          %get3A_1554 = arith.index_cast %get3A_1553 : i32 to index
          %get3A_1555 = arith.index_cast %select_n3A : i32 to index
          %get3A_1556 = arith.index_cast %add3A_1552 : i32 to index
          %get3A_1557 = arith.constant 48 : index
          %get3A_1558 = tpu.vector_load %arg6[%get3A_1554, %get3A_1555, %get3A_1556, %get3A_1557] {strides = array<i32>} : memref<2x1x400x64xf32, #tpu.memory_space<vmem>>, vector<1x1x1x16xf32>,
          %get3A_1559 = vector.shape_cast %get3A_1558 : vector<1x1x1x16xf32> to vector<16xf32>
          %add3A_1560 = arith.addf %add3A_1520, %get3A_1559 : vector<16xf32>
          %add3A_1561 = arith.constant 37 : i32
          %add3A_1562 = arith.addi %mul3A_93, %add3A_1561 : i32
          %get3A_1563 = arith.constant 0 : i32
          %get3A_1564 = arith.index_cast %get3A_1563 : i32 to index
          %get3A_1565 = arith.index_cast %select_n3A : i32 to index
          %get3A_1566 = arith.index_cast %add3A_1562 : i32 to index
          %get3A_1567 = arith.constant 0 : index
          %get3A_1568 = tpu.vector_load %arg6[%get3A_1564, %get3A_1565, %get3A_1566, %get3A_1567] {strides = array<i32>} : memref<2x1x400x64xf32, #tpu.memory_space<vmem>>, vector<1x1x1x16xf32>,
          %get3A_1569 = vector.shape_cast %get3A_1568 : vector<1x1x1x16xf32> to vector<16xf32>
          %add3A_1570 = arith.addf %add3A_1530, %get3A_1569 : vector<16xf32>
          %add3A_1571 = arith.constant 37 : i32
          %add3A_1572 = arith.addi %mul3A_93, %add3A_1571 : i32
          %get3A_1573 = arith.constant 0 : i32
          %get3A_1574 = arith.index_cast %get3A_1573 : i32 to index
          %get3A_1575 = arith.index_cast %select_n3A : i32 to index
          %get3A_1576 = arith.index_cast %add3A_1572 : i32 to index
          %get3A_1577 = arith.constant 16 : index
          %get3A_1578 = tpu.vector_load %arg6[%get3A_1574, %get3A_1575, %get3A_1576, %get3A_1577] {strides = array<i32>} : memref<2x1x400x64xf32, #tpu.memory_space<vmem>>, vector<1x1x1x16xf32>,
          %get3A_1579 = vector.shape_cast %get3A_1578 : vector<1x1x1x16xf32> to vector<16xf32>
          %add3A_1580 = arith.addf %add3A_1540, %get3A_1579 : vector<16xf32>
          %add3A_1581 = arith.constant 37 : i32
          %add3A_1582 = arith.addi %mul3A_93, %add3A_1581 : i32
          %get3A_1583 = arith.constant 0 : i32
          %get3A_1584 = arith.index_cast %get3A_1583 : i32 to index
          %get3A_1585 = arith.index_cast %select_n3A : i32 to index
          %get3A_1586 = arith.index_cast %add3A_1582 : i32 to index
          %get3A_1587 = arith.constant 32 : index
          %get3A_1588 = tpu.vector_load %arg6[%get3A_1584, %get3A_1585, %get3A_1586, %get3A_1587] {strides = array<i32>} : memref<2x1x400x64xf32, #tpu.memory_space<vmem>>, vector<1x1x1x16xf32>,
          %get3A_1589 = vector.shape_cast %get3A_1588 : vector<1x1x1x16xf32> to vector<16xf32>
          %add3A_1590 = arith.addf %add3A_1550, %get3A_1589 : vector<16xf32>
          %add3A_1591 = arith.constant 37 : i32
          %add3A_1592 = arith.addi %mul3A_93, %add3A_1591 : i32
          %get3A_1593 = arith.constant 0 : i32
          %get3A_1594 = arith.index_cast %get3A_1593 : i32 to index
          %get3A_1595 = arith.index_cast %select_n3A : i32 to index
          %get3A_1596 = arith.index_cast %add3A_1592 : i32 to index
          %get3A_1597 = arith.constant 48 : index
          %get3A_1598 = tpu.vector_load %arg6[%get3A_1594, %get3A_1595, %get3A_1596, %get3A_1597] {strides = array<i32>} : memref<2x1x400x64xf32, #tpu.memory_space<vmem>>, vector<1x1x1x16xf32>,
          %get3A_1599 = vector.shape_cast %get3A_1598 : vector<1x1x1x16xf32> to vector<16xf32>
          %add3A_1600 = arith.addf %add3A_1560, %get3A_1599 : vector<16xf32>
          %add3A_1601 = arith.constant 38 : i32
          %add3A_1602 = arith.addi %mul3A_93, %add3A_1601 : i32
          %get3A_1603 = arith.constant 0 : i32
          %get3A_1604 = arith.index_cast %get3A_1603 : i32 to index
          %get3A_1605 = arith.index_cast %select_n3A : i32 to index
          %get3A_1606 = arith.index_cast %add3A_1602 : i32 to index
          %get3A_1607 = arith.constant 0 : index
          %get3A_1608 = tpu.vector_load %arg6[%get3A_1604, %get3A_1605, %get3A_1606, %get3A_1607] {strides = array<i32>} : memref<2x1x400x64xf32, #tpu.memory_space<vmem>>, vector<1x1x1x16xf32>,
          %get3A_1609 = vector.shape_cast %get3A_1608 : vector<1x1x1x16xf32> to vector<16xf32>
          %add3A_1610 = arith.addf %add3A_1570, %get3A_1609 : vector<16xf32>
          %add3A_1611 = arith.constant 38 : i32
          %add3A_1612 = arith.addi %mul3A_93, %add3A_1611 : i32
          %get3A_1613 = arith.constant 0 : i32
          %get3A_1614 = arith.index_cast %get3A_1613 : i32 to index
          %get3A_1615 = arith.index_cast %select_n3A : i32 to index
          %get3A_1616 = arith.index_cast %add3A_1612 : i32 to index
          %get3A_1617 = arith.constant 16 : index
          %get3A_1618 = tpu.vector_load %arg6[%get3A_1614, %get3A_1615, %get3A_1616, %get3A_1617] {strides = array<i32>} : memref<2x1x400x64xf32, #tpu.memory_space<vmem>>, vector<1x1x1x16xf32>,
          %get3A_1619 = vector.shape_cast %get3A_1618 : vector<1x1x1x16xf32> to vector<16xf32>
          %add3A_1620 = arith.addf %add3A_1580, %get3A_1619 : vector<16xf32>
          %add3A_1621 = arith.constant 38 : i32
          %add3A_1622 = arith.addi %mul3A_93, %add3A_1621 : i32
          %get3A_1623 = arith.constant 0 : i32
          %get3A_1624 = arith.index_cast %get3A_1623 : i32 to index
          %get3A_1625 = arith.index_cast %select_n3A : i32 to index
          %get3A_1626 = arith.index_cast %add3A_1622 : i32 to index
          %get3A_1627 = arith.constant 32 : index
          %get3A_1628 = tpu.vector_load %arg6[%get3A_1624, %get3A_1625, %get3A_1626, %get3A_1627] {strides = array<i32>} : memref<2x1x400x64xf32, #tpu.memory_space<vmem>>, vector<1x1x1x16xf32>,
          %get3A_1629 = vector.shape_cast %get3A_1628 : vector<1x1x1x16xf32> to vector<16xf32>
          %add3A_1630 = arith.addf %add3A_1590, %get3A_1629 : vector<16xf32>
          %add3A_1631 = arith.constant 38 : i32
          %add3A_1632 = arith.addi %mul3A_93, %add3A_1631 : i32
          %get3A_1633 = arith.constant 0 : i32
          %get3A_1634 = arith.index_cast %get3A_1633 : i32 to index
          %get3A_1635 = arith.index_cast %select_n3A : i32 to index
          %get3A_1636 = arith.index_cast %add3A_1632 : i32 to index
          %get3A_1637 = arith.constant 48 : index
          %get3A_1638 = tpu.vector_load %arg6[%get3A_1634, %get3A_1635, %get3A_1636, %get3A_1637] {strides = array<i32>} : memref<2x1x400x64xf32, #tpu.memory_space<vmem>>, vector<1x1x1x16xf32>,
          %get3A_1639 = vector.shape_cast %get3A_1638 : vector<1x1x1x16xf32> to vector<16xf32>
          %add3A_1640 = arith.addf %add3A_1600, %get3A_1639 : vector<16xf32>
          %add3A_1641 = arith.constant 39 : i32
          %add3A_1642 = arith.addi %mul3A_93, %add3A_1641 : i32
          %get3A_1643 = arith.constant 0 : i32
          %get3A_1644 = arith.index_cast %get3A_1643 : i32 to index
          %get3A_1645 = arith.index_cast %select_n3A : i32 to index
          %get3A_1646 = arith.index_cast %add3A_1642 : i32 to index
          %get3A_1647 = arith.constant 0 : index
          %get3A_1648 = tpu.vector_load %arg6[%get3A_1644, %get3A_1645, %get3A_1646, %get3A_1647] {strides = array<i32>} : memref<2x1x400x64xf32, #tpu.memory_space<vmem>>, vector<1x1x1x16xf32>,
          %get3A_1649 = vector.shape_cast %get3A_1648 : vector<1x1x1x16xf32> to vector<16xf32>
          %add3A_1650 = arith.addf %add3A_1610, %get3A_1649 : vector<16xf32>
          %add3A_1651 = arith.constant 39 : i32
          %add3A_1652 = arith.addi %mul3A_93, %add3A_1651 : i32
          %get3A_1653 = arith.constant 0 : i32
          %get3A_1654 = arith.index_cast %get3A_1653 : i32 to index
          %get3A_1655 = arith.index_cast %select_n3A : i32 to index
          %get3A_1656 = arith.index_cast %add3A_1652 : i32 to index
          %get3A_1657 = arith.constant 16 : index
          %get3A_1658 = tpu.vector_load %arg6[%get3A_1654, %get3A_1655, %get3A_1656, %get3A_1657] {strides = array<i32>} : memref<2x1x400x64xf32, #tpu.memory_space<vmem>>, vector<1x1x1x16xf32>,
          %get3A_1659 = vector.shape_cast %get3A_1658 : vector<1x1x1x16xf32> to vector<16xf32>
          %add3A_1660 = arith.addf %add3A_1620, %get3A_1659 : vector<16xf32>
          %add3A_1661 = arith.constant 39 : i32
          %add3A_1662 = arith.addi %mul3A_93, %add3A_1661 : i32
          %get3A_1663 = arith.constant 0 : i32
          %get3A_1664 = arith.index_cast %get3A_1663 : i32 to index
          %get3A_1665 = arith.index_cast %select_n3A : i32 to index
          %get3A_1666 = arith.index_cast %add3A_1662 : i32 to index
          %get3A_1667 = arith.constant 32 : index
          %get3A_1668 = tpu.vector_load %arg6[%get3A_1664, %get3A_1665, %get3A_1666, %get3A_1667] {strides = array<i32>} : memref<2x1x400x64xf32, #tpu.memory_space<vmem>>, vector<1x1x1x16xf32>,
          %get3A_1669 = vector.shape_cast %get3A_1668 : vector<1x1x1x16xf32> to vector<16xf32>
          %add3A_1670 = arith.addf %add3A_1630, %get3A_1669 : vector<16xf32>
          %add3A_1671 = arith.constant 39 : i32
          %add3A_1672 = arith.addi %mul3A_93, %add3A_1671 : i32
          %get3A_1673 = arith.constant 0 : i32
          %get3A_1674 = arith.index_cast %get3A_1673 : i32 to index
          %get3A_1675 = arith.index_cast %select_n3A : i32 to index
          %get3A_1676 = arith.index_cast %add3A_1672 : i32 to index
          %get3A_1677 = arith.constant 48 : index
          %get3A_1678 = tpu.vector_load %arg6[%get3A_1674, %get3A_1675, %get3A_1676, %get3A_1677] {strides = array<i32>} : memref<2x1x400x64xf32, #tpu.memory_space<vmem>>, vector<1x1x1x16xf32>,
          %get3A_1679 = vector.shape_cast %get3A_1678 : vector<1x1x1x16xf32> to vector<16xf32>
          %add3A_1680 = arith.addf %add3A_1640, %get3A_1679 : vector<16xf32>
          %add3A_1681 = arith.constant 40 : i32
          %add3A_1682 = arith.addi %mul3A_93, %add3A_1681 : i32
          %get3A_1683 = arith.constant 0 : i32
          %get3A_1684 = arith.index_cast %get3A_1683 : i32 to index
          %get3A_1685 = arith.index_cast %select_n3A : i32 to index
          %get3A_1686 = arith.index_cast %add3A_1682 : i32 to index
          %get3A_1687 = arith.constant 0 : index
          %get3A_1688 = tpu.vector_load %arg6[%get3A_1684, %get3A_1685, %get3A_1686, %get3A_1687] {strides = array<i32>} : memref<2x1x400x64xf32, #tpu.memory_space<vmem>>, vector<1x1x1x16xf32>,
          %get3A_1689 = vector.shape_cast %get3A_1688 : vector<1x1x1x16xf32> to vector<16xf32>
          %add3A_1690 = arith.addf %add3A_1650, %get3A_1689 : vector<16xf32>
          %add3A_1691 = arith.constant 40 : i32
          %add3A_1692 = arith.addi %mul3A_93, %add3A_1691 : i32
          %get3A_1693 = arith.constant 0 : i32
          %get3A_1694 = arith.index_cast %get3A_1693 : i32 to index
          %get3A_1695 = arith.index_cast %select_n3A : i32 to index
          %get3A_1696 = arith.index_cast %add3A_1692 : i32 to index
          %get3A_1697 = arith.constant 16 : index
          %get3A_1698 = tpu.vector_load %arg6[%get3A_1694, %get3A_1695, %get3A_1696, %get3A_1697] {strides = array<i32>} : memref<2x1x400x64xf32, #tpu.memory_space<vmem>>, vector<1x1x1x16xf32>,
          %get3A_1699 = vector.shape_cast %get3A_1698 : vector<1x1x1x16xf32> to vector<16xf32>
          %add3A_1700 = arith.addf %add3A_1660, %get3A_1699 : vector<16xf32>
          %add3A_1701 = arith.constant 40 : i32
          %add3A_1702 = arith.addi %mul3A_93, %add3A_1701 : i32
          %get3A_1703 = arith.constant 0 : i32
          %get3A_1704 = arith.index_cast %get3A_1703 : i32 to index
          %get3A_1705 = arith.index_cast %select_n3A : i32 to index
          %get3A_1706 = arith.index_cast %add3A_1702 : i32 to index
          %get3A_1707 = arith.constant 32 : index
          %get3A_1708 = tpu.vector_load %arg6[%get3A_1704, %get3A_1705, %get3A_1706, %get3A_1707] {strides = array<i32>} : memref<2x1x400x64xf32, #tpu.memory_space<vmem>>, vector<1x1x1x16xf32>,
          %get3A_1709 = vector.shape_cast %get3A_1708 : vector<1x1x1x16xf32> to vector<16xf32>
          %add3A_1710 = arith.addf %add3A_1670, %get3A_1709 : vector<16xf32>
          %add3A_1711 = arith.constant 40 : i32
          %add3A_1712 = arith.addi %mul3A_93, %add3A_1711 : i32
          %get3A_1713 = arith.constant 0 : i32
          %get3A_1714 = arith.index_cast %get3A_1713 : i32 to index
          %get3A_1715 = arith.index_cast %select_n3A : i32 to index
          %get3A_1716 = arith.index_cast %add3A_1712 : i32 to index
          %get3A_1717 = arith.constant 48 : index
          %get3A_1718 = tpu.vector_load %arg6[%get3A_1714, %get3A_1715, %get3A_1716, %get3A_1717] {strides = array<i32>} : memref<2x1x400x64xf32, #tpu.memory_space<vmem>>, vector<1x1x1x16xf32>,
          %get3A_1719 = vector.shape_cast %get3A_1718 : vector<1x1x1x16xf32> to vector<16xf32>
          %add3A_1720 = arith.addf %add3A_1680, %get3A_1719 : vector<16xf32>
          %add3A_1721 = arith.constant 41 : i32
          %add3A_1722 = arith.addi %mul3A_93, %add3A_1721 : i32
          %get3A_1723 = arith.constant 0 : i32
          %get3A_1724 = arith.index_cast %get3A_1723 : i32 to index
          %get3A_1725 = arith.index_cast %select_n3A : i32 to index
          %get3A_1726 = arith.index_cast %add3A_1722 : i32 to index
          %get3A_1727 = arith.constant 0 : index
          %get3A_1728 = tpu.vector_load %arg6[%get3A_1724, %get3A_1725, %get3A_1726, %get3A_1727] {strides = array<i32>} : memref<2x1x400x64xf32, #tpu.memory_space<vmem>>, vector<1x1x1x16xf32>,
          %get3A_1729 = vector.shape_cast %get3A_1728 : vector<1x1x1x16xf32> to vector<16xf32>
          %add3A_1730 = arith.addf %add3A_1690, %get3A_1729 : vector<16xf32>
          %add3A_1731 = arith.constant 41 : i32
          %add3A_1732 = arith.addi %mul3A_93, %add3A_1731 : i32
          %get3A_1733 = arith.constant 0 : i32
          %get3A_1734 = arith.index_cast %get3A_1733 : i32 to index
          %get3A_1735 = arith.index_cast %select_n3A : i32 to index
          %get3A_1736 = arith.index_cast %add3A_1732 : i32 to index
          %get3A_1737 = arith.constant 16 : index
          %get3A_1738 = tpu.vector_load %arg6[%get3A_1734, %get3A_1735, %get3A_1736, %get3A_1737] {strides = array<i32>} : memref<2x1x400x64xf32, #tpu.memory_space<vmem>>, vector<1x1x1x16xf32>,
          %get3A_1739 = vector.shape_cast %get3A_1738 : vector<1x1x1x16xf32> to vector<16xf32>
          %add3A_1740 = arith.addf %add3A_1700, %get3A_1739 : vector<16xf32>
          %add3A_1741 = arith.constant 41 : i32
          %add3A_1742 = arith.addi %mul3A_93, %add3A_1741 : i32
          %get3A_1743 = arith.constant 0 : i32
          %get3A_1744 = arith.index_cast %get3A_1743 : i32 to index
          %get3A_1745 = arith.index_cast %select_n3A : i32 to index
          %get3A_1746 = arith.index_cast %add3A_1742 : i32 to index
          %get3A_1747 = arith.constant 32 : index
          %get3A_1748 = tpu.vector_load %arg6[%get3A_1744, %get3A_1745, %get3A_1746, %get3A_1747] {strides = array<i32>} : memref<2x1x400x64xf32, #tpu.memory_space<vmem>>, vector<1x1x1x16xf32>,
          %get3A_1749 = vector.shape_cast %get3A_1748 : vector<1x1x1x16xf32> to vector<16xf32>
          %add3A_1750 = arith.addf %add3A_1710, %get3A_1749 : vector<16xf32>
          %add3A_1751 = arith.constant 41 : i32
          %add3A_1752 = arith.addi %mul3A_93, %add3A_1751 : i32
          %get3A_1753 = arith.constant 0 : i32
          %get3A_1754 = arith.index_cast %get3A_1753 : i32 to index
          %get3A_1755 = arith.index_cast %select_n3A : i32 to index
          %get3A_1756 = arith.index_cast %add3A_1752 : i32 to index
          %get3A_1757 = arith.constant 48 : index
          %get3A_1758 = tpu.vector_load %arg6[%get3A_1754, %get3A_1755, %get3A_1756, %get3A_1757] {strides = array<i32>} : memref<2x1x400x64xf32, #tpu.memory_space<vmem>>, vector<1x1x1x16xf32>,
          %get3A_1759 = vector.shape_cast %get3A_1758 : vector<1x1x1x16xf32> to vector<16xf32>
          %add3A_1760 = arith.addf %add3A_1720, %get3A_1759 : vector<16xf32>
          %add3A_1761 = arith.constant 42 : i32
          %add3A_1762 = arith.addi %mul3A_93, %add3A_1761 : i32
          %get3A_1763 = arith.constant 0 : i32
          %get3A_1764 = arith.index_cast %get3A_1763 : i32 to index
          %get3A_1765 = arith.index_cast %select_n3A : i32 to index
          %get3A_1766 = arith.index_cast %add3A_1762 : i32 to index
          %get3A_1767 = arith.constant 0 : index
          %get3A_1768 = tpu.vector_load %arg6[%get3A_1764, %get3A_1765, %get3A_1766, %get3A_1767] {strides = array<i32>} : memref<2x1x400x64xf32, #tpu.memory_space<vmem>>, vector<1x1x1x16xf32>,
          %get3A_1769 = vector.shape_cast %get3A_1768 : vector<1x1x1x16xf32> to vector<16xf32>
          %add3A_1770 = arith.addf %add3A_1730, %get3A_1769 : vector<16xf32>
          %add3A_1771 = arith.constant 42 : i32
          %add3A_1772 = arith.addi %mul3A_93, %add3A_1771 : i32
          %get3A_1773 = arith.constant 0 : i32
          %get3A_1774 = arith.index_cast %get3A_1773 : i32 to index
          %get3A_1775 = arith.index_cast %select_n3A : i32 to index
          %get3A_1776 = arith.index_cast %add3A_1772 : i32 to index
          %get3A_1777 = arith.constant 16 : index
          %get3A_1778 = tpu.vector_load %arg6[%get3A_1774, %get3A_1775, %get3A_1776, %get3A_1777] {strides = array<i32>} : memref<2x1x400x64xf32, #tpu.memory_space<vmem>>, vector<1x1x1x16xf32>,
          %get3A_1779 = vector.shape_cast %get3A_1778 : vector<1x1x1x16xf32> to vector<16xf32>
          %add3A_1780 = arith.addf %add3A_1740, %get3A_1779 : vector<16xf32>
          %add3A_1781 = arith.constant 42 : i32
          %add3A_1782 = arith.addi %mul3A_93, %add3A_1781 : i32
          %get3A_1783 = arith.constant 0 : i32
          %get3A_1784 = arith.index_cast %get3A_1783 : i32 to index
          %get3A_1785 = arith.index_cast %select_n3A : i32 to index
          %get3A_1786 = arith.index_cast %add3A_1782 : i32 to index
          %get3A_1787 = arith.constant 32 : index
          %get3A_1788 = tpu.vector_load %arg6[%get3A_1784, %get3A_1785, %get3A_1786, %get3A_1787] {strides = array<i32>} : memref<2x1x400x64xf32, #tpu.memory_space<vmem>>, vector<1x1x1x16xf32>,
          %get3A_1789 = vector.shape_cast %get3A_1788 : vector<1x1x1x16xf32> to vector<16xf32>
          %add3A_1790 = arith.addf %add3A_1750, %get3A_1789 : vector<16xf32>
          %add3A_1791 = arith.constant 42 : i32
          %add3A_1792 = arith.addi %mul3A_93, %add3A_1791 : i32
          %get3A_1793 = arith.constant 0 : i32
          %get3A_1794 = arith.index_cast %get3A_1793 : i32 to index
          %get3A_1795 = arith.index_cast %select_n3A : i32 to index
          %get3A_1796 = arith.index_cast %add3A_1792 : i32 to index
          %get3A_1797 = arith.constant 48 : index
          %get3A_1798 = tpu.vector_load %arg6[%get3A_1794, %get3A_1795, %get3A_1796, %get3A_1797] {strides = array<i32>} : memref<2x1x400x64xf32, #tpu.memory_space<vmem>>, vector<1x1x1x16xf32>,
          %get3A_1799 = vector.shape_cast %get3A_1798 : vector<1x1x1x16xf32> to vector<16xf32>
          %add3A_1800 = arith.addf %add3A_1760, %get3A_1799 : vector<16xf32>
          %add3A_1801 = arith.constant 43 : i32
          %add3A_1802 = arith.addi %mul3A_93, %add3A_1801 : i32
          %get3A_1803 = arith.constant 0 : i32
          %get3A_1804 = arith.index_cast %get3A_1803 : i32 to index
          %get3A_1805 = arith.index_cast %select_n3A : i32 to index
          %get3A_1806 = arith.index_cast %add3A_1802 : i32 to index
          %get3A_1807 = arith.constant 0 : index
          %get3A_1808 = tpu.vector_load %arg6[%get3A_1804, %get3A_1805, %get3A_1806, %get3A_1807] {strides = array<i32>} : memref<2x1x400x64xf32, #tpu.memory_space<vmem>>, vector<1x1x1x16xf32>,
          %get3A_1809 = vector.shape_cast %get3A_1808 : vector<1x1x1x16xf32> to vector<16xf32>
          %add3A_1810 = arith.addf %add3A_1770, %get3A_1809 : vector<16xf32>
          %add3A_1811 = arith.constant 43 : i32
          %add3A_1812 = arith.addi %mul3A_93, %add3A_1811 : i32
          %get3A_1813 = arith.constant 0 : i32
          %get3A_1814 = arith.index_cast %get3A_1813 : i32 to index
          %get3A_1815 = arith.index_cast %select_n3A : i32 to index
          %get3A_1816 = arith.index_cast %add3A_1812 : i32 to index
          %get3A_1817 = arith.constant 16 : index
          %get3A_1818 = tpu.vector_load %arg6[%get3A_1814, %get3A_1815, %get3A_1816, %get3A_1817] {strides = array<i32>} : memref<2x1x400x64xf32, #tpu.memory_space<vmem>>, vector<1x1x1x16xf32>,
          %get3A_1819 = vector.shape_cast %get3A_1818 : vector<1x1x1x16xf32> to vector<16xf32>
          %add3A_1820 = arith.addf %add3A_1780, %get3A_1819 : vector<16xf32>
          %add3A_1821 = arith.constant 43 : i32
          %add3A_1822 = arith.addi %mul3A_93, %add3A_1821 : i32
          %get3A_1823 = arith.constant 0 : i32
          %get3A_1824 = arith.index_cast %get3A_1823 : i32 to index
          %get3A_1825 = arith.index_cast %select_n3A : i32 to index
          %get3A_1826 = arith.index_cast %add3A_1822 : i32 to index
          %get3A_1827 = arith.constant 32 : index
          %get3A_1828 = tpu.vector_load %arg6[%get3A_1824, %get3A_1825, %get3A_1826, %get3A_1827] {strides = array<i32>} : memref<2x1x400x64xf32, #tpu.memory_space<vmem>>, vector<1x1x1x16xf32>,
          %get3A_1829 = vector.shape_cast %get3A_1828 : vector<1x1x1x16xf32> to vector<16xf32>
          %add3A_1830 = arith.addf %add3A_1790, %get3A_1829 : vector<16xf32>
          %add3A_1831 = arith.constant 43 : i32
          %add3A_1832 = arith.addi %mul3A_93, %add3A_1831 : i32
          %get3A_1833 = arith.constant 0 : i32
          %get3A_1834 = arith.index_cast %get3A_1833 : i32 to index
          %get3A_1835 = arith.index_cast %select_n3A : i32 to index
          %get3A_1836 = arith.index_cast %add3A_1832 : i32 to index
          %get3A_1837 = arith.constant 48 : index
          %get3A_1838 = tpu.vector_load %arg6[%get3A_1834, %get3A_1835, %get3A_1836, %get3A_1837] {strides = array<i32>} : memref<2x1x400x64xf32, #tpu.memory_space<vmem>>, vector<1x1x1x16xf32>,
          %get3A_1839 = vector.shape_cast %get3A_1838 : vector<1x1x1x16xf32> to vector<16xf32>
          %add3A_1840 = arith.addf %add3A_1800, %get3A_1839 : vector<16xf32>
          %add3A_1841 = arith.constant 44 : i32
          %add3A_1842 = arith.addi %mul3A_93, %add3A_1841 : i32
          %get3A_1843 = arith.constant 0 : i32
          %get3A_1844 = arith.index_cast %get3A_1843 : i32 to index
          %get3A_1845 = arith.index_cast %select_n3A : i32 to index
          %get3A_1846 = arith.index_cast %add3A_1842 : i32 to index
          %get3A_1847 = arith.constant 0 : index
          %get3A_1848 = tpu.vector_load %arg6[%get3A_1844, %get3A_1845, %get3A_1846, %get3A_1847] {strides = array<i32>} : memref<2x1x400x64xf32, #tpu.memory_space<vmem>>, vector<1x1x1x16xf32>,
          %get3A_1849 = vector.shape_cast %get3A_1848 : vector<1x1x1x16xf32> to vector<16xf32>
          %add3A_1850 = arith.addf %add3A_1810, %get3A_1849 : vector<16xf32>
          %add3A_1851 = arith.constant 44 : i32
          %add3A_1852 = arith.addi %mul3A_93, %add3A_1851 : i32
          %get3A_1853 = arith.constant 0 : i32
          %get3A_1854 = arith.index_cast %get3A_1853 : i32 to index
          %get3A_1855 = arith.index_cast %select_n3A : i32 to index
          %get3A_1856 = arith.index_cast %add3A_1852 : i32 to index
          %get3A_1857 = arith.constant 16 : index
          %get3A_1858 = tpu.vector_load %arg6[%get3A_1854, %get3A_1855, %get3A_1856, %get3A_1857] {strides = array<i32>} : memref<2x1x400x64xf32, #tpu.memory_space<vmem>>, vector<1x1x1x16xf32>,
          %get3A_1859 = vector.shape_cast %get3A_1858 : vector<1x1x1x16xf32> to vector<16xf32>
          %add3A_1860 = arith.addf %add3A_1820, %get3A_1859 : vector<16xf32>
          %add3A_1861 = arith.constant 44 : i32
          %add3A_1862 = arith.addi %mul3A_93, %add3A_1861 : i32
          %get3A_1863 = arith.constant 0 : i32
          %get3A_1864 = arith.index_cast %get3A_1863 : i32 to index
          %get3A_1865 = arith.index_cast %select_n3A : i32 to index
          %get3A_1866 = arith.index_cast %add3A_1862 : i32 to index
          %get3A_1867 = arith.constant 32 : index
          %get3A_1868 = tpu.vector_load %arg6[%get3A_1864, %get3A_1865, %get3A_1866, %get3A_1867] {strides = array<i32>} : memref<2x1x400x64xf32, #tpu.memory_space<vmem>>, vector<1x1x1x16xf32>,
          %get3A_1869 = vector.shape_cast %get3A_1868 : vector<1x1x1x16xf32> to vector<16xf32>
          %add3A_1870 = arith.addf %add3A_1830, %get3A_1869 : vector<16xf32>
          %add3A_1871 = arith.constant 44 : i32
          %add3A_1872 = arith.addi %mul3A_93, %add3A_1871 : i32
          %get3A_1873 = arith.constant 0 : i32
          %get3A_1874 = arith.index_cast %get3A_1873 : i32 to index
          %get3A_1875 = arith.index_cast %select_n3A : i32 to index
          %get3A_1876 = arith.index_cast %add3A_1872 : i32 to index
          %get3A_1877 = arith.constant 48 : index
          %get3A_1878 = tpu.vector_load %arg6[%get3A_1874, %get3A_1875, %get3A_1876, %get3A_1877] {strides = array<i32>} : memref<2x1x400x64xf32, #tpu.memory_space<vmem>>, vector<1x1x1x16xf32>,
          %get3A_1879 = vector.shape_cast %get3A_1878 : vector<1x1x1x16xf32> to vector<16xf32>
          %add3A_1880 = arith.addf %add3A_1840, %get3A_1879 : vector<16xf32>
          %add3A_1881 = arith.constant 45 : i32
          %add3A_1882 = arith.addi %mul3A_93, %add3A_1881 : i32
          %get3A_1883 = arith.constant 0 : i32
          %get3A_1884 = arith.index_cast %get3A_1883 : i32 to index
          %get3A_1885 = arith.index_cast %select_n3A : i32 to index
          %get3A_1886 = arith.index_cast %add3A_1882 : i32 to index
          %get3A_1887 = arith.constant 0 : index
          %get3A_1888 = tpu.vector_load %arg6[%get3A_1884, %get3A_1885, %get3A_1886, %get3A_1887] {strides = array<i32>} : memref<2x1x400x64xf32, #tpu.memory_space<vmem>>, vector<1x1x1x16xf32>,
          %get3A_1889 = vector.shape_cast %get3A_1888 : vector<1x1x1x16xf32> to vector<16xf32>
          %add3A_1890 = arith.addf %add3A_1850, %get3A_1889 : vector<16xf32>
          %add3A_1891 = arith.constant 45 : i32
          %add3A_1892 = arith.addi %mul3A_93, %add3A_1891 : i32
          %get3A_1893 = arith.constant 0 : i32
          %get3A_1894 = arith.index_cast %get3A_1893 : i32 to index
          %get3A_1895 = arith.index_cast %select_n3A : i32 to index
          %get3A_1896 = arith.index_cast %add3A_1892 : i32 to index
          %get3A_1897 = arith.constant 16 : index
          %get3A_1898 = tpu.vector_load %arg6[%get3A_1894, %get3A_1895, %get3A_1896, %get3A_1897] {strides = array<i32>} : memref<2x1x400x64xf32, #tpu.memory_space<vmem>>, vector<1x1x1x16xf32>,
          %get3A_1899 = vector.shape_cast %get3A_1898 : vector<1x1x1x16xf32> to vector<16xf32>
          %add3A_1900 = arith.addf %add3A_1860, %get3A_1899 : vector<16xf32>
          %add3A_1901 = arith.constant 45 : i32
          %add3A_1902 = arith.addi %mul3A_93, %add3A_1901 : i32
          %get3A_1903 = arith.constant 0 : i32
          %get3A_1904 = arith.index_cast %get3A_1903 : i32 to index
          %get3A_1905 = arith.index_cast %select_n3A : i32 to index
          %get3A_1906 = arith.index_cast %add3A_1902 : i32 to index
          %get3A_1907 = arith.constant 32 : index
          %get3A_1908 = tpu.vector_load %arg6[%get3A_1904, %get3A_1905, %get3A_1906, %get3A_1907] {strides = array<i32>} : memref<2x1x400x64xf32, #tpu.memory_space<vmem>>, vector<1x1x1x16xf32>,
          %get3A_1909 = vector.shape_cast %get3A_1908 : vector<1x1x1x16xf32> to vector<16xf32>
          %add3A_1910 = arith.addf %add3A_1870, %get3A_1909 : vector<16xf32>
          %add3A_1911 = arith.constant 45 : i32
          %add3A_1912 = arith.addi %mul3A_93, %add3A_1911 : i32
          %get3A_1913 = arith.constant 0 : i32
          %get3A_1914 = arith.index_cast %get3A_1913 : i32 to index
          %get3A_1915 = arith.index_cast %select_n3A : i32 to index
          %get3A_1916 = arith.index_cast %add3A_1912 : i32 to index
          %get3A_1917 = arith.constant 48 : index
          %get3A_1918 = tpu.vector_load %arg6[%get3A_1914, %get3A_1915, %get3A_1916, %get3A_1917] {strides = array<i32>} : memref<2x1x400x64xf32, #tpu.memory_space<vmem>>, vector<1x1x1x16xf32>,
          %get3A_1919 = vector.shape_cast %get3A_1918 : vector<1x1x1x16xf32> to vector<16xf32>
          %add3A_1920 = arith.addf %add3A_1880, %get3A_1919 : vector<16xf32>
          %add3A_1921 = arith.constant 46 : i32
          %add3A_1922 = arith.addi %mul3A_93, %add3A_1921 : i32
          %get3A_1923 = arith.constant 0 : i32
          %get3A_1924 = arith.index_cast %get3A_1923 : i32 to index
          %get3A_1925 = arith.index_cast %select_n3A : i32 to index
          %get3A_1926 = arith.index_cast %add3A_1922 : i32 to index
          %get3A_1927 = arith.constant 0 : index
          %get3A_1928 = tpu.vector_load %arg6[%get3A_1924, %get3A_1925, %get3A_1926, %get3A_1927] {strides = array<i32>} : memref<2x1x400x64xf32, #tpu.memory_space<vmem>>, vector<1x1x1x16xf32>,
          %get3A_1929 = vector.shape_cast %get3A_1928 : vector<1x1x1x16xf32> to vector<16xf32>
          %add3A_1930 = arith.addf %add3A_1890, %get3A_1929 : vector<16xf32>
          %add3A_1931 = arith.constant 46 : i32
          %add3A_1932 = arith.addi %mul3A_93, %add3A_1931 : i32
          %get3A_1933 = arith.constant 0 : i32
          %get3A_1934 = arith.index_cast %get3A_1933 : i32 to index
          %get3A_1935 = arith.index_cast %select_n3A : i32 to index
          %get3A_1936 = arith.index_cast %add3A_1932 : i32 to index
          %get3A_1937 = arith.constant 16 : index
          %get3A_1938 = tpu.vector_load %arg6[%get3A_1934, %get3A_1935, %get3A_1936, %get3A_1937] {strides = array<i32>} : memref<2x1x400x64xf32, #tpu.memory_space<vmem>>, vector<1x1x1x16xf32>,
          %get3A_1939 = vector.shape_cast %get3A_1938 : vector<1x1x1x16xf32> to vector<16xf32>
          %add3A_1940 = arith.addf %add3A_1900, %get3A_1939 : vector<16xf32>
          %add3A_1941 = arith.constant 46 : i32
          %add3A_1942 = arith.addi %mul3A_93, %add3A_1941 : i32
          %get3A_1943 = arith.constant 0 : i32
          %get3A_1944 = arith.index_cast %get3A_1943 : i32 to index
          %get3A_1945 = arith.index_cast %select_n3A : i32 to index
          %get3A_1946 = arith.index_cast %add3A_1942 : i32 to index
          %get3A_1947 = arith.constant 32 : index
          %get3A_1948 = tpu.vector_load %arg6[%get3A_1944, %get3A_1945, %get3A_1946, %get3A_1947] {strides = array<i32>} : memref<2x1x400x64xf32, #tpu.memory_space<vmem>>, vector<1x1x1x16xf32>,
          %get3A_1949 = vector.shape_cast %get3A_1948 : vector<1x1x1x16xf32> to vector<16xf32>
          %add3A_1950 = arith.addf %add3A_1910, %get3A_1949 : vector<16xf32>
          %add3A_1951 = arith.constant 46 : i32
          %add3A_1952 = arith.addi %mul3A_93, %add3A_1951 : i32
          %get3A_1953 = arith.constant 0 : i32
          %get3A_1954 = arith.index_cast %get3A_1953 : i32 to index
          %get3A_1955 = arith.index_cast %select_n3A : i32 to index
          %get3A_1956 = arith.index_cast %add3A_1952 : i32 to index
          %get3A_1957 = arith.constant 48 : index
          %get3A_1958 = tpu.vector_load %arg6[%get3A_1954, %get3A_1955, %get3A_1956, %get3A_1957] {strides = array<i32>} : memref<2x1x400x64xf32, #tpu.memory_space<vmem>>, vector<1x1x1x16xf32>,
          %get3A_1959 = vector.shape_cast %get3A_1958 : vector<1x1x1x16xf32> to vector<16xf32>
          %add3A_1960 = arith.addf %add3A_1920, %get3A_1959 : vector<16xf32>
          %add3A_1961 = arith.constant 47 : i32
          %add3A_1962 = arith.addi %mul3A_93, %add3A_1961 : i32
          %get3A_1963 = arith.constant 0 : i32
          %get3A_1964 = arith.index_cast %get3A_1963 : i32 to index
          %get3A_1965 = arith.index_cast %select_n3A : i32 to index
          %get3A_1966 = arith.index_cast %add3A_1962 : i32 to index
          %get3A_1967 = arith.constant 0 : index
          %get3A_1968 = tpu.vector_load %arg6[%get3A_1964, %get3A_1965, %get3A_1966, %get3A_1967] {strides = array<i32>} : memref<2x1x400x64xf32, #tpu.memory_space<vmem>>, vector<1x1x1x16xf32>,
          %get3A_1969 = vector.shape_cast %get3A_1968 : vector<1x1x1x16xf32> to vector<16xf32>
          %add3A_1970 = arith.addf %add3A_1930, %get3A_1969 : vector<16xf32>
          %add3A_1971 = arith.constant 47 : i32
          %add3A_1972 = arith.addi %mul3A_93, %add3A_1971 : i32
          %get3A_1973 = arith.constant 0 : i32
          %get3A_1974 = arith.index_cast %get3A_1973 : i32 to index
          %get3A_1975 = arith.index_cast %select_n3A : i32 to index
          %get3A_1976 = arith.index_cast %add3A_1972 : i32 to index
          %get3A_1977 = arith.constant 16 : index
          %get3A_1978 = tpu.vector_load %arg6[%get3A_1974, %get3A_1975, %get3A_1976, %get3A_1977] {strides = array<i32>} : memref<2x1x400x64xf32, #tpu.memory_space<vmem>>, vector<1x1x1x16xf32>,
          %get3A_1979 = vector.shape_cast %get3A_1978 : vector<1x1x1x16xf32> to vector<16xf32>
          %add3A_1980 = arith.addf %add3A_1940, %get3A_1979 : vector<16xf32>
          %add3A_1981 = arith.constant 47 : i32
          %add3A_1982 = arith.addi %mul3A_93, %add3A_1981 : i32
          %get3A_1983 = arith.constant 0 : i32
          %get3A_1984 = arith.index_cast %get3A_1983 : i32 to index
          %get3A_1985 = arith.index_cast %select_n3A : i32 to index
          %get3A_1986 = arith.index_cast %add3A_1982 : i32 to index
          %get3A_1987 = arith.constant 32 : index
          %get3A_1988 = tpu.vector_load %arg6[%get3A_1984, %get3A_1985, %get3A_1986, %get3A_1987] {strides = array<i32>} : memref<2x1x400x64xf32, #tpu.memory_space<vmem>>, vector<1x1x1x16xf32>,
          %get3A_1989 = vector.shape_cast %get3A_1988 : vector<1x1x1x16xf32> to vector<16xf32>
          %add3A_1990 = arith.addf %add3A_1950, %get3A_1989 : vector<16xf32>
          %add3A_1991 = arith.constant 47 : i32
          %add3A_1992 = arith.addi %mul3A_93, %add3A_1991 : i32
          %get3A_1993 = arith.constant 0 : i32
          %get3A_1994 = arith.index_cast %get3A_1993 : i32 to index
          %get3A_1995 = arith.index_cast %select_n3A : i32 to index
          %get3A_1996 = arith.index_cast %add3A_1992 : i32 to index
          %get3A_1997 = arith.constant 48 : index
          %get3A_1998 = tpu.vector_load %arg6[%get3A_1994, %get3A_1995, %get3A_1996, %get3A_1997] {strides = array<i32>} : memref<2x1x400x64xf32, #tpu.memory_space<vmem>>, vector<1x1x1x16xf32>,
          %get3A_1999 = vector.shape_cast %get3A_1998 : vector<1x1x1x16xf32> to vector<16xf32>
          %add3A_2000 = arith.addf %add3A_1960, %get3A_1999 : vector<16xf32>
          %add3A_2001 = arith.constant 48 : i32
          %add3A_2002 = arith.addi %mul3A_93, %add3A_2001 : i32
          %get3A_2003 = arith.constant 0 : i32
          %get3A_2004 = arith.index_cast %get3A_2003 : i32 to index
          %get3A_2005 = arith.index_cast %select_n3A : i32 to index
          %get3A_2006 = arith.index_cast %add3A_2002 : i32 to index
          %get3A_2007 = arith.constant 0 : index
          %get3A_2008 = tpu.vector_load %arg6[%get3A_2004, %get3A_2005, %get3A_2006, %get3A_2007] {strides = array<i32>} : memref<2x1x400x64xf32, #tpu.memory_space<vmem>>, vector<1x1x1x16xf32>,
          %get3A_2009 = vector.shape_cast %get3A_2008 : vector<1x1x1x16xf32> to vector<16xf32>
          %add3A_2010 = arith.addf %add3A_1970, %get3A_2009 : vector<16xf32>
          %add3A_2011 = arith.constant 48 : i32
          %add3A_2012 = arith.addi %mul3A_93, %add3A_2011 : i32
          %get3A_2013 = arith.constant 0 : i32
          %get3A_2014 = arith.index_cast %get3A_2013 : i32 to index
          %get3A_2015 = arith.index_cast %select_n3A : i32 to index
          %get3A_2016 = arith.index_cast %add3A_2012 : i32 to index
          %get3A_2017 = arith.constant 16 : index
          %get3A_2018 = tpu.vector_load %arg6[%get3A_2014, %get3A_2015, %get3A_2016, %get3A_2017] {strides = array<i32>} : memref<2x1x400x64xf32, #tpu.memory_space<vmem>>, vector<1x1x1x16xf32>,
          %get3A_2019 = vector.shape_cast %get3A_2018 : vector<1x1x1x16xf32> to vector<16xf32>
          %add3A_2020 = arith.addf %add3A_1980, %get3A_2019 : vector<16xf32>
          %add3A_2021 = arith.constant 48 : i32
          %add3A_2022 = arith.addi %mul3A_93, %add3A_2021 : i32
          %get3A_2023 = arith.constant 0 : i32
          %get3A_2024 = arith.index_cast %get3A_2023 : i32 to index
          %get3A_2025 = arith.index_cast %select_n3A : i32 to index
          %get3A_2026 = arith.index_cast %add3A_2022 : i32 to index
          %get3A_2027 = arith.constant 32 : index
          %get3A_2028 = tpu.vector_load %arg6[%get3A_2024, %get3A_2025, %get3A_2026, %get3A_2027] {strides = array<i32>} : memref<2x1x400x64xf32, #tpu.memory_space<vmem>>, vector<1x1x1x16xf32>,
          %get3A_2029 = vector.shape_cast %get3A_2028 : vector<1x1x1x16xf32> to vector<16xf32>
          %add3A_2030 = arith.addf %add3A_1990, %get3A_2029 : vector<16xf32>
          %add3A_2031 = arith.constant 48 : i32
          %add3A_2032 = arith.addi %mul3A_93, %add3A_2031 : i32
          %get3A_2033 = arith.constant 0 : i32
          %get3A_2034 = arith.index_cast %get3A_2033 : i32 to index
          %get3A_2035 = arith.index_cast %select_n3A : i32 to index
          %get3A_2036 = arith.index_cast %add3A_2032 : i32 to index
          %get3A_2037 = arith.constant 48 : index
          %get3A_2038 = tpu.vector_load %arg6[%get3A_2034, %get3A_2035, %get3A_2036, %get3A_2037] {strides = array<i32>} : memref<2x1x400x64xf32, #tpu.memory_space<vmem>>, vector<1x1x1x16xf32>,
          %get3A_2039 = vector.shape_cast %get3A_2038 : vector<1x1x1x16xf32> to vector<16xf32>
          %add3A_2040 = arith.addf %add3A_2000, %get3A_2039 : vector<16xf32>
          %add3A_2041 = arith.constant 49 : i32
          %add3A_2042 = arith.addi %mul3A_93, %add3A_2041 : i32
          %get3A_2043 = arith.constant 0 : i32
          %get3A_2044 = arith.index_cast %get3A_2043 : i32 to index
          %get3A_2045 = arith.index_cast %select_n3A : i32 to index
          %get3A_2046 = arith.index_cast %add3A_2042 : i32 to index
          %get3A_2047 = arith.constant 0 : index
          %get3A_2048 = tpu.vector_load %arg6[%get3A_2044, %get3A_2045, %get3A_2046, %get3A_2047] {strides = array<i32>} : memref<2x1x400x64xf32, #tpu.memory_space<vmem>>, vector<1x1x1x16xf32>,
          %get3A_2049 = vector.shape_cast %get3A_2048 : vector<1x1x1x16xf32> to vector<16xf32>
          %add3A_2050 = arith.addf %add3A_2010, %get3A_2049 : vector<16xf32>
          %add3A_2051 = arith.constant 49 : i32
          %add3A_2052 = arith.addi %mul3A_93, %add3A_2051 : i32
          %get3A_2053 = arith.constant 0 : i32
          %get3A_2054 = arith.index_cast %get3A_2053 : i32 to index
          %get3A_2055 = arith.index_cast %select_n3A : i32 to index
          %get3A_2056 = arith.index_cast %add3A_2052 : i32 to index
          %get3A_2057 = arith.constant 16 : index
          %get3A_2058 = tpu.vector_load %arg6[%get3A_2054, %get3A_2055, %get3A_2056, %get3A_2057] {strides = array<i32>} : memref<2x1x400x64xf32, #tpu.memory_space<vmem>>, vector<1x1x1x16xf32>,
          %get3A_2059 = vector.shape_cast %get3A_2058 : vector<1x1x1x16xf32> to vector<16xf32>
          %add3A_2060 = arith.addf %add3A_2020, %get3A_2059 : vector<16xf32>
          %add3A_2061 = arith.constant 49 : i32
          %add3A_2062 = arith.addi %mul3A_93, %add3A_2061 : i32
          %get3A_2063 = arith.constant 0 : i32
          %get3A_2064 = arith.index_cast %get3A_2063 : i32 to index
          %get3A_2065 = arith.index_cast %select_n3A : i32 to index
          %get3A_2066 = arith.index_cast %add3A_2062 : i32 to index
          %get3A_2067 = arith.constant 32 : index
          %get3A_2068 = tpu.vector_load %arg6[%get3A_2064, %get3A_2065, %get3A_2066, %get3A_2067] {strides = array<i32>} : memref<2x1x400x64xf32, #tpu.memory_space<vmem>>, vector<1x1x1x16xf32>,
          %get3A_2069 = vector.shape_cast %get3A_2068 : vector<1x1x1x16xf32> to vector<16xf32>
          %add3A_2070 = arith.addf %add3A_2030, %get3A_2069 : vector<16xf32>
          %add3A_2071 = arith.constant 49 : i32
          %add3A_2072 = arith.addi %mul3A_93, %add3A_2071 : i32
          %get3A_2073 = arith.constant 0 : i32
          %get3A_2074 = arith.index_cast %get3A_2073 : i32 to index
          %get3A_2075 = arith.index_cast %select_n3A : i32 to index
          %get3A_2076 = arith.index_cast %add3A_2072 : i32 to index
          %get3A_2077 = arith.constant 48 : index
          %get3A_2078 = tpu.vector_load %arg6[%get3A_2074, %get3A_2075, %get3A_2076, %get3A_2077] {strides = array<i32>} : memref<2x1x400x64xf32, #tpu.memory_space<vmem>>, vector<1x1x1x16xf32>,
          %get3A_2079 = vector.shape_cast %get3A_2078 : vector<1x1x1x16xf32> to vector<16xf32>
          %add3A_2080 = arith.addf %add3A_2040, %get3A_2079 : vector<16xf32>
          %mul3A_2081 = arith.constant 8 : i32
          %mul3A_2082 = arith.muli %scan3A_22, %mul3A_2081 : i32
          %add3A_2083 = arith.addi %mul3A_2082, %scan3A_58 : i32
          %mul3A_2084 = arith.constant 2.000000e-02 : f32
          %mul3A_2085 = vector.broadcast %mul3A_2084 : f32 to vector<16xf32>
          %mul3A_2086 = arith.mulf %add3A_2050, %mul3A_2085 : vector<16xf32>
          %swap3A = arith.index_cast %add3A_2083 : i32 to index
          %swap3A_2087 = arith.constant 0 : index
          %swap3A_2088 = tpu.vector_load %arg7[%swap3A, %swap3A_2087] {strides = array<i32>} : memref<512x64xf32, #tpu.memory_space<vmem>>, vector<1x16xf32>,
          %swap3A_2089 = vector.shape_cast %swap3A_2088 : vector<1x16xf32> to vector<16xf32>
          %swap3A_2090 = vector.shape_cast %mul3A_2086 : vector<16xf32> to vector<1x16xf32>
          tpu.vector_store %arg7[%swap3A, %swap3A_2087], %swap3A_2090 {strides = array<i32>} : memref<512x64xf32, #tpu.memory_space<vmem>>, vector<1x16xf32>,
          %mul3A_2091 = arith.constant 2.000000e-02 : f32
          %mul3A_2092 = vector.broadcast %mul3A_2091 : f32 to vector<16xf32>
          %mul3A_2093 = arith.mulf %add3A_2060, %mul3A_2092 : vector<16xf32>
          %swap3A_2094 = arith.index_cast %add3A_2083 : i32 to index
          %swap3A_2095 = arith.constant 16 : index
          %swap3A_2096 = tpu.vector_load %arg7[%swap3A_2094, %swap3A_2095] {strides = array<i32>} : memref<512x64xf32, #tpu.memory_space<vmem>>, vector<1x16xf32>,
          %swap3A_2097 = vector.shape_cast %swap3A_2096 : vector<1x16xf32> to vector<16xf32>
          %swap3A_2098 = vector.shape_cast %mul3A_2093 : vector<16xf32> to vector<1x16xf32>
          tpu.vector_store %arg7[%swap3A_2094, %swap3A_2095], %swap3A_2098 {strides = array<i32>} : memref<512x64xf32, #tpu.memory_space<vmem>>, vector<1x16xf32>,
          %mul3A_2099 = arith.constant 2.000000e-02 : f32
          %mul3A_2100 = vector.broadcast %mul3A_2099 : f32 to vector<16xf32>
          %mul3A_2101 = arith.mulf %add3A_2070, %mul3A_2100 : vector<16xf32>
          %swap3A_2102 = arith.index_cast %add3A_2083 : i32 to index
          %swap3A_2103 = arith.constant 32 : index
          %swap3A_2104 = tpu.vector_load %arg7[%swap3A_2102, %swap3A_2103] {strides = array<i32>} : memref<512x64xf32, #tpu.memory_space<vmem>>, vector<1x16xf32>,
          %swap3A_2105 = vector.shape_cast %swap3A_2104 : vector<1x16xf32> to vector<16xf32>
          %swap3A_2106 = vector.shape_cast %mul3A_2101 : vector<16xf32> to vector<1x16xf32>
          tpu.vector_store %arg7[%swap3A_2102, %swap3A_2103], %swap3A_2106 {strides = array<i32>} : memref<512x64xf32, #tpu.memory_space<vmem>>, vector<1x16xf32>,
          %mul3A_2107 = arith.constant 2.000000e-02 : f32
          %mul3A_2108 = vector.broadcast %mul3A_2107 : f32 to vector<16xf32>
          %mul3A_2109 = arith.mulf %add3A_2080, %mul3A_2108 : vector<16xf32>
          %swap3A_2110 = arith.index_cast %add3A_2083 : i32 to index
          %swap3A_2111 = arith.constant 48 : index
          %swap3A_2112 = tpu.vector_load %arg7[%swap3A_2110, %swap3A_2111] {strides = array<i32>} : memref<512x64xf32, #tpu.memory_space<vmem>>, vector<1x16xf32>,
          %swap3A_2113 = vector.shape_cast %swap3A_2112 : vector<1x16xf32> to vector<16xf32>
          %swap3A_2114 = vector.shape_cast %mul3A_2109 : vector<16xf32> to vector<1x16xf32>
          tpu.vector_store %arg7[%swap3A_2110, %swap3A_2111], %swap3A_2114 {strides = array<i32>} : memref<512x64xf32, #tpu.memory_space<vmem>>, vector<1x16xf32>,
        }
        %scan3A_57 = arith.constant 8 : i32
      } else {
      }
      %eq3A_32 = arith.constant 1 : i32
      %eq3A_33 = arith.cmpi eq, %rem3A_23, %eq3A_32 : i32
      %convert_element_type3A_34 = arith.extui %eq3A_33 : i1 to i32
      %cond3A_35 = arith.constant 0 : i32
      %cond3A_36 = arith.cmpi ne, %convert_element_type3A_34, %cond3A_35 : i32
      scf.if %cond3A_36 {
        %mul3A_37 = arith.constant 1 : i32
        %mul3A_38 = arith.muli %scan3A_22, %mul3A_37 : i32
        %add3A_39 = arith.constant 0 : i32
        %add3A_40 = arith.addi %mul3A_38, %add3A_39 : i32
        %mul3A_41 = arith.constant 400 : i32
        %mul3A_42 = arith.muli %add3A_40, %mul3A_41 : i32
        %dma_wait3A = arith.constant 1 : i32
        %dma_wait3A_43 = arith.constant 0 : i32
        %dma_wait3A_44 = arith.constant 0 : i32
        %dma_wait3A_45 = arith.constant 0 : i32
        %dma_wait3A_46 = tpu.memref_slice %arg6[%dma_wait3A, %dma_wait3A_43, %dma_wait3A_44, %dma_wait3A_45] : memref<2x1x400x64xf32, #tpu.memory_space<vmem>> -> memref<1x1x400x64xf32, #tpu.memory_space<vmem>>
        %dma_wait3A_47 = tpu.memref_squeeze %dma_wait3A_46 : memref<1x1x400x64xf32, #tpu.memory_space<vmem>> -> memref<400x64xf32, #tpu.memory_space<vmem>>
        %dma_wait3A_48 = tpu.memref_slice %arg5[%mul3A_42] : memref<25600xi32, #tpu.memory_space<vmem>> -> memref<400xi32, #tpu.memory_space<vmem>>
        %dma_wait3A_49 = arith.constant 0 : i32
        %dma_wait3A_50 = arith.constant 0 : i32
        %dma_wait3A_51 = tpu.memref_slice %arg3[%dma_wait3A_49, %dma_wait3A_50] : memref<1000000x64xf32, #tpu.memory_space<hbm>> -> memref<1000000x64xf32, #tpu.memory_space<hbm>>
        tpu.wait_indirect_dma semaphore(%arg9 : memref<!tpu.dma_semaphore, #tpu.memory_space<semaphore_mem>>) src(%dma_wait3A_51 : memref<1000000x64xf32, #tpu.memory_space<hbm>>) dst(%dma_wait3A_47 : memref<400x64xf32, #tpu.memory_space<vmem>>)
        %scan3A_52 = arith.constant 0 : i32
        %scan3A_53 = arith.constant 0 : i32
        %scan3A_54 = arith.constant 8 : i32
        %scan3A_55 = arith.addi %scan3A_53, %scan3A_54 : i32
        %scan3A_56 = arith.constant 1 : i32
        scf.for %scan3A_58 = %scan3A_53 to %scan3A_55 step %scan3A_56  : i32 {
          %jit3A = arith.constant 8 : i32
          %div3A = arith.divsi %scan3A_58, %jit3A : i32
          %sign3A = arith.constant 0 : i32
          %sign3A_59 = arith.cmpi sgt, %scan3A_58, %sign3A : i32
          %sign3A_60 = arith.extui %sign3A_59 : i1 to i32
          %sign3A_61 = arith.constant 0 : i32
          %sign3A_62 = arith.cmpi slt, %scan3A_58, %sign3A_61 : i32
          %sign3A_63 = arith.extui %sign3A_62 : i1 to i32
          %sign3A_64 = arith.subi %sign3A_60, %sign3A_63 : i32
          %sign3A_65 = arith.constant 0 : i32
          %sign3A_66 = arith.cmpi sgt, %jit3A, %sign3A_65 : i32
          %sign3A_67 = arith.extui %sign3A_66 : i1 to i32
          %sign3A_68 = arith.constant 0 : i32
          %sign3A_69 = arith.cmpi slt, %jit3A, %sign3A_68 : i32
          %sign3A_70 = arith.extui %sign3A_69 : i1 to i32
          %sign3A_71 = arith.subi %sign3A_67, %sign3A_70 : i32
          %ne3A = arith.cmpi ne, %sign3A_64, %sign3A_71 : i32
          %rem3A_72 = arith.remsi %scan3A_58, %jit3A : i32
          %ne3A_73 = arith.constant 0 : i32
          %ne3A_74 = arith.cmpi ne, %rem3A_72, %ne3A_73 : i32
          %and3A = arith.andi %ne3A, %ne3A_74 : i1
          %sub3A = arith.constant 1 : i32
          %sub3A_75 = arith.subi %div3A, %sub3A : i32
          %select_n3A = arith.select %and3A, %sub3A_75, %div3A : i32
          %jit3A_76 = arith.constant 8 : i32
          %eq3A_77 = arith.constant 0 : i32
          %eq3A_78 = arith.cmpi eq, %jit3A_76, %eq3A_77 : i32
          %jit3A_79 = arith.constant 1 : i32
          %select_n3A_80 = arith.select %eq3A_78, %jit3A_79, %jit3A_76 : i32
          %rem3A_81 = arith.remsi %scan3A_58, %select_n3A_80 : i32
          %ne3A_82 = arith.constant 0 : i32
          %ne3A_83 = arith.cmpi ne, %rem3A_81, %ne3A_82 : i32
          %lt3A_84 = arith.constant 0 : i32
          %lt3A_85 = arith.cmpi slt, %rem3A_81, %lt3A_84 : i32
          %lt3A_86 = arith.constant 0 : i32
          %lt3A_87 = arith.cmpi slt, %select_n3A_80, %lt3A_86 : i32
          %ne3A_88 = arith.xori %lt3A_85, %lt3A_87 : i1
          %and3A_89 = arith.andi %ne3A_88, %ne3A_83 : i1
          %add3A_90 = arith.addi %rem3A_81, %select_n3A_80 : i32
          %select_n3A_91 = arith.select %and3A_89, %add3A_90, %rem3A_81 : i32
          %mul3A_92 = arith.constant 50 : i32
          %mul3A_93 = arith.muli %select_n3A_91, %mul3A_92 : i32
          %get3A = arith.constant 1 : i32
          %get3A_94 = arith.index_cast %get3A : i32 to index
          %get3A_95 = arith.index_cast %select_n3A : i32 to index
          %get3A_96 = arith.index_cast %mul3A_93 : i32 to index
          %get3A_97 = arith.constant 0 : index
          %get3A_98 = tpu.vector_load %arg6[%get3A_94, %get3A_95, %get3A_96, %get3A_97] {strides = array<i32>} : memref<2x1x400x64xf32, #tpu.memory_space<vmem>>, vector<1x1x1x16xf32>,
          %get3A_99 = vector.shape_cast %get3A_98 : vector<1x1x1x16xf32> to vector<16xf32>
          %get3A_100 = arith.constant 1 : i32
          %get3A_101 = arith.index_cast %get3A_100 : i32 to index
          %get3A_102 = arith.index_cast %select_n3A : i32 to index
          %get3A_103 = arith.index_cast %mul3A_93 : i32 to index
          %get3A_104 = arith.constant 16 : index
          %get3A_105 = tpu.vector_load %arg6[%get3A_101, %get3A_102, %get3A_103, %get3A_104] {strides = array<i32>} : memref<2x1x400x64xf32, #tpu.memory_space<vmem>>, vector<1x1x1x16xf32>,
          %get3A_106 = vector.shape_cast %get3A_105 : vector<1x1x1x16xf32> to vector<16xf32>
          %get3A_107 = arith.constant 1 : i32
          %get3A_108 = arith.index_cast %get3A_107 : i32 to index
          %get3A_109 = arith.index_cast %select_n3A : i32 to index
          %get3A_110 = arith.index_cast %mul3A_93 : i32 to index
          %get3A_111 = arith.constant 32 : index
          %get3A_112 = tpu.vector_load %arg6[%get3A_108, %get3A_109, %get3A_110, %get3A_111] {strides = array<i32>} : memref<2x1x400x64xf32, #tpu.memory_space<vmem>>, vector<1x1x1x16xf32>,
          %get3A_113 = vector.shape_cast %get3A_112 : vector<1x1x1x16xf32> to vector<16xf32>
          %get3A_114 = arith.constant 1 : i32
          %get3A_115 = arith.index_cast %get3A_114 : i32 to index
          %get3A_116 = arith.index_cast %select_n3A : i32 to index
          %get3A_117 = arith.index_cast %mul3A_93 : i32 to index
          %get3A_118 = arith.constant 48 : index
          %get3A_119 = tpu.vector_load %arg6[%get3A_115, %get3A_116, %get3A_117, %get3A_118] {strides = array<i32>} : memref<2x1x400x64xf32, #tpu.memory_space<vmem>>, vector<1x1x1x16xf32>,
          %get3A_120 = vector.shape_cast %get3A_119 : vector<1x1x1x16xf32> to vector<16xf32>
          %add3A_121 = arith.constant 1 : i32
          %add3A_122 = arith.addi %mul3A_93, %add3A_121 : i32
          %get3A_123 = arith.constant 1 : i32
          %get3A_124 = arith.index_cast %get3A_123 : i32 to index
          %get3A_125 = arith.index_cast %select_n3A : i32 to index
          %get3A_126 = arith.index_cast %add3A_122 : i32 to index
          %get3A_127 = arith.constant 0 : index
          %get3A_128 = tpu.vector_load %arg6[%get3A_124, %get3A_125, %get3A_126, %get3A_127] {strides = array<i32>} : memref<2x1x400x64xf32, #tpu.memory_space<vmem>>, vector<1x1x1x16xf32>,
          %get3A_129 = vector.shape_cast %get3A_128 : vector<1x1x1x16xf32> to vector<16xf32>
          %add3A_130 = arith.addf %get3A_99, %get3A_129 : vector<16xf32>
          %add3A_131 = arith.constant 1 : i32
          %add3A_132 = arith.addi %mul3A_93, %add3A_131 : i32
          %get3A_133 = arith.constant 1 : i32
          %get3A_134 = arith.index_cast %get3A_133 : i32 to index
          %get3A_135 = arith.index_cast %select_n3A : i32 to index
          %get3A_136 = arith.index_cast %add3A_132 : i32 to index
          %get3A_137 = arith.constant 16 : index
          %get3A_138 = tpu.vector_load %arg6[%get3A_134, %get3A_135, %get3A_136, %get3A_137] {strides = array<i32>} : memref<2x1x400x64xf32, #tpu.memory_space<vmem>>, vector<1x1x1x16xf32>,
          %get3A_139 = vector.shape_cast %get3A_138 : vector<1x1x1x16xf32> to vector<16xf32>
          %add3A_140 = arith.addf %get3A_106, %get3A_139 : vector<16xf32>
          %add3A_141 = arith.constant 1 : i32
          %add3A_142 = arith.addi %mul3A_93, %add3A_141 : i32
          %get3A_143 = arith.constant 1 : i32
          %get3A_144 = arith.index_cast %get3A_143 : i32 to index
          %get3A_145 = arith.index_cast %select_n3A : i32 to index
          %get3A_146 = arith.index_cast %add3A_142 : i32 to index
          %get3A_147 = arith.constant 32 : index
          %get3A_148 = tpu.vector_load %arg6[%get3A_144, %get3A_145, %get3A_146, %get3A_147] {strides = array<i32>} : memref<2x1x400x64xf32, #tpu.memory_space<vmem>>, vector<1x1x1x16xf32>,
          %get3A_149 = vector.shape_cast %get3A_148 : vector<1x1x1x16xf32> to vector<16xf32>
          %add3A_150 = arith.addf %get3A_113, %get3A_149 : vector<16xf32>
          %add3A_151 = arith.constant 1 : i32
          %add3A_152 = arith.addi %mul3A_93, %add3A_151 : i32
          %get3A_153 = arith.constant 1 : i32
          %get3A_154 = arith.index_cast %get3A_153 : i32 to index
          %get3A_155 = arith.index_cast %select_n3A : i32 to index
          %get3A_156 = arith.index_cast %add3A_152 : i32 to index
          %get3A_157 = arith.constant 48 : index
          %get3A_158 = tpu.vector_load %arg6[%get3A_154, %get3A_155, %get3A_156, %get3A_157] {strides = array<i32>} : memref<2x1x400x64xf32, #tpu.memory_space<vmem>>, vector<1x1x1x16xf32>,
          %get3A_159 = vector.shape_cast %get3A_158 : vector<1x1x1x16xf32> to vector<16xf32>
          %add3A_160 = arith.addf %get3A_120, %get3A_159 : vector<16xf32>
          %add3A_161 = arith.constant 2 : i32
          %add3A_162 = arith.addi %mul3A_93, %add3A_161 : i32
          %get3A_163 = arith.constant 1 : i32
          %get3A_164 = arith.index_cast %get3A_163 : i32 to index
          %get3A_165 = arith.index_cast %select_n3A : i32 to index
          %get3A_166 = arith.index_cast %add3A_162 : i32 to index
          %get3A_167 = arith.constant 0 : index
          %get3A_168 = tpu.vector_load %arg6[%get3A_164, %get3A_165, %get3A_166, %get3A_167] {strides = array<i32>} : memref<2x1x400x64xf32, #tpu.memory_space<vmem>>, vector<1x1x1x16xf32>,
          %get3A_169 = vector.shape_cast %get3A_168 : vector<1x1x1x16xf32> to vector<16xf32>
          %add3A_170 = arith.addf %add3A_130, %get3A_169 : vector<16xf32>
          %add3A_171 = arith.constant 2 : i32
          %add3A_172 = arith.addi %mul3A_93, %add3A_171 : i32
          %get3A_173 = arith.constant 1 : i32
          %get3A_174 = arith.index_cast %get3A_173 : i32 to index
          %get3A_175 = arith.index_cast %select_n3A : i32 to index
          %get3A_176 = arith.index_cast %add3A_172 : i32 to index
          %get3A_177 = arith.constant 16 : index
          %get3A_178 = tpu.vector_load %arg6[%get3A_174, %get3A_175, %get3A_176, %get3A_177] {strides = array<i32>} : memref<2x1x400x64xf32, #tpu.memory_space<vmem>>, vector<1x1x1x16xf32>,
          %get3A_179 = vector.shape_cast %get3A_178 : vector<1x1x1x16xf32> to vector<16xf32>
          %add3A_180 = arith.addf %add3A_140, %get3A_179 : vector<16xf32>
          %add3A_181 = arith.constant 2 : i32
          %add3A_182 = arith.addi %mul3A_93, %add3A_181 : i32
          %get3A_183 = arith.constant 1 : i32
          %get3A_184 = arith.index_cast %get3A_183 : i32 to index
          %get3A_185 = arith.index_cast %select_n3A : i32 to index
          %get3A_186 = arith.index_cast %add3A_182 : i32 to index
          %get3A_187 = arith.constant 32 : index
          %get3A_188 = tpu.vector_load %arg6[%get3A_184, %get3A_185, %get3A_186, %get3A_187] {strides = array<i32>} : memref<2x1x400x64xf32, #tpu.memory_space<vmem>>, vector<1x1x1x16xf32>,
          %get3A_189 = vector.shape_cast %get3A_188 : vector<1x1x1x16xf32> to vector<16xf32>
          %add3A_190 = arith.addf %add3A_150, %get3A_189 : vector<16xf32>
          %add3A_191 = arith.constant 2 : i32
          %add3A_192 = arith.addi %mul3A_93, %add3A_191 : i32
          %get3A_193 = arith.constant 1 : i32
          %get3A_194 = arith.index_cast %get3A_193 : i32 to index
          %get3A_195 = arith.index_cast %select_n3A : i32 to index
          %get3A_196 = arith.index_cast %add3A_192 : i32 to index
          %get3A_197 = arith.constant 48 : index
          %get3A_198 = tpu.vector_load %arg6[%get3A_194, %get3A_195, %get3A_196, %get3A_197] {strides = array<i32>} : memref<2x1x400x64xf32, #tpu.memory_space<vmem>>, vector<1x1x1x16xf32>,
          %get3A_199 = vector.shape_cast %get3A_198 : vector<1x1x1x16xf32> to vector<16xf32>
          %add3A_200 = arith.addf %add3A_160, %get3A_199 : vector<16xf32>
          %add3A_201 = arith.constant 3 : i32
          %add3A_202 = arith.addi %mul3A_93, %add3A_201 : i32
          %get3A_203 = arith.constant 1 : i32
          %get3A_204 = arith.index_cast %get3A_203 : i32 to index
          %get3A_205 = arith.index_cast %select_n3A : i32 to index
          %get3A_206 = arith.index_cast %add3A_202 : i32 to index
          %get3A_207 = arith.constant 0 : index
          %get3A_208 = tpu.vector_load %arg6[%get3A_204, %get3A_205, %get3A_206, %get3A_207] {strides = array<i32>} : memref<2x1x400x64xf32, #tpu.memory_space<vmem>>, vector<1x1x1x16xf32>,
          %get3A_209 = vector.shape_cast %get3A_208 : vector<1x1x1x16xf32> to vector<16xf32>
          %add3A_210 = arith.addf %add3A_170, %get3A_209 : vector<16xf32>
          %add3A_211 = arith.constant 3 : i32
          %add3A_212 = arith.addi %mul3A_93, %add3A_211 : i32
          %get3A_213 = arith.constant 1 : i32
          %get3A_214 = arith.index_cast %get3A_213 : i32 to index
          %get3A_215 = arith.index_cast %select_n3A : i32 to index
          %get3A_216 = arith.index_cast %add3A_212 : i32 to index
          %get3A_217 = arith.constant 16 : index
          %get3A_218 = tpu.vector_load %arg6[%get3A_214, %get3A_215, %get3A_216, %get3A_217] {strides = array<i32>} : memref<2x1x400x64xf32, #tpu.memory_space<vmem>>, vector<1x1x1x16xf32>,
          %get3A_219 = vector.shape_cast %get3A_218 : vector<1x1x1x16xf32> to vector<16xf32>
          %add3A_220 = arith.addf %add3A_180, %get3A_219 : vector<16xf32>
          %add3A_221 = arith.constant 3 : i32
          %add3A_222 = arith.addi %mul3A_93, %add3A_221 : i32
          %get3A_223 = arith.constant 1 : i32
          %get3A_224 = arith.index_cast %get3A_223 : i32 to index
          %get3A_225 = arith.index_cast %select_n3A : i32 to index
          %get3A_226 = arith.index_cast %add3A_222 : i32 to index
          %get3A_227 = arith.constant 32 : index
          %get3A_228 = tpu.vector_load %arg6[%get3A_224, %get3A_225, %get3A_226, %get3A_227] {strides = array<i32>} : memref<2x1x400x64xf32, #tpu.memory_space<vmem>>, vector<1x1x1x16xf32>,
          %get3A_229 = vector.shape_cast %get3A_228 : vector<1x1x1x16xf32> to vector<16xf32>
          %add3A_230 = arith.addf %add3A_190, %get3A_229 : vector<16xf32>
          %add3A_231 = arith.constant 3 : i32
          %add3A_232 = arith.addi %mul3A_93, %add3A_231 : i32
          %get3A_233 = arith.constant 1 : i32
          %get3A_234 = arith.index_cast %get3A_233 : i32 to index
          %get3A_235 = arith.index_cast %select_n3A : i32 to index
          %get3A_236 = arith.index_cast %add3A_232 : i32 to index
          %get3A_237 = arith.constant 48 : index
          %get3A_238 = tpu.vector_load %arg6[%get3A_234, %get3A_235, %get3A_236, %get3A_237] {strides = array<i32>} : memref<2x1x400x64xf32, #tpu.memory_space<vmem>>, vector<1x1x1x16xf32>,
          %get3A_239 = vector.shape_cast %get3A_238 : vector<1x1x1x16xf32> to vector<16xf32>
          %add3A_240 = arith.addf %add3A_200, %get3A_239 : vector<16xf32>
          %add3A_241 = arith.constant 4 : i32
          %add3A_242 = arith.addi %mul3A_93, %add3A_241 : i32
          %get3A_243 = arith.constant 1 : i32
          %get3A_244 = arith.index_cast %get3A_243 : i32 to index
          %get3A_245 = arith.index_cast %select_n3A : i32 to index
          %get3A_246 = arith.index_cast %add3A_242 : i32 to index
          %get3A_247 = arith.constant 0 : index
          %get3A_248 = tpu.vector_load %arg6[%get3A_244, %get3A_245, %get3A_246, %get3A_247] {strides = array<i32>} : memref<2x1x400x64xf32, #tpu.memory_space<vmem>>, vector<1x1x1x16xf32>,
          %get3A_249 = vector.shape_cast %get3A_248 : vector<1x1x1x16xf32> to vector<16xf32>
          %add3A_250 = arith.addf %add3A_210, %get3A_249 : vector<16xf32>
          %add3A_251 = arith.constant 4 : i32
          %add3A_252 = arith.addi %mul3A_93, %add3A_251 : i32
          %get3A_253 = arith.constant 1 : i32
          %get3A_254 = arith.index_cast %get3A_253 : i32 to index
          %get3A_255 = arith.index_cast %select_n3A : i32 to index
          %get3A_256 = arith.index_cast %add3A_252 : i32 to index
          %get3A_257 = arith.constant 16 : index
          %get3A_258 = tpu.vector_load %arg6[%get3A_254, %get3A_255, %get3A_256, %get3A_257] {strides = array<i32>} : memref<2x1x400x64xf32, #tpu.memory_space<vmem>>, vector<1x1x1x16xf32>,
          %get3A_259 = vector.shape_cast %get3A_258 : vector<1x1x1x16xf32> to vector<16xf32>
          %add3A_260 = arith.addf %add3A_220, %get3A_259 : vector<16xf32>
          %add3A_261 = arith.constant 4 : i32
          %add3A_262 = arith.addi %mul3A_93, %add3A_261 : i32
          %get3A_263 = arith.constant 1 : i32
          %get3A_264 = arith.index_cast %get3A_263 : i32 to index
          %get3A_265 = arith.index_cast %select_n3A : i32 to index
          %get3A_266 = arith.index_cast %add3A_262 : i32 to index
          %get3A_267 = arith.constant 32 : index
          %get3A_268 = tpu.vector_load %arg6[%get3A_264, %get3A_265, %get3A_266, %get3A_267] {strides = array<i32>} : memref<2x1x400x64xf32, #tpu.memory_space<vmem>>, vector<1x1x1x16xf32>,
          %get3A_269 = vector.shape_cast %get3A_268 : vector<1x1x1x16xf32> to vector<16xf32>
          %add3A_270 = arith.addf %add3A_230, %get3A_269 : vector<16xf32>
          %add3A_271 = arith.constant 4 : i32
          %add3A_272 = arith.addi %mul3A_93, %add3A_271 : i32
          %get3A_273 = arith.constant 1 : i32
          %get3A_274 = arith.index_cast %get3A_273 : i32 to index
          %get3A_275 = arith.index_cast %select_n3A : i32 to index
          %get3A_276 = arith.index_cast %add3A_272 : i32 to index
          %get3A_277 = arith.constant 48 : index
          %get3A_278 = tpu.vector_load %arg6[%get3A_274, %get3A_275, %get3A_276, %get3A_277] {strides = array<i32>} : memref<2x1x400x64xf32, #tpu.memory_space<vmem>>, vector<1x1x1x16xf32>,
          %get3A_279 = vector.shape_cast %get3A_278 : vector<1x1x1x16xf32> to vector<16xf32>
          %add3A_280 = arith.addf %add3A_240, %get3A_279 : vector<16xf32>
          %add3A_281 = arith.constant 5 : i32
          %add3A_282 = arith.addi %mul3A_93, %add3A_281 : i32
          %get3A_283 = arith.constant 1 : i32
          %get3A_284 = arith.index_cast %get3A_283 : i32 to index
          %get3A_285 = arith.index_cast %select_n3A : i32 to index
          %get3A_286 = arith.index_cast %add3A_282 : i32 to index
          %get3A_287 = arith.constant 0 : index
          %get3A_288 = tpu.vector_load %arg6[%get3A_284, %get3A_285, %get3A_286, %get3A_287] {strides = array<i32>} : memref<2x1x400x64xf32, #tpu.memory_space<vmem>>, vector<1x1x1x16xf32>,
          %get3A_289 = vector.shape_cast %get3A_288 : vector<1x1x1x16xf32> to vector<16xf32>
          %add3A_290 = arith.addf %add3A_250, %get3A_289 : vector<16xf32>
          %add3A_291 = arith.constant 5 : i32
          %add3A_292 = arith.addi %mul3A_93, %add3A_291 : i32
          %get3A_293 = arith.constant 1 : i32
          %get3A_294 = arith.index_cast %get3A_293 : i32 to index
          %get3A_295 = arith.index_cast %select_n3A : i32 to index
          %get3A_296 = arith.index_cast %add3A_292 : i32 to index
          %get3A_297 = arith.constant 16 : index
          %get3A_298 = tpu.vector_load %arg6[%get3A_294, %get3A_295, %get3A_296, %get3A_297] {strides = array<i32>} : memref<2x1x400x64xf32, #tpu.memory_space<vmem>>, vector<1x1x1x16xf32>,
          %get3A_299 = vector.shape_cast %get3A_298 : vector<1x1x1x16xf32> to vector<16xf32>
          %add3A_300 = arith.addf %add3A_260, %get3A_299 : vector<16xf32>
          %add3A_301 = arith.constant 5 : i32
          %add3A_302 = arith.addi %mul3A_93, %add3A_301 : i32
          %get3A_303 = arith.constant 1 : i32
          %get3A_304 = arith.index_cast %get3A_303 : i32 to index
          %get3A_305 = arith.index_cast %select_n3A : i32 to index
          %get3A_306 = arith.index_cast %add3A_302 : i32 to index
          %get3A_307 = arith.constant 32 : index
          %get3A_308 = tpu.vector_load %arg6[%get3A_304, %get3A_305, %get3A_306, %get3A_307] {strides = array<i32>} : memref<2x1x400x64xf32, #tpu.memory_space<vmem>>, vector<1x1x1x16xf32>,
          %get3A_309 = vector.shape_cast %get3A_308 : vector<1x1x1x16xf32> to vector<16xf32>
          %add3A_310 = arith.addf %add3A_270, %get3A_309 : vector<16xf32>
          %add3A_311 = arith.constant 5 : i32
          %add3A_312 = arith.addi %mul3A_93, %add3A_311 : i32
          %get3A_313 = arith.constant 1 : i32
          %get3A_314 = arith.index_cast %get3A_313 : i32 to index
          %get3A_315 = arith.index_cast %select_n3A : i32 to index
          %get3A_316 = arith.index_cast %add3A_312 : i32 to index
          %get3A_317 = arith.constant 48 : index
          %get3A_318 = tpu.vector_load %arg6[%get3A_314, %get3A_315, %get3A_316, %get3A_317] {strides = array<i32>} : memref<2x1x400x64xf32, #tpu.memory_space<vmem>>, vector<1x1x1x16xf32>,
          %get3A_319 = vector.shape_cast %get3A_318 : vector<1x1x1x16xf32> to vector<16xf32>
          %add3A_320 = arith.addf %add3A_280, %get3A_319 : vector<16xf32>
          %add3A_321 = arith.constant 6 : i32
          %add3A_322 = arith.addi %mul3A_93, %add3A_321 : i32
          %get3A_323 = arith.constant 1 : i32
          %get3A_324 = arith.index_cast %get3A_323 : i32 to index
          %get3A_325 = arith.index_cast %select_n3A : i32 to index
          %get3A_326 = arith.index_cast %add3A_322 : i32 to index
          %get3A_327 = arith.constant 0 : index
          %get3A_328 = tpu.vector_load %arg6[%get3A_324, %get3A_325, %get3A_326, %get3A_327] {strides = array<i32>} : memref<2x1x400x64xf32, #tpu.memory_space<vmem>>, vector<1x1x1x16xf32>,
          %get3A_329 = vector.shape_cast %get3A_328 : vector<1x1x1x16xf32> to vector<16xf32>
          %add3A_330 = arith.addf %add3A_290, %get3A_329 : vector<16xf32>
          %add3A_331 = arith.constant 6 : i32
          %add3A_332 = arith.addi %mul3A_93, %add3A_331 : i32
          %get3A_333 = arith.constant 1 : i32
          %get3A_334 = arith.index_cast %get3A_333 : i32 to index
          %get3A_335 = arith.index_cast %select_n3A : i32 to index
          %get3A_336 = arith.index_cast %add3A_332 : i32 to index
          %get3A_337 = arith.constant 16 : index
          %get3A_338 = tpu.vector_load %arg6[%get3A_334, %get3A_335, %get3A_336, %get3A_337] {strides = array<i32>} : memref<2x1x400x64xf32, #tpu.memory_space<vmem>>, vector<1x1x1x16xf32>,
          %get3A_339 = vector.shape_cast %get3A_338 : vector<1x1x1x16xf32> to vector<16xf32>
          %add3A_340 = arith.addf %add3A_300, %get3A_339 : vector<16xf32>
          %add3A_341 = arith.constant 6 : i32
          %add3A_342 = arith.addi %mul3A_93, %add3A_341 : i32
          %get3A_343 = arith.constant 1 : i32
          %get3A_344 = arith.index_cast %get3A_343 : i32 to index
          %get3A_345 = arith.index_cast %select_n3A : i32 to index
          %get3A_346 = arith.index_cast %add3A_342 : i32 to index
          %get3A_347 = arith.constant 32 : index
          %get3A_348 = tpu.vector_load %arg6[%get3A_344, %get3A_345, %get3A_346, %get3A_347] {strides = array<i32>} : memref<2x1x400x64xf32, #tpu.memory_space<vmem>>, vector<1x1x1x16xf32>,
          %get3A_349 = vector.shape_cast %get3A_348 : vector<1x1x1x16xf32> to vector<16xf32>
          %add3A_350 = arith.addf %add3A_310, %get3A_349 : vector<16xf32>
          %add3A_351 = arith.constant 6 : i32
          %add3A_352 = arith.addi %mul3A_93, %add3A_351 : i32
          %get3A_353 = arith.constant 1 : i32
          %get3A_354 = arith.index_cast %get3A_353 : i32 to index
          %get3A_355 = arith.index_cast %select_n3A : i32 to index
          %get3A_356 = arith.index_cast %add3A_352 : i32 to index
          %get3A_357 = arith.constant 48 : index
          %get3A_358 = tpu.vector_load %arg6[%get3A_354, %get3A_355, %get3A_356, %get3A_357] {strides = array<i32>} : memref<2x1x400x64xf32, #tpu.memory_space<vmem>>, vector<1x1x1x16xf32>,
          %get3A_359 = vector.shape_cast %get3A_358 : vector<1x1x1x16xf32> to vector<16xf32>
          %add3A_360 = arith.addf %add3A_320, %get3A_359 : vector<16xf32>
          %add3A_361 = arith.constant 7 : i32
          %add3A_362 = arith.addi %mul3A_93, %add3A_361 : i32
          %get3A_363 = arith.constant 1 : i32
          %get3A_364 = arith.index_cast %get3A_363 : i32 to index
          %get3A_365 = arith.index_cast %select_n3A : i32 to index
          %get3A_366 = arith.index_cast %add3A_362 : i32 to index
          %get3A_367 = arith.constant 0 : index
          %get3A_368 = tpu.vector_load %arg6[%get3A_364, %get3A_365, %get3A_366, %get3A_367] {strides = array<i32>} : memref<2x1x400x64xf32, #tpu.memory_space<vmem>>, vector<1x1x1x16xf32>,
          %get3A_369 = vector.shape_cast %get3A_368 : vector<1x1x1x16xf32> to vector<16xf32>
          %add3A_370 = arith.addf %add3A_330, %get3A_369 : vector<16xf32>
          %add3A_371 = arith.constant 7 : i32
          %add3A_372 = arith.addi %mul3A_93, %add3A_371 : i32
          %get3A_373 = arith.constant 1 : i32
          %get3A_374 = arith.index_cast %get3A_373 : i32 to index
          %get3A_375 = arith.index_cast %select_n3A : i32 to index
          %get3A_376 = arith.index_cast %add3A_372 : i32 to index
          %get3A_377 = arith.constant 16 : index
          %get3A_378 = tpu.vector_load %arg6[%get3A_374, %get3A_375, %get3A_376, %get3A_377] {strides = array<i32>} : memref<2x1x400x64xf32, #tpu.memory_space<vmem>>, vector<1x1x1x16xf32>,
          %get3A_379 = vector.shape_cast %get3A_378 : vector<1x1x1x16xf32> to vector<16xf32>
          %add3A_380 = arith.addf %add3A_340, %get3A_379 : vector<16xf32>
          %add3A_381 = arith.constant 7 : i32
          %add3A_382 = arith.addi %mul3A_93, %add3A_381 : i32
          %get3A_383 = arith.constant 1 : i32
          %get3A_384 = arith.index_cast %get3A_383 : i32 to index
          %get3A_385 = arith.index_cast %select_n3A : i32 to index
          %get3A_386 = arith.index_cast %add3A_382 : i32 to index
          %get3A_387 = arith.constant 32 : index
          %get3A_388 = tpu.vector_load %arg6[%get3A_384, %get3A_385, %get3A_386, %get3A_387] {strides = array<i32>} : memref<2x1x400x64xf32, #tpu.memory_space<vmem>>, vector<1x1x1x16xf32>,
          %get3A_389 = vector.shape_cast %get3A_388 : vector<1x1x1x16xf32> to vector<16xf32>
          %add3A_390 = arith.addf %add3A_350, %get3A_389 : vector<16xf32>
          %add3A_391 = arith.constant 7 : i32
          %add3A_392 = arith.addi %mul3A_93, %add3A_391 : i32
          %get3A_393 = arith.constant 1 : i32
          %get3A_394 = arith.index_cast %get3A_393 : i32 to index
          %get3A_395 = arith.index_cast %select_n3A : i32 to index
          %get3A_396 = arith.index_cast %add3A_392 : i32 to index
          %get3A_397 = arith.constant 48 : index
          %get3A_398 = tpu.vector_load %arg6[%get3A_394, %get3A_395, %get3A_396, %get3A_397] {strides = array<i32>} : memref<2x1x400x64xf32, #tpu.memory_space<vmem>>, vector<1x1x1x16xf32>,
          %get3A_399 = vector.shape_cast %get3A_398 : vector<1x1x1x16xf32> to vector<16xf32>
          %add3A_400 = arith.addf %add3A_360, %get3A_399 : vector<16xf32>
          %add3A_401 = arith.constant 8 : i32
          %add3A_402 = arith.addi %mul3A_93, %add3A_401 : i32
          %get3A_403 = arith.constant 1 : i32
          %get3A_404 = arith.index_cast %get3A_403 : i32 to index
          %get3A_405 = arith.index_cast %select_n3A : i32 to index
          %get3A_406 = arith.index_cast %add3A_402 : i32 to index
          %get3A_407 = arith.constant 0 : index
          %get3A_408 = tpu.vector_load %arg6[%get3A_404, %get3A_405, %get3A_406, %get3A_407] {strides = array<i32>} : memref<2x1x400x64xf32, #tpu.memory_space<vmem>>, vector<1x1x1x16xf32>,
          %get3A_409 = vector.shape_cast %get3A_408 : vector<1x1x1x16xf32> to vector<16xf32>
          %add3A_410 = arith.addf %add3A_370, %get3A_409 : vector<16xf32>
          %add3A_411 = arith.constant 8 : i32
          %add3A_412 = arith.addi %mul3A_93, %add3A_411 : i32
          %get3A_413 = arith.constant 1 : i32
          %get3A_414 = arith.index_cast %get3A_413 : i32 to index
          %get3A_415 = arith.index_cast %select_n3A : i32 to index
          %get3A_416 = arith.index_cast %add3A_412 : i32 to index
          %get3A_417 = arith.constant 16 : index
          %get3A_418 = tpu.vector_load %arg6[%get3A_414, %get3A_415, %get3A_416, %get3A_417] {strides = array<i32>} : memref<2x1x400x64xf32, #tpu.memory_space<vmem>>, vector<1x1x1x16xf32>,
          %get3A_419 = vector.shape_cast %get3A_418 : vector<1x1x1x16xf32> to vector<16xf32>
          %add3A_420 = arith.addf %add3A_380, %get3A_419 : vector<16xf32>
          %add3A_421 = arith.constant 8 : i32
          %add3A_422 = arith.addi %mul3A_93, %add3A_421 : i32
          %get3A_423 = arith.constant 1 : i32
          %get3A_424 = arith.index_cast %get3A_423 : i32 to index
          %get3A_425 = arith.index_cast %select_n3A : i32 to index
          %get3A_426 = arith.index_cast %add3A_422 : i32 to index
          %get3A_427 = arith.constant 32 : index
          %get3A_428 = tpu.vector_load %arg6[%get3A_424, %get3A_425, %get3A_426, %get3A_427] {strides = array<i32>} : memref<2x1x400x64xf32, #tpu.memory_space<vmem>>, vector<1x1x1x16xf32>,
          %get3A_429 = vector.shape_cast %get3A_428 : vector<1x1x1x16xf32> to vector<16xf32>
          %add3A_430 = arith.addf %add3A_390, %get3A_429 : vector<16xf32>
          %add3A_431 = arith.constant 8 : i32
          %add3A_432 = arith.addi %mul3A_93, %add3A_431 : i32
          %get3A_433 = arith.constant 1 : i32
          %get3A_434 = arith.index_cast %get3A_433 : i32 to index
          %get3A_435 = arith.index_cast %select_n3A : i32 to index
          %get3A_436 = arith.index_cast %add3A_432 : i32 to index
          %get3A_437 = arith.constant 48 : index
          %get3A_438 = tpu.vector_load %arg6[%get3A_434, %get3A_435, %get3A_436, %get3A_437] {strides = array<i32>} : memref<2x1x400x64xf32, #tpu.memory_space<vmem>>, vector<1x1x1x16xf32>,
          %get3A_439 = vector.shape_cast %get3A_438 : vector<1x1x1x16xf32> to vector<16xf32>
          %add3A_440 = arith.addf %add3A_400, %get3A_439 : vector<16xf32>
          %add3A_441 = arith.constant 9 : i32
          %add3A_442 = arith.addi %mul3A_93, %add3A_441 : i32
          %get3A_443 = arith.constant 1 : i32
          %get3A_444 = arith.index_cast %get3A_443 : i32 to index
          %get3A_445 = arith.index_cast %select_n3A : i32 to index
          %get3A_446 = arith.index_cast %add3A_442 : i32 to index
          %get3A_447 = arith.constant 0 : index
          %get3A_448 = tpu.vector_load %arg6[%get3A_444, %get3A_445, %get3A_446, %get3A_447] {strides = array<i32>} : memref<2x1x400x64xf32, #tpu.memory_space<vmem>>, vector<1x1x1x16xf32>,
          %get3A_449 = vector.shape_cast %get3A_448 : vector<1x1x1x16xf32> to vector<16xf32>
          %add3A_450 = arith.addf %add3A_410, %get3A_449 : vector<16xf32>
          %add3A_451 = arith.constant 9 : i32
          %add3A_452 = arith.addi %mul3A_93, %add3A_451 : i32
          %get3A_453 = arith.constant 1 : i32
          %get3A_454 = arith.index_cast %get3A_453 : i32 to index
          %get3A_455 = arith.index_cast %select_n3A : i32 to index
          %get3A_456 = arith.index_cast %add3A_452 : i32 to index
          %get3A_457 = arith.constant 16 : index
          %get3A_458 = tpu.vector_load %arg6[%get3A_454, %get3A_455, %get3A_456, %get3A_457] {strides = array<i32>} : memref<2x1x400x64xf32, #tpu.memory_space<vmem>>, vector<1x1x1x16xf32>,
          %get3A_459 = vector.shape_cast %get3A_458 : vector<1x1x1x16xf32> to vector<16xf32>
          %add3A_460 = arith.addf %add3A_420, %get3A_459 : vector<16xf32>
          %add3A_461 = arith.constant 9 : i32
          %add3A_462 = arith.addi %mul3A_93, %add3A_461 : i32
          %get3A_463 = arith.constant 1 : i32
          %get3A_464 = arith.index_cast %get3A_463 : i32 to index
          %get3A_465 = arith.index_cast %select_n3A : i32 to index
          %get3A_466 = arith.index_cast %add3A_462 : i32 to index
          %get3A_467 = arith.constant 32 : index
          %get3A_468 = tpu.vector_load %arg6[%get3A_464, %get3A_465, %get3A_466, %get3A_467] {strides = array<i32>} : memref<2x1x400x64xf32, #tpu.memory_space<vmem>>, vector<1x1x1x16xf32>,
          %get3A_469 = vector.shape_cast %get3A_468 : vector<1x1x1x16xf32> to vector<16xf32>
          %add3A_470 = arith.addf %add3A_430, %get3A_469 : vector<16xf32>
          %add3A_471 = arith.constant 9 : i32
          %add3A_472 = arith.addi %mul3A_93, %add3A_471 : i32
          %get3A_473 = arith.constant 1 : i32
          %get3A_474 = arith.index_cast %get3A_473 : i32 to index
          %get3A_475 = arith.index_cast %select_n3A : i32 to index
          %get3A_476 = arith.index_cast %add3A_472 : i32 to index
          %get3A_477 = arith.constant 48 : index
          %get3A_478 = tpu.vector_load %arg6[%get3A_474, %get3A_475, %get3A_476, %get3A_477] {strides = array<i32>} : memref<2x1x400x64xf32, #tpu.memory_space<vmem>>, vector<1x1x1x16xf32>,
          %get3A_479 = vector.shape_cast %get3A_478 : vector<1x1x1x16xf32> to vector<16xf32>
          %add3A_480 = arith.addf %add3A_440, %get3A_479 : vector<16xf32>
          %add3A_481 = arith.constant 10 : i32
          %add3A_482 = arith.addi %mul3A_93, %add3A_481 : i32
          %get3A_483 = arith.constant 1 : i32
          %get3A_484 = arith.index_cast %get3A_483 : i32 to index
          %get3A_485 = arith.index_cast %select_n3A : i32 to index
          %get3A_486 = arith.index_cast %add3A_482 : i32 to index
          %get3A_487 = arith.constant 0 : index
          %get3A_488 = tpu.vector_load %arg6[%get3A_484, %get3A_485, %get3A_486, %get3A_487] {strides = array<i32>} : memref<2x1x400x64xf32, #tpu.memory_space<vmem>>, vector<1x1x1x16xf32>,
          %get3A_489 = vector.shape_cast %get3A_488 : vector<1x1x1x16xf32> to vector<16xf32>
          %add3A_490 = arith.addf %add3A_450, %get3A_489 : vector<16xf32>
          %add3A_491 = arith.constant 10 : i32
          %add3A_492 = arith.addi %mul3A_93, %add3A_491 : i32
          %get3A_493 = arith.constant 1 : i32
          %get3A_494 = arith.index_cast %get3A_493 : i32 to index
          %get3A_495 = arith.index_cast %select_n3A : i32 to index
          %get3A_496 = arith.index_cast %add3A_492 : i32 to index
          %get3A_497 = arith.constant 16 : index
          %get3A_498 = tpu.vector_load %arg6[%get3A_494, %get3A_495, %get3A_496, %get3A_497] {strides = array<i32>} : memref<2x1x400x64xf32, #tpu.memory_space<vmem>>, vector<1x1x1x16xf32>,
          %get3A_499 = vector.shape_cast %get3A_498 : vector<1x1x1x16xf32> to vector<16xf32>
          %add3A_500 = arith.addf %add3A_460, %get3A_499 : vector<16xf32>
          %add3A_501 = arith.constant 10 : i32
          %add3A_502 = arith.addi %mul3A_93, %add3A_501 : i32
          %get3A_503 = arith.constant 1 : i32
          %get3A_504 = arith.index_cast %get3A_503 : i32 to index
          %get3A_505 = arith.index_cast %select_n3A : i32 to index
          %get3A_506 = arith.index_cast %add3A_502 : i32 to index
          %get3A_507 = arith.constant 32 : index
          %get3A_508 = tpu.vector_load %arg6[%get3A_504, %get3A_505, %get3A_506, %get3A_507] {strides = array<i32>} : memref<2x1x400x64xf32, #tpu.memory_space<vmem>>, vector<1x1x1x16xf32>,
          %get3A_509 = vector.shape_cast %get3A_508 : vector<1x1x1x16xf32> to vector<16xf32>
          %add3A_510 = arith.addf %add3A_470, %get3A_509 : vector<16xf32>
          %add3A_511 = arith.constant 10 : i32
          %add3A_512 = arith.addi %mul3A_93, %add3A_511 : i32
          %get3A_513 = arith.constant 1 : i32
          %get3A_514 = arith.index_cast %get3A_513 : i32 to index
          %get3A_515 = arith.index_cast %select_n3A : i32 to index
          %get3A_516 = arith.index_cast %add3A_512 : i32 to index
          %get3A_517 = arith.constant 48 : index
          %get3A_518 = tpu.vector_load %arg6[%get3A_514, %get3A_515, %get3A_516, %get3A_517] {strides = array<i32>} : memref<2x1x400x64xf32, #tpu.memory_space<vmem>>, vector<1x1x1x16xf32>,
          %get3A_519 = vector.shape_cast %get3A_518 : vector<1x1x1x16xf32> to vector<16xf32>
          %add3A_520 = arith.addf %add3A_480, %get3A_519 : vector<16xf32>
          %add3A_521 = arith.constant 11 : i32
          %add3A_522 = arith.addi %mul3A_93, %add3A_521 : i32
          %get3A_523 = arith.constant 1 : i32
          %get3A_524 = arith.index_cast %get3A_523 : i32 to index
          %get3A_525 = arith.index_cast %select_n3A : i32 to index
          %get3A_526 = arith.index_cast %add3A_522 : i32 to index
          %get3A_527 = arith.constant 0 : index
          %get3A_528 = tpu.vector_load %arg6[%get3A_524, %get3A_525, %get3A_526, %get3A_527] {strides = array<i32>} : memref<2x1x400x64xf32, #tpu.memory_space<vmem>>, vector<1x1x1x16xf32>,
          %get3A_529 = vector.shape_cast %get3A_528 : vector<1x1x1x16xf32> to vector<16xf32>
          %add3A_530 = arith.addf %add3A_490, %get3A_529 : vector<16xf32>
          %add3A_531 = arith.constant 11 : i32
          %add3A_532 = arith.addi %mul3A_93, %add3A_531 : i32
          %get3A_533 = arith.constant 1 : i32
          %get3A_534 = arith.index_cast %get3A_533 : i32 to index
          %get3A_535 = arith.index_cast %select_n3A : i32 to index
          %get3A_536 = arith.index_cast %add3A_532 : i32 to index
          %get3A_537 = arith.constant 16 : index
          %get3A_538 = tpu.vector_load %arg6[%get3A_534, %get3A_535, %get3A_536, %get3A_537] {strides = array<i32>} : memref<2x1x400x64xf32, #tpu.memory_space<vmem>>, vector<1x1x1x16xf32>,
          %get3A_539 = vector.shape_cast %get3A_538 : vector<1x1x1x16xf32> to vector<16xf32>
          %add3A_540 = arith.addf %add3A_500, %get3A_539 : vector<16xf32>
          %add3A_541 = arith.constant 11 : i32
          %add3A_542 = arith.addi %mul3A_93, %add3A_541 : i32
          %get3A_543 = arith.constant 1 : i32
          %get3A_544 = arith.index_cast %get3A_543 : i32 to index
          %get3A_545 = arith.index_cast %select_n3A : i32 to index
          %get3A_546 = arith.index_cast %add3A_542 : i32 to index
          %get3A_547 = arith.constant 32 : index
          %get3A_548 = tpu.vector_load %arg6[%get3A_544, %get3A_545, %get3A_546, %get3A_547] {strides = array<i32>} : memref<2x1x400x64xf32, #tpu.memory_space<vmem>>, vector<1x1x1x16xf32>,
          %get3A_549 = vector.shape_cast %get3A_548 : vector<1x1x1x16xf32> to vector<16xf32>
          %add3A_550 = arith.addf %add3A_510, %get3A_549 : vector<16xf32>
          %add3A_551 = arith.constant 11 : i32
          %add3A_552 = arith.addi %mul3A_93, %add3A_551 : i32
          %get3A_553 = arith.constant 1 : i32
          %get3A_554 = arith.index_cast %get3A_553 : i32 to index
          %get3A_555 = arith.index_cast %select_n3A : i32 to index
          %get3A_556 = arith.index_cast %add3A_552 : i32 to index
          %get3A_557 = arith.constant 48 : index
          %get3A_558 = tpu.vector_load %arg6[%get3A_554, %get3A_555, %get3A_556, %get3A_557] {strides = array<i32>} : memref<2x1x400x64xf32, #tpu.memory_space<vmem>>, vector<1x1x1x16xf32>,
          %get3A_559 = vector.shape_cast %get3A_558 : vector<1x1x1x16xf32> to vector<16xf32>
          %add3A_560 = arith.addf %add3A_520, %get3A_559 : vector<16xf32>
          %add3A_561 = arith.constant 12 : i32
          %add3A_562 = arith.addi %mul3A_93, %add3A_561 : i32
          %get3A_563 = arith.constant 1 : i32
          %get3A_564 = arith.index_cast %get3A_563 : i32 to index
          %get3A_565 = arith.index_cast %select_n3A : i32 to index
          %get3A_566 = arith.index_cast %add3A_562 : i32 to index
          %get3A_567 = arith.constant 0 : index
          %get3A_568 = tpu.vector_load %arg6[%get3A_564, %get3A_565, %get3A_566, %get3A_567] {strides = array<i32>} : memref<2x1x400x64xf32, #tpu.memory_space<vmem>>, vector<1x1x1x16xf32>,
          %get3A_569 = vector.shape_cast %get3A_568 : vector<1x1x1x16xf32> to vector<16xf32>
          %add3A_570 = arith.addf %add3A_530, %get3A_569 : vector<16xf32>
          %add3A_571 = arith.constant 12 : i32
          %add3A_572 = arith.addi %mul3A_93, %add3A_571 : i32
          %get3A_573 = arith.constant 1 : i32
          %get3A_574 = arith.index_cast %get3A_573 : i32 to index
          %get3A_575 = arith.index_cast %select_n3A : i32 to index
          %get3A_576 = arith.index_cast %add3A_572 : i32 to index
          %get3A_577 = arith.constant 16 : index
          %get3A_578 = tpu.vector_load %arg6[%get3A_574, %get3A_575, %get3A_576, %get3A_577] {strides = array<i32>} : memref<2x1x400x64xf32, #tpu.memory_space<vmem>>, vector<1x1x1x16xf32>,
          %get3A_579 = vector.shape_cast %get3A_578 : vector<1x1x1x16xf32> to vector<16xf32>
          %add3A_580 = arith.addf %add3A_540, %get3A_579 : vector<16xf32>
          %add3A_581 = arith.constant 12 : i32
          %add3A_582 = arith.addi %mul3A_93, %add3A_581 : i32
          %get3A_583 = arith.constant 1 : i32
          %get3A_584 = arith.index_cast %get3A_583 : i32 to index
          %get3A_585 = arith.index_cast %select_n3A : i32 to index
          %get3A_586 = arith.index_cast %add3A_582 : i32 to index
          %get3A_587 = arith.constant 32 : index
          %get3A_588 = tpu.vector_load %arg6[%get3A_584, %get3A_585, %get3A_586, %get3A_587] {strides = array<i32>} : memref<2x1x400x64xf32, #tpu.memory_space<vmem>>, vector<1x1x1x16xf32>,
          %get3A_589 = vector.shape_cast %get3A_588 : vector<1x1x1x16xf32> to vector<16xf32>
          %add3A_590 = arith.addf %add3A_550, %get3A_589 : vector<16xf32>
          %add3A_591 = arith.constant 12 : i32
          %add3A_592 = arith.addi %mul3A_93, %add3A_591 : i32
          %get3A_593 = arith.constant 1 : i32
          %get3A_594 = arith.index_cast %get3A_593 : i32 to index
          %get3A_595 = arith.index_cast %select_n3A : i32 to index
          %get3A_596 = arith.index_cast %add3A_592 : i32 to index
          %get3A_597 = arith.constant 48 : index
          %get3A_598 = tpu.vector_load %arg6[%get3A_594, %get3A_595, %get3A_596, %get3A_597] {strides = array<i32>} : memref<2x1x400x64xf32, #tpu.memory_space<vmem>>, vector<1x1x1x16xf32>,
          %get3A_599 = vector.shape_cast %get3A_598 : vector<1x1x1x16xf32> to vector<16xf32>
          %add3A_600 = arith.addf %add3A_560, %get3A_599 : vector<16xf32>
          %add3A_601 = arith.constant 13 : i32
          %add3A_602 = arith.addi %mul3A_93, %add3A_601 : i32
          %get3A_603 = arith.constant 1 : i32
          %get3A_604 = arith.index_cast %get3A_603 : i32 to index
          %get3A_605 = arith.index_cast %select_n3A : i32 to index
          %get3A_606 = arith.index_cast %add3A_602 : i32 to index
          %get3A_607 = arith.constant 0 : index
          %get3A_608 = tpu.vector_load %arg6[%get3A_604, %get3A_605, %get3A_606, %get3A_607] {strides = array<i32>} : memref<2x1x400x64xf32, #tpu.memory_space<vmem>>, vector<1x1x1x16xf32>,
          %get3A_609 = vector.shape_cast %get3A_608 : vector<1x1x1x16xf32> to vector<16xf32>
          %add3A_610 = arith.addf %add3A_570, %get3A_609 : vector<16xf32>
          %add3A_611 = arith.constant 13 : i32
          %add3A_612 = arith.addi %mul3A_93, %add3A_611 : i32
          %get3A_613 = arith.constant 1 : i32
          %get3A_614 = arith.index_cast %get3A_613 : i32 to index
          %get3A_615 = arith.index_cast %select_n3A : i32 to index
          %get3A_616 = arith.index_cast %add3A_612 : i32 to index
          %get3A_617 = arith.constant 16 : index
          %get3A_618 = tpu.vector_load %arg6[%get3A_614, %get3A_615, %get3A_616, %get3A_617] {strides = array<i32>} : memref<2x1x400x64xf32, #tpu.memory_space<vmem>>, vector<1x1x1x16xf32>,
          %get3A_619 = vector.shape_cast %get3A_618 : vector<1x1x1x16xf32> to vector<16xf32>
          %add3A_620 = arith.addf %add3A_580, %get3A_619 : vector<16xf32>
          %add3A_621 = arith.constant 13 : i32
          %add3A_622 = arith.addi %mul3A_93, %add3A_621 : i32
          %get3A_623 = arith.constant 1 : i32
          %get3A_624 = arith.index_cast %get3A_623 : i32 to index
          %get3A_625 = arith.index_cast %select_n3A : i32 to index
          %get3A_626 = arith.index_cast %add3A_622 : i32 to index
          %get3A_627 = arith.constant 32 : index
          %get3A_628 = tpu.vector_load %arg6[%get3A_624, %get3A_625, %get3A_626, %get3A_627] {strides = array<i32>} : memref<2x1x400x64xf32, #tpu.memory_space<vmem>>, vector<1x1x1x16xf32>,
          %get3A_629 = vector.shape_cast %get3A_628 : vector<1x1x1x16xf32> to vector<16xf32>
          %add3A_630 = arith.addf %add3A_590, %get3A_629 : vector<16xf32>
          %add3A_631 = arith.constant 13 : i32
          %add3A_632 = arith.addi %mul3A_93, %add3A_631 : i32
          %get3A_633 = arith.constant 1 : i32
          %get3A_634 = arith.index_cast %get3A_633 : i32 to index
          %get3A_635 = arith.index_cast %select_n3A : i32 to index
          %get3A_636 = arith.index_cast %add3A_632 : i32 to index
          %get3A_637 = arith.constant 48 : index
          %get3A_638 = tpu.vector_load %arg6[%get3A_634, %get3A_635, %get3A_636, %get3A_637] {strides = array<i32>} : memref<2x1x400x64xf32, #tpu.memory_space<vmem>>, vector<1x1x1x16xf32>,
          %get3A_639 = vector.shape_cast %get3A_638 : vector<1x1x1x16xf32> to vector<16xf32>
          %add3A_640 = arith.addf %add3A_600, %get3A_639 : vector<16xf32>
          %add3A_641 = arith.constant 14 : i32
          %add3A_642 = arith.addi %mul3A_93, %add3A_641 : i32
          %get3A_643 = arith.constant 1 : i32
          %get3A_644 = arith.index_cast %get3A_643 : i32 to index
          %get3A_645 = arith.index_cast %select_n3A : i32 to index
          %get3A_646 = arith.index_cast %add3A_642 : i32 to index
          %get3A_647 = arith.constant 0 : index
          %get3A_648 = tpu.vector_load %arg6[%get3A_644, %get3A_645, %get3A_646, %get3A_647] {strides = array<i32>} : memref<2x1x400x64xf32, #tpu.memory_space<vmem>>, vector<1x1x1x16xf32>,
          %get3A_649 = vector.shape_cast %get3A_648 : vector<1x1x1x16xf32> to vector<16xf32>
          %add3A_650 = arith.addf %add3A_610, %get3A_649 : vector<16xf32>
          %add3A_651 = arith.constant 14 : i32
          %add3A_652 = arith.addi %mul3A_93, %add3A_651 : i32
          %get3A_653 = arith.constant 1 : i32
          %get3A_654 = arith.index_cast %get3A_653 : i32 to index
          %get3A_655 = arith.index_cast %select_n3A : i32 to index
          %get3A_656 = arith.index_cast %add3A_652 : i32 to index
          %get3A_657 = arith.constant 16 : index
          %get3A_658 = tpu.vector_load %arg6[%get3A_654, %get3A_655, %get3A_656, %get3A_657] {strides = array<i32>} : memref<2x1x400x64xf32, #tpu.memory_space<vmem>>, vector<1x1x1x16xf32>,
          %get3A_659 = vector.shape_cast %get3A_658 : vector<1x1x1x16xf32> to vector<16xf32>
          %add3A_660 = arith.addf %add3A_620, %get3A_659 : vector<16xf32>
          %add3A_661 = arith.constant 14 : i32
          %add3A_662 = arith.addi %mul3A_93, %add3A_661 : i32
          %get3A_663 = arith.constant 1 : i32
          %get3A_664 = arith.index_cast %get3A_663 : i32 to index
          %get3A_665 = arith.index_cast %select_n3A : i32 to index
          %get3A_666 = arith.index_cast %add3A_662 : i32 to index
          %get3A_667 = arith.constant 32 : index
          %get3A_668 = tpu.vector_load %arg6[%get3A_664, %get3A_665, %get3A_666, %get3A_667] {strides = array<i32>} : memref<2x1x400x64xf32, #tpu.memory_space<vmem>>, vector<1x1x1x16xf32>,
          %get3A_669 = vector.shape_cast %get3A_668 : vector<1x1x1x16xf32> to vector<16xf32>
          %add3A_670 = arith.addf %add3A_630, %get3A_669 : vector<16xf32>
          %add3A_671 = arith.constant 14 : i32
          %add3A_672 = arith.addi %mul3A_93, %add3A_671 : i32
          %get3A_673 = arith.constant 1 : i32
          %get3A_674 = arith.index_cast %get3A_673 : i32 to index
          %get3A_675 = arith.index_cast %select_n3A : i32 to index
          %get3A_676 = arith.index_cast %add3A_672 : i32 to index
          %get3A_677 = arith.constant 48 : index
          %get3A_678 = tpu.vector_load %arg6[%get3A_674, %get3A_675, %get3A_676, %get3A_677] {strides = array<i32>} : memref<2x1x400x64xf32, #tpu.memory_space<vmem>>, vector<1x1x1x16xf32>,
          %get3A_679 = vector.shape_cast %get3A_678 : vector<1x1x1x16xf32> to vector<16xf32>
          %add3A_680 = arith.addf %add3A_640, %get3A_679 : vector<16xf32>
          %add3A_681 = arith.constant 15 : i32
          %add3A_682 = arith.addi %mul3A_93, %add3A_681 : i32
          %get3A_683 = arith.constant 1 : i32
          %get3A_684 = arith.index_cast %get3A_683 : i32 to index
          %get3A_685 = arith.index_cast %select_n3A : i32 to index
          %get3A_686 = arith.index_cast %add3A_682 : i32 to index
          %get3A_687 = arith.constant 0 : index
          %get3A_688 = tpu.vector_load %arg6[%get3A_684, %get3A_685, %get3A_686, %get3A_687] {strides = array<i32>} : memref<2x1x400x64xf32, #tpu.memory_space<vmem>>, vector<1x1x1x16xf32>,
          %get3A_689 = vector.shape_cast %get3A_688 : vector<1x1x1x16xf32> to vector<16xf32>
          %add3A_690 = arith.addf %add3A_650, %get3A_689 : vector<16xf32>
          %add3A_691 = arith.constant 15 : i32
          %add3A_692 = arith.addi %mul3A_93, %add3A_691 : i32
          %get3A_693 = arith.constant 1 : i32
          %get3A_694 = arith.index_cast %get3A_693 : i32 to index
          %get3A_695 = arith.index_cast %select_n3A : i32 to index
          %get3A_696 = arith.index_cast %add3A_692 : i32 to index
          %get3A_697 = arith.constant 16 : index
          %get3A_698 = tpu.vector_load %arg6[%get3A_694, %get3A_695, %get3A_696, %get3A_697] {strides = array<i32>} : memref<2x1x400x64xf32, #tpu.memory_space<vmem>>, vector<1x1x1x16xf32>,
          %get3A_699 = vector.shape_cast %get3A_698 : vector<1x1x1x16xf32> to vector<16xf32>
          %add3A_700 = arith.addf %add3A_660, %get3A_699 : vector<16xf32>
          %add3A_701 = arith.constant 15 : i32
          %add3A_702 = arith.addi %mul3A_93, %add3A_701 : i32
          %get3A_703 = arith.constant 1 : i32
          %get3A_704 = arith.index_cast %get3A_703 : i32 to index
          %get3A_705 = arith.index_cast %select_n3A : i32 to index
          %get3A_706 = arith.index_cast %add3A_702 : i32 to index
          %get3A_707 = arith.constant 32 : index
          %get3A_708 = tpu.vector_load %arg6[%get3A_704, %get3A_705, %get3A_706, %get3A_707] {strides = array<i32>} : memref<2x1x400x64xf32, #tpu.memory_space<vmem>>, vector<1x1x1x16xf32>,
          %get3A_709 = vector.shape_cast %get3A_708 : vector<1x1x1x16xf32> to vector<16xf32>
          %add3A_710 = arith.addf %add3A_670, %get3A_709 : vector<16xf32>
          %add3A_711 = arith.constant 15 : i32
          %add3A_712 = arith.addi %mul3A_93, %add3A_711 : i32
          %get3A_713 = arith.constant 1 : i32
          %get3A_714 = arith.index_cast %get3A_713 : i32 to index
          %get3A_715 = arith.index_cast %select_n3A : i32 to index
          %get3A_716 = arith.index_cast %add3A_712 : i32 to index
          %get3A_717 = arith.constant 48 : index
          %get3A_718 = tpu.vector_load %arg6[%get3A_714, %get3A_715, %get3A_716, %get3A_717] {strides = array<i32>} : memref<2x1x400x64xf32, #tpu.memory_space<vmem>>, vector<1x1x1x16xf32>,
          %get3A_719 = vector.shape_cast %get3A_718 : vector<1x1x1x16xf32> to vector<16xf32>
          %add3A_720 = arith.addf %add3A_680, %get3A_719 : vector<16xf32>
          %add3A_721 = arith.constant 16 : i32
          %add3A_722 = arith.addi %mul3A_93, %add3A_721 : i32
          %get3A_723 = arith.constant 1 : i32
          %get3A_724 = arith.index_cast %get3A_723 : i32 to index
          %get3A_725 = arith.index_cast %select_n3A : i32 to index
          %get3A_726 = arith.index_cast %add3A_722 : i32 to index
          %get3A_727 = arith.constant 0 : index
          %get3A_728 = tpu.vector_load %arg6[%get3A_724, %get3A_725, %get3A_726, %get3A_727] {strides = array<i32>} : memref<2x1x400x64xf32, #tpu.memory_space<vmem>>, vector<1x1x1x16xf32>,
          %get3A_729 = vector.shape_cast %get3A_728 : vector<1x1x1x16xf32> to vector<16xf32>
          %add3A_730 = arith.addf %add3A_690, %get3A_729 : vector<16xf32>
          %add3A_731 = arith.constant 16 : i32
          %add3A_732 = arith.addi %mul3A_93, %add3A_731 : i32
          %get3A_733 = arith.constant 1 : i32
          %get3A_734 = arith.index_cast %get3A_733 : i32 to index
          %get3A_735 = arith.index_cast %select_n3A : i32 to index
          %get3A_736 = arith.index_cast %add3A_732 : i32 to index
          %get3A_737 = arith.constant 16 : index
          %get3A_738 = tpu.vector_load %arg6[%get3A_734, %get3A_735, %get3A_736, %get3A_737] {strides = array<i32>} : memref<2x1x400x64xf32, #tpu.memory_space<vmem>>, vector<1x1x1x16xf32>,
          %get3A_739 = vector.shape_cast %get3A_738 : vector<1x1x1x16xf32> to vector<16xf32>
          %add3A_740 = arith.addf %add3A_700, %get3A_739 : vector<16xf32>
          %add3A_741 = arith.constant 16 : i32
          %add3A_742 = arith.addi %mul3A_93, %add3A_741 : i32
          %get3A_743 = arith.constant 1 : i32
          %get3A_744 = arith.index_cast %get3A_743 : i32 to index
          %get3A_745 = arith.index_cast %select_n3A : i32 to index
          %get3A_746 = arith.index_cast %add3A_742 : i32 to index
          %get3A_747 = arith.constant 32 : index
          %get3A_748 = tpu.vector_load %arg6[%get3A_744, %get3A_745, %get3A_746, %get3A_747] {strides = array<i32>} : memref<2x1x400x64xf32, #tpu.memory_space<vmem>>, vector<1x1x1x16xf32>,
          %get3A_749 = vector.shape_cast %get3A_748 : vector<1x1x1x16xf32> to vector<16xf32>
          %add3A_750 = arith.addf %add3A_710, %get3A_749 : vector<16xf32>
          %add3A_751 = arith.constant 16 : i32
          %add3A_752 = arith.addi %mul3A_93, %add3A_751 : i32
          %get3A_753 = arith.constant 1 : i32
          %get3A_754 = arith.index_cast %get3A_753 : i32 to index
          %get3A_755 = arith.index_cast %select_n3A : i32 to index
          %get3A_756 = arith.index_cast %add3A_752 : i32 to index
          %get3A_757 = arith.constant 48 : index
          %get3A_758 = tpu.vector_load %arg6[%get3A_754, %get3A_755, %get3A_756, %get3A_757] {strides = array<i32>} : memref<2x1x400x64xf32, #tpu.memory_space<vmem>>, vector<1x1x1x16xf32>,
          %get3A_759 = vector.shape_cast %get3A_758 : vector<1x1x1x16xf32> to vector<16xf32>
          %add3A_760 = arith.addf %add3A_720, %get3A_759 : vector<16xf32>
          %add3A_761 = arith.constant 17 : i32
          %add3A_762 = arith.addi %mul3A_93, %add3A_761 : i32
          %get3A_763 = arith.constant 1 : i32
          %get3A_764 = arith.index_cast %get3A_763 : i32 to index
          %get3A_765 = arith.index_cast %select_n3A : i32 to index
          %get3A_766 = arith.index_cast %add3A_762 : i32 to index
          %get3A_767 = arith.constant 0 : index
          %get3A_768 = tpu.vector_load %arg6[%get3A_764, %get3A_765, %get3A_766, %get3A_767] {strides = array<i32>} : memref<2x1x400x64xf32, #tpu.memory_space<vmem>>, vector<1x1x1x16xf32>,
          %get3A_769 = vector.shape_cast %get3A_768 : vector<1x1x1x16xf32> to vector<16xf32>
          %add3A_770 = arith.addf %add3A_730, %get3A_769 : vector<16xf32>
          %add3A_771 = arith.constant 17 : i32
          %add3A_772 = arith.addi %mul3A_93, %add3A_771 : i32
          %get3A_773 = arith.constant 1 : i32
          %get3A_774 = arith.index_cast %get3A_773 : i32 to index
          %get3A_775 = arith.index_cast %select_n3A : i32 to index
          %get3A_776 = arith.index_cast %add3A_772 : i32 to index
          %get3A_777 = arith.constant 16 : index
          %get3A_778 = tpu.vector_load %arg6[%get3A_774, %get3A_775, %get3A_776, %get3A_777] {strides = array<i32>} : memref<2x1x400x64xf32, #tpu.memory_space<vmem>>, vector<1x1x1x16xf32>,
          %get3A_779 = vector.shape_cast %get3A_778 : vector<1x1x1x16xf32> to vector<16xf32>
          %add3A_780 = arith.addf %add3A_740, %get3A_779 : vector<16xf32>
          %add3A_781 = arith.constant 17 : i32
          %add3A_782 = arith.addi %mul3A_93, %add3A_781 : i32
          %get3A_783 = arith.constant 1 : i32
          %get3A_784 = arith.index_cast %get3A_783 : i32 to index
          %get3A_785 = arith.index_cast %select_n3A : i32 to index
          %get3A_786 = arith.index_cast %add3A_782 : i32 to index
          %get3A_787 = arith.constant 32 : index
          %get3A_788 = tpu.vector_load %arg6[%get3A_784, %get3A_785, %get3A_786, %get3A_787] {strides = array<i32>} : memref<2x1x400x64xf32, #tpu.memory_space<vmem>>, vector<1x1x1x16xf32>,
          %get3A_789 = vector.shape_cast %get3A_788 : vector<1x1x1x16xf32> to vector<16xf32>
          %add3A_790 = arith.addf %add3A_750, %get3A_789 : vector<16xf32>
          %add3A_791 = arith.constant 17 : i32
          %add3A_792 = arith.addi %mul3A_93, %add3A_791 : i32
          %get3A_793 = arith.constant 1 : i32
          %get3A_794 = arith.index_cast %get3A_793 : i32 to index
          %get3A_795 = arith.index_cast %select_n3A : i32 to index
          %get3A_796 = arith.index_cast %add3A_792 : i32 to index
          %get3A_797 = arith.constant 48 : index
          %get3A_798 = tpu.vector_load %arg6[%get3A_794, %get3A_795, %get3A_796, %get3A_797] {strides = array<i32>} : memref<2x1x400x64xf32, #tpu.memory_space<vmem>>, vector<1x1x1x16xf32>,
          %get3A_799 = vector.shape_cast %get3A_798 : vector<1x1x1x16xf32> to vector<16xf32>
          %add3A_800 = arith.addf %add3A_760, %get3A_799 : vector<16xf32>
          %add3A_801 = arith.constant 18 : i32
          %add3A_802 = arith.addi %mul3A_93, %add3A_801 : i32
          %get3A_803 = arith.constant 1 : i32
          %get3A_804 = arith.index_cast %get3A_803 : i32 to index
          %get3A_805 = arith.index_cast %select_n3A : i32 to index
          %get3A_806 = arith.index_cast %add3A_802 : i32 to index
          %get3A_807 = arith.constant 0 : index
          %get3A_808 = tpu.vector_load %arg6[%get3A_804, %get3A_805, %get3A_806, %get3A_807] {strides = array<i32>} : memref<2x1x400x64xf32, #tpu.memory_space<vmem>>, vector<1x1x1x16xf32>,
          %get3A_809 = vector.shape_cast %get3A_808 : vector<1x1x1x16xf32> to vector<16xf32>
          %add3A_810 = arith.addf %add3A_770, %get3A_809 : vector<16xf32>
          %add3A_811 = arith.constant 18 : i32
          %add3A_812 = arith.addi %mul3A_93, %add3A_811 : i32
          %get3A_813 = arith.constant 1 : i32
          %get3A_814 = arith.index_cast %get3A_813 : i32 to index
          %get3A_815 = arith.index_cast %select_n3A : i32 to index
          %get3A_816 = arith.index_cast %add3A_812 : i32 to index
          %get3A_817 = arith.constant 16 : index
          %get3A_818 = tpu.vector_load %arg6[%get3A_814, %get3A_815, %get3A_816, %get3A_817] {strides = array<i32>} : memref<2x1x400x64xf32, #tpu.memory_space<vmem>>, vector<1x1x1x16xf32>,
          %get3A_819 = vector.shape_cast %get3A_818 : vector<1x1x1x16xf32> to vector<16xf32>
          %add3A_820 = arith.addf %add3A_780, %get3A_819 : vector<16xf32>
          %add3A_821 = arith.constant 18 : i32
          %add3A_822 = arith.addi %mul3A_93, %add3A_821 : i32
          %get3A_823 = arith.constant 1 : i32
          %get3A_824 = arith.index_cast %get3A_823 : i32 to index
          %get3A_825 = arith.index_cast %select_n3A : i32 to index
          %get3A_826 = arith.index_cast %add3A_822 : i32 to index
          %get3A_827 = arith.constant 32 : index
          %get3A_828 = tpu.vector_load %arg6[%get3A_824, %get3A_825, %get3A_826, %get3A_827] {strides = array<i32>} : memref<2x1x400x64xf32, #tpu.memory_space<vmem>>, vector<1x1x1x16xf32>,
          %get3A_829 = vector.shape_cast %get3A_828 : vector<1x1x1x16xf32> to vector<16xf32>
          %add3A_830 = arith.addf %add3A_790, %get3A_829 : vector<16xf32>
          %add3A_831 = arith.constant 18 : i32
          %add3A_832 = arith.addi %mul3A_93, %add3A_831 : i32
          %get3A_833 = arith.constant 1 : i32
          %get3A_834 = arith.index_cast %get3A_833 : i32 to index
          %get3A_835 = arith.index_cast %select_n3A : i32 to index
          %get3A_836 = arith.index_cast %add3A_832 : i32 to index
          %get3A_837 = arith.constant 48 : index
          %get3A_838 = tpu.vector_load %arg6[%get3A_834, %get3A_835, %get3A_836, %get3A_837] {strides = array<i32>} : memref<2x1x400x64xf32, #tpu.memory_space<vmem>>, vector<1x1x1x16xf32>,
          %get3A_839 = vector.shape_cast %get3A_838 : vector<1x1x1x16xf32> to vector<16xf32>
          %add3A_840 = arith.addf %add3A_800, %get3A_839 : vector<16xf32>
          %add3A_841 = arith.constant 19 : i32
          %add3A_842 = arith.addi %mul3A_93, %add3A_841 : i32
          %get3A_843 = arith.constant 1 : i32
          %get3A_844 = arith.index_cast %get3A_843 : i32 to index
          %get3A_845 = arith.index_cast %select_n3A : i32 to index
          %get3A_846 = arith.index_cast %add3A_842 : i32 to index
          %get3A_847 = arith.constant 0 : index
          %get3A_848 = tpu.vector_load %arg6[%get3A_844, %get3A_845, %get3A_846, %get3A_847] {strides = array<i32>} : memref<2x1x400x64xf32, #tpu.memory_space<vmem>>, vector<1x1x1x16xf32>,
          %get3A_849 = vector.shape_cast %get3A_848 : vector<1x1x1x16xf32> to vector<16xf32>
          %add3A_850 = arith.addf %add3A_810, %get3A_849 : vector<16xf32>
          %add3A_851 = arith.constant 19 : i32
          %add3A_852 = arith.addi %mul3A_93, %add3A_851 : i32
          %get3A_853 = arith.constant 1 : i32
          %get3A_854 = arith.index_cast %get3A_853 : i32 to index
          %get3A_855 = arith.index_cast %select_n3A : i32 to index
          %get3A_856 = arith.index_cast %add3A_852 : i32 to index
          %get3A_857 = arith.constant 16 : index
          %get3A_858 = tpu.vector_load %arg6[%get3A_854, %get3A_855, %get3A_856, %get3A_857] {strides = array<i32>} : memref<2x1x400x64xf32, #tpu.memory_space<vmem>>, vector<1x1x1x16xf32>,
          %get3A_859 = vector.shape_cast %get3A_858 : vector<1x1x1x16xf32> to vector<16xf32>
          %add3A_860 = arith.addf %add3A_820, %get3A_859 : vector<16xf32>
          %add3A_861 = arith.constant 19 : i32
          %add3A_862 = arith.addi %mul3A_93, %add3A_861 : i32
          %get3A_863 = arith.constant 1 : i32
          %get3A_864 = arith.index_cast %get3A_863 : i32 to index
          %get3A_865 = arith.index_cast %select_n3A : i32 to index
          %get3A_866 = arith.index_cast %add3A_862 : i32 to index
          %get3A_867 = arith.constant 32 : index
          %get3A_868 = tpu.vector_load %arg6[%get3A_864, %get3A_865, %get3A_866, %get3A_867] {strides = array<i32>} : memref<2x1x400x64xf32, #tpu.memory_space<vmem>>, vector<1x1x1x16xf32>,
          %get3A_869 = vector.shape_cast %get3A_868 : vector<1x1x1x16xf32> to vector<16xf32>
          %add3A_870 = arith.addf %add3A_830, %get3A_869 : vector<16xf32>
          %add3A_871 = arith.constant 19 : i32
          %add3A_872 = arith.addi %mul3A_93, %add3A_871 : i32
          %get3A_873 = arith.constant 1 : i32
          %get3A_874 = arith.index_cast %get3A_873 : i32 to index
          %get3A_875 = arith.index_cast %select_n3A : i32 to index
          %get3A_876 = arith.index_cast %add3A_872 : i32 to index
          %get3A_877 = arith.constant 48 : index
          %get3A_878 = tpu.vector_load %arg6[%get3A_874, %get3A_875, %get3A_876, %get3A_877] {strides = array<i32>} : memref<2x1x400x64xf32, #tpu.memory_space<vmem>>, vector<1x1x1x16xf32>,
          %get3A_879 = vector.shape_cast %get3A_878 : vector<1x1x1x16xf32> to vector<16xf32>
          %add3A_880 = arith.addf %add3A_840, %get3A_879 : vector<16xf32>
          %add3A_881 = arith.constant 20 : i32
          %add3A_882 = arith.addi %mul3A_93, %add3A_881 : i32
          %get3A_883 = arith.constant 1 : i32
          %get3A_884 = arith.index_cast %get3A_883 : i32 to index
          %get3A_885 = arith.index_cast %select_n3A : i32 to index
          %get3A_886 = arith.index_cast %add3A_882 : i32 to index
          %get3A_887 = arith.constant 0 : index
          %get3A_888 = tpu.vector_load %arg6[%get3A_884, %get3A_885, %get3A_886, %get3A_887] {strides = array<i32>} : memref<2x1x400x64xf32, #tpu.memory_space<vmem>>, vector<1x1x1x16xf32>,
          %get3A_889 = vector.shape_cast %get3A_888 : vector<1x1x1x16xf32> to vector<16xf32>
          %add3A_890 = arith.addf %add3A_850, %get3A_889 : vector<16xf32>
          %add3A_891 = arith.constant 20 : i32
          %add3A_892 = arith.addi %mul3A_93, %add3A_891 : i32
          %get3A_893 = arith.constant 1 : i32
          %get3A_894 = arith.index_cast %get3A_893 : i32 to index
          %get3A_895 = arith.index_cast %select_n3A : i32 to index
          %get3A_896 = arith.index_cast %add3A_892 : i32 to index
          %get3A_897 = arith.constant 16 : index
          %get3A_898 = tpu.vector_load %arg6[%get3A_894, %get3A_895, %get3A_896, %get3A_897] {strides = array<i32>} : memref<2x1x400x64xf32, #tpu.memory_space<vmem>>, vector<1x1x1x16xf32>,
          %get3A_899 = vector.shape_cast %get3A_898 : vector<1x1x1x16xf32> to vector<16xf32>
          %add3A_900 = arith.addf %add3A_860, %get3A_899 : vector<16xf32>
          %add3A_901 = arith.constant 20 : i32
          %add3A_902 = arith.addi %mul3A_93, %add3A_901 : i32
          %get3A_903 = arith.constant 1 : i32
          %get3A_904 = arith.index_cast %get3A_903 : i32 to index
          %get3A_905 = arith.index_cast %select_n3A : i32 to index
          %get3A_906 = arith.index_cast %add3A_902 : i32 to index
          %get3A_907 = arith.constant 32 : index
          %get3A_908 = tpu.vector_load %arg6[%get3A_904, %get3A_905, %get3A_906, %get3A_907] {strides = array<i32>} : memref<2x1x400x64xf32, #tpu.memory_space<vmem>>, vector<1x1x1x16xf32>,
          %get3A_909 = vector.shape_cast %get3A_908 : vector<1x1x1x16xf32> to vector<16xf32>
          %add3A_910 = arith.addf %add3A_870, %get3A_909 : vector<16xf32>
          %add3A_911 = arith.constant 20 : i32
          %add3A_912 = arith.addi %mul3A_93, %add3A_911 : i32
          %get3A_913 = arith.constant 1 : i32
          %get3A_914 = arith.index_cast %get3A_913 : i32 to index
          %get3A_915 = arith.index_cast %select_n3A : i32 to index
          %get3A_916 = arith.index_cast %add3A_912 : i32 to index
          %get3A_917 = arith.constant 48 : index
          %get3A_918 = tpu.vector_load %arg6[%get3A_914, %get3A_915, %get3A_916, %get3A_917] {strides = array<i32>} : memref<2x1x400x64xf32, #tpu.memory_space<vmem>>, vector<1x1x1x16xf32>,
          %get3A_919 = vector.shape_cast %get3A_918 : vector<1x1x1x16xf32> to vector<16xf32>
          %add3A_920 = arith.addf %add3A_880, %get3A_919 : vector<16xf32>
          %add3A_921 = arith.constant 21 : i32
          %add3A_922 = arith.addi %mul3A_93, %add3A_921 : i32
          %get3A_923 = arith.constant 1 : i32
          %get3A_924 = arith.index_cast %get3A_923 : i32 to index
          %get3A_925 = arith.index_cast %select_n3A : i32 to index
          %get3A_926 = arith.index_cast %add3A_922 : i32 to index
          %get3A_927 = arith.constant 0 : index
          %get3A_928 = tpu.vector_load %arg6[%get3A_924, %get3A_925, %get3A_926, %get3A_927] {strides = array<i32>} : memref<2x1x400x64xf32, #tpu.memory_space<vmem>>, vector<1x1x1x16xf32>,
          %get3A_929 = vector.shape_cast %get3A_928 : vector<1x1x1x16xf32> to vector<16xf32>
          %add3A_930 = arith.addf %add3A_890, %get3A_929 : vector<16xf32>
          %add3A_931 = arith.constant 21 : i32
          %add3A_932 = arith.addi %mul3A_93, %add3A_931 : i32
          %get3A_933 = arith.constant 1 : i32
          %get3A_934 = arith.index_cast %get3A_933 : i32 to index
          %get3A_935 = arith.index_cast %select_n3A : i32 to index
          %get3A_936 = arith.index_cast %add3A_932 : i32 to index
          %get3A_937 = arith.constant 16 : index
          %get3A_938 = tpu.vector_load %arg6[%get3A_934, %get3A_935, %get3A_936, %get3A_937] {strides = array<i32>} : memref<2x1x400x64xf32, #tpu.memory_space<vmem>>, vector<1x1x1x16xf32>,
          %get3A_939 = vector.shape_cast %get3A_938 : vector<1x1x1x16xf32> to vector<16xf32>
          %add3A_940 = arith.addf %add3A_900, %get3A_939 : vector<16xf32>
          %add3A_941 = arith.constant 21 : i32
          %add3A_942 = arith.addi %mul3A_93, %add3A_941 : i32
          %get3A_943 = arith.constant 1 : i32
          %get3A_944 = arith.index_cast %get3A_943 : i32 to index
          %get3A_945 = arith.index_cast %select_n3A : i32 to index
          %get3A_946 = arith.index_cast %add3A_942 : i32 to index
          %get3A_947 = arith.constant 32 : index
          %get3A_948 = tpu.vector_load %arg6[%get3A_944, %get3A_945, %get3A_946, %get3A_947] {strides = array<i32>} : memref<2x1x400x64xf32, #tpu.memory_space<vmem>>, vector<1x1x1x16xf32>,
          %get3A_949 = vector.shape_cast %get3A_948 : vector<1x1x1x16xf32> to vector<16xf32>
          %add3A_950 = arith.addf %add3A_910, %get3A_949 : vector<16xf32>
          %add3A_951 = arith.constant 21 : i32
          %add3A_952 = arith.addi %mul3A_93, %add3A_951 : i32
          %get3A_953 = arith.constant 1 : i32
          %get3A_954 = arith.index_cast %get3A_953 : i32 to index
          %get3A_955 = arith.index_cast %select_n3A : i32 to index
          %get3A_956 = arith.index_cast %add3A_952 : i32 to index
          %get3A_957 = arith.constant 48 : index
          %get3A_958 = tpu.vector_load %arg6[%get3A_954, %get3A_955, %get3A_956, %get3A_957] {strides = array<i32>} : memref<2x1x400x64xf32, #tpu.memory_space<vmem>>, vector<1x1x1x16xf32>,
          %get3A_959 = vector.shape_cast %get3A_958 : vector<1x1x1x16xf32> to vector<16xf32>
          %add3A_960 = arith.addf %add3A_920, %get3A_959 : vector<16xf32>
          %add3A_961 = arith.constant 22 : i32
          %add3A_962 = arith.addi %mul3A_93, %add3A_961 : i32
          %get3A_963 = arith.constant 1 : i32
          %get3A_964 = arith.index_cast %get3A_963 : i32 to index
          %get3A_965 = arith.index_cast %select_n3A : i32 to index
          %get3A_966 = arith.index_cast %add3A_962 : i32 to index
          %get3A_967 = arith.constant 0 : index
          %get3A_968 = tpu.vector_load %arg6[%get3A_964, %get3A_965, %get3A_966, %get3A_967] {strides = array<i32>} : memref<2x1x400x64xf32, #tpu.memory_space<vmem>>, vector<1x1x1x16xf32>,
          %get3A_969 = vector.shape_cast %get3A_968 : vector<1x1x1x16xf32> to vector<16xf32>
          %add3A_970 = arith.addf %add3A_930, %get3A_969 : vector<16xf32>
          %add3A_971 = arith.constant 22 : i32
          %add3A_972 = arith.addi %mul3A_93, %add3A_971 : i32
          %get3A_973 = arith.constant 1 : i32
          %get3A_974 = arith.index_cast %get3A_973 : i32 to index
          %get3A_975 = arith.index_cast %select_n3A : i32 to index
          %get3A_976 = arith.index_cast %add3A_972 : i32 to index
          %get3A_977 = arith.constant 16 : index
          %get3A_978 = tpu.vector_load %arg6[%get3A_974, %get3A_975, %get3A_976, %get3A_977] {strides = array<i32>} : memref<2x1x400x64xf32, #tpu.memory_space<vmem>>, vector<1x1x1x16xf32>,
          %get3A_979 = vector.shape_cast %get3A_978 : vector<1x1x1x16xf32> to vector<16xf32>
          %add3A_980 = arith.addf %add3A_940, %get3A_979 : vector<16xf32>
          %add3A_981 = arith.constant 22 : i32
          %add3A_982 = arith.addi %mul3A_93, %add3A_981 : i32
          %get3A_983 = arith.constant 1 : i32
          %get3A_984 = arith.index_cast %get3A_983 : i32 to index
          %get3A_985 = arith.index_cast %select_n3A : i32 to index
          %get3A_986 = arith.index_cast %add3A_982 : i32 to index
          %get3A_987 = arith.constant 32 : index
          %get3A_988 = tpu.vector_load %arg6[%get3A_984, %get3A_985, %get3A_986, %get3A_987] {strides = array<i32>} : memref<2x1x400x64xf32, #tpu.memory_space<vmem>>, vector<1x1x1x16xf32>,
          %get3A_989 = vector.shape_cast %get3A_988 : vector<1x1x1x16xf32> to vector<16xf32>
          %add3A_990 = arith.addf %add3A_950, %get3A_989 : vector<16xf32>
          %add3A_991 = arith.constant 22 : i32
          %add3A_992 = arith.addi %mul3A_93, %add3A_991 : i32
          %get3A_993 = arith.constant 1 : i32
          %get3A_994 = arith.index_cast %get3A_993 : i32 to index
          %get3A_995 = arith.index_cast %select_n3A : i32 to index
          %get3A_996 = arith.index_cast %add3A_992 : i32 to index
          %get3A_997 = arith.constant 48 : index
          %get3A_998 = tpu.vector_load %arg6[%get3A_994, %get3A_995, %get3A_996, %get3A_997] {strides = array<i32>} : memref<2x1x400x64xf32, #tpu.memory_space<vmem>>, vector<1x1x1x16xf32>,
          %get3A_999 = vector.shape_cast %get3A_998 : vector<1x1x1x16xf32> to vector<16xf32>
          %add3A_1000 = arith.addf %add3A_960, %get3A_999 : vector<16xf32>
          %add3A_1001 = arith.constant 23 : i32
          %add3A_1002 = arith.addi %mul3A_93, %add3A_1001 : i32
          %get3A_1003 = arith.constant 1 : i32
          %get3A_1004 = arith.index_cast %get3A_1003 : i32 to index
          %get3A_1005 = arith.index_cast %select_n3A : i32 to index
          %get3A_1006 = arith.index_cast %add3A_1002 : i32 to index
          %get3A_1007 = arith.constant 0 : index
          %get3A_1008 = tpu.vector_load %arg6[%get3A_1004, %get3A_1005, %get3A_1006, %get3A_1007] {strides = array<i32>} : memref<2x1x400x64xf32, #tpu.memory_space<vmem>>, vector<1x1x1x16xf32>,
          %get3A_1009 = vector.shape_cast %get3A_1008 : vector<1x1x1x16xf32> to vector<16xf32>
          %add3A_1010 = arith.addf %add3A_970, %get3A_1009 : vector<16xf32>
          %add3A_1011 = arith.constant 23 : i32
          %add3A_1012 = arith.addi %mul3A_93, %add3A_1011 : i32
          %get3A_1013 = arith.constant 1 : i32
          %get3A_1014 = arith.index_cast %get3A_1013 : i32 to index
          %get3A_1015 = arith.index_cast %select_n3A : i32 to index
          %get3A_1016 = arith.index_cast %add3A_1012 : i32 to index
          %get3A_1017 = arith.constant 16 : index
          %get3A_1018 = tpu.vector_load %arg6[%get3A_1014, %get3A_1015, %get3A_1016, %get3A_1017] {strides = array<i32>} : memref<2x1x400x64xf32, #tpu.memory_space<vmem>>, vector<1x1x1x16xf32>,
          %get3A_1019 = vector.shape_cast %get3A_1018 : vector<1x1x1x16xf32> to vector<16xf32>
          %add3A_1020 = arith.addf %add3A_980, %get3A_1019 : vector<16xf32>
          %add3A_1021 = arith.constant 23 : i32
          %add3A_1022 = arith.addi %mul3A_93, %add3A_1021 : i32
          %get3A_1023 = arith.constant 1 : i32
          %get3A_1024 = arith.index_cast %get3A_1023 : i32 to index
          %get3A_1025 = arith.index_cast %select_n3A : i32 to index
          %get3A_1026 = arith.index_cast %add3A_1022 : i32 to index
          %get3A_1027 = arith.constant 32 : index
          %get3A_1028 = tpu.vector_load %arg6[%get3A_1024, %get3A_1025, %get3A_1026, %get3A_1027] {strides = array<i32>} : memref<2x1x400x64xf32, #tpu.memory_space<vmem>>, vector<1x1x1x16xf32>,
          %get3A_1029 = vector.shape_cast %get3A_1028 : vector<1x1x1x16xf32> to vector<16xf32>
          %add3A_1030 = arith.addf %add3A_990, %get3A_1029 : vector<16xf32>
          %add3A_1031 = arith.constant 23 : i32
          %add3A_1032 = arith.addi %mul3A_93, %add3A_1031 : i32
          %get3A_1033 = arith.constant 1 : i32
          %get3A_1034 = arith.index_cast %get3A_1033 : i32 to index
          %get3A_1035 = arith.index_cast %select_n3A : i32 to index
          %get3A_1036 = arith.index_cast %add3A_1032 : i32 to index
          %get3A_1037 = arith.constant 48 : index
          %get3A_1038 = tpu.vector_load %arg6[%get3A_1034, %get3A_1035, %get3A_1036, %get3A_1037] {strides = array<i32>} : memref<2x1x400x64xf32, #tpu.memory_space<vmem>>, vector<1x1x1x16xf32>,
          %get3A_1039 = vector.shape_cast %get3A_1038 : vector<1x1x1x16xf32> to vector<16xf32>
          %add3A_1040 = arith.addf %add3A_1000, %get3A_1039 : vector<16xf32>
          %add3A_1041 = arith.constant 24 : i32
          %add3A_1042 = arith.addi %mul3A_93, %add3A_1041 : i32
          %get3A_1043 = arith.constant 1 : i32
          %get3A_1044 = arith.index_cast %get3A_1043 : i32 to index
          %get3A_1045 = arith.index_cast %select_n3A : i32 to index
          %get3A_1046 = arith.index_cast %add3A_1042 : i32 to index
          %get3A_1047 = arith.constant 0 : index
          %get3A_1048 = tpu.vector_load %arg6[%get3A_1044, %get3A_1045, %get3A_1046, %get3A_1047] {strides = array<i32>} : memref<2x1x400x64xf32, #tpu.memory_space<vmem>>, vector<1x1x1x16xf32>,
          %get3A_1049 = vector.shape_cast %get3A_1048 : vector<1x1x1x16xf32> to vector<16xf32>
          %add3A_1050 = arith.addf %add3A_1010, %get3A_1049 : vector<16xf32>
          %add3A_1051 = arith.constant 24 : i32
          %add3A_1052 = arith.addi %mul3A_93, %add3A_1051 : i32
          %get3A_1053 = arith.constant 1 : i32
          %get3A_1054 = arith.index_cast %get3A_1053 : i32 to index
          %get3A_1055 = arith.index_cast %select_n3A : i32 to index
          %get3A_1056 = arith.index_cast %add3A_1052 : i32 to index
          %get3A_1057 = arith.constant 16 : index
          %get3A_1058 = tpu.vector_load %arg6[%get3A_1054, %get3A_1055, %get3A_1056, %get3A_1057] {strides = array<i32>} : memref<2x1x400x64xf32, #tpu.memory_space<vmem>>, vector<1x1x1x16xf32>,
          %get3A_1059 = vector.shape_cast %get3A_1058 : vector<1x1x1x16xf32> to vector<16xf32>
          %add3A_1060 = arith.addf %add3A_1020, %get3A_1059 : vector<16xf32>
          %add3A_1061 = arith.constant 24 : i32
          %add3A_1062 = arith.addi %mul3A_93, %add3A_1061 : i32
          %get3A_1063 = arith.constant 1 : i32
          %get3A_1064 = arith.index_cast %get3A_1063 : i32 to index
          %get3A_1065 = arith.index_cast %select_n3A : i32 to index
          %get3A_1066 = arith.index_cast %add3A_1062 : i32 to index
          %get3A_1067 = arith.constant 32 : index
          %get3A_1068 = tpu.vector_load %arg6[%get3A_1064, %get3A_1065, %get3A_1066, %get3A_1067] {strides = array<i32>} : memref<2x1x400x64xf32, #tpu.memory_space<vmem>>, vector<1x1x1x16xf32>,
          %get3A_1069 = vector.shape_cast %get3A_1068 : vector<1x1x1x16xf32> to vector<16xf32>
          %add3A_1070 = arith.addf %add3A_1030, %get3A_1069 : vector<16xf32>
          %add3A_1071 = arith.constant 24 : i32
          %add3A_1072 = arith.addi %mul3A_93, %add3A_1071 : i32
          %get3A_1073 = arith.constant 1 : i32
          %get3A_1074 = arith.index_cast %get3A_1073 : i32 to index
          %get3A_1075 = arith.index_cast %select_n3A : i32 to index
          %get3A_1076 = arith.index_cast %add3A_1072 : i32 to index
          %get3A_1077 = arith.constant 48 : index
          %get3A_1078 = tpu.vector_load %arg6[%get3A_1074, %get3A_1075, %get3A_1076, %get3A_1077] {strides = array<i32>} : memref<2x1x400x64xf32, #tpu.memory_space<vmem>>, vector<1x1x1x16xf32>,
          %get3A_1079 = vector.shape_cast %get3A_1078 : vector<1x1x1x16xf32> to vector<16xf32>
          %add3A_1080 = arith.addf %add3A_1040, %get3A_1079 : vector<16xf32>
          %add3A_1081 = arith.constant 25 : i32
          %add3A_1082 = arith.addi %mul3A_93, %add3A_1081 : i32
          %get3A_1083 = arith.constant 1 : i32
          %get3A_1084 = arith.index_cast %get3A_1083 : i32 to index
          %get3A_1085 = arith.index_cast %select_n3A : i32 to index
          %get3A_1086 = arith.index_cast %add3A_1082 : i32 to index
          %get3A_1087 = arith.constant 0 : index
          %get3A_1088 = tpu.vector_load %arg6[%get3A_1084, %get3A_1085, %get3A_1086, %get3A_1087] {strides = array<i32>} : memref<2x1x400x64xf32, #tpu.memory_space<vmem>>, vector<1x1x1x16xf32>,
          %get3A_1089 = vector.shape_cast %get3A_1088 : vector<1x1x1x16xf32> to vector<16xf32>
          %add3A_1090 = arith.addf %add3A_1050, %get3A_1089 : vector<16xf32>
          %add3A_1091 = arith.constant 25 : i32
          %add3A_1092 = arith.addi %mul3A_93, %add3A_1091 : i32
          %get3A_1093 = arith.constant 1 : i32
          %get3A_1094 = arith.index_cast %get3A_1093 : i32 to index
          %get3A_1095 = arith.index_cast %select_n3A : i32 to index
          %get3A_1096 = arith.index_cast %add3A_1092 : i32 to index
          %get3A_1097 = arith.constant 16 : index
          %get3A_1098 = tpu.vector_load %arg6[%get3A_1094, %get3A_1095, %get3A_1096, %get3A_1097] {strides = array<i32>} : memref<2x1x400x64xf32, #tpu.memory_space<vmem>>, vector<1x1x1x16xf32>,
          %get3A_1099 = vector.shape_cast %get3A_1098 : vector<1x1x1x16xf32> to vector<16xf32>
          %add3A_1100 = arith.addf %add3A_1060, %get3A_1099 : vector<16xf32>
          %add3A_1101 = arith.constant 25 : i32
          %add3A_1102 = arith.addi %mul3A_93, %add3A_1101 : i32
          %get3A_1103 = arith.constant 1 : i32
          %get3A_1104 = arith.index_cast %get3A_1103 : i32 to index
          %get3A_1105 = arith.index_cast %select_n3A : i32 to index
          %get3A_1106 = arith.index_cast %add3A_1102 : i32 to index
          %get3A_1107 = arith.constant 32 : index
          %get3A_1108 = tpu.vector_load %arg6[%get3A_1104, %get3A_1105, %get3A_1106, %get3A_1107] {strides = array<i32>} : memref<2x1x400x64xf32, #tpu.memory_space<vmem>>, vector<1x1x1x16xf32>,
          %get3A_1109 = vector.shape_cast %get3A_1108 : vector<1x1x1x16xf32> to vector<16xf32>
          %add3A_1110 = arith.addf %add3A_1070, %get3A_1109 : vector<16xf32>
          %add3A_1111 = arith.constant 25 : i32
          %add3A_1112 = arith.addi %mul3A_93, %add3A_1111 : i32
          %get3A_1113 = arith.constant 1 : i32
          %get3A_1114 = arith.index_cast %get3A_1113 : i32 to index
          %get3A_1115 = arith.index_cast %select_n3A : i32 to index
          %get3A_1116 = arith.index_cast %add3A_1112 : i32 to index
          %get3A_1117 = arith.constant 48 : index
          %get3A_1118 = tpu.vector_load %arg6[%get3A_1114, %get3A_1115, %get3A_1116, %get3A_1117] {strides = array<i32>} : memref<2x1x400x64xf32, #tpu.memory_space<vmem>>, vector<1x1x1x16xf32>,
          %get3A_1119 = vector.shape_cast %get3A_1118 : vector<1x1x1x16xf32> to vector<16xf32>
          %add3A_1120 = arith.addf %add3A_1080, %get3A_1119 : vector<16xf32>
          %add3A_1121 = arith.constant 26 : i32
          %add3A_1122 = arith.addi %mul3A_93, %add3A_1121 : i32
          %get3A_1123 = arith.constant 1 : i32
          %get3A_1124 = arith.index_cast %get3A_1123 : i32 to index
          %get3A_1125 = arith.index_cast %select_n3A : i32 to index
          %get3A_1126 = arith.index_cast %add3A_1122 : i32 to index
          %get3A_1127 = arith.constant 0 : index
          %get3A_1128 = tpu.vector_load %arg6[%get3A_1124, %get3A_1125, %get3A_1126, %get3A_1127] {strides = array<i32>} : memref<2x1x400x64xf32, #tpu.memory_space<vmem>>, vector<1x1x1x16xf32>,
          %get3A_1129 = vector.shape_cast %get3A_1128 : vector<1x1x1x16xf32> to vector<16xf32>
          %add3A_1130 = arith.addf %add3A_1090, %get3A_1129 : vector<16xf32>
          %add3A_1131 = arith.constant 26 : i32
          %add3A_1132 = arith.addi %mul3A_93, %add3A_1131 : i32
          %get3A_1133 = arith.constant 1 : i32
          %get3A_1134 = arith.index_cast %get3A_1133 : i32 to index
          %get3A_1135 = arith.index_cast %select_n3A : i32 to index
          %get3A_1136 = arith.index_cast %add3A_1132 : i32 to index
          %get3A_1137 = arith.constant 16 : index
          %get3A_1138 = tpu.vector_load %arg6[%get3A_1134, %get3A_1135, %get3A_1136, %get3A_1137] {strides = array<i32>} : memref<2x1x400x64xf32, #tpu.memory_space<vmem>>, vector<1x1x1x16xf32>,
          %get3A_1139 = vector.shape_cast %get3A_1138 : vector<1x1x1x16xf32> to vector<16xf32>
          %add3A_1140 = arith.addf %add3A_1100, %get3A_1139 : vector<16xf32>
          %add3A_1141 = arith.constant 26 : i32
          %add3A_1142 = arith.addi %mul3A_93, %add3A_1141 : i32
          %get3A_1143 = arith.constant 1 : i32
          %get3A_1144 = arith.index_cast %get3A_1143 : i32 to index
          %get3A_1145 = arith.index_cast %select_n3A : i32 to index
          %get3A_1146 = arith.index_cast %add3A_1142 : i32 to index
          %get3A_1147 = arith.constant 32 : index
          %get3A_1148 = tpu.vector_load %arg6[%get3A_1144, %get3A_1145, %get3A_1146, %get3A_1147] {strides = array<i32>} : memref<2x1x400x64xf32, #tpu.memory_space<vmem>>, vector<1x1x1x16xf32>,
          %get3A_1149 = vector.shape_cast %get3A_1148 : vector<1x1x1x16xf32> to vector<16xf32>
          %add3A_1150 = arith.addf %add3A_1110, %get3A_1149 : vector<16xf32>
          %add3A_1151 = arith.constant 26 : i32
          %add3A_1152 = arith.addi %mul3A_93, %add3A_1151 : i32
          %get3A_1153 = arith.constant 1 : i32
          %get3A_1154 = arith.index_cast %get3A_1153 : i32 to index
          %get3A_1155 = arith.index_cast %select_n3A : i32 to index
          %get3A_1156 = arith.index_cast %add3A_1152 : i32 to index
          %get3A_1157 = arith.constant 48 : index
          %get3A_1158 = tpu.vector_load %arg6[%get3A_1154, %get3A_1155, %get3A_1156, %get3A_1157] {strides = array<i32>} : memref<2x1x400x64xf32, #tpu.memory_space<vmem>>, vector<1x1x1x16xf32>,
          %get3A_1159 = vector.shape_cast %get3A_1158 : vector<1x1x1x16xf32> to vector<16xf32>
          %add3A_1160 = arith.addf %add3A_1120, %get3A_1159 : vector<16xf32>
          %add3A_1161 = arith.constant 27 : i32
          %add3A_1162 = arith.addi %mul3A_93, %add3A_1161 : i32
          %get3A_1163 = arith.constant 1 : i32
          %get3A_1164 = arith.index_cast %get3A_1163 : i32 to index
          %get3A_1165 = arith.index_cast %select_n3A : i32 to index
          %get3A_1166 = arith.index_cast %add3A_1162 : i32 to index
          %get3A_1167 = arith.constant 0 : index
          %get3A_1168 = tpu.vector_load %arg6[%get3A_1164, %get3A_1165, %get3A_1166, %get3A_1167] {strides = array<i32>} : memref<2x1x400x64xf32, #tpu.memory_space<vmem>>, vector<1x1x1x16xf32>,
          %get3A_1169 = vector.shape_cast %get3A_1168 : vector<1x1x1x16xf32> to vector<16xf32>
          %add3A_1170 = arith.addf %add3A_1130, %get3A_1169 : vector<16xf32>
          %add3A_1171 = arith.constant 27 : i32
          %add3A_1172 = arith.addi %mul3A_93, %add3A_1171 : i32
          %get3A_1173 = arith.constant 1 : i32
          %get3A_1174 = arith.index_cast %get3A_1173 : i32 to index
          %get3A_1175 = arith.index_cast %select_n3A : i32 to index
          %get3A_1176 = arith.index_cast %add3A_1172 : i32 to index
          %get3A_1177 = arith.constant 16 : index
          %get3A_1178 = tpu.vector_load %arg6[%get3A_1174, %get3A_1175, %get3A_1176, %get3A_1177] {strides = array<i32>} : memref<2x1x400x64xf32, #tpu.memory_space<vmem>>, vector<1x1x1x16xf32>,
          %get3A_1179 = vector.shape_cast %get3A_1178 : vector<1x1x1x16xf32> to vector<16xf32>
          %add3A_1180 = arith.addf %add3A_1140, %get3A_1179 : vector<16xf32>
          %add3A_1181 = arith.constant 27 : i32
          %add3A_1182 = arith.addi %mul3A_93, %add3A_1181 : i32
          %get3A_1183 = arith.constant 1 : i32
          %get3A_1184 = arith.index_cast %get3A_1183 : i32 to index
          %get3A_1185 = arith.index_cast %select_n3A : i32 to index
          %get3A_1186 = arith.index_cast %add3A_1182 : i32 to index
          %get3A_1187 = arith.constant 32 : index
          %get3A_1188 = tpu.vector_load %arg6[%get3A_1184, %get3A_1185, %get3A_1186, %get3A_1187] {strides = array<i32>} : memref<2x1x400x64xf32, #tpu.memory_space<vmem>>, vector<1x1x1x16xf32>,
          %get3A_1189 = vector.shape_cast %get3A_1188 : vector<1x1x1x16xf32> to vector<16xf32>
          %add3A_1190 = arith.addf %add3A_1150, %get3A_1189 : vector<16xf32>
          %add3A_1191 = arith.constant 27 : i32
          %add3A_1192 = arith.addi %mul3A_93, %add3A_1191 : i32
          %get3A_1193 = arith.constant 1 : i32
          %get3A_1194 = arith.index_cast %get3A_1193 : i32 to index
          %get3A_1195 = arith.index_cast %select_n3A : i32 to index
          %get3A_1196 = arith.index_cast %add3A_1192 : i32 to index
          %get3A_1197 = arith.constant 48 : index
          %get3A_1198 = tpu.vector_load %arg6[%get3A_1194, %get3A_1195, %get3A_1196, %get3A_1197] {strides = array<i32>} : memref<2x1x400x64xf32, #tpu.memory_space<vmem>>, vector<1x1x1x16xf32>,
          %get3A_1199 = vector.shape_cast %get3A_1198 : vector<1x1x1x16xf32> to vector<16xf32>
          %add3A_1200 = arith.addf %add3A_1160, %get3A_1199 : vector<16xf32>
          %add3A_1201 = arith.constant 28 : i32
          %add3A_1202 = arith.addi %mul3A_93, %add3A_1201 : i32
          %get3A_1203 = arith.constant 1 : i32
          %get3A_1204 = arith.index_cast %get3A_1203 : i32 to index
          %get3A_1205 = arith.index_cast %select_n3A : i32 to index
          %get3A_1206 = arith.index_cast %add3A_1202 : i32 to index
          %get3A_1207 = arith.constant 0 : index
          %get3A_1208 = tpu.vector_load %arg6[%get3A_1204, %get3A_1205, %get3A_1206, %get3A_1207] {strides = array<i32>} : memref<2x1x400x64xf32, #tpu.memory_space<vmem>>, vector<1x1x1x16xf32>,
          %get3A_1209 = vector.shape_cast %get3A_1208 : vector<1x1x1x16xf32> to vector<16xf32>
          %add3A_1210 = arith.addf %add3A_1170, %get3A_1209 : vector<16xf32>
          %add3A_1211 = arith.constant 28 : i32
          %add3A_1212 = arith.addi %mul3A_93, %add3A_1211 : i32
          %get3A_1213 = arith.constant 1 : i32
          %get3A_1214 = arith.index_cast %get3A_1213 : i32 to index
          %get3A_1215 = arith.index_cast %select_n3A : i32 to index
          %get3A_1216 = arith.index_cast %add3A_1212 : i32 to index
          %get3A_1217 = arith.constant 16 : index
          %get3A_1218 = tpu.vector_load %arg6[%get3A_1214, %get3A_1215, %get3A_1216, %get3A_1217] {strides = array<i32>} : memref<2x1x400x64xf32, #tpu.memory_space<vmem>>, vector<1x1x1x16xf32>,
          %get3A_1219 = vector.shape_cast %get3A_1218 : vector<1x1x1x16xf32> to vector<16xf32>
          %add3A_1220 = arith.addf %add3A_1180, %get3A_1219 : vector<16xf32>
          %add3A_1221 = arith.constant 28 : i32
          %add3A_1222 = arith.addi %mul3A_93, %add3A_1221 : i32
          %get3A_1223 = arith.constant 1 : i32
          %get3A_1224 = arith.index_cast %get3A_1223 : i32 to index
          %get3A_1225 = arith.index_cast %select_n3A : i32 to index
          %get3A_1226 = arith.index_cast %add3A_1222 : i32 to index
          %get3A_1227 = arith.constant 32 : index
          %get3A_1228 = tpu.vector_load %arg6[%get3A_1224, %get3A_1225, %get3A_1226, %get3A_1227] {strides = array<i32>} : memref<2x1x400x64xf32, #tpu.memory_space<vmem>>, vector<1x1x1x16xf32>,
          %get3A_1229 = vector.shape_cast %get3A_1228 : vector<1x1x1x16xf32> to vector<16xf32>
          %add3A_1230 = arith.addf %add3A_1190, %get3A_1229 : vector<16xf32>
          %add3A_1231 = arith.constant 28 : i32
          %add3A_1232 = arith.addi %mul3A_93, %add3A_1231 : i32
          %get3A_1233 = arith.constant 1 : i32
          %get3A_1234 = arith.index_cast %get3A_1233 : i32 to index
          %get3A_1235 = arith.index_cast %select_n3A : i32 to index
          %get3A_1236 = arith.index_cast %add3A_1232 : i32 to index
          %get3A_1237 = arith.constant 48 : index
          %get3A_1238 = tpu.vector_load %arg6[%get3A_1234, %get3A_1235, %get3A_1236, %get3A_1237] {strides = array<i32>} : memref<2x1x400x64xf32, #tpu.memory_space<vmem>>, vector<1x1x1x16xf32>,
          %get3A_1239 = vector.shape_cast %get3A_1238 : vector<1x1x1x16xf32> to vector<16xf32>
          %add3A_1240 = arith.addf %add3A_1200, %get3A_1239 : vector<16xf32>
          %add3A_1241 = arith.constant 29 : i32
          %add3A_1242 = arith.addi %mul3A_93, %add3A_1241 : i32
          %get3A_1243 = arith.constant 1 : i32
          %get3A_1244 = arith.index_cast %get3A_1243 : i32 to index
          %get3A_1245 = arith.index_cast %select_n3A : i32 to index
          %get3A_1246 = arith.index_cast %add3A_1242 : i32 to index
          %get3A_1247 = arith.constant 0 : index
          %get3A_1248 = tpu.vector_load %arg6[%get3A_1244, %get3A_1245, %get3A_1246, %get3A_1247] {strides = array<i32>} : memref<2x1x400x64xf32, #tpu.memory_space<vmem>>, vector<1x1x1x16xf32>,
          %get3A_1249 = vector.shape_cast %get3A_1248 : vector<1x1x1x16xf32> to vector<16xf32>
          %add3A_1250 = arith.addf %add3A_1210, %get3A_1249 : vector<16xf32>
          %add3A_1251 = arith.constant 29 : i32
          %add3A_1252 = arith.addi %mul3A_93, %add3A_1251 : i32
          %get3A_1253 = arith.constant 1 : i32
          %get3A_1254 = arith.index_cast %get3A_1253 : i32 to index
          %get3A_1255 = arith.index_cast %select_n3A : i32 to index
          %get3A_1256 = arith.index_cast %add3A_1252 : i32 to index
          %get3A_1257 = arith.constant 16 : index
          %get3A_1258 = tpu.vector_load %arg6[%get3A_1254, %get3A_1255, %get3A_1256, %get3A_1257] {strides = array<i32>} : memref<2x1x400x64xf32, #tpu.memory_space<vmem>>, vector<1x1x1x16xf32>,
          %get3A_1259 = vector.shape_cast %get3A_1258 : vector<1x1x1x16xf32> to vector<16xf32>
          %add3A_1260 = arith.addf %add3A_1220, %get3A_1259 : vector<16xf32>
          %add3A_1261 = arith.constant 29 : i32
          %add3A_1262 = arith.addi %mul3A_93, %add3A_1261 : i32
          %get3A_1263 = arith.constant 1 : i32
          %get3A_1264 = arith.index_cast %get3A_1263 : i32 to index
          %get3A_1265 = arith.index_cast %select_n3A : i32 to index
          %get3A_1266 = arith.index_cast %add3A_1262 : i32 to index
          %get3A_1267 = arith.constant 32 : index
          %get3A_1268 = tpu.vector_load %arg6[%get3A_1264, %get3A_1265, %get3A_1266, %get3A_1267] {strides = array<i32>} : memref<2x1x400x64xf32, #tpu.memory_space<vmem>>, vector<1x1x1x16xf32>,
          %get3A_1269 = vector.shape_cast %get3A_1268 : vector<1x1x1x16xf32> to vector<16xf32>
          %add3A_1270 = arith.addf %add3A_1230, %get3A_1269 : vector<16xf32>
          %add3A_1271 = arith.constant 29 : i32
          %add3A_1272 = arith.addi %mul3A_93, %add3A_1271 : i32
          %get3A_1273 = arith.constant 1 : i32
          %get3A_1274 = arith.index_cast %get3A_1273 : i32 to index
          %get3A_1275 = arith.index_cast %select_n3A : i32 to index
          %get3A_1276 = arith.index_cast %add3A_1272 : i32 to index
          %get3A_1277 = arith.constant 48 : index
          %get3A_1278 = tpu.vector_load %arg6[%get3A_1274, %get3A_1275, %get3A_1276, %get3A_1277] {strides = array<i32>} : memref<2x1x400x64xf32, #tpu.memory_space<vmem>>, vector<1x1x1x16xf32>,
          %get3A_1279 = vector.shape_cast %get3A_1278 : vector<1x1x1x16xf32> to vector<16xf32>
          %add3A_1280 = arith.addf %add3A_1240, %get3A_1279 : vector<16xf32>
          %add3A_1281 = arith.constant 30 : i32
          %add3A_1282 = arith.addi %mul3A_93, %add3A_1281 : i32
          %get3A_1283 = arith.constant 1 : i32
          %get3A_1284 = arith.index_cast %get3A_1283 : i32 to index
          %get3A_1285 = arith.index_cast %select_n3A : i32 to index
          %get3A_1286 = arith.index_cast %add3A_1282 : i32 to index
          %get3A_1287 = arith.constant 0 : index
          %get3A_1288 = tpu.vector_load %arg6[%get3A_1284, %get3A_1285, %get3A_1286, %get3A_1287] {strides = array<i32>} : memref<2x1x400x64xf32, #tpu.memory_space<vmem>>, vector<1x1x1x16xf32>,
          %get3A_1289 = vector.shape_cast %get3A_1288 : vector<1x1x1x16xf32> to vector<16xf32>
          %add3A_1290 = arith.addf %add3A_1250, %get3A_1289 : vector<16xf32>
          %add3A_1291 = arith.constant 30 : i32
          %add3A_1292 = arith.addi %mul3A_93, %add3A_1291 : i32
          %get3A_1293 = arith.constant 1 : i32
          %get3A_1294 = arith.index_cast %get3A_1293 : i32 to index
          %get3A_1295 = arith.index_cast %select_n3A : i32 to index
          %get3A_1296 = arith.index_cast %add3A_1292 : i32 to index
          %get3A_1297 = arith.constant 16 : index
          %get3A_1298 = tpu.vector_load %arg6[%get3A_1294, %get3A_1295, %get3A_1296, %get3A_1297] {strides = array<i32>} : memref<2x1x400x64xf32, #tpu.memory_space<vmem>>, vector<1x1x1x16xf32>,
          %get3A_1299 = vector.shape_cast %get3A_1298 : vector<1x1x1x16xf32> to vector<16xf32>
          %add3A_1300 = arith.addf %add3A_1260, %get3A_1299 : vector<16xf32>
          %add3A_1301 = arith.constant 30 : i32
          %add3A_1302 = arith.addi %mul3A_93, %add3A_1301 : i32
          %get3A_1303 = arith.constant 1 : i32
          %get3A_1304 = arith.index_cast %get3A_1303 : i32 to index
          %get3A_1305 = arith.index_cast %select_n3A : i32 to index
          %get3A_1306 = arith.index_cast %add3A_1302 : i32 to index
          %get3A_1307 = arith.constant 32 : index
          %get3A_1308 = tpu.vector_load %arg6[%get3A_1304, %get3A_1305, %get3A_1306, %get3A_1307] {strides = array<i32>} : memref<2x1x400x64xf32, #tpu.memory_space<vmem>>, vector<1x1x1x16xf32>,
          %get3A_1309 = vector.shape_cast %get3A_1308 : vector<1x1x1x16xf32> to vector<16xf32>
          %add3A_1310 = arith.addf %add3A_1270, %get3A_1309 : vector<16xf32>
          %add3A_1311 = arith.constant 30 : i32
          %add3A_1312 = arith.addi %mul3A_93, %add3A_1311 : i32
          %get3A_1313 = arith.constant 1 : i32
          %get3A_1314 = arith.index_cast %get3A_1313 : i32 to index
          %get3A_1315 = arith.index_cast %select_n3A : i32 to index
          %get3A_1316 = arith.index_cast %add3A_1312 : i32 to index
          %get3A_1317 = arith.constant 48 : index
          %get3A_1318 = tpu.vector_load %arg6[%get3A_1314, %get3A_1315, %get3A_1316, %get3A_1317] {strides = array<i32>} : memref<2x1x400x64xf32, #tpu.memory_space<vmem>>, vector<1x1x1x16xf32>,
          %get3A_1319 = vector.shape_cast %get3A_1318 : vector<1x1x1x16xf32> to vector<16xf32>
          %add3A_1320 = arith.addf %add3A_1280, %get3A_1319 : vector<16xf32>
          %add3A_1321 = arith.constant 31 : i32
          %add3A_1322 = arith.addi %mul3A_93, %add3A_1321 : i32
          %get3A_1323 = arith.constant 1 : i32
          %get3A_1324 = arith.index_cast %get3A_1323 : i32 to index
          %get3A_1325 = arith.index_cast %select_n3A : i32 to index
          %get3A_1326 = arith.index_cast %add3A_1322 : i32 to index
          %get3A_1327 = arith.constant 0 : index
          %get3A_1328 = tpu.vector_load %arg6[%get3A_1324, %get3A_1325, %get3A_1326, %get3A_1327] {strides = array<i32>} : memref<2x1x400x64xf32, #tpu.memory_space<vmem>>, vector<1x1x1x16xf32>,
          %get3A_1329 = vector.shape_cast %get3A_1328 : vector<1x1x1x16xf32> to vector<16xf32>
          %add3A_1330 = arith.addf %add3A_1290, %get3A_1329 : vector<16xf32>
          %add3A_1331 = arith.constant 31 : i32
          %add3A_1332 = arith.addi %mul3A_93, %add3A_1331 : i32
          %get3A_1333 = arith.constant 1 : i32
          %get3A_1334 = arith.index_cast %get3A_1333 : i32 to index
          %get3A_1335 = arith.index_cast %select_n3A : i32 to index
          %get3A_1336 = arith.index_cast %add3A_1332 : i32 to index
          %get3A_1337 = arith.constant 16 : index
          %get3A_1338 = tpu.vector_load %arg6[%get3A_1334, %get3A_1335, %get3A_1336, %get3A_1337] {strides = array<i32>} : memref<2x1x400x64xf32, #tpu.memory_space<vmem>>, vector<1x1x1x16xf32>,
          %get3A_1339 = vector.shape_cast %get3A_1338 : vector<1x1x1x16xf32> to vector<16xf32>
          %add3A_1340 = arith.addf %add3A_1300, %get3A_1339 : vector<16xf32>
          %add3A_1341 = arith.constant 31 : i32
          %add3A_1342 = arith.addi %mul3A_93, %add3A_1341 : i32
          %get3A_1343 = arith.constant 1 : i32
          %get3A_1344 = arith.index_cast %get3A_1343 : i32 to index
          %get3A_1345 = arith.index_cast %select_n3A : i32 to index
          %get3A_1346 = arith.index_cast %add3A_1342 : i32 to index
          %get3A_1347 = arith.constant 32 : index
          %get3A_1348 = tpu.vector_load %arg6[%get3A_1344, %get3A_1345, %get3A_1346, %get3A_1347] {strides = array<i32>} : memref<2x1x400x64xf32, #tpu.memory_space<vmem>>, vector<1x1x1x16xf32>,
          %get3A_1349 = vector.shape_cast %get3A_1348 : vector<1x1x1x16xf32> to vector<16xf32>
          %add3A_1350 = arith.addf %add3A_1310, %get3A_1349 : vector<16xf32>
          %add3A_1351 = arith.constant 31 : i32
          %add3A_1352 = arith.addi %mul3A_93, %add3A_1351 : i32
          %get3A_1353 = arith.constant 1 : i32
          %get3A_1354 = arith.index_cast %get3A_1353 : i32 to index
          %get3A_1355 = arith.index_cast %select_n3A : i32 to index
          %get3A_1356 = arith.index_cast %add3A_1352 : i32 to index
          %get3A_1357 = arith.constant 48 : index
          %get3A_1358 = tpu.vector_load %arg6[%get3A_1354, %get3A_1355, %get3A_1356, %get3A_1357] {strides = array<i32>} : memref<2x1x400x64xf32, #tpu.memory_space<vmem>>, vector<1x1x1x16xf32>,
          %get3A_1359 = vector.shape_cast %get3A_1358 : vector<1x1x1x16xf32> to vector<16xf32>
          %add3A_1360 = arith.addf %add3A_1320, %get3A_1359 : vector<16xf32>
          %add3A_1361 = arith.constant 32 : i32
          %add3A_1362 = arith.addi %mul3A_93, %add3A_1361 : i32
          %get3A_1363 = arith.constant 1 : i32
          %get3A_1364 = arith.index_cast %get3A_1363 : i32 to index
          %get3A_1365 = arith.index_cast %select_n3A : i32 to index
          %get3A_1366 = arith.index_cast %add3A_1362 : i32 to index
          %get3A_1367 = arith.constant 0 : index
          %get3A_1368 = tpu.vector_load %arg6[%get3A_1364, %get3A_1365, %get3A_1366, %get3A_1367] {strides = array<i32>} : memref<2x1x400x64xf32, #tpu.memory_space<vmem>>, vector<1x1x1x16xf32>,
          %get3A_1369 = vector.shape_cast %get3A_1368 : vector<1x1x1x16xf32> to vector<16xf32>
          %add3A_1370 = arith.addf %add3A_1330, %get3A_1369 : vector<16xf32>
          %add3A_1371 = arith.constant 32 : i32
          %add3A_1372 = arith.addi %mul3A_93, %add3A_1371 : i32
          %get3A_1373 = arith.constant 1 : i32
          %get3A_1374 = arith.index_cast %get3A_1373 : i32 to index
          %get3A_1375 = arith.index_cast %select_n3A : i32 to index
          %get3A_1376 = arith.index_cast %add3A_1372 : i32 to index
          %get3A_1377 = arith.constant 16 : index
          %get3A_1378 = tpu.vector_load %arg6[%get3A_1374, %get3A_1375, %get3A_1376, %get3A_1377] {strides = array<i32>} : memref<2x1x400x64xf32, #tpu.memory_space<vmem>>, vector<1x1x1x16xf32>,
          %get3A_1379 = vector.shape_cast %get3A_1378 : vector<1x1x1x16xf32> to vector<16xf32>
          %add3A_1380 = arith.addf %add3A_1340, %get3A_1379 : vector<16xf32>
          %add3A_1381 = arith.constant 32 : i32
          %add3A_1382 = arith.addi %mul3A_93, %add3A_1381 : i32
          %get3A_1383 = arith.constant 1 : i32
          %get3A_1384 = arith.index_cast %get3A_1383 : i32 to index
          %get3A_1385 = arith.index_cast %select_n3A : i32 to index
          %get3A_1386 = arith.index_cast %add3A_1382 : i32 to index
          %get3A_1387 = arith.constant 32 : index
          %get3A_1388 = tpu.vector_load %arg6[%get3A_1384, %get3A_1385, %get3A_1386, %get3A_1387] {strides = array<i32>} : memref<2x1x400x64xf32, #tpu.memory_space<vmem>>, vector<1x1x1x16xf32>,
          %get3A_1389 = vector.shape_cast %get3A_1388 : vector<1x1x1x16xf32> to vector<16xf32>
          %add3A_1390 = arith.addf %add3A_1350, %get3A_1389 : vector<16xf32>
          %add3A_1391 = arith.constant 32 : i32
          %add3A_1392 = arith.addi %mul3A_93, %add3A_1391 : i32
          %get3A_1393 = arith.constant 1 : i32
          %get3A_1394 = arith.index_cast %get3A_1393 : i32 to index
          %get3A_1395 = arith.index_cast %select_n3A : i32 to index
          %get3A_1396 = arith.index_cast %add3A_1392 : i32 to index
          %get3A_1397 = arith.constant 48 : index
          %get3A_1398 = tpu.vector_load %arg6[%get3A_1394, %get3A_1395, %get3A_1396, %get3A_1397] {strides = array<i32>} : memref<2x1x400x64xf32, #tpu.memory_space<vmem>>, vector<1x1x1x16xf32>,
          %get3A_1399 = vector.shape_cast %get3A_1398 : vector<1x1x1x16xf32> to vector<16xf32>
          %add3A_1400 = arith.addf %add3A_1360, %get3A_1399 : vector<16xf32>
          %add3A_1401 = arith.constant 33 : i32
          %add3A_1402 = arith.addi %mul3A_93, %add3A_1401 : i32
          %get3A_1403 = arith.constant 1 : i32
          %get3A_1404 = arith.index_cast %get3A_1403 : i32 to index
          %get3A_1405 = arith.index_cast %select_n3A : i32 to index
          %get3A_1406 = arith.index_cast %add3A_1402 : i32 to index
          %get3A_1407 = arith.constant 0 : index
          %get3A_1408 = tpu.vector_load %arg6[%get3A_1404, %get3A_1405, %get3A_1406, %get3A_1407] {strides = array<i32>} : memref<2x1x400x64xf32, #tpu.memory_space<vmem>>, vector<1x1x1x16xf32>,
          %get3A_1409 = vector.shape_cast %get3A_1408 : vector<1x1x1x16xf32> to vector<16xf32>
          %add3A_1410 = arith.addf %add3A_1370, %get3A_1409 : vector<16xf32>
          %add3A_1411 = arith.constant 33 : i32
          %add3A_1412 = arith.addi %mul3A_93, %add3A_1411 : i32
          %get3A_1413 = arith.constant 1 : i32
          %get3A_1414 = arith.index_cast %get3A_1413 : i32 to index
          %get3A_1415 = arith.index_cast %select_n3A : i32 to index
          %get3A_1416 = arith.index_cast %add3A_1412 : i32 to index
          %get3A_1417 = arith.constant 16 : index
          %get3A_1418 = tpu.vector_load %arg6[%get3A_1414, %get3A_1415, %get3A_1416, %get3A_1417] {strides = array<i32>} : memref<2x1x400x64xf32, #tpu.memory_space<vmem>>, vector<1x1x1x16xf32>,
          %get3A_1419 = vector.shape_cast %get3A_1418 : vector<1x1x1x16xf32> to vector<16xf32>
          %add3A_1420 = arith.addf %add3A_1380, %get3A_1419 : vector<16xf32>
          %add3A_1421 = arith.constant 33 : i32
          %add3A_1422 = arith.addi %mul3A_93, %add3A_1421 : i32
          %get3A_1423 = arith.constant 1 : i32
          %get3A_1424 = arith.index_cast %get3A_1423 : i32 to index
          %get3A_1425 = arith.index_cast %select_n3A : i32 to index
          %get3A_1426 = arith.index_cast %add3A_1422 : i32 to index
          %get3A_1427 = arith.constant 32 : index
          %get3A_1428 = tpu.vector_load %arg6[%get3A_1424, %get3A_1425, %get3A_1426, %get3A_1427] {strides = array<i32>} : memref<2x1x400x64xf32, #tpu.memory_space<vmem>>, vector<1x1x1x16xf32>,
          %get3A_1429 = vector.shape_cast %get3A_1428 : vector<1x1x1x16xf32> to vector<16xf32>
          %add3A_1430 = arith.addf %add3A_1390, %get3A_1429 : vector<16xf32>
          %add3A_1431 = arith.constant 33 : i32
          %add3A_1432 = arith.addi %mul3A_93, %add3A_1431 : i32
          %get3A_1433 = arith.constant 1 : i32
          %get3A_1434 = arith.index_cast %get3A_1433 : i32 to index
          %get3A_1435 = arith.index_cast %select_n3A : i32 to index
          %get3A_1436 = arith.index_cast %add3A_1432 : i32 to index
          %get3A_1437 = arith.constant 48 : index
          %get3A_1438 = tpu.vector_load %arg6[%get3A_1434, %get3A_1435, %get3A_1436, %get3A_1437] {strides = array<i32>} : memref<2x1x400x64xf32, #tpu.memory_space<vmem>>, vector<1x1x1x16xf32>,
          %get3A_1439 = vector.shape_cast %get3A_1438 : vector<1x1x1x16xf32> to vector<16xf32>
          %add3A_1440 = arith.addf %add3A_1400, %get3A_1439 : vector<16xf32>
          %add3A_1441 = arith.constant 34 : i32
          %add3A_1442 = arith.addi %mul3A_93, %add3A_1441 : i32
          %get3A_1443 = arith.constant 1 : i32
          %get3A_1444 = arith.index_cast %get3A_1443 : i32 to index
          %get3A_1445 = arith.index_cast %select_n3A : i32 to index
          %get3A_1446 = arith.index_cast %add3A_1442 : i32 to index
          %get3A_1447 = arith.constant 0 : index
          %get3A_1448 = tpu.vector_load %arg6[%get3A_1444, %get3A_1445, %get3A_1446, %get3A_1447] {strides = array<i32>} : memref<2x1x400x64xf32, #tpu.memory_space<vmem>>, vector<1x1x1x16xf32>,
          %get3A_1449 = vector.shape_cast %get3A_1448 : vector<1x1x1x16xf32> to vector<16xf32>
          %add3A_1450 = arith.addf %add3A_1410, %get3A_1449 : vector<16xf32>
          %add3A_1451 = arith.constant 34 : i32
          %add3A_1452 = arith.addi %mul3A_93, %add3A_1451 : i32
          %get3A_1453 = arith.constant 1 : i32
          %get3A_1454 = arith.index_cast %get3A_1453 : i32 to index
          %get3A_1455 = arith.index_cast %select_n3A : i32 to index
          %get3A_1456 = arith.index_cast %add3A_1452 : i32 to index
          %get3A_1457 = arith.constant 16 : index
          %get3A_1458 = tpu.vector_load %arg6[%get3A_1454, %get3A_1455, %get3A_1456, %get3A_1457] {strides = array<i32>} : memref<2x1x400x64xf32, #tpu.memory_space<vmem>>, vector<1x1x1x16xf32>,
          %get3A_1459 = vector.shape_cast %get3A_1458 : vector<1x1x1x16xf32> to vector<16xf32>
          %add3A_1460 = arith.addf %add3A_1420, %get3A_1459 : vector<16xf32>
          %add3A_1461 = arith.constant 34 : i32
          %add3A_1462 = arith.addi %mul3A_93, %add3A_1461 : i32
          %get3A_1463 = arith.constant 1 : i32
          %get3A_1464 = arith.index_cast %get3A_1463 : i32 to index
          %get3A_1465 = arith.index_cast %select_n3A : i32 to index
          %get3A_1466 = arith.index_cast %add3A_1462 : i32 to index
          %get3A_1467 = arith.constant 32 : index
          %get3A_1468 = tpu.vector_load %arg6[%get3A_1464, %get3A_1465, %get3A_1466, %get3A_1467] {strides = array<i32>} : memref<2x1x400x64xf32, #tpu.memory_space<vmem>>, vector<1x1x1x16xf32>,
          %get3A_1469 = vector.shape_cast %get3A_1468 : vector<1x1x1x16xf32> to vector<16xf32>
          %add3A_1470 = arith.addf %add3A_1430, %get3A_1469 : vector<16xf32>
          %add3A_1471 = arith.constant 34 : i32
          %add3A_1472 = arith.addi %mul3A_93, %add3A_1471 : i32
          %get3A_1473 = arith.constant 1 : i32
          %get3A_1474 = arith.index_cast %get3A_1473 : i32 to index
          %get3A_1475 = arith.index_cast %select_n3A : i32 to index
          %get3A_1476 = arith.index_cast %add3A_1472 : i32 to index
          %get3A_1477 = arith.constant 48 : index
          %get3A_1478 = tpu.vector_load %arg6[%get3A_1474, %get3A_1475, %get3A_1476, %get3A_1477] {strides = array<i32>} : memref<2x1x400x64xf32, #tpu.memory_space<vmem>>, vector<1x1x1x16xf32>,
          %get3A_1479 = vector.shape_cast %get3A_1478 : vector<1x1x1x16xf32> to vector<16xf32>
          %add3A_1480 = arith.addf %add3A_1440, %get3A_1479 : vector<16xf32>
          %add3A_1481 = arith.constant 35 : i32
          %add3A_1482 = arith.addi %mul3A_93, %add3A_1481 : i32
          %get3A_1483 = arith.constant 1 : i32
          %get3A_1484 = arith.index_cast %get3A_1483 : i32 to index
          %get3A_1485 = arith.index_cast %select_n3A : i32 to index
          %get3A_1486 = arith.index_cast %add3A_1482 : i32 to index
          %get3A_1487 = arith.constant 0 : index
          %get3A_1488 = tpu.vector_load %arg6[%get3A_1484, %get3A_1485, %get3A_1486, %get3A_1487] {strides = array<i32>} : memref<2x1x400x64xf32, #tpu.memory_space<vmem>>, vector<1x1x1x16xf32>,
          %get3A_1489 = vector.shape_cast %get3A_1488 : vector<1x1x1x16xf32> to vector<16xf32>
          %add3A_1490 = arith.addf %add3A_1450, %get3A_1489 : vector<16xf32>
          %add3A_1491 = arith.constant 35 : i32
          %add3A_1492 = arith.addi %mul3A_93, %add3A_1491 : i32
          %get3A_1493 = arith.constant 1 : i32
          %get3A_1494 = arith.index_cast %get3A_1493 : i32 to index
          %get3A_1495 = arith.index_cast %select_n3A : i32 to index
          %get3A_1496 = arith.index_cast %add3A_1492 : i32 to index
          %get3A_1497 = arith.constant 16 : index
          %get3A_1498 = tpu.vector_load %arg6[%get3A_1494, %get3A_1495, %get3A_1496, %get3A_1497] {strides = array<i32>} : memref<2x1x400x64xf32, #tpu.memory_space<vmem>>, vector<1x1x1x16xf32>,
          %get3A_1499 = vector.shape_cast %get3A_1498 : vector<1x1x1x16xf32> to vector<16xf32>
          %add3A_1500 = arith.addf %add3A_1460, %get3A_1499 : vector<16xf32>
          %add3A_1501 = arith.constant 35 : i32
          %add3A_1502 = arith.addi %mul3A_93, %add3A_1501 : i32
          %get3A_1503 = arith.constant 1 : i32
          %get3A_1504 = arith.index_cast %get3A_1503 : i32 to index
          %get3A_1505 = arith.index_cast %select_n3A : i32 to index
          %get3A_1506 = arith.index_cast %add3A_1502 : i32 to index
          %get3A_1507 = arith.constant 32 : index
          %get3A_1508 = tpu.vector_load %arg6[%get3A_1504, %get3A_1505, %get3A_1506, %get3A_1507] {strides = array<i32>} : memref<2x1x400x64xf32, #tpu.memory_space<vmem>>, vector<1x1x1x16xf32>,
          %get3A_1509 = vector.shape_cast %get3A_1508 : vector<1x1x1x16xf32> to vector<16xf32>
          %add3A_1510 = arith.addf %add3A_1470, %get3A_1509 : vector<16xf32>
          %add3A_1511 = arith.constant 35 : i32
          %add3A_1512 = arith.addi %mul3A_93, %add3A_1511 : i32
          %get3A_1513 = arith.constant 1 : i32
          %get3A_1514 = arith.index_cast %get3A_1513 : i32 to index
          %get3A_1515 = arith.index_cast %select_n3A : i32 to index
          %get3A_1516 = arith.index_cast %add3A_1512 : i32 to index
          %get3A_1517 = arith.constant 48 : index
          %get3A_1518 = tpu.vector_load %arg6[%get3A_1514, %get3A_1515, %get3A_1516, %get3A_1517] {strides = array<i32>} : memref<2x1x400x64xf32, #tpu.memory_space<vmem>>, vector<1x1x1x16xf32>,
          %get3A_1519 = vector.shape_cast %get3A_1518 : vector<1x1x1x16xf32> to vector<16xf32>
          %add3A_1520 = arith.addf %add3A_1480, %get3A_1519 : vector<16xf32>
          %add3A_1521 = arith.constant 36 : i32
          %add3A_1522 = arith.addi %mul3A_93, %add3A_1521 : i32
          %get3A_1523 = arith.constant 1 : i32
          %get3A_1524 = arith.index_cast %get3A_1523 : i32 to index
          %get3A_1525 = arith.index_cast %select_n3A : i32 to index
          %get3A_1526 = arith.index_cast %add3A_1522 : i32 to index
          %get3A_1527 = arith.constant 0 : index
          %get3A_1528 = tpu.vector_load %arg6[%get3A_1524, %get3A_1525, %get3A_1526, %get3A_1527] {strides = array<i32>} : memref<2x1x400x64xf32, #tpu.memory_space<vmem>>, vector<1x1x1x16xf32>,
          %get3A_1529 = vector.shape_cast %get3A_1528 : vector<1x1x1x16xf32> to vector<16xf32>
          %add3A_1530 = arith.addf %add3A_1490, %get3A_1529 : vector<16xf32>
          %add3A_1531 = arith.constant 36 : i32
          %add3A_1532 = arith.addi %mul3A_93, %add3A_1531 : i32
          %get3A_1533 = arith.constant 1 : i32
          %get3A_1534 = arith.index_cast %get3A_1533 : i32 to index
          %get3A_1535 = arith.index_cast %select_n3A : i32 to index
          %get3A_1536 = arith.index_cast %add3A_1532 : i32 to index
          %get3A_1537 = arith.constant 16 : index
          %get3A_1538 = tpu.vector_load %arg6[%get3A_1534, %get3A_1535, %get3A_1536, %get3A_1537] {strides = array<i32>} : memref<2x1x400x64xf32, #tpu.memory_space<vmem>>, vector<1x1x1x16xf32>,
          %get3A_1539 = vector.shape_cast %get3A_1538 : vector<1x1x1x16xf32> to vector<16xf32>
          %add3A_1540 = arith.addf %add3A_1500, %get3A_1539 : vector<16xf32>
          %add3A_1541 = arith.constant 36 : i32
          %add3A_1542 = arith.addi %mul3A_93, %add3A_1541 : i32
          %get3A_1543 = arith.constant 1 : i32
          %get3A_1544 = arith.index_cast %get3A_1543 : i32 to index
          %get3A_1545 = arith.index_cast %select_n3A : i32 to index
          %get3A_1546 = arith.index_cast %add3A_1542 : i32 to index
          %get3A_1547 = arith.constant 32 : index
          %get3A_1548 = tpu.vector_load %arg6[%get3A_1544, %get3A_1545, %get3A_1546, %get3A_1547] {strides = array<i32>} : memref<2x1x400x64xf32, #tpu.memory_space<vmem>>, vector<1x1x1x16xf32>,
          %get3A_1549 = vector.shape_cast %get3A_1548 : vector<1x1x1x16xf32> to vector<16xf32>
          %add3A_1550 = arith.addf %add3A_1510, %get3A_1549 : vector<16xf32>
          %add3A_1551 = arith.constant 36 : i32
          %add3A_1552 = arith.addi %mul3A_93, %add3A_1551 : i32
          %get3A_1553 = arith.constant 1 : i32
          %get3A_1554 = arith.index_cast %get3A_1553 : i32 to index
          %get3A_1555 = arith.index_cast %select_n3A : i32 to index
          %get3A_1556 = arith.index_cast %add3A_1552 : i32 to index
          %get3A_1557 = arith.constant 48 : index
          %get3A_1558 = tpu.vector_load %arg6[%get3A_1554, %get3A_1555, %get3A_1556, %get3A_1557] {strides = array<i32>} : memref<2x1x400x64xf32, #tpu.memory_space<vmem>>, vector<1x1x1x16xf32>,
          %get3A_1559 = vector.shape_cast %get3A_1558 : vector<1x1x1x16xf32> to vector<16xf32>
          %add3A_1560 = arith.addf %add3A_1520, %get3A_1559 : vector<16xf32>
          %add3A_1561 = arith.constant 37 : i32
          %add3A_1562 = arith.addi %mul3A_93, %add3A_1561 : i32
          %get3A_1563 = arith.constant 1 : i32
          %get3A_1564 = arith.index_cast %get3A_1563 : i32 to index
          %get3A_1565 = arith.index_cast %select_n3A : i32 to index
          %get3A_1566 = arith.index_cast %add3A_1562 : i32 to index
          %get3A_1567 = arith.constant 0 : index
          %get3A_1568 = tpu.vector_load %arg6[%get3A_1564, %get3A_1565, %get3A_1566, %get3A_1567] {strides = array<i32>} : memref<2x1x400x64xf32, #tpu.memory_space<vmem>>, vector<1x1x1x16xf32>,
          %get3A_1569 = vector.shape_cast %get3A_1568 : vector<1x1x1x16xf32> to vector<16xf32>
          %add3A_1570 = arith.addf %add3A_1530, %get3A_1569 : vector<16xf32>
          %add3A_1571 = arith.constant 37 : i32
          %add3A_1572 = arith.addi %mul3A_93, %add3A_1571 : i32
          %get3A_1573 = arith.constant 1 : i32
          %get3A_1574 = arith.index_cast %get3A_1573 : i32 to index
          %get3A_1575 = arith.index_cast %select_n3A : i32 to index
          %get3A_1576 = arith.index_cast %add3A_1572 : i32 to index
          %get3A_1577 = arith.constant 16 : index
          %get3A_1578 = tpu.vector_load %arg6[%get3A_1574, %get3A_1575, %get3A_1576, %get3A_1577] {strides = array<i32>} : memref<2x1x400x64xf32, #tpu.memory_space<vmem>>, vector<1x1x1x16xf32>,
          %get3A_1579 = vector.shape_cast %get3A_1578 : vector<1x1x1x16xf32> to vector<16xf32>
          %add3A_1580 = arith.addf %add3A_1540, %get3A_1579 : vector<16xf32>
          %add3A_1581 = arith.constant 37 : i32
          %add3A_1582 = arith.addi %mul3A_93, %add3A_1581 : i32
          %get3A_1583 = arith.constant 1 : i32
          %get3A_1584 = arith.index_cast %get3A_1583 : i32 to index
          %get3A_1585 = arith.index_cast %select_n3A : i32 to index
          %get3A_1586 = arith.index_cast %add3A_1582 : i32 to index
          %get3A_1587 = arith.constant 32 : index
          %get3A_1588 = tpu.vector_load %arg6[%get3A_1584, %get3A_1585, %get3A_1586, %get3A_1587] {strides = array<i32>} : memref<2x1x400x64xf32, #tpu.memory_space<vmem>>, vector<1x1x1x16xf32>,
          %get3A_1589 = vector.shape_cast %get3A_1588 : vector<1x1x1x16xf32> to vector<16xf32>
          %add3A_1590 = arith.addf %add3A_1550, %get3A_1589 : vector<16xf32>
          %add3A_1591 = arith.constant 37 : i32
          %add3A_1592 = arith.addi %mul3A_93, %add3A_1591 : i32
          %get3A_1593 = arith.constant 1 : i32
          %get3A_1594 = arith.index_cast %get3A_1593 : i32 to index
          %get3A_1595 = arith.index_cast %select_n3A : i32 to index
          %get3A_1596 = arith.index_cast %add3A_1592 : i32 to index
          %get3A_1597 = arith.constant 48 : index
          %get3A_1598 = tpu.vector_load %arg6[%get3A_1594, %get3A_1595, %get3A_1596, %get3A_1597] {strides = array<i32>} : memref<2x1x400x64xf32, #tpu.memory_space<vmem>>, vector<1x1x1x16xf32>,
          %get3A_1599 = vector.shape_cast %get3A_1598 : vector<1x1x1x16xf32> to vector<16xf32>
          %add3A_1600 = arith.addf %add3A_1560, %get3A_1599 : vector<16xf32>
          %add3A_1601 = arith.constant 38 : i32
          %add3A_1602 = arith.addi %mul3A_93, %add3A_1601 : i32
          %get3A_1603 = arith.constant 1 : i32
          %get3A_1604 = arith.index_cast %get3A_1603 : i32 to index
          %get3A_1605 = arith.index_cast %select_n3A : i32 to index
          %get3A_1606 = arith.index_cast %add3A_1602 : i32 to index
          %get3A_1607 = arith.constant 0 : index
          %get3A_1608 = tpu.vector_load %arg6[%get3A_1604, %get3A_1605, %get3A_1606, %get3A_1607] {strides = array<i32>} : memref<2x1x400x64xf32, #tpu.memory_space<vmem>>, vector<1x1x1x16xf32>,
          %get3A_1609 = vector.shape_cast %get3A_1608 : vector<1x1x1x16xf32> to vector<16xf32>
          %add3A_1610 = arith.addf %add3A_1570, %get3A_1609 : vector<16xf32>
          %add3A_1611 = arith.constant 38 : i32
          %add3A_1612 = arith.addi %mul3A_93, %add3A_1611 : i32
          %get3A_1613 = arith.constant 1 : i32
          %get3A_1614 = arith.index_cast %get3A_1613 : i32 to index
          %get3A_1615 = arith.index_cast %select_n3A : i32 to index
          %get3A_1616 = arith.index_cast %add3A_1612 : i32 to index
          %get3A_1617 = arith.constant 16 : index
          %get3A_1618 = tpu.vector_load %arg6[%get3A_1614, %get3A_1615, %get3A_1616, %get3A_1617] {strides = array<i32>} : memref<2x1x400x64xf32, #tpu.memory_space<vmem>>, vector<1x1x1x16xf32>,
          %get3A_1619 = vector.shape_cast %get3A_1618 : vector<1x1x1x16xf32> to vector<16xf32>
          %add3A_1620 = arith.addf %add3A_1580, %get3A_1619 : vector<16xf32>
          %add3A_1621 = arith.constant 38 : i32
          %add3A_1622 = arith.addi %mul3A_93, %add3A_1621 : i32
          %get3A_1623 = arith.constant 1 : i32
          %get3A_1624 = arith.index_cast %get3A_1623 : i32 to index
          %get3A_1625 = arith.index_cast %select_n3A : i32 to index
          %get3A_1626 = arith.index_cast %add3A_1622 : i32 to index
          %get3A_1627 = arith.constant 32 : index
          %get3A_1628 = tpu.vector_load %arg6[%get3A_1624, %get3A_1625, %get3A_1626, %get3A_1627] {strides = array<i32>} : memref<2x1x400x64xf32, #tpu.memory_space<vmem>>, vector<1x1x1x16xf32>,
          %get3A_1629 = vector.shape_cast %get3A_1628 : vector<1x1x1x16xf32> to vector<16xf32>
          %add3A_1630 = arith.addf %add3A_1590, %get3A_1629 : vector<16xf32>
          %add3A_1631 = arith.constant 38 : i32
          %add3A_1632 = arith.addi %mul3A_93, %add3A_1631 : i32
          %get3A_1633 = arith.constant 1 : i32
          %get3A_1634 = arith.index_cast %get3A_1633 : i32 to index
          %get3A_1635 = arith.index_cast %select_n3A : i32 to index
          %get3A_1636 = arith.index_cast %add3A_1632 : i32 to index
          %get3A_1637 = arith.constant 48 : index
          %get3A_1638 = tpu.vector_load %arg6[%get3A_1634, %get3A_1635, %get3A_1636, %get3A_1637] {strides = array<i32>} : memref<2x1x400x64xf32, #tpu.memory_space<vmem>>, vector<1x1x1x16xf32>,
          %get3A_1639 = vector.shape_cast %get3A_1638 : vector<1x1x1x16xf32> to vector<16xf32>
          %add3A_1640 = arith.addf %add3A_1600, %get3A_1639 : vector<16xf32>
          %add3A_1641 = arith.constant 39 : i32
          %add3A_1642 = arith.addi %mul3A_93, %add3A_1641 : i32
          %get3A_1643 = arith.constant 1 : i32
          %get3A_1644 = arith.index_cast %get3A_1643 : i32 to index
          %get3A_1645 = arith.index_cast %select_n3A : i32 to index
          %get3A_1646 = arith.index_cast %add3A_1642 : i32 to index
          %get3A_1647 = arith.constant 0 : index
          %get3A_1648 = tpu.vector_load %arg6[%get3A_1644, %get3A_1645, %get3A_1646, %get3A_1647] {strides = array<i32>} : memref<2x1x400x64xf32, #tpu.memory_space<vmem>>, vector<1x1x1x16xf32>,
          %get3A_1649 = vector.shape_cast %get3A_1648 : vector<1x1x1x16xf32> to vector<16xf32>
          %add3A_1650 = arith.addf %add3A_1610, %get3A_1649 : vector<16xf32>
          %add3A_1651 = arith.constant 39 : i32
          %add3A_1652 = arith.addi %mul3A_93, %add3A_1651 : i32
          %get3A_1653 = arith.constant 1 : i32
          %get3A_1654 = arith.index_cast %get3A_1653 : i32 to index
          %get3A_1655 = arith.index_cast %select_n3A : i32 to index
          %get3A_1656 = arith.index_cast %add3A_1652 : i32 to index
          %get3A_1657 = arith.constant 16 : index
          %get3A_1658 = tpu.vector_load %arg6[%get3A_1654, %get3A_1655, %get3A_1656, %get3A_1657] {strides = array<i32>} : memref<2x1x400x64xf32, #tpu.memory_space<vmem>>, vector<1x1x1x16xf32>,
          %get3A_1659 = vector.shape_cast %get3A_1658 : vector<1x1x1x16xf32> to vector<16xf32>
          %add3A_1660 = arith.addf %add3A_1620, %get3A_1659 : vector<16xf32>
          %add3A_1661 = arith.constant 39 : i32
          %add3A_1662 = arith.addi %mul3A_93, %add3A_1661 : i32
          %get3A_1663 = arith.constant 1 : i32
          %get3A_1664 = arith.index_cast %get3A_1663 : i32 to index
          %get3A_1665 = arith.index_cast %select_n3A : i32 to index
          %get3A_1666 = arith.index_cast %add3A_1662 : i32 to index
          %get3A_1667 = arith.constant 32 : index
          %get3A_1668 = tpu.vector_load %arg6[%get3A_1664, %get3A_1665, %get3A_1666, %get3A_1667] {strides = array<i32>} : memref<2x1x400x64xf32, #tpu.memory_space<vmem>>, vector<1x1x1x16xf32>,
          %get3A_1669 = vector.shape_cast %get3A_1668 : vector<1x1x1x16xf32> to vector<16xf32>
          %add3A_1670 = arith.addf %add3A_1630, %get3A_1669 : vector<16xf32>
          %add3A_1671 = arith.constant 39 : i32
          %add3A_1672 = arith.addi %mul3A_93, %add3A_1671 : i32
          %get3A_1673 = arith.constant 1 : i32
          %get3A_1674 = arith.index_cast %get3A_1673 : i32 to index
          %get3A_1675 = arith.index_cast %select_n3A : i32 to index
          %get3A_1676 = arith.index_cast %add3A_1672 : i32 to index
          %get3A_1677 = arith.constant 48 : index
          %get3A_1678 = tpu.vector_load %arg6[%get3A_1674, %get3A_1675, %get3A_1676, %get3A_1677] {strides = array<i32>} : memref<2x1x400x64xf32, #tpu.memory_space<vmem>>, vector<1x1x1x16xf32>,
          %get3A_1679 = vector.shape_cast %get3A_1678 : vector<1x1x1x16xf32> to vector<16xf32>
          %add3A_1680 = arith.addf %add3A_1640, %get3A_1679 : vector<16xf32>
          %add3A_1681 = arith.constant 40 : i32
          %add3A_1682 = arith.addi %mul3A_93, %add3A_1681 : i32
          %get3A_1683 = arith.constant 1 : i32
          %get3A_1684 = arith.index_cast %get3A_1683 : i32 to index
          %get3A_1685 = arith.index_cast %select_n3A : i32 to index
          %get3A_1686 = arith.index_cast %add3A_1682 : i32 to index
          %get3A_1687 = arith.constant 0 : index
          %get3A_1688 = tpu.vector_load %arg6[%get3A_1684, %get3A_1685, %get3A_1686, %get3A_1687] {strides = array<i32>} : memref<2x1x400x64xf32, #tpu.memory_space<vmem>>, vector<1x1x1x16xf32>,
          %get3A_1689 = vector.shape_cast %get3A_1688 : vector<1x1x1x16xf32> to vector<16xf32>
          %add3A_1690 = arith.addf %add3A_1650, %get3A_1689 : vector<16xf32>
          %add3A_1691 = arith.constant 40 : i32
          %add3A_1692 = arith.addi %mul3A_93, %add3A_1691 : i32
          %get3A_1693 = arith.constant 1 : i32
          %get3A_1694 = arith.index_cast %get3A_1693 : i32 to index
          %get3A_1695 = arith.index_cast %select_n3A : i32 to index
          %get3A_1696 = arith.index_cast %add3A_1692 : i32 to index
          %get3A_1697 = arith.constant 16 : index
          %get3A_1698 = tpu.vector_load %arg6[%get3A_1694, %get3A_1695, %get3A_1696, %get3A_1697] {strides = array<i32>} : memref<2x1x400x64xf32, #tpu.memory_space<vmem>>, vector<1x1x1x16xf32>,
          %get3A_1699 = vector.shape_cast %get3A_1698 : vector<1x1x1x16xf32> to vector<16xf32>
          %add3A_1700 = arith.addf %add3A_1660, %get3A_1699 : vector<16xf32>
          %add3A_1701 = arith.constant 40 : i32
          %add3A_1702 = arith.addi %mul3A_93, %add3A_1701 : i32
          %get3A_1703 = arith.constant 1 : i32
          %get3A_1704 = arith.index_cast %get3A_1703 : i32 to index
          %get3A_1705 = arith.index_cast %select_n3A : i32 to index
          %get3A_1706 = arith.index_cast %add3A_1702 : i32 to index
          %get3A_1707 = arith.constant 32 : index
          %get3A_1708 = tpu.vector_load %arg6[%get3A_1704, %get3A_1705, %get3A_1706, %get3A_1707] {strides = array<i32>} : memref<2x1x400x64xf32, #tpu.memory_space<vmem>>, vector<1x1x1x16xf32>,
          %get3A_1709 = vector.shape_cast %get3A_1708 : vector<1x1x1x16xf32> to vector<16xf32>
          %add3A_1710 = arith.addf %add3A_1670, %get3A_1709 : vector<16xf32>
          %add3A_1711 = arith.constant 40 : i32
          %add3A_1712 = arith.addi %mul3A_93, %add3A_1711 : i32
          %get3A_1713 = arith.constant 1 : i32
          %get3A_1714 = arith.index_cast %get3A_1713 : i32 to index
          %get3A_1715 = arith.index_cast %select_n3A : i32 to index
          %get3A_1716 = arith.index_cast %add3A_1712 : i32 to index
          %get3A_1717 = arith.constant 48 : index
          %get3A_1718 = tpu.vector_load %arg6[%get3A_1714, %get3A_1715, %get3A_1716, %get3A_1717] {strides = array<i32>} : memref<2x1x400x64xf32, #tpu.memory_space<vmem>>, vector<1x1x1x16xf32>,
          %get3A_1719 = vector.shape_cast %get3A_1718 : vector<1x1x1x16xf32> to vector<16xf32>
          %add3A_1720 = arith.addf %add3A_1680, %get3A_1719 : vector<16xf32>
          %add3A_1721 = arith.constant 41 : i32
          %add3A_1722 = arith.addi %mul3A_93, %add3A_1721 : i32
          %get3A_1723 = arith.constant 1 : i32
          %get3A_1724 = arith.index_cast %get3A_1723 : i32 to index
          %get3A_1725 = arith.index_cast %select_n3A : i32 to index
          %get3A_1726 = arith.index_cast %add3A_1722 : i32 to index
          %get3A_1727 = arith.constant 0 : index
          %get3A_1728 = tpu.vector_load %arg6[%get3A_1724, %get3A_1725, %get3A_1726, %get3A_1727] {strides = array<i32>} : memref<2x1x400x64xf32, #tpu.memory_space<vmem>>, vector<1x1x1x16xf32>,
          %get3A_1729 = vector.shape_cast %get3A_1728 : vector<1x1x1x16xf32> to vector<16xf32>
          %add3A_1730 = arith.addf %add3A_1690, %get3A_1729 : vector<16xf32>
          %add3A_1731 = arith.constant 41 : i32
          %add3A_1732 = arith.addi %mul3A_93, %add3A_1731 : i32
          %get3A_1733 = arith.constant 1 : i32
          %get3A_1734 = arith.index_cast %get3A_1733 : i32 to index
          %get3A_1735 = arith.index_cast %select_n3A : i32 to index
          %get3A_1736 = arith.index_cast %add3A_1732 : i32 to index
          %get3A_1737 = arith.constant 16 : index
          %get3A_1738 = tpu.vector_load %arg6[%get3A_1734, %get3A_1735, %get3A_1736, %get3A_1737] {strides = array<i32>} : memref<2x1x400x64xf32, #tpu.memory_space<vmem>>, vector<1x1x1x16xf32>,
          %get3A_1739 = vector.shape_cast %get3A_1738 : vector<1x1x1x16xf32> to vector<16xf32>
          %add3A_1740 = arith.addf %add3A_1700, %get3A_1739 : vector<16xf32>
          %add3A_1741 = arith.constant 41 : i32
          %add3A_1742 = arith.addi %mul3A_93, %add3A_1741 : i32
          %get3A_1743 = arith.constant 1 : i32
          %get3A_1744 = arith.index_cast %get3A_1743 : i32 to index
          %get3A_1745 = arith.index_cast %select_n3A : i32 to index
          %get3A_1746 = arith.index_cast %add3A_1742 : i32 to index
          %get3A_1747 = arith.constant 32 : index
          %get3A_1748 = tpu.vector_load %arg6[%get3A_1744, %get3A_1745, %get3A_1746, %get3A_1747] {strides = array<i32>} : memref<2x1x400x64xf32, #tpu.memory_space<vmem>>, vector<1x1x1x16xf32>,
          %get3A_1749 = vector.shape_cast %get3A_1748 : vector<1x1x1x16xf32> to vector<16xf32>
          %add3A_1750 = arith.addf %add3A_1710, %get3A_1749 : vector<16xf32>
          %add3A_1751 = arith.constant 41 : i32
          %add3A_1752 = arith.addi %mul3A_93, %add3A_1751 : i32
          %get3A_1753 = arith.constant 1 : i32
          %get3A_1754 = arith.index_cast %get3A_1753 : i32 to index
          %get3A_1755 = arith.index_cast %select_n3A : i32 to index
          %get3A_1756 = arith.index_cast %add3A_1752 : i32 to index
          %get3A_1757 = arith.constant 48 : index
          %get3A_1758 = tpu.vector_load %arg6[%get3A_1754, %get3A_1755, %get3A_1756, %get3A_1757] {strides = array<i32>} : memref<2x1x400x64xf32, #tpu.memory_space<vmem>>, vector<1x1x1x16xf32>,
          %get3A_1759 = vector.shape_cast %get3A_1758 : vector<1x1x1x16xf32> to vector<16xf32>
          %add3A_1760 = arith.addf %add3A_1720, %get3A_1759 : vector<16xf32>
          %add3A_1761 = arith.constant 42 : i32
          %add3A_1762 = arith.addi %mul3A_93, %add3A_1761 : i32
          %get3A_1763 = arith.constant 1 : i32
          %get3A_1764 = arith.index_cast %get3A_1763 : i32 to index
          %get3A_1765 = arith.index_cast %select_n3A : i32 to index
          %get3A_1766 = arith.index_cast %add3A_1762 : i32 to index
          %get3A_1767 = arith.constant 0 : index
          %get3A_1768 = tpu.vector_load %arg6[%get3A_1764, %get3A_1765, %get3A_1766, %get3A_1767] {strides = array<i32>} : memref<2x1x400x64xf32, #tpu.memory_space<vmem>>, vector<1x1x1x16xf32>,
          %get3A_1769 = vector.shape_cast %get3A_1768 : vector<1x1x1x16xf32> to vector<16xf32>
          %add3A_1770 = arith.addf %add3A_1730, %get3A_1769 : vector<16xf32>
          %add3A_1771 = arith.constant 42 : i32
          %add3A_1772 = arith.addi %mul3A_93, %add3A_1771 : i32
          %get3A_1773 = arith.constant 1 : i32
          %get3A_1774 = arith.index_cast %get3A_1773 : i32 to index
          %get3A_1775 = arith.index_cast %select_n3A : i32 to index
          %get3A_1776 = arith.index_cast %add3A_1772 : i32 to index
          %get3A_1777 = arith.constant 16 : index
          %get3A_1778 = tpu.vector_load %arg6[%get3A_1774, %get3A_1775, %get3A_1776, %get3A_1777] {strides = array<i32>} : memref<2x1x400x64xf32, #tpu.memory_space<vmem>>, vector<1x1x1x16xf32>,
          %get3A_1779 = vector.shape_cast %get3A_1778 : vector<1x1x1x16xf32> to vector<16xf32>
          %add3A_1780 = arith.addf %add3A_1740, %get3A_1779 : vector<16xf32>
          %add3A_1781 = arith.constant 42 : i32
          %add3A_1782 = arith.addi %mul3A_93, %add3A_1781 : i32
          %get3A_1783 = arith.constant 1 : i32
          %get3A_1784 = arith.index_cast %get3A_1783 : i32 to index
          %get3A_1785 = arith.index_cast %select_n3A : i32 to index
          %get3A_1786 = arith.index_cast %add3A_1782 : i32 to index
          %get3A_1787 = arith.constant 32 : index
          %get3A_1788 = tpu.vector_load %arg6[%get3A_1784, %get3A_1785, %get3A_1786, %get3A_1787] {strides = array<i32>} : memref<2x1x400x64xf32, #tpu.memory_space<vmem>>, vector<1x1x1x16xf32>,
          %get3A_1789 = vector.shape_cast %get3A_1788 : vector<1x1x1x16xf32> to vector<16xf32>
          %add3A_1790 = arith.addf %add3A_1750, %get3A_1789 : vector<16xf32>
          %add3A_1791 = arith.constant 42 : i32
          %add3A_1792 = arith.addi %mul3A_93, %add3A_1791 : i32
          %get3A_1793 = arith.constant 1 : i32
          %get3A_1794 = arith.index_cast %get3A_1793 : i32 to index
          %get3A_1795 = arith.index_cast %select_n3A : i32 to index
          %get3A_1796 = arith.index_cast %add3A_1792 : i32 to index
          %get3A_1797 = arith.constant 48 : index
          %get3A_1798 = tpu.vector_load %arg6[%get3A_1794, %get3A_1795, %get3A_1796, %get3A_1797] {strides = array<i32>} : memref<2x1x400x64xf32, #tpu.memory_space<vmem>>, vector<1x1x1x16xf32>,
          %get3A_1799 = vector.shape_cast %get3A_1798 : vector<1x1x1x16xf32> to vector<16xf32>
          %add3A_1800 = arith.addf %add3A_1760, %get3A_1799 : vector<16xf32>
          %add3A_1801 = arith.constant 43 : i32
          %add3A_1802 = arith.addi %mul3A_93, %add3A_1801 : i32
          %get3A_1803 = arith.constant 1 : i32
          %get3A_1804 = arith.index_cast %get3A_1803 : i32 to index
          %get3A_1805 = arith.index_cast %select_n3A : i32 to index
          %get3A_1806 = arith.index_cast %add3A_1802 : i32 to index
          %get3A_1807 = arith.constant 0 : index
          %get3A_1808 = tpu.vector_load %arg6[%get3A_1804, %get3A_1805, %get3A_1806, %get3A_1807] {strides = array<i32>} : memref<2x1x400x64xf32, #tpu.memory_space<vmem>>, vector<1x1x1x16xf32>,
          %get3A_1809 = vector.shape_cast %get3A_1808 : vector<1x1x1x16xf32> to vector<16xf32>
          %add3A_1810 = arith.addf %add3A_1770, %get3A_1809 : vector<16xf32>
          %add3A_1811 = arith.constant 43 : i32
          %add3A_1812 = arith.addi %mul3A_93, %add3A_1811 : i32
          %get3A_1813 = arith.constant 1 : i32
          %get3A_1814 = arith.index_cast %get3A_1813 : i32 to index
          %get3A_1815 = arith.index_cast %select_n3A : i32 to index
          %get3A_1816 = arith.index_cast %add3A_1812 : i32 to index
          %get3A_1817 = arith.constant 16 : index
          %get3A_1818 = tpu.vector_load %arg6[%get3A_1814, %get3A_1815, %get3A_1816, %get3A_1817] {strides = array<i32>} : memref<2x1x400x64xf32, #tpu.memory_space<vmem>>, vector<1x1x1x16xf32>,
          %get3A_1819 = vector.shape_cast %get3A_1818 : vector<1x1x1x16xf32> to vector<16xf32>
          %add3A_1820 = arith.addf %add3A_1780, %get3A_1819 : vector<16xf32>
          %add3A_1821 = arith.constant 43 : i32
          %add3A_1822 = arith.addi %mul3A_93, %add3A_1821 : i32
          %get3A_1823 = arith.constant 1 : i32
          %get3A_1824 = arith.index_cast %get3A_1823 : i32 to index
          %get3A_1825 = arith.index_cast %select_n3A : i32 to index
          %get3A_1826 = arith.index_cast %add3A_1822 : i32 to index
          %get3A_1827 = arith.constant 32 : index
          %get3A_1828 = tpu.vector_load %arg6[%get3A_1824, %get3A_1825, %get3A_1826, %get3A_1827] {strides = array<i32>} : memref<2x1x400x64xf32, #tpu.memory_space<vmem>>, vector<1x1x1x16xf32>,
          %get3A_1829 = vector.shape_cast %get3A_1828 : vector<1x1x1x16xf32> to vector<16xf32>
          %add3A_1830 = arith.addf %add3A_1790, %get3A_1829 : vector<16xf32>
          %add3A_1831 = arith.constant 43 : i32
          %add3A_1832 = arith.addi %mul3A_93, %add3A_1831 : i32
          %get3A_1833 = arith.constant 1 : i32
          %get3A_1834 = arith.index_cast %get3A_1833 : i32 to index
          %get3A_1835 = arith.index_cast %select_n3A : i32 to index
          %get3A_1836 = arith.index_cast %add3A_1832 : i32 to index
          %get3A_1837 = arith.constant 48 : index
          %get3A_1838 = tpu.vector_load %arg6[%get3A_1834, %get3A_1835, %get3A_1836, %get3A_1837] {strides = array<i32>} : memref<2x1x400x64xf32, #tpu.memory_space<vmem>>, vector<1x1x1x16xf32>,
          %get3A_1839 = vector.shape_cast %get3A_1838 : vector<1x1x1x16xf32> to vector<16xf32>
          %add3A_1840 = arith.addf %add3A_1800, %get3A_1839 : vector<16xf32>
          %add3A_1841 = arith.constant 44 : i32
          %add3A_1842 = arith.addi %mul3A_93, %add3A_1841 : i32
          %get3A_1843 = arith.constant 1 : i32
          %get3A_1844 = arith.index_cast %get3A_1843 : i32 to index
          %get3A_1845 = arith.index_cast %select_n3A : i32 to index
          %get3A_1846 = arith.index_cast %add3A_1842 : i32 to index
          %get3A_1847 = arith.constant 0 : index
          %get3A_1848 = tpu.vector_load %arg6[%get3A_1844, %get3A_1845, %get3A_1846, %get3A_1847] {strides = array<i32>} : memref<2x1x400x64xf32, #tpu.memory_space<vmem>>, vector<1x1x1x16xf32>,
          %get3A_1849 = vector.shape_cast %get3A_1848 : vector<1x1x1x16xf32> to vector<16xf32>
          %add3A_1850 = arith.addf %add3A_1810, %get3A_1849 : vector<16xf32>
          %add3A_1851 = arith.constant 44 : i32
          %add3A_1852 = arith.addi %mul3A_93, %add3A_1851 : i32
          %get3A_1853 = arith.constant 1 : i32
          %get3A_1854 = arith.index_cast %get3A_1853 : i32 to index
          %get3A_1855 = arith.index_cast %select_n3A : i32 to index
          %get3A_1856 = arith.index_cast %add3A_1852 : i32 to index
          %get3A_1857 = arith.constant 16 : index
          %get3A_1858 = tpu.vector_load %arg6[%get3A_1854, %get3A_1855, %get3A_1856, %get3A_1857] {strides = array<i32>} : memref<2x1x400x64xf32, #tpu.memory_space<vmem>>, vector<1x1x1x16xf32>,
          %get3A_1859 = vector.shape_cast %get3A_1858 : vector<1x1x1x16xf32> to vector<16xf32>
          %add3A_1860 = arith.addf %add3A_1820, %get3A_1859 : vector<16xf32>
          %add3A_1861 = arith.constant 44 : i32
          %add3A_1862 = arith.addi %mul3A_93, %add3A_1861 : i32
          %get3A_1863 = arith.constant 1 : i32
          %get3A_1864 = arith.index_cast %get3A_1863 : i32 to index
          %get3A_1865 = arith.index_cast %select_n3A : i32 to index
          %get3A_1866 = arith.index_cast %add3A_1862 : i32 to index
          %get3A_1867 = arith.constant 32 : index
          %get3A_1868 = tpu.vector_load %arg6[%get3A_1864, %get3A_1865, %get3A_1866, %get3A_1867] {strides = array<i32>} : memref<2x1x400x64xf32, #tpu.memory_space<vmem>>, vector<1x1x1x16xf32>,
          %get3A_1869 = vector.shape_cast %get3A_1868 : vector<1x1x1x16xf32> to vector<16xf32>
          %add3A_1870 = arith.addf %add3A_1830, %get3A_1869 : vector<16xf32>
          %add3A_1871 = arith.constant 44 : i32
          %add3A_1872 = arith.addi %mul3A_93, %add3A_1871 : i32
          %get3A_1873 = arith.constant 1 : i32
          %get3A_1874 = arith.index_cast %get3A_1873 : i32 to index
          %get3A_1875 = arith.index_cast %select_n3A : i32 to index
          %get3A_1876 = arith.index_cast %add3A_1872 : i32 to index
          %get3A_1877 = arith.constant 48 : index
          %get3A_1878 = tpu.vector_load %arg6[%get3A_1874, %get3A_1875, %get3A_1876, %get3A_1877] {strides = array<i32>} : memref<2x1x400x64xf32, #tpu.memory_space<vmem>>, vector<1x1x1x16xf32>,
          %get3A_1879 = vector.shape_cast %get3A_1878 : vector<1x1x1x16xf32> to vector<16xf32>
          %add3A_1880 = arith.addf %add3A_1840, %get3A_1879 : vector<16xf32>
          %add3A_1881 = arith.constant 45 : i32
          %add3A_1882 = arith.addi %mul3A_93, %add3A_1881 : i32
          %get3A_1883 = arith.constant 1 : i32
          %get3A_1884 = arith.index_cast %get3A_1883 : i32 to index
          %get3A_1885 = arith.index_cast %select_n3A : i32 to index
          %get3A_1886 = arith.index_cast %add3A_1882 : i32 to index
          %get3A_1887 = arith.constant 0 : index
          %get3A_1888 = tpu.vector_load %arg6[%get3A_1884, %get3A_1885, %get3A_1886, %get3A_1887] {strides = array<i32>} : memref<2x1x400x64xf32, #tpu.memory_space<vmem>>, vector<1x1x1x16xf32>,
          %get3A_1889 = vector.shape_cast %get3A_1888 : vector<1x1x1x16xf32> to vector<16xf32>
          %add3A_1890 = arith.addf %add3A_1850, %get3A_1889 : vector<16xf32>
          %add3A_1891 = arith.constant 45 : i32
          %add3A_1892 = arith.addi %mul3A_93, %add3A_1891 : i32
          %get3A_1893 = arith.constant 1 : i32
          %get3A_1894 = arith.index_cast %get3A_1893 : i32 to index
          %get3A_1895 = arith.index_cast %select_n3A : i32 to index
          %get3A_1896 = arith.index_cast %add3A_1892 : i32 to index
          %get3A_1897 = arith.constant 16 : index
          %get3A_1898 = tpu.vector_load %arg6[%get3A_1894, %get3A_1895, %get3A_1896, %get3A_1897] {strides = array<i32>} : memref<2x1x400x64xf32, #tpu.memory_space<vmem>>, vector<1x1x1x16xf32>,
          %get3A_1899 = vector.shape_cast %get3A_1898 : vector<1x1x1x16xf32> to vector<16xf32>
          %add3A_1900 = arith.addf %add3A_1860, %get3A_1899 : vector<16xf32>
          %add3A_1901 = arith.constant 45 : i32
          %add3A_1902 = arith.addi %mul3A_93, %add3A_1901 : i32
          %get3A_1903 = arith.constant 1 : i32
          %get3A_1904 = arith.index_cast %get3A_1903 : i32 to index
          %get3A_1905 = arith.index_cast %select_n3A : i32 to index
          %get3A_1906 = arith.index_cast %add3A_1902 : i32 to index
          %get3A_1907 = arith.constant 32 : index
          %get3A_1908 = tpu.vector_load %arg6[%get3A_1904, %get3A_1905, %get3A_1906, %get3A_1907] {strides = array<i32>} : memref<2x1x400x64xf32, #tpu.memory_space<vmem>>, vector<1x1x1x16xf32>,
          %get3A_1909 = vector.shape_cast %get3A_1908 : vector<1x1x1x16xf32> to vector<16xf32>
          %add3A_1910 = arith.addf %add3A_1870, %get3A_1909 : vector<16xf32>
          %add3A_1911 = arith.constant 45 : i32
          %add3A_1912 = arith.addi %mul3A_93, %add3A_1911 : i32
          %get3A_1913 = arith.constant 1 : i32
          %get3A_1914 = arith.index_cast %get3A_1913 : i32 to index
          %get3A_1915 = arith.index_cast %select_n3A : i32 to index
          %get3A_1916 = arith.index_cast %add3A_1912 : i32 to index
          %get3A_1917 = arith.constant 48 : index
          %get3A_1918 = tpu.vector_load %arg6[%get3A_1914, %get3A_1915, %get3A_1916, %get3A_1917] {strides = array<i32>} : memref<2x1x400x64xf32, #tpu.memory_space<vmem>>, vector<1x1x1x16xf32>,
          %get3A_1919 = vector.shape_cast %get3A_1918 : vector<1x1x1x16xf32> to vector<16xf32>
          %add3A_1920 = arith.addf %add3A_1880, %get3A_1919 : vector<16xf32>
          %add3A_1921 = arith.constant 46 : i32
          %add3A_1922 = arith.addi %mul3A_93, %add3A_1921 : i32
          %get3A_1923 = arith.constant 1 : i32
          %get3A_1924 = arith.index_cast %get3A_1923 : i32 to index
          %get3A_1925 = arith.index_cast %select_n3A : i32 to index
          %get3A_1926 = arith.index_cast %add3A_1922 : i32 to index
          %get3A_1927 = arith.constant 0 : index
          %get3A_1928 = tpu.vector_load %arg6[%get3A_1924, %get3A_1925, %get3A_1926, %get3A_1927] {strides = array<i32>} : memref<2x1x400x64xf32, #tpu.memory_space<vmem>>, vector<1x1x1x16xf32>,
          %get3A_1929 = vector.shape_cast %get3A_1928 : vector<1x1x1x16xf32> to vector<16xf32>
          %add3A_1930 = arith.addf %add3A_1890, %get3A_1929 : vector<16xf32>
          %add3A_1931 = arith.constant 46 : i32
          %add3A_1932 = arith.addi %mul3A_93, %add3A_1931 : i32
          %get3A_1933 = arith.constant 1 : i32
          %get3A_1934 = arith.index_cast %get3A_1933 : i32 to index
          %get3A_1935 = arith.index_cast %select_n3A : i32 to index
          %get3A_1936 = arith.index_cast %add3A_1932 : i32 to index
          %get3A_1937 = arith.constant 16 : index
          %get3A_1938 = tpu.vector_load %arg6[%get3A_1934, %get3A_1935, %get3A_1936, %get3A_1937] {strides = array<i32>} : memref<2x1x400x64xf32, #tpu.memory_space<vmem>>, vector<1x1x1x16xf32>,
          %get3A_1939 = vector.shape_cast %get3A_1938 : vector<1x1x1x16xf32> to vector<16xf32>
          %add3A_1940 = arith.addf %add3A_1900, %get3A_1939 : vector<16xf32>
          %add3A_1941 = arith.constant 46 : i32
          %add3A_1942 = arith.addi %mul3A_93, %add3A_1941 : i32
          %get3A_1943 = arith.constant 1 : i32
          %get3A_1944 = arith.index_cast %get3A_1943 : i32 to index
          %get3A_1945 = arith.index_cast %select_n3A : i32 to index
          %get3A_1946 = arith.index_cast %add3A_1942 : i32 to index
          %get3A_1947 = arith.constant 32 : index
          %get3A_1948 = tpu.vector_load %arg6[%get3A_1944, %get3A_1945, %get3A_1946, %get3A_1947] {strides = array<i32>} : memref<2x1x400x64xf32, #tpu.memory_space<vmem>>, vector<1x1x1x16xf32>,
          %get3A_1949 = vector.shape_cast %get3A_1948 : vector<1x1x1x16xf32> to vector<16xf32>
          %add3A_1950 = arith.addf %add3A_1910, %get3A_1949 : vector<16xf32>
          %add3A_1951 = arith.constant 46 : i32
          %add3A_1952 = arith.addi %mul3A_93, %add3A_1951 : i32
          %get3A_1953 = arith.constant 1 : i32
          %get3A_1954 = arith.index_cast %get3A_1953 : i32 to index
          %get3A_1955 = arith.index_cast %select_n3A : i32 to index
          %get3A_1956 = arith.index_cast %add3A_1952 : i32 to index
          %get3A_1957 = arith.constant 48 : index
          %get3A_1958 = tpu.vector_load %arg6[%get3A_1954, %get3A_1955, %get3A_1956, %get3A_1957] {strides = array<i32>} : memref<2x1x400x64xf32, #tpu.memory_space<vmem>>, vector<1x1x1x16xf32>,
          %get3A_1959 = vector.shape_cast %get3A_1958 : vector<1x1x1x16xf32> to vector<16xf32>
          %add3A_1960 = arith.addf %add3A_1920, %get3A_1959 : vector<16xf32>
          %add3A_1961 = arith.constant 47 : i32
          %add3A_1962 = arith.addi %mul3A_93, %add3A_1961 : i32
          %get3A_1963 = arith.constant 1 : i32
          %get3A_1964 = arith.index_cast %get3A_1963 : i32 to index
          %get3A_1965 = arith.index_cast %select_n3A : i32 to index
          %get3A_1966 = arith.index_cast %add3A_1962 : i32 to index
          %get3A_1967 = arith.constant 0 : index
          %get3A_1968 = tpu.vector_load %arg6[%get3A_1964, %get3A_1965, %get3A_1966, %get3A_1967] {strides = array<i32>} : memref<2x1x400x64xf32, #tpu.memory_space<vmem>>, vector<1x1x1x16xf32>,
          %get3A_1969 = vector.shape_cast %get3A_1968 : vector<1x1x1x16xf32> to vector<16xf32>
          %add3A_1970 = arith.addf %add3A_1930, %get3A_1969 : vector<16xf32>
          %add3A_1971 = arith.constant 47 : i32
          %add3A_1972 = arith.addi %mul3A_93, %add3A_1971 : i32
          %get3A_1973 = arith.constant 1 : i32
          %get3A_1974 = arith.index_cast %get3A_1973 : i32 to index
          %get3A_1975 = arith.index_cast %select_n3A : i32 to index
          %get3A_1976 = arith.index_cast %add3A_1972 : i32 to index
          %get3A_1977 = arith.constant 16 : index
          %get3A_1978 = tpu.vector_load %arg6[%get3A_1974, %get3A_1975, %get3A_1976, %get3A_1977] {strides = array<i32>} : memref<2x1x400x64xf32, #tpu.memory_space<vmem>>, vector<1x1x1x16xf32>,
          %get3A_1979 = vector.shape_cast %get3A_1978 : vector<1x1x1x16xf32> to vector<16xf32>
          %add3A_1980 = arith.addf %add3A_1940, %get3A_1979 : vector<16xf32>
          %add3A_1981 = arith.constant 47 : i32
          %add3A_1982 = arith.addi %mul3A_93, %add3A_1981 : i32
          %get3A_1983 = arith.constant 1 : i32
          %get3A_1984 = arith.index_cast %get3A_1983 : i32 to index
          %get3A_1985 = arith.index_cast %select_n3A : i32 to index
          %get3A_1986 = arith.index_cast %add3A_1982 : i32 to index
          %get3A_1987 = arith.constant 32 : index
          %get3A_1988 = tpu.vector_load %arg6[%get3A_1984, %get3A_1985, %get3A_1986, %get3A_1987] {strides = array<i32>} : memref<2x1x400x64xf32, #tpu.memory_space<vmem>>, vector<1x1x1x16xf32>,
          %get3A_1989 = vector.shape_cast %get3A_1988 : vector<1x1x1x16xf32> to vector<16xf32>
          %add3A_1990 = arith.addf %add3A_1950, %get3A_1989 : vector<16xf32>
          %add3A_1991 = arith.constant 47 : i32
          %add3A_1992 = arith.addi %mul3A_93, %add3A_1991 : i32
          %get3A_1993 = arith.constant 1 : i32
          %get3A_1994 = arith.index_cast %get3A_1993 : i32 to index
          %get3A_1995 = arith.index_cast %select_n3A : i32 to index
          %get3A_1996 = arith.index_cast %add3A_1992 : i32 to index
          %get3A_1997 = arith.constant 48 : index
          %get3A_1998 = tpu.vector_load %arg6[%get3A_1994, %get3A_1995, %get3A_1996, %get3A_1997] {strides = array<i32>} : memref<2x1x400x64xf32, #tpu.memory_space<vmem>>, vector<1x1x1x16xf32>,
          %get3A_1999 = vector.shape_cast %get3A_1998 : vector<1x1x1x16xf32> to vector<16xf32>
          %add3A_2000 = arith.addf %add3A_1960, %get3A_1999 : vector<16xf32>
          %add3A_2001 = arith.constant 48 : i32
          %add3A_2002 = arith.addi %mul3A_93, %add3A_2001 : i32
          %get3A_2003 = arith.constant 1 : i32
          %get3A_2004 = arith.index_cast %get3A_2003 : i32 to index
          %get3A_2005 = arith.index_cast %select_n3A : i32 to index
          %get3A_2006 = arith.index_cast %add3A_2002 : i32 to index
          %get3A_2007 = arith.constant 0 : index
          %get3A_2008 = tpu.vector_load %arg6[%get3A_2004, %get3A_2005, %get3A_2006, %get3A_2007] {strides = array<i32>} : memref<2x1x400x64xf32, #tpu.memory_space<vmem>>, vector<1x1x1x16xf32>,
          %get3A_2009 = vector.shape_cast %get3A_2008 : vector<1x1x1x16xf32> to vector<16xf32>
          %add3A_2010 = arith.addf %add3A_1970, %get3A_2009 : vector<16xf32>
          %add3A_2011 = arith.constant 48 : i32
          %add3A_2012 = arith.addi %mul3A_93, %add3A_2011 : i32
          %get3A_2013 = arith.constant 1 : i32
          %get3A_2014 = arith.index_cast %get3A_2013 : i32 to index
          %get3A_2015 = arith.index_cast %select_n3A : i32 to index
          %get3A_2016 = arith.index_cast %add3A_2012 : i32 to index
          %get3A_2017 = arith.constant 16 : index
          %get3A_2018 = tpu.vector_load %arg6[%get3A_2014, %get3A_2015, %get3A_2016, %get3A_2017] {strides = array<i32>} : memref<2x1x400x64xf32, #tpu.memory_space<vmem>>, vector<1x1x1x16xf32>,
          %get3A_2019 = vector.shape_cast %get3A_2018 : vector<1x1x1x16xf32> to vector<16xf32>
          %add3A_2020 = arith.addf %add3A_1980, %get3A_2019 : vector<16xf32>
          %add3A_2021 = arith.constant 48 : i32
          %add3A_2022 = arith.addi %mul3A_93, %add3A_2021 : i32
          %get3A_2023 = arith.constant 1 : i32
          %get3A_2024 = arith.index_cast %get3A_2023 : i32 to index
          %get3A_2025 = arith.index_cast %select_n3A : i32 to index
          %get3A_2026 = arith.index_cast %add3A_2022 : i32 to index
          %get3A_2027 = arith.constant 32 : index
          %get3A_2028 = tpu.vector_load %arg6[%get3A_2024, %get3A_2025, %get3A_2026, %get3A_2027] {strides = array<i32>} : memref<2x1x400x64xf32, #tpu.memory_space<vmem>>, vector<1x1x1x16xf32>,
          %get3A_2029 = vector.shape_cast %get3A_2028 : vector<1x1x1x16xf32> to vector<16xf32>
          %add3A_2030 = arith.addf %add3A_1990, %get3A_2029 : vector<16xf32>
          %add3A_2031 = arith.constant 48 : i32
          %add3A_2032 = arith.addi %mul3A_93, %add3A_2031 : i32
          %get3A_2033 = arith.constant 1 : i32
          %get3A_2034 = arith.index_cast %get3A_2033 : i32 to index
          %get3A_2035 = arith.index_cast %select_n3A : i32 to index
          %get3A_2036 = arith.index_cast %add3A_2032 : i32 to index
          %get3A_2037 = arith.constant 48 : index
          %get3A_2038 = tpu.vector_load %arg6[%get3A_2034, %get3A_2035, %get3A_2036, %get3A_2037] {strides = array<i32>} : memref<2x1x400x64xf32, #tpu.memory_space<vmem>>, vector<1x1x1x16xf32>,
          %get3A_2039 = vector.shape_cast %get3A_2038 : vector<1x1x1x16xf32> to vector<16xf32>
          %add3A_2040 = arith.addf %add3A_2000, %get3A_2039 : vector<16xf32>
          %add3A_2041 = arith.constant 49 : i32
          %add3A_2042 = arith.addi %mul3A_93, %add3A_2041 : i32
          %get3A_2043 = arith.constant 1 : i32
          %get3A_2044 = arith.index_cast %get3A_2043 : i32 to index
          %get3A_2045 = arith.index_cast %select_n3A : i32 to index
          %get3A_2046 = arith.index_cast %add3A_2042 : i32 to index
          %get3A_2047 = arith.constant 0 : index
          %get3A_2048 = tpu.vector_load %arg6[%get3A_2044, %get3A_2045, %get3A_2046, %get3A_2047] {strides = array<i32>} : memref<2x1x400x64xf32, #tpu.memory_space<vmem>>, vector<1x1x1x16xf32>,
          %get3A_2049 = vector.shape_cast %get3A_2048 : vector<1x1x1x16xf32> to vector<16xf32>
          %add3A_2050 = arith.addf %add3A_2010, %get3A_2049 : vector<16xf32>
          %add3A_2051 = arith.constant 49 : i32
          %add3A_2052 = arith.addi %mul3A_93, %add3A_2051 : i32
          %get3A_2053 = arith.constant 1 : i32
          %get3A_2054 = arith.index_cast %get3A_2053 : i32 to index
          %get3A_2055 = arith.index_cast %select_n3A : i32 to index
          %get3A_2056 = arith.index_cast %add3A_2052 : i32 to index
          %get3A_2057 = arith.constant 16 : index
          %get3A_2058 = tpu.vector_load %arg6[%get3A_2054, %get3A_2055, %get3A_2056, %get3A_2057] {strides = array<i32>} : memref<2x1x400x64xf32, #tpu.memory_space<vmem>>, vector<1x1x1x16xf32>,
          %get3A_2059 = vector.shape_cast %get3A_2058 : vector<1x1x1x16xf32> to vector<16xf32>
          %add3A_2060 = arith.addf %add3A_2020, %get3A_2059 : vector<16xf32>
          %add3A_2061 = arith.constant 49 : i32
          %add3A_2062 = arith.addi %mul3A_93, %add3A_2061 : i32
          %get3A_2063 = arith.constant 1 : i32
          %get3A_2064 = arith.index_cast %get3A_2063 : i32 to index
          %get3A_2065 = arith.index_cast %select_n3A : i32 to index
          %get3A_2066 = arith.index_cast %add3A_2062 : i32 to index
          %get3A_2067 = arith.constant 32 : index
          %get3A_2068 = tpu.vector_load %arg6[%get3A_2064, %get3A_2065, %get3A_2066, %get3A_2067] {strides = array<i32>} : memref<2x1x400x64xf32, #tpu.memory_space<vmem>>, vector<1x1x1x16xf32>,
          %get3A_2069 = vector.shape_cast %get3A_2068 : vector<1x1x1x16xf32> to vector<16xf32>
          %add3A_2070 = arith.addf %add3A_2030, %get3A_2069 : vector<16xf32>
          %add3A_2071 = arith.constant 49 : i32
          %add3A_2072 = arith.addi %mul3A_93, %add3A_2071 : i32
          %get3A_2073 = arith.constant 1 : i32
          %get3A_2074 = arith.index_cast %get3A_2073 : i32 to index
          %get3A_2075 = arith.index_cast %select_n3A : i32 to index
          %get3A_2076 = arith.index_cast %add3A_2072 : i32 to index
          %get3A_2077 = arith.constant 48 : index
          %get3A_2078 = tpu.vector_load %arg6[%get3A_2074, %get3A_2075, %get3A_2076, %get3A_2077] {strides = array<i32>} : memref<2x1x400x64xf32, #tpu.memory_space<vmem>>, vector<1x1x1x16xf32>,
          %get3A_2079 = vector.shape_cast %get3A_2078 : vector<1x1x1x16xf32> to vector<16xf32>
          %add3A_2080 = arith.addf %add3A_2040, %get3A_2079 : vector<16xf32>
          %mul3A_2081 = arith.constant 8 : i32
          %mul3A_2082 = arith.muli %scan3A_22, %mul3A_2081 : i32
          %add3A_2083 = arith.addi %mul3A_2082, %scan3A_58 : i32
          %mul3A_2084 = arith.constant 2.000000e-02 : f32
          %mul3A_2085 = vector.broadcast %mul3A_2084 : f32 to vector<16xf32>
          %mul3A_2086 = arith.mulf %add3A_2050, %mul3A_2085 : vector<16xf32>
          %swap3A = arith.index_cast %add3A_2083 : i32 to index
          %swap3A_2087 = arith.constant 0 : index
          %swap3A_2088 = tpu.vector_load %arg7[%swap3A, %swap3A_2087] {strides = array<i32>} : memref<512x64xf32, #tpu.memory_space<vmem>>, vector<1x16xf32>,
          %swap3A_2089 = vector.shape_cast %swap3A_2088 : vector<1x16xf32> to vector<16xf32>
          %swap3A_2090 = vector.shape_cast %mul3A_2086 : vector<16xf32> to vector<1x16xf32>
          tpu.vector_store %arg7[%swap3A, %swap3A_2087], %swap3A_2090 {strides = array<i32>} : memref<512x64xf32, #tpu.memory_space<vmem>>, vector<1x16xf32>,
          %mul3A_2091 = arith.constant 2.000000e-02 : f32
          %mul3A_2092 = vector.broadcast %mul3A_2091 : f32 to vector<16xf32>
          %mul3A_2093 = arith.mulf %add3A_2060, %mul3A_2092 : vector<16xf32>
          %swap3A_2094 = arith.index_cast %add3A_2083 : i32 to index
          %swap3A_2095 = arith.constant 16 : index
          %swap3A_2096 = tpu.vector_load %arg7[%swap3A_2094, %swap3A_2095] {strides = array<i32>} : memref<512x64xf32, #tpu.memory_space<vmem>>, vector<1x16xf32>,
          %swap3A_2097 = vector.shape_cast %swap3A_2096 : vector<1x16xf32> to vector<16xf32>
          %swap3A_2098 = vector.shape_cast %mul3A_2093 : vector<16xf32> to vector<1x16xf32>
          tpu.vector_store %arg7[%swap3A_2094, %swap3A_2095], %swap3A_2098 {strides = array<i32>} : memref<512x64xf32, #tpu.memory_space<vmem>>, vector<1x16xf32>,
          %mul3A_2099 = arith.constant 2.000000e-02 : f32
          %mul3A_2100 = vector.broadcast %mul3A_2099 : f32 to vector<16xf32>
          %mul3A_2101 = arith.mulf %add3A_2070, %mul3A_2100 : vector<16xf32>
          %swap3A_2102 = arith.index_cast %add3A_2083 : i32 to index
          %swap3A_2103 = arith.constant 32 : index
          %swap3A_2104 = tpu.vector_load %arg7[%swap3A_2102, %swap3A_2103] {strides = array<i32>} : memref<512x64xf32, #tpu.memory_space<vmem>>, vector<1x16xf32>,
          %swap3A_2105 = vector.shape_cast %swap3A_2104 : vector<1x16xf32> to vector<16xf32>
          %swap3A_2106 = vector.shape_cast %mul3A_2101 : vector<16xf32> to vector<1x16xf32>
          tpu.vector_store %arg7[%swap3A_2102, %swap3A_2103], %swap3A_2106 {strides = array<i32>} : memref<512x64xf32, #tpu.memory_space<vmem>>, vector<1x16xf32>,
          %mul3A_2107 = arith.constant 2.000000e-02 : f32
          %mul3A_2108 = vector.broadcast %mul3A_2107 : f32 to vector<16xf32>
          %mul3A_2109 = arith.mulf %add3A_2080, %mul3A_2108 : vector<16xf32>
          %swap3A_2110 = arith.index_cast %add3A_2083 : i32 to index
          %swap3A_2111 = arith.constant 48 : index
          %swap3A_2112 = tpu.vector_load %arg7[%swap3A_2110, %swap3A_2111] {strides = array<i32>} : memref<512x64xf32, #tpu.memory_space<vmem>>, vector<1x16xf32>,
          %swap3A_2113 = vector.shape_cast %swap3A_2112 : vector<1x16xf32> to vector<16xf32>
          %swap3A_2114 = vector.shape_cast %mul3A_2109 : vector<16xf32> to vector<1x16xf32>
          tpu.vector_store %arg7[%swap3A_2110, %swap3A_2111], %swap3A_2114 {strides = array<i32>} : memref<512x64xf32, #tpu.memory_space<vmem>>, vector<1x16xf32>,
        }
        %scan3A_57 = arith.constant 8 : i32
      } else {
      }
    }
    %scan3A_19 = arith.constant 64 : i32
    %mul3A_20 = arith.constant 512 : i32
    %mul3A_21 = arith.muli %add3A, %mul3A_20 : i32
    "tpu.region"() ({
      %run_scoped3A = tpu.sem_alloc : memref<!tpu.dma_semaphore, #tpu.memory_space<semaphore_mem>>
      %dma_start3A_22 = arith.constant 0 : i32
      %dma_start3A_23 = tpu.memref_slice %arg4[%mul3A_21, %dma_start3A_22] : memref<16384x64xf32, #tpu.memory_space<hbm>> -> memref<512x64xf32, #tpu.memory_space<hbm>>
      %dma_start3A_24 = arith.constant 0 : i32
      %dma_start3A_25 = tpu.memref_slice %arg4[%mul3A_21, %dma_start3A_24] : memref<16384x64xf32, #tpu.memory_space<hbm>> -> memref<512x64xf32, #tpu.memory_space<hbm>>
      tpu.enqueue_dma source(%arg7 : memref<512x64xf32, #tpu.memory_space<vmem>>) target(%dma_start3A_25 : memref<512x64xf32, #tpu.memory_space<hbm>>) target_semaphore(%run_scoped3A : memref<!tpu.dma_semaphore, #tpu.memory_space<semaphore_mem>>)
      %dma_wait3A = arith.constant 0 : i32
      %dma_wait3A_26 = tpu.memref_slice %arg4[%mul3A_21, %dma_wait3A] : memref<16384x64xf32, #tpu.memory_space<hbm>> -> memref<512x64xf32, #tpu.memory_space<hbm>>
      %dma_wait3A_27 = arith.constant 0 : i32
      %dma_wait3A_28 = tpu.memref_slice %arg4[%mul3A_21, %dma_wait3A_27] : memref<16384x64xf32, #tpu.memory_space<hbm>> -> memref<512x64xf32, #tpu.memory_space<hbm>>
      tpu.wait_dma2 semaphore(%run_scoped3A : memref<!tpu.dma_semaphore, #tpu.memory_space<semaphore_mem>>) src(%arg7 : memref<512x64xf32, #tpu.memory_space<vmem>>) dst(%dma_wait3A_28 : memref<512x64xf32, #tpu.memory_space<hbm>>)
      tpu.yield
    }) : () -> ()
    return
  }
}

</mosaic_0001>

<sc_bundles>
// kernel: _cbow.3.cloned.1.call-start
scs
__scs_entry_jumppad:
0x0: {  	(pc) =	sbr.rel $0x88, $3  }
0x1: {  	(tag) =	ssettag $0x0;
	lr =	simm.s32 $0x1  }
0x2: {  	[smem:$0x3F9F] =	sst lr;
	_ =	strace $0xD0000000  }
0x3: {  	_ = 	snop  }
0x4: {  	_ = 	snop  }
0x5: {  	_ = 	snop  }
0x6: {  	_ = 	snop  }
0x7: {  	_ = 	snop  }
__scs_overlays_trampoline_lowered:
0x8: {  	[smem:$0x3FAE] =	sst s0  }
0x9: {  	[smem:$0x3FAF] =	sst s1  }
0xa: {  	[smem:$0x3FB0] =	sst s2  }
0xb: {  	[smem:$0x3FB1] =	sst s3  }
0xc: {  	[smem:$0x3FB2] =	sst s4  }
0xd: {  	[smem:$0x3FB3] =	sst s5  }
0xe: {  	[smem:$0x3FB4] =	sst s6  }
0xf: {  	[smem:$0x3FB5] =	sst s7  }
0x10: {  	[smem:$0x3FB6] =	sst s8  }
0x11: {  	[smem:$0x3FB7] =	sst s9;
	s0 =	simm.s32 @!p0 $0x0  }
0x12: {  	s1 =	sld [smem:$0x3F9D];
	s0 =	simm.s32 @p0 $0x1  }
0x13: {  	[smem:$0x3FB8] =	sst s0;
	s0 =	simm.s32 @!p1 $0x0  }
0x14: {  	s2 =	sld [smem:$0x3F9C];
	s0 =	simm.s32 @p1 $0x1  }
0x15: {  	[smem:$0x3FB9] =	sst s0;
	s0 =	simm.s32 @!p2 $0x0  }
0x16: {  	s3 =	sld [smem:$0x3FDB];
	s0 =	simm.s32 @p2 $0x1  }
0x17: {  	s4 =	simm.s32 $0x1BF5;
	[smem:$0x3FBB] =	sst s0  }
0x18: {  	s0 =	sld [smem:$0x3F9E];
	_ =	swait.ge [sflag:s4], $0x0  }
0x19: {  	s7 =	sld [smem:$0x3F9F]  }
0x1a: {  	s8 =	sadd.s32 $0xFFFFE003, lr  }
0x1b: {  	s9 =	sadd.s32 $0xFFFFFEF7, lr;
	s5 =	simm.s32 $0xFFFFFFFF;
	p2 =	slt.u32 s8, $0xFFFFF086  }
0x1c: {  	p1 =	slt.u32 s9, $0xF7A;
	s5 =	simm.s32 @!p2 $0x0  }
0x1d: {  	s5 =	simm.s32 @p1 $0x1;
	p0 =	seq.s32 s7, s2  }
0x1e: {  	s7 =	smul.u32 @!p0 $0xF7A, s2;
	p2 =	seq.s32 @!p0 s5, $0x0  }
0x1f: {  	s9 =	smul.u32 $0xF7A, s1;
	s8 =	simm.s32 @!p0 $0x1BF5;
	p2 =	por !p2, p0  }
0x20: {  	[sflag:s8] =	ssyncset.s32 @!p0 $0xFFFFF086;
	s6 =	sadd.s32 @!p0 s3, s7;
	s7 =	simm.s32 @!p0 $0x108  }
0x21: {  	s3 =	sadd.s32 s3, s9;
	s6 =	sadd.s32 @!p0 $0x88, s6;
	s7 =	simm.s32 @p2 $0x1082  }
0x22: {  	[simem:s7], [sflag:s8] =	dma.local @!p0 [hbm:s6], $0xF7A  }
0x23: {  	s9 =	sor.u32 $0xD0000000, s2;
	s6 =	simm.s32 $0x108;
	_ =	swait.ge @!p0 [sflag:s8], $0x0  }
0x24: {  	s3 =	sadd.s32 $0x88, s3;
	s6 =	simm.s32 @!p1 $0x1082;
	[sflag:s4] =	ssyncset.s32 $0xFFFFF086  }
0x25: {  	[simem:s6], [sflag:s4] =	dma.local [hbm:s3], $0xF7A  }
0x26: {  	[smem:$0x3F9F] =	sst s1;
	(tag) =	ssettag s2;
	_ =	strace s9  }
0x27: {  	s1 =	sld [smem:$0x3FAF]  }
0x28: {  	s2 =	sld [smem:$0x3FB0]  }
0x29: {  	s4 =	sld [smem:$0x3FB2]  }
0x2a: {  	p0 =	seq.s32 s5, $0x0;
	s5 =	sld [smem:$0x3FB3]  }
0x2b: {  	s6 =	sld [smem:$0x3FB4]  }
0x2c: {  	s7 =	sld [smem:$0x3FB5]  }
0x2d: {  	s3 =	simm.s32 $0x108;
	s8 =	sld [smem:$0x3FB6]  }
0x2e: {  	s3 =	simm.s32 @!p0 $0x1082;
	s9 =	sld [smem:$0x3FB7]  }
0x2f: {  	lr =	sadd.s32 s0, s3;
	s0 =	sld [smem:$0x3FAE]  }
0x30: {  	s3 =	sld [smem:$0x3FB1]  }
0x31: {  	[smem:$0x3FBA] =	sst s10  }
0x32: {  	s10 =	sld [smem:$0x3FB8];
	_ =	sdelay $0x3  }
0x33: {  	p0 =	seq.s32 s10, $0x1;
	s10 =	sld [smem:$0x3FBA];
	_ =	sdelay $0x3  }
0x34: {  	[smem:$0x3FBA] =	sst s10  }
0x35: {  	s10 =	sld [smem:$0x3FB9];
	_ =	sdelay $0x3  }
0x36: {  	p1 =	seq.s32 s10, $0x1;
	s10 =	sld [smem:$0x3FBA];
	_ =	sdelay $0x3  }
0x37: {  	[smem:$0x3FBA] =	sst s10  }
0x38: {  	s10 =	sld [smem:$0x3FBB]  }
0x39: {  	_ = 	snop;
	(pc) =	sbr.ind lr, $3  }
0x3a: {  	_ = 	snop  }
0x3b: {  	_ = 	snop  }
0x3c: {  	p2 =	seq.s32 s10, $0x1;
	s10 =	sld [smem:$0x3FBA]  }
0x3d: {  	_ =	shalt  }
0x3e: {  	_ =	shalt  }
0x3f: {  	_ =	shalt  }
0x40: {  	_ =	shalt  }
0x41: {  	_ =	shalt  }
0x42: {  	_ =	shalt  }
0x43: {  	_ =	shalt  }
0x44: {  	_ =	shalt  }
0x45: {  	_ =	shalt  }
0x46: {  	_ =	shalt  }
0x47: {  	_ =	shalt  }
0x48: {  	_ =	shalt  }
0x49: {  	_ =	shalt  }
0x4a: {  	_ =	shalt  }
0x4b: {  	_ =	shalt  }
0x4c: {  	_ =	shalt  }
0x4d: {  	_ =	shalt  }
0x4e: {  	_ =	shalt  }
0x4f: {  	_ =	shalt  }
0x50: {  	_ =	shalt  }
0x51: {  	_ =	shalt  }
0x52: {  	_ =	shalt  }
0x53: {  	_ =	shalt  }
0x54: {  	_ =	shalt  }
0x55: {  	_ =	shalt  }
0x56: {  	_ =	shalt  }
0x57: {  	_ =	shalt  }
0x58: {  	_ =	shalt  }
0x59: {  	_ =	shalt  }
0x5a: {  	_ =	shalt  }
0x5b: {  	_ =	shalt  }
0x5c: {  	_ =	shalt  }
0x5d: {  	_ =	shalt  }
0x5e: {  	_ =	shalt  }
0x5f: {  	_ =	shalt  }
0x60: {  	_ =	shalt  }
0x61: {  	_ =	shalt  }
0x62: {  	_ =	shalt  }
0x63: {  	_ =	shalt  }
0x64: {  	_ =	shalt  }
0x65: {  	_ =	shalt  }
0x66: {  	_ =	shalt  }
0x67: {  	_ =	shalt  }
0x68: {  	_ =	shalt  }
0x69: {  	_ =	shalt  }
0x6a: {  	_ =	shalt  }
0x6b: {  	_ =	shalt  }
0x6c: {  	_ =	shalt  }
0x6d: {  	_ =	shalt  }
0x6e: {  	_ =	shalt  }
0x6f: {  	_ =	shalt  }
0x70: {  	_ =	shalt  }
0x71: {  	_ =	shalt  }
0x72: {  	_ =	shalt  }
0x73: {  	_ =	shalt  }
0x74: {  	_ =	shalt  }
0x75: {  	_ =	shalt  }
0x76: {  	_ =	shalt  }
0x77: {  	_ =	shalt  }
0x78: {  	_ =	shalt  }
0x79: {  	_ =	shalt  }
0x7a: {  	_ =	shalt  }
0x7b: {  	_ =	shalt  }
0x7c: {  	_ =	shalt  }
0x7d: {  	_ =	shalt  }
0x7e: {  	_ =	shalt  }
0x7f: {  	_ =	shalt  }
0x80: {  	_ =	shalt  }
0x81: {  	_ =	shalt  }
0x82: {  	_ =	shalt  }
0x83: {  	_ =	shalt  }
0x84: {  	_ =	shalt  }
0x85: {  	_ =	shalt  }
0x86: {  	_ =	shalt  }
0x87: {  	_ =	shalt  }
.Lfunc_end0:
.L_simem_size_0:
called_computation_lowered:
.L_overlay_start_0:
0x88: {  	s2 =	sld [smem:$0x3FD9]  }
0x89: {  	s3 =	sld [smem:$0x3FFE];
	_ =	sdelay $0x1  }
0x8a: {  	s1 =	srdreg.scid  }
0x8b: {  	s0 =	sand.u32 $0x1, s1  }
0x8c: {  	s17 =	sshll.u32 s0, $0xA;
	s2 =	sadd.s32 s3, s2  }
0x8d: {  	s2 =	sadd.s32 s2, s17  }
0x8e: {  	[smem:$0x3FC6] =	sst s2  }
0x8f: {  	_ = 	snop  }
0x90: {  	s2 =	sld [smem:$0x3FC9]  }
0x91: {  	s18 =	sld [smem:$0x3FD0];
	(tm) =	ssettm $0x1  }
0x92: {  	s4 =	sld [smem:$0x3FFB];
	_ =	sdelay $0x3  }
0x93: {  	_ =	strace s4  }
0x94: {  	s4 =	sld [smem:$0x3FFC];
	_ =	sdelay $0x3  }
0x95: {  	_ =	strace s4  }
0x96: {  	s4 =	sld [smem:$0x3FFD];
	_ =	sdelay $0x3  }
0x97: {  	_ =	strace s4  }
0x98: {  	_ =	strace $0x8FFFFFFF  }
0x99: {  	s19 =	sld [smem:$0x3FDB];
	_ =	sdelay $0x1  }
0x9a: {  	s5 =	simm.s32 $_scs_section_size  }
0x9b: {  	s6 =	simm.s32 $_size__tile_overlayer_lowered;
	s7 =	simm.s32 $_tile_overlayer_lowered  }
0x9c: {  	s22 =	simm.s32 $0x1BFF;
	s21 =	sshll.u32 s7, $0x1;
	s4 =	sadd.s32 s5, s19  }
0x9d: {  	s8 =	simm.s32 $0x0;
	s20 =	sshll.u32 s6, $0x1;
	s6 =	sadd.s32 s21, s4  }
0x9e: {  	[timem:s8], [sflag:s22] =	dma.local [hbm:s6], s20  }
0x9f: {  	_ =	swait.ge [sflag:s22], s20  }
0xa0: {  	s5 =	ssub.s32 $0x0, s20;
	[sflag:s22] =	ssyncset.done $0x0  }
0xa1: {  	[sflag:s22] =	ssyncadd.s32 s5;
	_ =	sdelay $0x1  }
0xa2: {  	s23 =	simm.s32 $0x1B8B  }
0xa3: {  	_ =	swait.ge [sflag:s23], $0x1  }
0xa4: {  	[sflag:s23] =	ssyncset.done $0x0  }
0xa5: {  	s25 =	simm.s32 $0x1B8E;
	s24 =	sld [smem:$0x3FFE];
	[sflag:s23] =	ssyncadd.s32 $0xFFFFFFFF  }
0xa6: {  	s26 =	simm.s32 $execute0_lowered;
	[smem:$0x3FD2] =	sst s25  }
0xa7: {  	s6 =	sshll.u32 s26, $0x1;
	_ =	strace $0x80000046;
	[dreg:$0x1] =	wrdreg $0xFFFFFFFF  }
0xa8: {  	s28 =	simm.s32 $_size_execute0_lowered;
	s4 =	sadd.s32 s4, s6;
	[dreg:$0x0] =	wrdreg $0x0  }
0xa9: {  	s6 =	sshll.u32 s28, $0x1;
	[dreg:$0x2] =	wrdreg s4  }
0xaa: {  	[dreg:$0x3] =	wrdreg s6  }
0xab: {  	[dreg:$0x4] =	wrdreg $0xC0  }
0xac: {  	_ =	task [dreg:s8], $0x5FFFF  }
0xad: {  	[dreg:$0x1] =	wrdreg $0xFFFFFFFF  }
0xae: {  	[dreg:$0x0] =	wrdreg $0x60  }
0xaf: {  	[dreg:$0x2] =	wrdreg s2  }
0xb0: {  	[dreg:$0x3] =	wrdreg s24  }
0xb1: {  	[dreg:$0x4] =	wrdreg s18  }
0xb2: {  	[dreg:$0x5] =	wrdreg $0x9  }
0xb3: {  	_ =	task.clear_ibuf [dreg:s8], $0x6FFFF;
	_ =	strace $0x90000046  }
0xb4: {  	s29 =	simm.s32 $0x9;
	_ =	strace $0x80000048  }
0xb5: {  	_ =	swait.ge [sflag:s29], $0x1  }
0xb6: {  	[sflag:s29] =	ssyncadd.s32 $0xFFFFFFFF  }
0xb7: {  	_ =	strace $0x90000048  }
0xb8: {  	_ =	sfence  }
0xb9: {  	s30 =	sld [smem:$0x0];
	_ =	sdelay $0x2  }
0xba: {  	s31 =	sshll.u32 s1, $0xD;
	s1 =	sshrl.u32 s1, $0x2  }
0xbb: {  	s3 =	sand.u32 $0x4000, s31;
	s1 =	sadd.s32 s1, s30  }
0xbc: {  	s0 =	sor.u32 s3, s0;
	s1 =	sshll.u32 s1, $0x11  }
0xbd: {  	s0 =	sor.u32 s1, s0  }
0xbe: {  	s0 =	sadd.s32 $0x8F2B, s0  }
0xbf: {  	[sflag:s0] =	ssyncadd.remote.s32 $0x1  }
0xc0: {  	_ =	sfence.sel $0xFFFF  }
0xc1: {  	[dreg:$0x0] =	wrdreg $0xFFFFFFFF;
	(pc) =	sbr.abs _section_cstart, $3  }
0xc2: {  	[dreg:$0x1] =	wrdreg $0xFFFFFFFF  }
0xc3: {  	_ =	task.clear_ibuf [dreg:s8], $0x2FFFF;
	_ =	strace $0x9FFFFFFF  }
0xc4: {  	(tm) =	ssettm $0x7FFFFFFF  }
0xc5: {  	_ =	shalt  }
tec
execute0_lowered:
.L_overlay_start_1:
0x0: {  	(tag) =	ssettag $0x1  }
0x1: {  	s4 =	rddreg [dreg:$0x0]  }
0x2: {  	s3 =	rddreg [dreg:$0x1];
	s1 =	srdreg.scid  }
0x3: {  	s0 =	stileid.u32;
	s5 =	rddreg [dreg:$0x2]  }
0x4: {  	s2 =	simm.s32 $0x0;
	s10 =	simm.s32 $0x2;
	s11 =	simm.s32 $0x12C00  }
0x5: {  	s12 =	simm.s32 $0x1;
	s6 =	sand.u32 $0x1, s1;
	s1 =	rddreg [dreg:$0x3]  }
0x6: {  	s13 =	simm.s32 $0x0;
	s7 =	sshll.u32 s0, $0x1;
	[smem:$0x7FF] =	sst s2  }
.Ltmp0:
0x7: {  	s7 =	sor.u32 s6, s7;
	s6 =	ssub.s32 $0x2, s6;
	(pc) =	sbr.rel .LBB2_1-.Ltmp0, $4  }
0x8: {  	s3 =	sadd.s32 $0xF42800, s3;
	_ =	strace $0x80000047;
	s9 =	sshrl.u32 s6, $0x1  }
0x9: {  	s8 =	smul.u32 $0xC80, s7;
	s7 =	sshll.u32 s7, $0xC;
	s6 =	ssub.s32 s6, s9  }
0xa: {  	s5 =	sadd.s32 s5, s7;
	s7 =	simm.s32 $0x3;
	s9 =	simm.s32 $0x6400  }
0xb: {  	s4 =	sadd.s32 s4, s8;
	s6 =	smax.u32 s6, $0x1;
	s8 =	simm.s32 $0x190  }
.LBB2_10:
0xc: {  	s13 =	sadd.s32 $0x1, s13  }
0xd: {  	p0 =	sne.s32 s13, s6  }
.Ltmp1:
0xe: {  	_ = 	snop;
	(pc) =	sbr.rel @!p0 .LBB2_11-.Ltmp1, $4  }
0xf: {  	[hbm4b:s5+s2] =	stream.linear.scatter [tilespmem:s11], [sflag:$0x3], $0x8000, $0x38;
	[tilespmem:$0x1AC00] =	vst v63  }
0x10: {  	_ =	swait.ge [sflag:s7], $0x8000  }
0x11: {  	[sflag:s7] =	ssyncset.done $0x0  }
0x12: {  	[sflag:s7] =	ssyncadd.s32 $0xFFFF8000  }
.LBB2_1:
0x13: {  	[tilespmem:s2], [sflag:$0x3] =	stream.linear.gather [hbm4b:s4+s2], $0x6400, $0x38;
	[tilespmem:$0x1AC00] =	vst v63  }
.Ltmp2:
0x14: {  	_ = 	snop;
	(pc) =	sbr.rel .LBB2_2-.Ltmp2, $4  }
0x15: {  	_ =	swait.ge [sflag:s7], $0x6400  }
0x16: {  	[sflag:s7] =	ssyncset.done $0x0  }
0x17: {  	s14 =	simm.s32 $0x0;
	[sflag:s7] =	ssyncadd.s32 $0xFFFF9C00  }
0x18: {  	[tilespmem:s9], [sflag:$0x1] =	stream.indirect.gather [hbm4b:s3+s8], $0x40, s2, s8, $0xb8;
	[tilespmem:$0x1AC00] =	vst v63  }
.LBB2_5:
0x19: {  	v44 =	vld [tilespmem:s16+$0x6410]  }
0x1a: {  	v45 =	vld [tilespmem:s16+$0x6490];
	v39 =	vadd.f32 v41, v39;
	v29 =	vadd.f32 v34, v29  }
0x1b: {  	v41 =	vld [tilespmem:s16+$0x64D0];
	v38 =	vadd.f32 v40, v38  }
0x1c: {  	v34 =	vadd.f32 v36, v39;
	v36 =	vld [tilespmem:s16+$0x6510];
	v29 =	vadd.f32 v31, v29  }
0x1d: {  	v40 =	vadd.f32 v37, v38;
	v38 =	vld [tilespmem:s16+$0x6580]  }
0x1e: {  	v31 =	vld [tilespmem:s16+$0x6590];
	v29 =	vadd.f32 v30, v29  }
0x1f: {  	v39 =	vld [tilespmem:s16+$0x65C0];
	v43 =	vadd.f32 v43, v44  }
0x20: {  	v27 =	vadd.f32 v27, v29;
	v29 =	vld [tilespmem:s16+$0x66D0]  }
0x21: {  	v44 =	vadd.f32 v45, v43;
	v45 =	vadd.f32 v35, v34;
	v34 =	vld [tilespmem:s16+$0x6550]  }
0x22: {  	v35 =	vld [tilespmem:s16+$0x6740]  }
0x23: {  	v43 =	vadd.f32 v41, v44;
	v41 =	vld [tilespmem:s16+$0x65D0]  }
0x24: {  	v44 =	vadd.f32 v32, v45;
	v45 =	vadd.f32 v33, v40;
	v33 =	vld [tilespmem:s16+$0x6710]  }
0x25: {  	v37 =	vadd.f32 v36, v43;
	v43 =	vld [tilespmem:s16+$0x6600]  }
0x26: {  	v40 =	vadd.f32 v42, v44;
	v28 =	vadd.f32 v28, v45;
	v45 =	vld [tilespmem:s16+$0x6610]  }
0x27: {  	v25 =	vadd.f32 v25, v27;
	v36 =	vld [tilespmem:s16+$0x6640]  }
0x28: {  	v44 =	vadd.f32 v38, v40;
	v38 =	vld [tilespmem:s16+$0x6650]  }
0x29: {  	v23 =	vadd.f32 v23, v25;
	v42 =	vadd.f32 v34, v37;
	v40 =	vld [tilespmem:s16+$0x6680]  }
0x2a: {  	v26 =	vadd.f32 v26, v28;
	v28 =	vld [tilespmem:s16+$0x6850]  }
0x2b: {  	v21 =	vadd.f32 v21, v23;
	v34 =	vadd.f32 v31, v42;
	v42 =	vld [tilespmem:s16+$0x6690]  }
0x2c: {  	v37 =	vadd.f32 v39, v44;
	v44 =	vld [tilespmem:s16+$0x66C0]  }
0x2d: {  	v19 =	vadd.f32 v19, v21;
	v31 =	vld [tilespmem:s16+$0x6700]  }
0x2e: {  	v24 =	vadd.f32 v24, v26;
	v26 =	vld [tilespmem:s16+$0x6840]  }
0x2f: {  	v17 =	vadd.f32 v17, v19;
	v19 =	vld [tilespmem:s16+$0x6A90]  }
0x30: {  	v39 =	vadd.f32 v41, v34;
	v41 =	vadd.f32 v43, v37;
	v37 =	vld [tilespmem:s16+$0x6750]  }
0x31: {  	v22 =	vadd.f32 v22, v24;
	v24 =	vld [tilespmem:s16+$0x6810]  }
0x32: {  	v15 =	vadd.f32 v15, v17;
	v17 =	vld [tilespmem:s16+$0x6A50]  }
0x33: {  	v43 =	vadd.f32 v45, v39;
	v39 =	vld [tilespmem:s16+$0x6780]  }
0x34: {  	v45 =	vadd.f32 v36, v41;
	v41 =	vld [tilespmem:s16+$0x6790]  }
0x35: {  	v20 =	vadd.f32 v20, v22;
	v22 =	vld [tilespmem:s16+$0x6800]  }
0x36: {  	v13 =	vadd.f32 v13, v15;
	v15 =	vld [tilespmem:s16+$0x6A10]  }
0x37: {  	v30 =	vadd.f32 v38, v43;
	v43 =	vld [tilespmem:s16+$0x67C0]  }
0x38: {  	v32 =	vadd.f32 v40, v45;
	v45 =	vld [tilespmem:s16+$0x67D0]  }
0x39: {  	v18 =	vadd.f32 v18, v20;
	v20 =	vld [tilespmem:s16+$0x6AC0]  }
0x3a: {  	v11 =	vadd.f32 v11, v13;
	v13 =	vld [tilespmem:s16+$0x69D0]  }
0x3b: {  	v34 =	vadd.f32 v42, v30;
	v30 =	vld [tilespmem:s16+$0x6880]  }
0x3c: {  	v36 =	vadd.f32 v44, v32;
	v32 =	vld [tilespmem:s16+$0x6890]  }
0x3d: {  	v16 =	vadd.f32 v16, v18;
	v18 =	vld [tilespmem:s16+$0x6A80]  }
0x3e: {  	v38 =	vadd.f32 v29, v34;
	v34 =	vld [tilespmem:s16+$0x68C0]  }
0x3f: {  	v40 =	vadd.f32 v31, v36;
	v36 =	vld [tilespmem:s16+$0x68D0]  }
0x40: {  	v14 =	vadd.f32 v14, v16;
	v16 =	vld [tilespmem:s16+$0x6A40]  }
0x41: {  	v42 =	vadd.f32 v33, v38;
	v38 =	vld [tilespmem:s16+$0x6900]  }
0x42: {  	v44 =	vadd.f32 v35, v40;
	v40 =	vld [tilespmem:s16+$0x6910]  }
0x43: {  	v9 =	vadd.f32 v9, v11;
	v12 =	vadd.f32 v12, v14;
	v14 =	vld [tilespmem:s16+$0x6A00]  }
0x44: {  	v21 =	vadd.f32 v37, v42;
	v23 =	vadd.f32 v39, v44;
	v42 =	vld [tilespmem:s16+$0x6940]  }
0x45: {  	v7 =	vadd.f32 v7, v9;
	v10 =	vadd.f32 v10, v12;
	v12 =	vld [tilespmem:s16+$0x69C0]  }
0x46: {  	v27 =	vadd.f32 v43, v23;
	v43 =	vld [tilespmem:s16+$0x6950]  }
0x47: {  	v5 =	vadd.f32 v5, v7;
	v25 =	vadd.f32 v41, v21;
	v21 =	vld [tilespmem:s16+$0x6AD0]  }
0x48: {  	v23 =	vld [tilespmem:s16+$0x6B10]  }
0x49: {  	v3 =	vadd.f32 v3, v5;
	v29 =	vadd.f32 v45, v25;
	v45 =	vld [tilespmem:s16+$0x6980]  }
0x4a: {  	v31 =	vadd.f32 v22, v27;
	v22 =	vld [tilespmem:s16+$0x6B00]  }
0x4b: {  	v1 =	vadd.f32 v1, v3;
	v25 =	vld [tilespmem:$0x1FD20]  }
0x4c: {  	v27 =	vld [tilespmem:s16+$0x6B80]  }
0x4d: {  	v1 =	vadd.f32 v63, v1;
	v63 =	vld [tilespmem:s16+$0x6990]  }
0x4e: {  	v33 =	vadd.f32 v24, v29;
	v24 =	vld [tilespmem:s16+$0x6B40]  }
0x4f: {  	v35 =	vadd.f32 v26, v31;
	v26 =	vld [tilespmem:s16+$0x6B50]  }
0x50: {  	v29 =	vld [tilespmem:s16+$0x6B90]  }
0x51: {  	v31 =	vld [tilespmem:s16+$0x6BC0]  }
0x52: {  	v1 =	vadd.f32 v61, v1;
	v61 =	vld [tilespmem:s16+$0x6D80]  }
0x53: {  	v37 =	vadd.f32 v28, v33;
	v28 =	vld [tilespmem:$0x1FD30]  }
0x54: {  	v39 =	vadd.f32 v30, v35;
	v30 =	vld [tilespmem:$0x1FD50]  }
0x55: {  	v33 =	vld [tilespmem:s16+$0x6BD0]  }
0x56: {  	v8 =	vadd.f32 v8, v10;
	v35 =	vld [tilespmem:s16+$0x6C00]  }
0x57: {  	v1 =	vadd.f32 v59, v1;
	v59 =	vld [tilespmem:s16+$0x6D50]  }
0x58: {  	v6 =	vadd.f32 v6, v8;
	v41 =	vadd.f32 v32, v37;
	v32 =	vld [tilespmem:$0x1FD40]  }
0x59: {  	v3 =	vadd.f32 v34, v39;
	v34 =	vld [tilespmem:$0x1FD70]  }
0x5a: {  	v4 =	vadd.f32 v4, v6;
	v37 =	vld [tilespmem:s16+$0x6C10]  }
0x5b: {  	v39 =	vld [tilespmem:s16+$0x6C40]  }
0x5c: {  	v2 =	vadd.f32 v2, v4;
	v1 =	vadd.f32 v57, v1;
	v57 =	vld [tilespmem:s16+$0x6D40]  }
0x5d: {  	v44 =	vadd.f32 v36, v41;
	v36 =	vld [tilespmem:$0x1FD60]  }
0x5e: {  	v0 =	vadd.f32 v0, v2;
	v3 =	vadd.f32 v38, v3;
	v38 =	vld [tilespmem:$0x1FD90]  }
0x5f: {  	v41 =	vld [tilespmem:s16+$0x6C50]  }
0x60: {  	v0 =	vadd.f32 v62, v0;
	v62 =	vld [tilespmem:$0x1FE20]  }
0x61: {  	v1 =	vadd.f32 v55, v1;
	v55 =	vld [tilespmem:s16+$0x6D10]  }
0x62: {  	v2 =	vadd.f32 v40, v44;
	v40 =	vld [tilespmem:$0x1FD80]  }
0x63: {  	v3 =	vadd.f32 v42, v3;
	v42 =	vld [tilespmem:$0x1FDB0]  }
0x64: {  	v44 =	vld [tilespmem:$0x1FDA0]  }
0x65: {  	v0 =	vadd.f32 v60, v0;
	v60 =	vld [tilespmem:$0x1FE30]  }
0x66: {  	v1 =	vadd.f32 v53, v1;
	v53 =	vld [tilespmem:s16+$0x6D00]  }
0x67: {  	v2 =	vadd.f32 v43, v2;
	v43 =	vld [tilespmem:s16+$0x6C80]  }
0x68: {  	v3 =	vadd.f32 v45, v3;
	v45 =	vld [tilespmem:s16+$0x6C90]  }
0x69: {  	v0 =	vadd.f32 v58, v0;
	v58 =	vld [tilespmem:$0x1FE00]  }
0x6a: {  	v1 =	vadd.f32 v51, v1;
	v51 =	vld [tilespmem:s16+$0x6CD0]  }
0x6b: {  	v0 =	vadd.f32 v56, v0;
	v56 =	vld [tilespmem:$0x1FE10]  }
0x6c: {  	v2 =	vadd.f32 v63, v2;
	v63 =	vld [tilespmem:s16+$0x6D90]  }
0x6d: {  	v3 =	vadd.f32 v12, v3;
	v12 =	vld [tilespmem:$0x1FE50]  }
0x6e: {  	v1 =	vadd.f32 v49, v1;
	v49 =	vld [tilespmem:s16+$0x6CC0]  }
0x6f: {  	v0 =	vadd.f32 v54, v0;
	v54 =	vld [tilespmem:$0x1FDE0]  }
0x70: {  	v2 =	vadd.f32 v13, v2;
	v13 =	vld [tilespmem:s16+$0x6DC0]  }
0x71: {  	v3 =	vadd.f32 v14, v3;
	v14 =	vld [tilespmem:$0x1FE40]  }
0x72: {  	v1 =	vadd.f32 v25, v1;
	v25 =	vld [tilespmem:s16+$0x6E80]  }
0x73: {  	v0 =	vadd.f32 v52, v0;
	v52 =	vld [tilespmem:$0x1FDF0]  }
0x74: {  	v2 =	vadd.f32 v15, v2;
	v15 =	vld [tilespmem:s16+$0x6DD0]  }
0x75: {  	v3 =	vadd.f32 v16, v3;
	v16 =	vld [tilespmem:$0x1FE70]  }
0x76: {  	v1 =	vadd.f32 v28, v1;
	v28 =	vld [tilespmem:$0x1FED0]  }
0x77: {  	v0 =	vadd.f32 v50, v0;
	v50 =	vld [tilespmem:$0x1FDC0]  }
0x78: {  	v2 =	vadd.f32 v17, v2;
	v17 =	vld [tilespmem:s16+$0x6E00]  }
0x79: {  	v3 =	vadd.f32 v18, v3;
	v18 =	vld [tilespmem:$0x1FE60]  }
0x7a: {  	v1 =	vadd.f32 v32, v1;
	v32 =	vld [tilespmem:$0x1FEF0];
	v2 =	vadd.f32 v19, v2  }
0x7b: {  	v3 =	vadd.f32 v20, v3;
	v0 =	vadd.f32 v48, v0;
	v48 =	vld [tilespmem:$0x1FDD0]  }
0x7c: {  	v19 =	vld [tilespmem:s16+$0x6E10];
	v2 =	vadd.f32 v21, v2  }
0x7d: {  	v20 =	vld [tilespmem:$0x1FE90];
	v1 =	vadd.f32 v36, v1;
	v3 =	vadd.f32 v22, v3  }
0x7e: {  	v36 =	vld [tilespmem:$0x1FF10];
	v0 =	vadd.f32 v30, v0;
	v2 =	vadd.f32 v23, v2  }
0x7f: {  	v21 =	vld [tilespmem:s16+$0x6E40];
	v3 =	vadd.f32 v24, v3  }
0x80: {  	v22 =	vld [tilespmem:$0x1FE80];
	v0 =	vadd.f32 v34, v0;
	v2 =	vadd.f32 v26, v2  }
0x81: {  	v30 =	vld [tilespmem:$0x1FEC0];
	v1 =	vadd.f32 v40, v1;
	v3 =	vadd.f32 v27, v3  }
0x82: {  	v40 =	vld [tilespmem:$0x1FF30];
	v0 =	vadd.f32 v38, v0;
	v2 =	vadd.f32 v29, v2  }
0x83: {  	v23 =	vld [tilespmem:s16+$0x6E50];
	v3 =	vadd.f32 v31, v3  }
0x84: {  	v24 =	vld [tilespmem:$0x1FEB0];
	v0 =	vadd.f32 v42, v0;
	v2 =	vadd.f32 v33, v2  }
0x85: {  	v34 =	vld [tilespmem:$0x1FEE0];
	v1 =	vadd.f32 v44, v1;
	v3 =	vadd.f32 v35, v3  }
0x86: {  	v44 =	vld [tilespmem:$0x1FF50];
	v0 =	vadd.f32 v48, v0;
	v2 =	vadd.f32 v37, v2  }
0x87: {  	v26 =	vld [tilespmem:$0x1FEA0];
	v1 =	vadd.f32 v50, v1;
	v3 =	vadd.f32 v39, v3  }
0x88: {  	v27 =	vld [tilespmem:s16+$0x6E90];
	v0 =	vadd.f32 v52, v0;
	v2 =	vadd.f32 v41, v2  }
0x89: {  	v38 =	vld [tilespmem:$0x1FF00];
	v1 =	vadd.f32 v54, v1;
	v3 =	vadd.f32 v43, v3  }
0x8a: {  	v50 =	vld [tilespmem:$0x1FF70];
	v0 =	vadd.f32 v56, v0;
	v2 =	vadd.f32 v45, v2  }
0x8b: {  	v29 =	vld [tilespmem:s16+$0x6EC0];
	v1 =	vadd.f32 v58, v1;
	v3 =	vadd.f32 v49, v3  }
0x8c: {  	v31 =	vld [tilespmem:s16+$0x6ED0];
	v0 =	vadd.f32 v60, v0;
	v2 =	vadd.f32 v51, v2  }
0x8d: {  	v42 =	vld [tilespmem:$0x1FF20];
	v1 =	vadd.f32 v62, v1;
	v3 =	vadd.f32 v53, v3  }
0x8e: {  	v54 =	vld [tilespmem:$0x1FF90];
	v0 =	vadd.f32 v12, v0;
	v2 =	vadd.f32 v55, v2  }
0x8f: {  	v33 =	vld [tilespmem:s16+$0x6F00];
	v1 =	vadd.f32 v14, v1;
	v3 =	vadd.f32 v57, v3  }
0x90: {  	v35 =	vld [tilespmem:s16+$0x6F10];
	v0 =	vadd.f32 v16, v0;
	v2 =	vadd.f32 v59, v2  }
0x91: {  	v48 =	vld [tilespmem:$0x1FF40];
	v1 =	vadd.f32 v18, v1;
	v3 =	vadd.f32 v61, v3  }
0x92: {  	v58 =	vld [tilespmem:$0x1FFB0];
	v0 =	vadd.f32 v20, v0;
	v2 =	vadd.f32 v63, v2  }
0x93: {  	v37 =	vld [tilespmem:s16+$0x6F40];
	v1 =	vadd.f32 v22, v1;
	v3 =	vadd.f32 v13, v3  }
0x94: {  	v39 =	vld [tilespmem:s16+$0x6F50];
	v0 =	vadd.f32 v24, v0;
	v2 =	vadd.f32 v15, v2  }
0x95: {  	v52 =	vld [tilespmem:$0x1FF60];
	v1 =	vadd.f32 v26, v1;
	v3 =	vadd.f32 v17, v3  }
0x96: {  	v62 =	vld [tilespmem:$0x1FFE0];
	v0 =	vadd.f32 v28, v0;
	v2 =	vadd.f32 v19, v2  }
0x97: {  	v41 =	vld [tilespmem:s16+$0x6F80];
	v1 =	vadd.f32 v30, v1;
	v3 =	vadd.f32 v21, v3  }
0x98: {  	v43 =	vld [tilespmem:s16+$0x6F90];
	v0 =	vadd.f32 v32, v0;
	v2 =	vadd.f32 v23, v2  }
0x99: {  	v56 =	vld [tilespmem:$0x1FF80];
	v1 =	vadd.f32 v34, v1;
	v3 =	vadd.f32 v25, v3  }
0x9a: {  	v45 =	vld [tilespmem:s16+$0x6FC0];
	v0 =	vadd.f32 v36, v0;
	v2 =	vadd.f32 v27, v2  }
0x9b: {  	v49 =	vld [tilespmem:s16+$0x6FD0];
	v1 =	vadd.f32 v38, v1;
	v3 =	vadd.f32 v29, v3  }
0x9c: {  	v60 =	vld [tilespmem:$0x1FFD0];
	v0 =	vadd.f32 v40, v0;
	v2 =	vadd.f32 v31, v2  }
0x9d: {  	v51 =	vld [tilespmem:s16+$0x7000];
	v1 =	vadd.f32 v42, v1;
	v3 =	vadd.f32 v33, v3  }
0x9e: {  	v53 =	vld [tilespmem:s16+$0x7010];
	v0 =	vadd.f32 v44, v0;
	v2 =	vadd.f32 v35, v2  }
0x9f: {  	v55 =	vld [tilespmem:s16+$0x7040];
	v1 =	vadd.f32 v48, v1;
	v3 =	vadd.f32 v37, v3  }
0xa0: {  	v59 =	vld [tilespmem:$0x1FFA0];
	v0 =	vadd.f32 v50, v0;
	v2 =	vadd.f32 v39, v2  }
0xa1: {  	v57 =	vld [tilespmem:s16+$0x7050];
	v1 =	vadd.f32 v52, v1;
	v3 =	vadd.f32 v41, v3  }
0xa2: {  	v61 =	vld [tilespmem:$0x1FFC0];
	v0 =	vadd.f32 v54, v0;
	v2 =	vadd.f32 v43, v2  }
0xa3: {  	v63 =	vld [tilespmem:$0x1FFF0];
	v1 =	vadd.f32 v56, v1;
	v3 =	vadd.f32 v45, v3  }
0xa4: {  	v0 =	vadd.f32 v58, v0;
	v2 =	vadd.f32 v49, v2  }
0xa5: {  	v1 =	vadd.f32 v59, v1;
	v3 =	vadd.f32 v51, v3  }
0xa6: {  	v0 =	vadd.f32 v60, v0;
	v2 =	vadd.f32 v53, v2  }
0xa7: {  	v1 =	vadd.f32 v61, v1;
	v3 =	vadd.f32 v55, v3  }
0xa8: {  	v0 =	vadd.f32 v62, v0;
	v2 =	vadd.f32 v57, v2  }
0xa9: {  	s15 =	sshll.u32 s15, $0x6;
	v1 =	vadd.f32 v47, v1;
	v3 =	vmul.f32 $1.999999960e-02, v3  }
0xaa: {  	s15 =	sand.u32 $0x3FFFFFC0, s15;
	v0 =	vadd.f32 v46, v0;
	v2 =	vmul.f32 $1.999999960e-02, v2  }
0xab: {  	v1 =	vmul.f32 $1.999999960e-02, v1;
	[tilespmem:v63+s15+$0x0 ss:$0x1] =	vst.idx.msk $0xffff, v3  }
0xac: {  	v0 =	vmul.f32 $1.999999960e-02, v0;
	[tilespmem:v63+s15+$0x10 ss:$0x1] =	vst.idx.msk $0xffff, v2  }
0xad: {  	[tilespmem:v63+s15+$0x20 ss:$0x1] =	vst.idx.msk $0xffff, v1  }
0xae: {  	[tilespmem:v63+s15+$0x30 ss:$0x1] =	vst.idx.msk $0xffff, v0  }
.LBB2_9:
0xaf: {  	p0 =	sne.s32 s14, $0x40  }
.Ltmp3:
0xb0: {  	_ = 	snop;
	(pc) =	sbr.rel @!p0 .LBB2_10-.Ltmp3, $1  }
0xb1: {  	_ =	sdelay $0x3  }
.LBB2_2:
0xb2: {  	s15 =	smov.u32 s14  }
0xb3: {  	s14 =	sadd.s32 $0x1, s14;
	p0 =	seq.s32 s15, $0x3F  }
0xb4: {  	s16 =	sand.u32 @!p0 $0x1, s14  }
0xb5: {  	p1 =	seq.s32 @!p0 s16, $0x1;
	s16 =	smul.u32 @!p0 $0x640, s14  }
0xb6: {  	p2 =	por !p1, p0;
	p1 =	por p1, p0  }
0xb7: {  	s16 =	sshra.s32 @!p0 s16, $0x2;
	s17 =	simm.s32 @!p2 $0x190;
	s18 =	simm.s32 @!p2 $0xC800  }
0xb8: {  	[tilespmem:s18], [sflag:$0x2] =	stream.indirect.gather @!p2 [hbm4b:s3+s17], $0x40, s16, s17, $0xb8;
	[tilespmem:$0x1AC00] =	vst v63  }
0xb9: {  	s17 =	simm.s32 @!p1 $0x190;
	s18 =	simm.s32 @!p1 $0x6400  }
0xba: {  	[tilespmem:s18], [sflag:$0x1] =	stream.indirect.gather @!p1 [hbm4b:s3+s17], $0x40, s16, s17, $0xb8;
	[tilespmem:$0x1AC00] =	vst v63  }
0xbb: {  	s16 =	sand.u32 @!p0 $0x1, s15  }
0xbc: {  	p1 =	seq.s32 @!p0 s16, $0x1  }
0xbd: {  	p0 =	por p0, p1  }
.Ltmp4:
0xbe: {  	_ = 	snop;
	(pc) =	sbr.rel @!p0 .LBB2_3-.Ltmp4, $3  }
0xbf: {  	_ =	sdelay $0x1  }
0xc0: {  	s15 =	sshll.u32 s15, $0x9  }
0xc1: {  	s17 =	sand.u32 $0x3FFFFE00, s15;
	s15 =	simm.s32 $0x0  }
0xc2: {  	_ =	swait.ge [sflag:s10], $0x6400;
	s16 =	smul.u32 $0x3200, s15  }
0xc3: {  	[sflag:s10] =	ssyncset.done $0x0  }
0xc4: {  	[sflag:s10] =	ssyncadd.s32 $0xFFFF9C00;
	s16 =	sshra.s32 s16, $0x2  }
0xc5: {  	v29 =	vld [tilespmem:s16+$0xC820]  }
0xc6: {  	v39 =	vld [tilespmem:s16+$0xC800]  }
0xc7: {  	v34 =	vld [tilespmem:s16+$0xC860]  }
0xc8: {  	v41 =	vld [tilespmem:s16+$0xC840]  }
0xc9: {  	v36 =	vld [tilespmem:s16+$0xC880]  }
0xca: {  	v31 =	vld [tilespmem:s16+$0xC8A0]  }
0xcb: {  	v38 =	vld [tilespmem:s16+$0xC830]  }
0xcc: {  	v40 =	vld [tilespmem:s16+$0xC870]  }
0xcd: {  	v35 =	vld [tilespmem:s16+$0xC8C0]  }
0xce: {  	v30 =	vld [tilespmem:s16+$0xC8E0]  }
0xcf: {  	v37 =	vld [tilespmem:s16+$0xC8B0]  }
0xd0: {  	v32 =	vld [tilespmem:s16+$0xC900]  }
0xd1: {  	v27 =	vld [tilespmem:s16+$0xC920]  }
0xd2: {  	v33 =	vld [tilespmem:s16+$0xC8F0]  }
0xd3: {  	v25 =	vld [tilespmem:s16+$0xC960]  }
0xd4: {  	v28 =	vld [tilespmem:s16+$0xC930]  }
0xd5: {  	v23 =	vld [tilespmem:s16+$0xC9A0]  }
0xd6: {  	v26 =	vld [tilespmem:s16+$0xC970]  }
0xd7: {  	v21 =	vld [tilespmem:s16+$0xC9E0]  }
0xd8: {  	v24 =	vld [tilespmem:s16+$0xC9B0]  }
0xd9: {  	v19 =	vld [tilespmem:s16+$0xCA20]  }
0xda: {  	v22 =	vld [tilespmem:s16+$0xC9F0]  }
0xdb: {  	v17 =	vld [tilespmem:s16+$0xCA60]  }
0xdc: {  	v20 =	vld [tilespmem:s16+$0xCA30]  }
0xdd: {  	v15 =	vld [tilespmem:s16+$0xCAA0]  }
0xde: {  	v18 =	vld [tilespmem:s16+$0xCA70]  }
0xdf: {  	v13 =	vld [tilespmem:s16+$0xCAE0]  }
0xe0: {  	v16 =	vld [tilespmem:s16+$0xCAB0]  }
0xe1: {  	v11 =	vld [tilespmem:s16+$0xCB20]  }
0xe2: {  	v14 =	vld [tilespmem:s16+$0xCAF0]  }
0xe3: {  	v45 =	vld [tilespmem:s16+$0xCEE0]  }
0xe4: {  	v46 =	vld [tilespmem:s16+$0xCF20]  }
0xe5: {  	v9 =	vld [tilespmem:s16+$0xCB60]  }
0xe6: {  	v12 =	vld [tilespmem:s16+$0xCB30]  }
0xe7: {  	v47 =	vld [tilespmem:s16+$0xCEF0]  }
0xe8: {  	[tilespmem:$0x1FA30] =	vst v45;
	v45 =	vld [tilespmem:s16+$0xCF60]  }
0xe9: {  	[tilespmem:$0x1FA40] =	vst v46;
	v46 =	vld [tilespmem:s16+$0xCF30]  }
0xea: {  	v7 =	vld [tilespmem:s16+$0xCBA0]  }
0xeb: {  	v10 =	vld [tilespmem:s16+$0xCB70]  }
0xec: {  	[tilespmem:$0x1FA50] =	vst v47;
	v47 =	vld [tilespmem:s16+$0xCFA0]  }
0xed: {  	[tilespmem:$0x1FA60] =	vst v45;
	v45 =	vld [tilespmem:s16+$0xCF70]  }
0xee: {  	[tilespmem:$0x1FA70] =	vst v46;
	v46 =	vld [tilespmem:s16+$0xCFE0]  }
0xef: {  	v5 =	vld [tilespmem:s16+$0xCBE0]  }
0xf0: {  	v8 =	vld [tilespmem:s16+$0xCBB0]  }
0xf1: {  	[tilespmem:$0x1FA80] =	vst v47;
	v47 =	vld [tilespmem:s16+$0xCFB0]  }
0xf2: {  	[tilespmem:$0x1FA90] =	vst v45;
	v45 =	vld [tilespmem:s16+$0xD020]  }
0xf3: {  	[tilespmem:$0x1FAA0] =	vst v46;
	v46 =	vld [tilespmem:s16+$0xCFF0]  }
0xf4: {  	v3 =	vld [tilespmem:s16+$0xCC20]  }
0xf5: {  	v6 =	vld [tilespmem:s16+$0xCBF0]  }
0xf6: {  	[tilespmem:$0x1FAB0] =	vst v47;
	v47 =	vld [tilespmem:s16+$0xD060]  }
0xf7: {  	[tilespmem:$0x1FAC0] =	vst v45;
	v45 =	vld [tilespmem:s16+$0xD030]  }
0xf8: {  	[tilespmem:$0x1FAD0] =	vst v46;
	v46 =	vld [tilespmem:s16+$0xD0A0]  }
0xf9: {  	v1 =	vld [tilespmem:s16+$0xCC60]  }
0xfa: {  	v4 =	vld [tilespmem:s16+$0xCC30]  }
0xfb: {  	[tilespmem:$0x1FAE0] =	vst v47;
	v47 =	vld [tilespmem:s16+$0xD070]  }
0xfc: {  	[tilespmem:$0x1FAF0] =	vst v45;
	v45 =	vld [tilespmem:s16+$0xD0E0]  }
0xfd: {  	[tilespmem:$0x1FB00] =	vst v46;
	v46 =	vld [tilespmem:s16+$0xD0B0]  }
0xfe: {  	v63 =	vld [tilespmem:s16+$0xCCA0]  }
0xff: {  	v2 =	vld [tilespmem:s16+$0xCC70]  }
0x100: {  	[tilespmem:$0x1FB10] =	vst v47;
	v47 =	vld [tilespmem:s16+$0xD120]  }
0x101: {  	[tilespmem:$0x1FB20] =	vst v45;
	v45 =	vld [tilespmem:s16+$0xD0F0]  }
0x102: {  	[tilespmem:$0x1FB30] =	vst v46;
	v46 =	vld [tilespmem:s16+$0xD160]  }
0x103: {  	v61 =	vld [tilespmem:s16+$0xCCE0]  }
0x104: {  	v0 =	vld [tilespmem:s16+$0xCCB0]  }
0x105: {  	[tilespmem:$0x1FB40] =	vst v47;
	v47 =	vld [tilespmem:s16+$0xD130]  }
0x106: {  	[tilespmem:$0x1FB50] =	vst v45;
	v45 =	vld [tilespmem:s16+$0xD1A0]  }
0x107: {  	[tilespmem:$0x1FB60] =	vst v46;
	v46 =	vld [tilespmem:s16+$0xD170]  }
0x108: {  	v59 =	vld [tilespmem:s16+$0xCD20]  }
0x109: {  	v62 =	vld [tilespmem:s16+$0xCCF0]  }
0x10a: {  	[tilespmem:$0x1FB70] =	vst v47;
	v47 =	vld [tilespmem:s16+$0xD1E0]  }
0x10b: {  	[tilespmem:$0x1FB80] =	vst v45;
	v45 =	vld [tilespmem:s16+$0xD1B0]  }
0x10c: {  	[tilespmem:$0x1FB90] =	vst v46;
	v46 =	vld [tilespmem:s16+$0xD220]  }
0x10d: {  	v57 =	vld [tilespmem:s16+$0xCD60]  }
0x10e: {  	v60 =	vld [tilespmem:s16+$0xCD30]  }
0x10f: {  	[tilespmem:$0x1FBA0] =	vst v47;
	v47 =	vld [tilespmem:s16+$0xD1F0]  }
0x110: {  	[tilespmem:$0x1FBB0] =	vst v45;
	v45 =	vld [tilespmem:s16+$0xD260]  }
0x111: {  	[tilespmem:$0x1FBC0] =	vst v46;
	v46 =	vld [tilespmem:s16+$0xD230]  }
0x112: {  	v55 =	vld [tilespmem:s16+$0xCDA0]  }
0x113: {  	v58 =	vld [tilespmem:s16+$0xCD70]  }
0x114: {  	[tilespmem:$0x1FBD0] =	vst v47;
	v47 =	vld [tilespmem:s16+$0xD2A0]  }
0x115: {  	[tilespmem:$0x1FBE0] =	vst v45;
	v45 =	vld [tilespmem:s16+$0xD270]  }
0x116: {  	[tilespmem:$0x1FBF0] =	vst v46;
	v46 =	vld [tilespmem:s16+$0xD2E0]  }
0x117: {  	v53 =	vld [tilespmem:s16+$0xCDE0]  }
0x118: {  	v56 =	vld [tilespmem:s16+$0xCDB0]  }
0x119: {  	[tilespmem:$0x1FC00] =	vst v47;
	v47 =	vld [tilespmem:s16+$0xD2B0]  }
0x11a: {  	[tilespmem:$0x1FC10] =	vst v45;
	v45 =	vld [tilespmem:s16+$0xD320]  }
0x11b: {  	[tilespmem:$0x1FC20] =	vst v46;
	v46 =	vld [tilespmem:s16+$0xD2F0]  }
0x11c: {  	v51 =	vld [tilespmem:s16+$0xCE20]  }
0x11d: {  	v54 =	vld [tilespmem:s16+$0xCDF0]  }
0x11e: {  	[tilespmem:$0x1FC30] =	vst v47;
	v47 =	vld [tilespmem:s16+$0xD360]  }
0x11f: {  	[tilespmem:$0x1FC40] =	vst v45;
	v45 =	vld [tilespmem:s16+$0xD330]  }
0x120: {  	[tilespmem:$0x1FC50] =	vst v46;
	v46 =	vld [tilespmem:s16+$0xD3A0]  }
0x121: {  	v49 =	vld [tilespmem:s16+$0xCE60]  }
0x122: {  	v52 =	vld [tilespmem:s16+$0xCE30]  }
0x123: {  	[tilespmem:$0x1FC60] =	vst v47;
	v47 =	vld [tilespmem:s16+$0xD370]  }
0x124: {  	[tilespmem:$0x1FC70] =	vst v45;
	v45 =	vld [tilespmem:s16+$0xD3E0]  }
0x125: {  	[tilespmem:$0x1FC80] =	vst v46;
	v46 =	vld [tilespmem:s16+$0xD3B0]  }
0x126: {  	v42 =	vld [tilespmem:s16+$0xCEA0]  }
0x127: {  	v50 =	vld [tilespmem:s16+$0xCE70]  }
0x128: {  	[tilespmem:$0x1FC90] =	vst v47;
	v47 =	vld [tilespmem:s16+$0xD420]  }
0x129: {  	s18 =	sadd.s32 $0x12C00, s17;
	[tilespmem:$0x1FCA0] =	vst v45;
	v45 =	vld [tilespmem:s16+$0xD3F0]  }
0x12a: {  	v43 =	vmov s18;
	[tilespmem:$0x1FCB0] =	vst v46;
	v46 =	vld [tilespmem:s16+$0xD430]  }
0x12b: {  	[tilespmem:$0x1FCF0] =	vst v43;
	v48 =	vld [tilespmem:s16+$0xCEB0]  }
0x12c: {  	v43 =	vld [tilespmem:s16+$0xC850];
	[tilespmem:$0x1FA20] =	vst v42  }
0x12d: {  	v42 =	vld [tilespmem:s16+$0xC940];
	[tilespmem:$0x1FCC0] =	vst v47  }
0x12e: {  	v47 =	vld [tilespmem:s16+$0xD460];
	[tilespmem:$0x1FCD0] =	vst v45  }
0x12f: {  	s17 =	simm.s32 $0x1;
	[tilespmem:$0x1FCE0] =	vst v46;
	v46 =	vld [tilespmem:s16+$0xD470]  }
.LBB2_7:
0x130: {  	v29 =	vadd.f32 v34, v29;
	_ =	sdelay $0x1  }
0x131: {  	v44 =	vld [tilespmem:s16+$0xC810];
	v29 =	vadd.f32 v31, v29;
	_ =	sdelay $0x1  }
0x132: {  	v45 =	vld [tilespmem:s16+$0xC890];
	v29 =	vadd.f32 v30, v29;
	_ =	sdelay $0x1  }
0x133: {  	[tilespmem:$0x1FA10] =	vst v46;
	v46 =	vld [tilespmem:s16+$0xC8D0];
	v27 =	vadd.f32 v27, v29  }
0x134: {  	v43 =	vadd.f32 v43, v44  }
0x135: {  	v38 =	vadd.f32 v40, v38;
	v25 =	vadd.f32 v25, v27  }
0x136: {  	v45 =	vadd.f32 v45, v43  }
0x137: {  	v43 =	vadd.f32 v37, v38;
	v23 =	vadd.f32 v23, v25  }
0x138: {  	v39 =	vadd.f32 v41, v39;
	v45 =	vadd.f32 v46, v45  }
0x139: {  	v46 =	vadd.f32 v33, v43;
	v21 =	vadd.f32 v21, v23  }
0x13a: {  	v34 =	vadd.f32 v36, v39  }
0x13b: {  	v28 =	vadd.f32 v28, v46;
	v19 =	vadd.f32 v19, v21  }
0x13c: {  	v31 =	vadd.f32 v35, v34  }
0x13d: {  	v36 =	vld [tilespmem:s16+$0xC980];
	v26 =	vadd.f32 v26, v28;
	v17 =	vadd.f32 v17, v19  }
0x13e: {  	v30 =	vadd.f32 v32, v31  }
0x13f: {  	v34 =	vld [tilespmem:s16+$0xC9C0];
	v24 =	vadd.f32 v24, v26;
	v15 =	vadd.f32 v15, v17  }
0x140: {  	v29 =	vadd.f32 v42, v30  }
0x141: {  	v31 =	vld [tilespmem:s16+$0xCA00];
	v22 =	vadd.f32 v22, v24;
	v13 =	vadd.f32 v13, v15  }
0x142: {  	v27 =	vadd.f32 v36, v29  }
0x143: {  	v30 =	vld [tilespmem:s16+$0xCA40];
	v20 =	vadd.f32 v20, v22;
	v11 =	vadd.f32 v11, v13  }
0x144: {  	v25 =	vadd.f32 v34, v27  }
0x145: {  	v29 =	vld [tilespmem:s16+$0xCA80];
	v18 =	vadd.f32 v18, v20;
	v9 =	vadd.f32 v9, v11  }
0x146: {  	v23 =	vadd.f32 v31, v25  }
0x147: {  	v27 =	vld [tilespmem:s16+$0xCAC0];
	v16 =	vadd.f32 v16, v18;
	v7 =	vadd.f32 v7, v9  }
0x148: {  	v21 =	vadd.f32 v30, v23  }
0x149: {  	v25 =	vld [tilespmem:s16+$0xCB00];
	v14 =	vadd.f32 v14, v16;
	v5 =	vadd.f32 v5, v7  }
0x14a: {  	v19 =	vadd.f32 v29, v21  }
0x14b: {  	v23 =	vld [tilespmem:s16+$0xCB40];
	v12 =	vadd.f32 v12, v14;
	v3 =	vadd.f32 v3, v5  }
0x14c: {  	v17 =	vadd.f32 v27, v19  }
0x14d: {  	v21 =	vld [tilespmem:s16+$0xCB80];
	v10 =	vadd.f32 v10, v12;
	v1 =	vadd.f32 v1, v3  }
0x14e: {  	v15 =	vadd.f32 v25, v17  }
0x14f: {  	v19 =	vld [tilespmem:s16+$0xCBC0];
	v8 =	vadd.f32 v8, v10;
	v1 =	vadd.f32 v63, v1  }
0x150: {  	v13 =	vadd.f32 v23, v15  }
0x151: {  	v17 =	vld [tilespmem:s16+$0xCC00];
	v6 =	vadd.f32 v6, v8;
	v1 =	vadd.f32 v61, v1  }
0x152: {  	v11 =	vadd.f32 v21, v13  }
0x153: {  	v15 =	vld [tilespmem:s16+$0xCC40];
	v4 =	vadd.f32 v4, v6;
	v1 =	vadd.f32 v59, v1  }
0x154: {  	v9 =	vadd.f32 v19, v11  }
0x155: {  	v13 =	vld [tilespmem:s16+$0xCC80];
	v2 =	vadd.f32 v2, v4;
	v1 =	vadd.f32 v57, v1  }
0x156: {  	v7 =	vadd.f32 v17, v9  }
0x157: {  	v0 =	vadd.f32 v0, v2;
	v1 =	vadd.f32 v55, v1  }
0x158: {  	v5 =	vadd.f32 v15, v7  }
0x159: {  	v0 =	vadd.f32 v62, v0;
	v1 =	vadd.f32 v53, v1  }
0x15a: {  	v3 =	vadd.f32 v13, v5;
	v13 =	vld [tilespmem:$0x1FA20]  }
0x15b: {  	v0 =	vadd.f32 v60, v0;
	v1 =	vadd.f32 v51, v1;
	_ =	sdelay $0x1  }
0x15c: {  	v0 =	vadd.f32 v58, v0;
	v1 =	vadd.f32 v49, v1;
	_ =	sdelay $0x1  }
0x15d: {  	v0 =	vadd.f32 v56, v0;
	v1 =	vadd.f32 v13, v1;
	v13 =	vld [tilespmem:$0x1FA30];
	_ =	sdelay $0x1  }
0x15e: {  	v0 =	vadd.f32 v54, v0;
	_ =	sdelay $0x1  }
0x15f: {  	v0 =	vadd.f32 v52, v0  }
0x160: {  	v1 =	vadd.f32 v13, v1;
	v13 =	vld [tilespmem:$0x1FA50]  }
0x161: {  	v0 =	vadd.f32 v50, v0;
	_ =	sdelay $0x1  }
0x162: {  	v0 =	vadd.f32 v48, v0;
	_ =	sdelay $0x1  }
0x163: {  	v0 =	vadd.f32 v13, v0;
	v13 =	vld [tilespmem:$0x1FA40];
	_ =	sdelay $0x4  }
0x164: {  	v1 =	vadd.f32 v13, v1;
	v13 =	vld [tilespmem:$0x1FA70];
	_ =	sdelay $0x4  }
0x165: {  	v0 =	vadd.f32 v13, v0;
	v13 =	vld [tilespmem:$0x1FA60];
	_ =	sdelay $0x4  }
0x166: {  	v1 =	vadd.f32 v13, v1;
	v13 =	vld [tilespmem:$0x1FA90];
	_ =	sdelay $0x4  }
0x167: {  	v0 =	vadd.f32 v13, v0;
	v13 =	vld [tilespmem:$0x1FA80];
	_ =	sdelay $0x4  }
0x168: {  	v1 =	vadd.f32 v13, v1;
	v13 =	vld [tilespmem:$0x1FAB0];
	_ =	sdelay $0x4  }
0x169: {  	v0 =	vadd.f32 v13, v0;
	v13 =	vld [tilespmem:$0x1FAA0];
	_ =	sdelay $0x4  }
0x16a: {  	v1 =	vadd.f32 v13, v1;
	v13 =	vld [tilespmem:$0x1FAD0];
	_ =	sdelay $0x4  }
0x16b: {  	v0 =	vadd.f32 v13, v0;
	v13 =	vld [tilespmem:$0x1FAC0];
	_ =	sdelay $0x4  }
0x16c: {  	v1 =	vadd.f32 v13, v1;
	v13 =	vld [tilespmem:$0x1FAF0];
	_ =	sdelay $0x4  }
0x16d: {  	v0 =	vadd.f32 v13, v0;
	v13 =	vld [tilespmem:$0x1FAE0];
	_ =	sdelay $0x4  }
0x16e: {  	v1 =	vadd.f32 v13, v1;
	v13 =	vld [tilespmem:$0x1FB10];
	_ =	sdelay $0x4  }
0x16f: {  	v0 =	vadd.f32 v13, v0;
	v13 =	vld [tilespmem:$0x1FB00];
	_ =	sdelay $0x4  }
0x170: {  	v1 =	vadd.f32 v13, v1;
	v13 =	vld [tilespmem:$0x1FB30];
	_ =	sdelay $0x4  }
0x171: {  	v0 =	vadd.f32 v13, v0;
	v13 =	vld [tilespmem:$0x1FB20];
	_ =	sdelay $0x1  }
0x172: {  	[tilespmem:$0x1FA00] =	vst v47;
	v47 =	vld [tilespmem:s16+$0xC910];
	_ =	sdelay $0x1  }
0x173: {  	v41 =	vld [tilespmem:s16+$0xC950]  }
0x174: {  	v1 =	vadd.f32 v13, v1;
	v13 =	vld [tilespmem:$0x1FB50]  }
0x175: {  	v44 =	vld [tilespmem:s16+$0xC990]  }
0x176: {  	v39 =	vadd.f32 v47, v45  }
0x177: {  	v40 =	vld [tilespmem:s16+$0xC9D0]  }
0x178: {  	v38 =	vld [tilespmem:s16+$0xCA10];
	v45 =	vadd.f32 v41, v39  }
0x179: {  	v0 =	vadd.f32 v13, v0;
	v13 =	vld [tilespmem:$0x1FB40]  }
0x17a: {  	v28 =	vadd.f32 v44, v45  }
0x17b: {  	v43 =	vld [tilespmem:s16+$0xCA50]  }
0x17c: {  	v26 =	vadd.f32 v40, v28  }
0x17d: {  	v46 =	vld [tilespmem:s16+$0xCA90]  }
0x17e: {  	v24 =	vadd.f32 v38, v26;
	v1 =	vadd.f32 v13, v1;
	v13 =	vld [tilespmem:$0x1FB70]  }
0x17f: {  	v47 =	vld [tilespmem:s16+$0xCAD0]  }
0x180: {  	v22 =	vadd.f32 v43, v24  }
0x181: {  	v28 =	vld [tilespmem:s16+$0xCB10]  }
0x182: {  	v26 =	vld [tilespmem:s16+$0xCB50];
	v20 =	vadd.f32 v46, v22  }
0x183: {  	v0 =	vadd.f32 v13, v0;
	v13 =	vld [tilespmem:$0x1FB60]  }
0x184: {  	v24 =	vld [tilespmem:s16+$0xCB90];
	v18 =	vadd.f32 v47, v20  }
0x185: {  	v22 =	vld [tilespmem:s16+$0xCBD0]  }
0x186: {  	v20 =	vld [tilespmem:s16+$0xCC10];
	v16 =	vadd.f32 v28, v18  }
0x187: {  	v18 =	vld [tilespmem:s16+$0xCC50]  }
0x188: {  	v14 =	vadd.f32 v26, v16;
	v1 =	vadd.f32 v13, v1;
	v13 =	vld [tilespmem:$0x1FB90]  }
0x189: {  	v16 =	vld [tilespmem:s16+$0xCC90]  }
0x18a: {  	v12 =	vadd.f32 v24, v14;
	v14 =	vld [tilespmem:s16+$0xCCD0]  }
0x18b: {  	v11 =	vld [tilespmem:s16+$0xCCC0]  }
0x18c: {  	v10 =	vadd.f32 v22, v12;
	v12 =	vld [tilespmem:s16+$0xCD10]  }
0x18d: {  	v0 =	vadd.f32 v13, v0;
	v13 =	vld [tilespmem:$0x1FB80]  }
0x18e: {  	v9 =	vld [tilespmem:s16+$0xCD00]  }
0x18f: {  	v8 =	vadd.f32 v20, v10;
	v10 =	vld [tilespmem:s16+$0xCD50]  }
0x190: {  	v7 =	vld [tilespmem:s16+$0xCD40]  }
0x191: {  	v6 =	vadd.f32 v18, v8;
	v8 =	vld [tilespmem:s16+$0xCD90]  }
0x192: {  	v1 =	vadd.f32 v13, v1;
	v13 =	vld [tilespmem:$0x1FBB0]  }
0x193: {  	v5 =	vld [tilespmem:s16+$0xCD80]  }
0x194: {  	v4 =	vadd.f32 v16, v6;
	v6 =	vld [tilespmem:s16+$0xCDD0]  }
0x195: {  	v3 =	vadd.f32 v11, v3;
	v11 =	vld [tilespmem:s16+$0xCDC0]  }
0x196: {  	v2 =	vadd.f32 v14, v4;
	v4 =	vld [tilespmem:s16+$0xCE10]  }
0x197: {  	v0 =	vadd.f32 v13, v0;
	v13 =	vld [tilespmem:$0x1FBA0]  }
0x198: {  	v3 =	vadd.f32 v9, v3;
	v9 =	vld [tilespmem:s16+$0xCE00]  }
0x199: {  	v2 =	vadd.f32 v12, v2;
	v12 =	vld [tilespmem:s16+$0xCE50]  }
0x19a: {  	v3 =	vadd.f32 v7, v3;
	v7 =	vld [tilespmem:s16+$0xCE40]  }
0x19b: {  	v2 =	vadd.f32 v10, v2;
	v10 =	vld [tilespmem:s16+$0xCE90]  }
0x19c: {  	v1 =	vadd.f32 v13, v1;
	v13 =	vld [tilespmem:$0x1FBD0]  }
0x19d: {  	v3 =	vadd.f32 v5, v3;
	v5 =	vld [tilespmem:s16+$0xCE80]  }
0x19e: {  	v2 =	vadd.f32 v8, v2;
	v8 =	vld [tilespmem:s16+$0xCED0]  }
0x19f: {  	v3 =	vadd.f32 v11, v3;
	v11 =	vld [tilespmem:s16+$0xCEC0]  }
0x1a0: {  	v2 =	vadd.f32 v6, v2;
	v6 =	vld [tilespmem:s16+$0xCF10]  }
0x1a1: {  	v0 =	vadd.f32 v13, v0;
	v13 =	vld [tilespmem:$0x1FBC0]  }
0x1a2: {  	v3 =	vadd.f32 v9, v3;
	v9 =	vld [tilespmem:s16+$0xCF00]  }
0x1a3: {  	v2 =	vadd.f32 v4, v2;
	v4 =	vld [tilespmem:s16+$0xCF50]  }
0x1a4: {  	v3 =	vadd.f32 v7, v3;
	v7 =	vld [tilespmem:s16+$0xCF40]  }
0x1a5: {  	v2 =	vadd.f32 v12, v2;
	v12 =	vld [tilespmem:s16+$0xCF90]  }
0x1a6: {  	v1 =	vadd.f32 v13, v1;
	v13 =	vld [tilespmem:$0x1FBF0]  }
0x1a7: {  	v3 =	vadd.f32 v5, v3;
	v5 =	vld [tilespmem:s16+$0xCF80]  }
0x1a8: {  	v2 =	vadd.f32 v10, v2;
	v10 =	vld [tilespmem:s16+$0xCFD0]  }
0x1a9: {  	v3 =	vadd.f32 v11, v3;
	v11 =	vld [tilespmem:s16+$0xCFC0]  }
0x1aa: {  	v2 =	vadd.f32 v8, v2;
	v8 =	vld [tilespmem:s16+$0xD010]  }
0x1ab: {  	v0 =	vadd.f32 v13, v0;
	v13 =	vld [tilespmem:$0x1FBE0]  }
0x1ac: {  	v3 =	vadd.f32 v9, v3;
	v9 =	vld [tilespmem:s16+$0xD000]  }
0x1ad: {  	v2 =	vadd.f32 v6, v2;
	v6 =	vld [tilespmem:s16+$0xD050]  }
0x1ae: {  	v3 =	vadd.f32 v7, v3;
	v7 =	vld [tilespmem:s16+$0xD040]  }
0x1af: {  	v2 =	vadd.f32 v4, v2;
	v4 =	vld [tilespmem:s16+$0xD090]  }
0x1b0: {  	v3 =	vadd.f32 v5, v3;
	v1 =	vadd.f32 v13, v1;
	v13 =	vld [tilespmem:$0x1FC10]  }
0x1b1: {  	v5 =	vld [tilespmem:s16+$0xD080]  }
0x1b2: {  	v2 =	vadd.f32 v12, v2;
	v12 =	vld [tilespmem:s16+$0xD0D0];
	v3 =	vadd.f32 v11, v3  }
0x1b3: {  	v11 =	vld [tilespmem:s16+$0xD0C0]  }
0x1b4: {  	v2 =	vadd.f32 v10, v2;
	v10 =	vld [tilespmem:s16+$0xD110];
	v3 =	vadd.f32 v9, v3  }
0x1b5: {  	v0 =	vadd.f32 v13, v0;
	v13 =	vld [tilespmem:$0x1FC00]  }
0x1b6: {  	v9 =	vld [tilespmem:s16+$0xD100];
	v3 =	vadd.f32 v7, v3  }
0x1b7: {  	v2 =	vadd.f32 v8, v2;
	v8 =	vld [tilespmem:s16+$0xD150]  }
0x1b8: {  	v7 =	vld [tilespmem:s16+$0xD140];
	v3 =	vadd.f32 v5, v3  }
0x1b9: {  	v2 =	vadd.f32 v6, v2;
	v6 =	vld [tilespmem:s16+$0xD190]  }
0x1ba: {  	v3 =	vadd.f32 v11, v3;
	v1 =	vadd.f32 v13, v1;
	v13 =	vld [tilespmem:$0x1FC30]  }
0x1bb: {  	v5 =	vld [tilespmem:s16+$0xD180]  }
0x1bc: {  	v2 =	vadd.f32 v4, v2;
	v4 =	vld [tilespmem:s16+$0xD1D0];
	v3 =	vadd.f32 v9, v3  }
0x1bd: {  	v11 =	vld [tilespmem:s16+$0xD1C0]  }
0x1be: {  	v9 =	vld [tilespmem:s16+$0xD200];
	v3 =	vadd.f32 v7, v3  }
0x1bf: {  	v2 =	vadd.f32 v12, v2;
	v0 =	vadd.f32 v13, v0;
	v13 =	vld [tilespmem:$0x1FC20]  }
0x1c0: {  	v12 =	vld [tilespmem:s16+$0xD210];
	v3 =	vadd.f32 v5, v3  }
0x1c1: {  	v2 =	vadd.f32 v10, v2;
	v7 =	vld [tilespmem:s16+$0xD240]  }
0x1c2: {  	v10 =	vld [tilespmem:s16+$0xD250];
	v3 =	vadd.f32 v11, v3  }
0x1c3: {  	v2 =	vadd.f32 v8, v2;
	v5 =	vld [tilespmem:s16+$0xD280]  }
0x1c4: {  	v3 =	vadd.f32 v9, v3;
	v1 =	vadd.f32 v13, v1;
	v13 =	vld [tilespmem:$0x1FC50]  }
0x1c5: {  	v2 =	vadd.f32 v6, v2;
	v11 =	vld [tilespmem:s16+$0xD2C0]  }
0x1c6: {  	v8 =	vld [tilespmem:s16+$0xD290];
	v3 =	vadd.f32 v7, v3  }
0x1c7: {  	v2 =	vadd.f32 v4, v2;
	v9 =	vld [tilespmem:s16+$0xD300]  }
0x1c8: {  	v7 =	vld [tilespmem:s16+$0xD340];
	v3 =	vadd.f32 v5, v3  }
0x1c9: {  	v2 =	vadd.f32 v12, v2;
	v0 =	vadd.f32 v13, v0;
	v13 =	vld [tilespmem:$0x1FC40]  }
0x1ca: {  	v6 =	vld [tilespmem:s16+$0xD2D0];
	v3 =	vadd.f32 v11, v3  }
0x1cb: {  	v2 =	vadd.f32 v10, v2;
	v5 =	vld [tilespmem:s16+$0xD380]  }
0x1cc: {  	v4 =	vld [tilespmem:s16+$0xD310];
	v3 =	vadd.f32 v9, v3  }
0x1cd: {  	v12 =	vld [tilespmem:s16+$0xD350];
	v2 =	vadd.f32 v8, v2  }
0x1ce: {  	v3 =	vadd.f32 v7, v3;
	v1 =	vadd.f32 v13, v1;
	v13 =	vld [tilespmem:$0x1FC70]  }
0x1cf: {  	v2 =	vadd.f32 v6, v2  }
0x1d0: {  	v3 =	vadd.f32 v5, v3;
	v5 =	vld [tilespmem:$0x1FC90]  }
0x1d1: {  	v2 =	vadd.f32 v4, v2;
	_ =	sdelay $0x1  }
0x1d2: {  	v2 =	vadd.f32 v12, v2;
	v12 =	vld [tilespmem:$0x1FC60];
	v0 =	vadd.f32 v13, v0;
	_ =	sdelay $0x1  }
0x1d3: {  	v0 =	vadd.f32 v5, v0;
	v5 =	vld [tilespmem:$0x1FC80];
	_ =	sdelay $0x2  }
0x1d4: {  	v1 =	vadd.f32 v12, v1;
	_ =	sdelay $0x1  }
0x1d5: {  	v1 =	vadd.f32 v5, v1;
	v5 =	vld [tilespmem:$0x1FCB0];
	_ =	sdelay $0x4  }
0x1d6: {  	v0 =	vadd.f32 v5, v0;
	v5 =	vld [tilespmem:$0x1FCA0]  }
0x1d7: {  	v10 =	vld [tilespmem:s16+$0xD390];
	_ =	sdelay $0x1  }
0x1d8: {  	v8 =	vld [tilespmem:s16+$0xD3D0]  }
0x1d9: {  	v6 =	vld [tilespmem:s16+$0xD410]  }
0x1da: {  	v1 =	vadd.f32 v5, v1;
	v5 =	vld [tilespmem:$0x1FCD0]  }
0x1db: {  	v2 =	vadd.f32 v10, v2  }
0x1dc: {  	v4 =	vld [tilespmem:s16+$0xD450]  }
0x1dd: {  	v2 =	vadd.f32 v8, v2;
	_ =	sdelay $0x1  }
0x1de: {  	v2 =	vadd.f32 v6, v2;
	v0 =	vadd.f32 v5, v0;
	v5 =	vld [tilespmem:$0x1FCC0];
	_ =	sdelay $0x1  }
0x1df: {  	v2 =	vadd.f32 v4, v2;
	v4 =	vld [tilespmem:$0x1FA00];
	_ =	sdelay $0x2  }
0x1e0: {  	v1 =	vadd.f32 v5, v1;
	v5 =	vld [tilespmem:$0x1FCE0]  }
0x1e1: {  	v11 =	vld [tilespmem:s16+$0xD3C0]  }
0x1e2: {  	v1 =	vadd.f32 v4, v1;
	v4 =	vld [tilespmem:$0x1FA10];
	_ =	sdelay $0x1  }
0x1e3: {  	v9 =	vld [tilespmem:s16+$0xD400]  }
0x1e4: {  	v0 =	vadd.f32 v5, v0  }
0x1e5: {  	v7 =	vld [tilespmem:s16+$0xD440]  }
0x1e6: {  	v3 =	vadd.f32 v11, v3;
	v0 =	vadd.f32 v4, v0;
	v4 =	vld [tilespmem:$0x1FCF0];
	_ =	sdelay $0x1  }
0x1e7: {  	v3 =	vadd.f32 v9, v3;
	_ =	sdelay $0x1  }
0x1e8: {  	v3 =	vadd.f32 v7, v3;
	_ =	sdelay $0x1  }
0x1e9: {  	s30 =	sshll.u32 s15, $0x6;
	v3 =	vmul.f32 $1.999999960e-02, v3  }
0x1ea: {  	s18 =	sand.u32 $0x3FFFFFC0, s30;
	v2 =	vmul.f32 $1.999999960e-02, v2  }
0x1eb: {  	v1 =	vmul.f32 $1.999999960e-02, v1;
	[tilespmem:v4+s18+$0x0 ss:$0x1] =	vst.idx.msk $0xffff, v3  }
0x1ec: {  	s31 =	smul.u32 $0x3200, s17;
	v0 =	vmul.f32 $1.999999960e-02, v0;
	[tilespmem:v4+s18+$0x10 ss:$0x1] =	vst.idx.msk $0xffff, v2  }
0x1ed: {  	[tilespmem:v4+s18+$0x20 ss:$0x1] =	vst.idx.msk $0xffff, v1  }
0x1ee: {  	s16 =	sshra.s32 s31, $0x2;
	[tilespmem:v4+s18+$0x30 ss:$0x1] =	vst.idx.msk $0xffff, v0  }
0x1ef: {  	v29 =	vld [tilespmem:s16+$0xC820]  }
0x1f0: {  	v39 =	vld [tilespmem:s16+$0xC800]  }
0x1f1: {  	v34 =	vld [tilespmem:s16+$0xC860]  }
0x1f2: {  	v41 =	vld [tilespmem:s16+$0xC840]  }
0x1f3: {  	v36 =	vld [tilespmem:s16+$0xC880]  }
0x1f4: {  	v31 =	vld [tilespmem:s16+$0xC8A0]  }
0x1f5: {  	v38 =	vld [tilespmem:s16+$0xC830]  }
0x1f6: {  	v40 =	vld [tilespmem:s16+$0xC870]  }
0x1f7: {  	v35 =	vld [tilespmem:s16+$0xC8C0]  }
0x1f8: {  	v30 =	vld [tilespmem:s16+$0xC8E0]  }
0x1f9: {  	v37 =	vld [tilespmem:s16+$0xC8B0]  }
0x1fa: {  	v32 =	vld [tilespmem:s16+$0xC900]  }
0x1fb: {  	v27 =	vld [tilespmem:s16+$0xC920]  }
0x1fc: {  	v33 =	vld [tilespmem:s16+$0xC8F0]  }
0x1fd: {  	v25 =	vld [tilespmem:s16+$0xC960]  }
0x1fe: {  	v28 =	vld [tilespmem:s16+$0xC930]  }
0x1ff: {  	v23 =	vld [tilespmem:s16+$0xC9A0]  }
0x200: {  	v26 =	vld [tilespmem:s16+$0xC970]  }
0x201: {  	v21 =	vld [tilespmem:s16+$0xC9E0]  }
0x202: {  	v24 =	vld [tilespmem:s16+$0xC9B0]  }
0x203: {  	v19 =	vld [tilespmem:s16+$0xCA20]  }
0x204: {  	v22 =	vld [tilespmem:s16+$0xC9F0]  }
0x205: {  	v17 =	vld [tilespmem:s16+$0xCA60]  }
0x206: {  	v20 =	vld [tilespmem:s16+$0xCA30]  }
0x207: {  	v15 =	vld [tilespmem:s16+$0xCAA0]  }
0x208: {  	v18 =	vld [tilespmem:s16+$0xCA70]  }
0x209: {  	v13 =	vld [tilespmem:s16+$0xCAE0]  }
0x20a: {  	v16 =	vld [tilespmem:s16+$0xCAB0]  }
0x20b: {  	v11 =	vld [tilespmem:s16+$0xCB20]  }
0x20c: {  	v14 =	vld [tilespmem:s16+$0xCAF0]  }
0x20d: {  	v45 =	vld [tilespmem:s16+$0xCEE0]  }
0x20e: {  	v46 =	vld [tilespmem:s16+$0xCF20]  }
0x20f: {  	v9 =	vld [tilespmem:s16+$0xCB60]  }
0x210: {  	v12 =	vld [tilespmem:s16+$0xCB30]  }
0x211: {  	v47 =	vld [tilespmem:s16+$0xCEF0]  }
0x212: {  	[tilespmem:$0x1FA30] =	vst v45;
	v45 =	vld [tilespmem:s16+$0xCF60]  }
0x213: {  	[tilespmem:$0x1FA40] =	vst v46;
	v46 =	vld [tilespmem:s16+$0xCF30]  }
0x214: {  	v7 =	vld [tilespmem:s16+$0xCBA0]  }
0x215: {  	v10 =	vld [tilespmem:s16+$0xCB70]  }
0x216: {  	[tilespmem:$0x1FA50] =	vst v47;
	v47 =	vld [tilespmem:s16+$0xCFA0]  }
0x217: {  	[tilespmem:$0x1FA60] =	vst v45;
	v45 =	vld [tilespmem:s16+$0xCF70]  }
0x218: {  	[tilespmem:$0x1FA70] =	vst v46;
	v46 =	vld [tilespmem:s16+$0xCFE0]  }
0x219: {  	v5 =	vld [tilespmem:s16+$0xCBE0]  }
0x21a: {  	v8 =	vld [tilespmem:s16+$0xCBB0]  }
0x21b: {  	[tilespmem:$0x1FA80] =	vst v47;
	v47 =	vld [tilespmem:s16+$0xCFB0]  }
0x21c: {  	[tilespmem:$0x1FA90] =	vst v45;
	v45 =	vld [tilespmem:s16+$0xD020]  }
0x21d: {  	[tilespmem:$0x1FAA0] =	vst v46;
	v46 =	vld [tilespmem:s16+$0xCFF0]  }
0x21e: {  	v3 =	vld [tilespmem:s16+$0xCC20]  }
0x21f: {  	v6 =	vld [tilespmem:s16+$0xCBF0]  }
0x220: {  	[tilespmem:$0x1FAB0] =	vst v47;
	v47 =	vld [tilespmem:s16+$0xD060]  }
0x221: {  	[tilespmem:$0x1FAC0] =	vst v45;
	v45 =	vld [tilespmem:s16+$0xD030]  }
0x222: {  	[tilespmem:$0x1FAD0] =	vst v46;
	v46 =	vld [tilespmem:s16+$0xD0A0]  }
0x223: {  	v1 =	vld [tilespmem:s16+$0xCC60]  }
0x224: {  	v4 =	vld [tilespmem:s16+$0xCC30]  }
0x225: {  	[tilespmem:$0x1FAE0] =	vst v47;
	v47 =	vld [tilespmem:s16+$0xD070]  }
0x226: {  	[tilespmem:$0x1FAF0] =	vst v45;
	v45 =	vld [tilespmem:s16+$0xD0E0]  }
0x227: {  	[tilespmem:$0x1FB00] =	vst v46;
	v46 =	vld [tilespmem:s16+$0xD0B0]  }
0x228: {  	v63 =	vld [tilespmem:s16+$0xCCA0]  }
0x229: {  	v2 =	vld [tilespmem:s16+$0xCC70]  }
0x22a: {  	[tilespmem:$0x1FB10] =	vst v47;
	v47 =	vld [tilespmem:s16+$0xD120]  }
0x22b: {  	[tilespmem:$0x1FB20] =	vst v45;
	v45 =	vld [tilespmem:s16+$0xD0F0]  }
0x22c: {  	[tilespmem:$0x1FB30] =	vst v46;
	v46 =	vld [tilespmem:s16+$0xD160]  }
0x22d: {  	v61 =	vld [tilespmem:s16+$0xCCE0]  }
0x22e: {  	v0 =	vld [tilespmem:s16+$0xCCB0]  }
0x22f: {  	[tilespmem:$0x1FB40] =	vst v47;
	v47 =	vld [tilespmem:s16+$0xD130]  }
0x230: {  	[tilespmem:$0x1FB50] =	vst v45;
	v45 =	vld [tilespmem:s16+$0xD1A0]  }
0x231: {  	[tilespmem:$0x1FB60] =	vst v46;
	v46 =	vld [tilespmem:s16+$0xD170]  }
0x232: {  	v59 =	vld [tilespmem:s16+$0xCD20]  }
0x233: {  	v62 =	vld [tilespmem:s16+$0xCCF0]  }
0x234: {  	[tilespmem:$0x1FB70] =	vst v47;
	v47 =	vld [tilespmem:s16+$0xD1E0]  }
0x235: {  	[tilespmem:$0x1FB80] =	vst v45;
	v45 =	vld [tilespmem:s16+$0xD1B0]  }
0x236: {  	[tilespmem:$0x1FB90] =	vst v46;
	v46 =	vld [tilespmem:s16+$0xD220]  }
0x237: {  	v57 =	vld [tilespmem:s16+$0xCD60]  }
0x238: {  	v60 =	vld [tilespmem:s16+$0xCD30]  }
0x239: {  	[tilespmem:$0x1FBA0] =	vst v47;
	v47 =	vld [tilespmem:s16+$0xD1F0]  }
0x23a: {  	[tilespmem:$0x1FBB0] =	vst v45;
	v45 =	vld [tilespmem:s16+$0xD260]  }
0x23b: {  	[tilespmem:$0x1FBC0] =	vst v46;
	v46 =	vld [tilespmem:s16+$0xD230]  }
0x23c: {  	v55 =	vld [tilespmem:s16+$0xCDA0]  }
0x23d: {  	v58 =	vld [tilespmem:s16+$0xCD70]  }
0x23e: {  	[tilespmem:$0x1FBD0] =	vst v47;
	v47 =	vld [tilespmem:s16+$0xD2A0]  }
0x23f: {  	[tilespmem:$0x1FBE0] =	vst v45;
	v45 =	vld [tilespmem:s16+$0xD270]  }
0x240: {  	[tilespmem:$0x1FBF0] =	vst v46;
	v46 =	vld [tilespmem:s16+$0xD2E0]  }
0x241: {  	v53 =	vld [tilespmem:s16+$0xCDE0]  }
0x242: {  	v56 =	vld [tilespmem:s16+$0xCDB0]  }
0x243: {  	[tilespmem:$0x1FC00] =	vst v47;
	v47 =	vld [tilespmem:s16+$0xD2B0]  }
0x244: {  	[tilespmem:$0x1FC10] =	vst v45;
	v45 =	vld [tilespmem:s16+$0xD320]  }
0x245: {  	[tilespmem:$0x1FC20] =	vst v46;
	v46 =	vld [tilespmem:s16+$0xD2F0]  }
0x246: {  	v51 =	vld [tilespmem:s16+$0xCE20]  }
0x247: {  	v54 =	vld [tilespmem:s16+$0xCDF0]  }
0x248: {  	[tilespmem:$0x1FC30] =	vst v47;
	v47 =	vld [tilespmem:s16+$0xD360]  }
0x249: {  	[tilespmem:$0x1FC40] =	vst v45;
	v45 =	vld [tilespmem:s16+$0xD330]  }
0x24a: {  	[tilespmem:$0x1FC50] =	vst v46;
	v46 =	vld [tilespmem:s16+$0xD3A0]  }
0x24b: {  	v49 =	vld [tilespmem:s16+$0xCE60]  }
0x24c: {  	v52 =	vld [tilespmem:s16+$0xCE30]  }
0x24d: {  	[tilespmem:$0x1FC60] =	vst v47;
	v47 =	vld [tilespmem:s16+$0xD370]  }
0x24e: {  	[tilespmem:$0x1FC70] =	vst v45;
	v45 =	vld [tilespmem:s16+$0xD3E0]  }
0x24f: {  	[tilespmem:$0x1FC80] =	vst v46;
	v46 =	vld [tilespmem:s16+$0xD3B0]  }
0x250: {  	v50 =	vld [tilespmem:s16+$0xCEA0]  }
0x251: {  	v48 =	vld [tilespmem:s16+$0xCEB0]  }
0x252: {  	[tilespmem:$0x1FC90] =	vst v47;
	v47 =	vld [tilespmem:s16+$0xD420]  }
0x253: {  	[tilespmem:$0x1FCA0] =	vst v45;
	v45 =	vld [tilespmem:s16+$0xD3F0]  }
0x254: {  	p0 =	sne.s32 s17, $0x7;
	[tilespmem:$0x1FCB0] =	vst v46;
	v46 =	vld [tilespmem:s16+$0xD430]  }
.Ltmp5:
0x255: {  	v42 =	vld [tilespmem:s16+$0xC940];
	(pc) =	sbr.rel @p0 .LBB2_7-.Ltmp5, $4  }
0x256: {  	v43 =	vld [tilespmem:s16+$0xC850];
	[tilespmem:$0x1FA20] =	vst v50  }
0x257: {  	v50 =	vld [tilespmem:s16+$0xCE70];
	[tilespmem:$0x1FCC0] =	vst v47  }
0x258: {  	v47 =	vld [tilespmem:s16+$0xD460];
	[tilespmem:$0x1FCD0] =	vst v45  }
0x259: {  	s15 =	smov.u32 s17;
	s17 =	sadd.s32 $0x1, s17;
	[tilespmem:$0x1FCE0] =	vst v46;
	v46 =	vld [tilespmem:s16+$0xD470]  }
0x25a: {  	v44 =	vld [tilespmem:s16+$0xC810]  }
0x25b: {  	v45 =	vld [tilespmem:s16+$0xC890];
	v39 =	vadd.f32 v41, v39;
	v29 =	vadd.f32 v34, v29  }
0x25c: {  	v41 =	vld [tilespmem:s16+$0xC8D0];
	v38 =	vadd.f32 v40, v38  }
0x25d: {  	v34 =	vadd.f32 v36, v39;
	v36 =	vld [tilespmem:s16+$0xC910];
	v29 =	vadd.f32 v31, v29  }
0x25e: {  	v40 =	vadd.f32 v37, v38;
	v38 =	vld [tilespmem:s16+$0xC980]  }
0x25f: {  	v31 =	vld [tilespmem:s16+$0xC990];
	v29 =	vadd.f32 v30, v29  }
0x260: {  	v39 =	vld [tilespmem:s16+$0xC9C0];
	v43 =	vadd.f32 v43, v44  }
0x261: {  	v27 =	vadd.f32 v27, v29;
	v29 =	vld [tilespmem:s16+$0xCAD0]  }
0x262: {  	v44 =	vadd.f32 v45, v43;
	v45 =	vadd.f32 v35, v34;
	v34 =	vld [tilespmem:s16+$0xC950]  }
0x263: {  	v35 =	vld [tilespmem:s16+$0xCB40]  }
0x264: {  	v43 =	vadd.f32 v41, v44;
	v41 =	vld [tilespmem:s16+$0xC9D0]  }
0x265: {  	v44 =	vadd.f32 v32, v45;
	v45 =	vadd.f32 v33, v40;
	v33 =	vld [tilespmem:s16+$0xCB10]  }
0x266: {  	v37 =	vadd.f32 v36, v43;
	v43 =	vld [tilespmem:s16+$0xCA00]  }
0x267: {  	v40 =	vadd.f32 v42, v44;
	v28 =	vadd.f32 v28, v45;
	v45 =	vld [tilespmem:s16+$0xCA10]  }
0x268: {  	v25 =	vadd.f32 v25, v27;
	v36 =	vld [tilespmem:s16+$0xCA40]  }
0x269: {  	v44 =	vadd.f32 v38, v40;
	v38 =	vld [tilespmem:s16+$0xCA50]  }
0x26a: {  	v23 =	vadd.f32 v23, v25;
	v42 =	vadd.f32 v34, v37;
	v40 =	vld [tilespmem:s16+$0xCA80]  }
0x26b: {  	v26 =	vadd.f32 v26, v28;
	v28 =	vld [tilespmem:s16+$0xCC50]  }
0x26c: {  	v21 =	vadd.f32 v21, v23;
	v34 =	vadd.f32 v31, v42;
	v42 =	vld [tilespmem:s16+$0xCA90]  }
0x26d: {  	v37 =	vadd.f32 v39, v44;
	v44 =	vld [tilespmem:s16+$0xCAC0]  }
0x26e: {  	v19 =	vadd.f32 v19, v21;
	v31 =	vld [tilespmem:s16+$0xCB00]  }
0x26f: {  	v24 =	vadd.f32 v24, v26;
	v26 =	vld [tilespmem:s16+$0xCC40]  }
0x270: {  	v17 =	vadd.f32 v17, v19;
	v19 =	vld [tilespmem:s16+$0xCE90]  }
0x271: {  	v39 =	vadd.f32 v41, v34;
	v41 =	vadd.f32 v43, v37;
	v37 =	vld [tilespmem:s16+$0xCB50]  }
0x272: {  	v22 =	vadd.f32 v22, v24;
	v24 =	vld [tilespmem:s16+$0xCC10]  }
0x273: {  	v15 =	vadd.f32 v15, v17;
	v17 =	vld [tilespmem:s16+$0xCE50]  }
0x274: {  	v43 =	vadd.f32 v45, v39;
	v39 =	vld [tilespmem:s16+$0xCB80]  }
0x275: {  	v45 =	vadd.f32 v36, v41;
	v41 =	vld [tilespmem:s16+$0xCB90]  }
0x276: {  	v20 =	vadd.f32 v20, v22;
	v22 =	vld [tilespmem:s16+$0xCC00]  }
0x277: {  	v13 =	vadd.f32 v13, v15;
	v15 =	vld [tilespmem:s16+$0xCE10]  }
0x278: {  	v30 =	vadd.f32 v38, v43;
	v43 =	vld [tilespmem:s16+$0xCBC0]  }
0x279: {  	v32 =	vadd.f32 v40, v45;
	v45 =	vld [tilespmem:s16+$0xCBD0]  }
0x27a: {  	v18 =	vadd.f32 v18, v20;
	v20 =	vld [tilespmem:s16+$0xCEC0]  }
0x27b: {  	v11 =	vadd.f32 v11, v13;
	v13 =	vld [tilespmem:s16+$0xCDD0]  }
0x27c: {  	v34 =	vadd.f32 v42, v30;
	v30 =	vld [tilespmem:s16+$0xCC80]  }
0x27d: {  	v36 =	vadd.f32 v44, v32;
	v32 =	vld [tilespmem:s16+$0xCC90]  }
0x27e: {  	v16 =	vadd.f32 v16, v18;
	v18 =	vld [tilespmem:s16+$0xCE80]  }
0x27f: {  	v38 =	vadd.f32 v29, v34;
	v34 =	vld [tilespmem:s16+$0xCCC0]  }
0x280: {  	v40 =	vadd.f32 v31, v36;
	v36 =	vld [tilespmem:s16+$0xCCD0]  }
0x281: {  	v14 =	vadd.f32 v14, v16;
	v16 =	vld [tilespmem:s16+$0xCE40]  }
0x282: {  	v42 =	vadd.f32 v33, v38;
	v38 =	vld [tilespmem:s16+$0xCD00]  }
0x283: {  	v44 =	vadd.f32 v35, v40;
	v40 =	vld [tilespmem:s16+$0xCD10]  }
0x284: {  	v9 =	vadd.f32 v9, v11;
	v12 =	vadd.f32 v12, v14;
	v14 =	vld [tilespmem:s16+$0xCE00]  }
0x285: {  	v21 =	vadd.f32 v37, v42;
	v23 =	vadd.f32 v39, v44;
	v42 =	vld [tilespmem:s16+$0xCD40]  }
0x286: {  	v7 =	vadd.f32 v7, v9;
	v10 =	vadd.f32 v10, v12;
	v12 =	vld [tilespmem:s16+$0xCDC0]  }
0x287: {  	v27 =	vadd.f32 v43, v23;
	v43 =	vld [tilespmem:s16+$0xCD50]  }
0x288: {  	v5 =	vadd.f32 v5, v7;
	v25 =	vadd.f32 v41, v21;
	v21 =	vld [tilespmem:s16+$0xCED0]  }
0x289: {  	v23 =	vld [tilespmem:s16+$0xCF10]  }
0x28a: {  	v3 =	vadd.f32 v3, v5;
	v29 =	vadd.f32 v45, v25;
	v45 =	vld [tilespmem:s16+$0xCD80]  }
0x28b: {  	v31 =	vadd.f32 v22, v27;
	v22 =	vld [tilespmem:s16+$0xCF00]  }
0x28c: {  	v1 =	vadd.f32 v1, v3;
	v25 =	vld [tilespmem:$0x1FA20]  }
0x28d: {  	v27 =	vld [tilespmem:s16+$0xCF80]  }
0x28e: {  	v1 =	vadd.f32 v63, v1;
	v63 =	vld [tilespmem:s16+$0xCD90]  }
0x28f: {  	v33 =	vadd.f32 v24, v29;
	v24 =	vld [tilespmem:s16+$0xCF40]  }
0x290: {  	v35 =	vadd.f32 v26, v31;
	v26 =	vld [tilespmem:s16+$0xCF50]  }
0x291: {  	v29 =	vld [tilespmem:s16+$0xCF90]  }
0x292: {  	v31 =	vld [tilespmem:s16+$0xCFC0]  }
0x293: {  	v1 =	vadd.f32 v61, v1;
	v61 =	vld [tilespmem:s16+$0xD180]  }
0x294: {  	v37 =	vadd.f32 v28, v33;
	v28 =	vld [tilespmem:$0x1FA30]  }
0x295: {  	v39 =	vadd.f32 v30, v35;
	v30 =	vld [tilespmem:$0x1FA50]  }
0x296: {  	v33 =	vld [tilespmem:s16+$0xCFD0]  }
0x297: {  	v8 =	vadd.f32 v8, v10;
	v35 =	vld [tilespmem:s16+$0xD000]  }
0x298: {  	v1 =	vadd.f32 v59, v1;
	v59 =	vld [tilespmem:s16+$0xD150]  }
0x299: {  	v6 =	vadd.f32 v6, v8;
	v41 =	vadd.f32 v32, v37;
	v32 =	vld [tilespmem:$0x1FA40]  }
0x29a: {  	v3 =	vadd.f32 v34, v39;
	v34 =	vld [tilespmem:$0x1FA70]  }
0x29b: {  	v4 =	vadd.f32 v4, v6;
	v37 =	vld [tilespmem:s16+$0xD010]  }
0x29c: {  	v39 =	vld [tilespmem:s16+$0xD040]  }
0x29d: {  	v2 =	vadd.f32 v2, v4;
	v1 =	vadd.f32 v57, v1;
	v57 =	vld [tilespmem:s16+$0xD140]  }
0x29e: {  	v44 =	vadd.f32 v36, v41;
	v36 =	vld [tilespmem:$0x1FA60]  }
0x29f: {  	v0 =	vadd.f32 v0, v2;
	v3 =	vadd.f32 v38, v3;
	v38 =	vld [tilespmem:$0x1FA90]  }
0x2a0: {  	v41 =	vld [tilespmem:s16+$0xD050]  }
0x2a1: {  	v0 =	vadd.f32 v62, v0;
	v62 =	vld [tilespmem:$0x1FB20]  }
0x2a2: {  	v1 =	vadd.f32 v55, v1;
	v55 =	vld [tilespmem:s16+$0xD110]  }
0x2a3: {  	v2 =	vadd.f32 v40, v44;
	v40 =	vld [tilespmem:$0x1FA80]  }
0x2a4: {  	v3 =	vadd.f32 v42, v3;
	v42 =	vld [tilespmem:$0x1FAB0]  }
0x2a5: {  	v44 =	vld [tilespmem:$0x1FAA0]  }
0x2a6: {  	v0 =	vadd.f32 v60, v0;
	v60 =	vld [tilespmem:$0x1FB30]  }
0x2a7: {  	v1 =	vadd.f32 v53, v1;
	v53 =	vld [tilespmem:s16+$0xD100]  }
0x2a8: {  	v2 =	vadd.f32 v43, v2;
	v43 =	vld [tilespmem:s16+$0xD080]  }
0x2a9: {  	v3 =	vadd.f32 v45, v3;
	v45 =	vld [tilespmem:s16+$0xD090]  }
0x2aa: {  	v0 =	vadd.f32 v58, v0;
	v58 =	vld [tilespmem:$0x1FB00]  }
0x2ab: {  	v1 =	vadd.f32 v51, v1;
	v51 =	vld [tilespmem:s16+$0xD0D0]  }
0x2ac: {  	v0 =	vadd.f32 v56, v0;
	v56 =	vld [tilespmem:$0x1FB10]  }
0x2ad: {  	v2 =	vadd.f32 v63, v2;
	v63 =	vld [tilespmem:s16+$0xD190]  }
0x2ae: {  	v3 =	vadd.f32 v12, v3;
	v12 =	vld [tilespmem:$0x1FB50]  }
0x2af: {  	v1 =	vadd.f32 v49, v1;
	v49 =	vld [tilespmem:s16+$0xD0C0]  }
0x2b0: {  	v0 =	vadd.f32 v54, v0;
	v54 =	vld [tilespmem:$0x1FAE0]  }
0x2b1: {  	v2 =	vadd.f32 v13, v2;
	v13 =	vld [tilespmem:s16+$0xD1C0]  }
0x2b2: {  	v3 =	vadd.f32 v14, v3;
	v14 =	vld [tilespmem:$0x1FB40]  }
0x2b3: {  	v1 =	vadd.f32 v25, v1;
	v25 =	vld [tilespmem:s16+$0xD280]  }
0x2b4: {  	v0 =	vadd.f32 v52, v0;
	v52 =	vld [tilespmem:$0x1FAF0]  }
0x2b5: {  	v2 =	vadd.f32 v15, v2;
	v15 =	vld [tilespmem:s16+$0xD1D0]  }
0x2b6: {  	v3 =	vadd.f32 v16, v3;
	v16 =	vld [tilespmem:$0x1FB70]  }
0x2b7: {  	v1 =	vadd.f32 v28, v1;
	v28 =	vld [tilespmem:$0x1FBD0]  }
0x2b8: {  	v0 =	vadd.f32 v50, v0;
	v50 =	vld [tilespmem:$0x1FAC0]  }
0x2b9: {  	v2 =	vadd.f32 v17, v2;
	v17 =	vld [tilespmem:s16+$0xD200]  }
0x2ba: {  	v3 =	vadd.f32 v18, v3;
	v18 =	vld [tilespmem:$0x1FB60]  }
0x2bb: {  	v1 =	vadd.f32 v32, v1;
	v32 =	vld [tilespmem:$0x1FBF0];
	v2 =	vadd.f32 v19, v2  }
0x2bc: {  	v3 =	vadd.f32 v20, v3;
	v0 =	vadd.f32 v48, v0;
	v48 =	vld [tilespmem:$0x1FAD0]  }
0x2bd: {  	v19 =	vld [tilespmem:s16+$0xD210];
	v2 =	vadd.f32 v21, v2  }
0x2be: {  	v20 =	vld [tilespmem:$0x1FB90];
	v1 =	vadd.f32 v36, v1;
	v3 =	vadd.f32 v22, v3  }
0x2bf: {  	v36 =	vld [tilespmem:$0x1FC10];
	v0 =	vadd.f32 v30, v0;
	v2 =	vadd.f32 v23, v2  }
0x2c0: {  	v21 =	vld [tilespmem:s16+$0xD240];
	v3 =	vadd.f32 v24, v3  }
0x2c1: {  	v22 =	vld [tilespmem:$0x1FB80];
	v0 =	vadd.f32 v34, v0;
	v2 =	vadd.f32 v26, v2  }
0x2c2: {  	v30 =	vld [tilespmem:$0x1FBC0];
	v1 =	vadd.f32 v40, v1;
	v3 =	vadd.f32 v27, v3  }
0x2c3: {  	v40 =	vld [tilespmem:$0x1FC30];
	v0 =	vadd.f32 v38, v0;
	v2 =	vadd.f32 v29, v2  }
0x2c4: {  	v23 =	vld [tilespmem:s16+$0xD250];
	v3 =	vadd.f32 v31, v3  }
0x2c5: {  	v24 =	vld [tilespmem:$0x1FBB0];
	v0 =	vadd.f32 v42, v0;
	v2 =	vadd.f32 v33, v2  }
0x2c6: {  	v34 =	vld [tilespmem:$0x1FBE0];
	v1 =	vadd.f32 v44, v1;
	v3 =	vadd.f32 v35, v3  }
0x2c7: {  	v44 =	vld [tilespmem:$0x1FC50];
	v0 =	vadd.f32 v48, v0;
	v2 =	vadd.f32 v37, v2  }
0x2c8: {  	v26 =	vld [tilespmem:$0x1FBA0];
	v1 =	vadd.f32 v50, v1;
	v3 =	vadd.f32 v39, v3  }
0x2c9: {  	v27 =	vld [tilespmem:s16+$0xD290];
	v0 =	vadd.f32 v52, v0;
	v2 =	vadd.f32 v41, v2  }
0x2ca: {  	v38 =	vld [tilespmem:$0x1FC00];
	v1 =	vadd.f32 v54, v1;
	v3 =	vadd.f32 v43, v3  }
0x2cb: {  	v50 =	vld [tilespmem:$0x1FC70];
	v0 =	vadd.f32 v56, v0;
	v2 =	vadd.f32 v45, v2  }
0x2cc: {  	v29 =	vld [tilespmem:s16+$0xD2C0];
	v1 =	vadd.f32 v58, v1;
	v3 =	vadd.f32 v49, v3  }
0x2cd: {  	v31 =	vld [tilespmem:s16+$0xD2D0];
	v0 =	vadd.f32 v60, v0;
	v2 =	vadd.f32 v51, v2  }
0x2ce: {  	v42 =	vld [tilespmem:$0x1FC20];
	v1 =	vadd.f32 v62, v1;
	v3 =	vadd.f32 v53, v3  }
0x2cf: {  	v54 =	vld [tilespmem:$0x1FC90];
	v0 =	vadd.f32 v12, v0;
	v2 =	vadd.f32 v55, v2  }
0x2d0: {  	v33 =	vld [tilespmem:s16+$0xD300];
	v1 =	vadd.f32 v14, v1;
	v3 =	vadd.f32 v57, v3  }
0x2d1: {  	v35 =	vld [tilespmem:s16+$0xD310];
	v0 =	vadd.f32 v16, v0;
	v2 =	vadd.f32 v59, v2  }
0x2d2: {  	v48 =	vld [tilespmem:$0x1FC40];
	v1 =	vadd.f32 v18, v1;
	v3 =	vadd.f32 v61, v3  }
0x2d3: {  	v58 =	vld [tilespmem:$0x1FCB0];
	v0 =	vadd.f32 v20, v0;
	v2 =	vadd.f32 v63, v2  }
0x2d4: {  	v37 =	vld [tilespmem:s16+$0xD340];
	v1 =	vadd.f32 v22, v1;
	v3 =	vadd.f32 v13, v3  }
0x2d5: {  	v39 =	vld [tilespmem:s16+$0xD350];
	v0 =	vadd.f32 v24, v0;
	v2 =	vadd.f32 v15, v2  }
0x2d6: {  	v52 =	vld [tilespmem:$0x1FC60];
	v1 =	vadd.f32 v26, v1;
	v3 =	vadd.f32 v17, v3  }
0x2d7: {  	v62 =	vld [tilespmem:$0x1FCE0];
	v0 =	vadd.f32 v28, v0;
	v2 =	vadd.f32 v19, v2  }
0x2d8: {  	v41 =	vld [tilespmem:s16+$0xD380];
	v1 =	vadd.f32 v30, v1;
	v3 =	vadd.f32 v21, v3  }
0x2d9: {  	v43 =	vld [tilespmem:s16+$0xD390];
	v0 =	vadd.f32 v32, v0;
	v2 =	vadd.f32 v23, v2  }
0x2da: {  	v56 =	vld [tilespmem:$0x1FC80];
	v1 =	vadd.f32 v34, v1;
	v3 =	vadd.f32 v25, v3  }
0x2db: {  	v45 =	vld [tilespmem:s16+$0xD3C0];
	v0 =	vadd.f32 v36, v0;
	v2 =	vadd.f32 v27, v2  }
0x2dc: {  	v49 =	vld [tilespmem:s16+$0xD3D0];
	v1 =	vadd.f32 v38, v1;
	v3 =	vadd.f32 v29, v3  }
0x2dd: {  	v60 =	vld [tilespmem:$0x1FCD0];
	v0 =	vadd.f32 v40, v0;
	v2 =	vadd.f32 v31, v2  }
0x2de: {  	v51 =	vld [tilespmem:s16+$0xD400];
	v1 =	vadd.f32 v42, v1;
	v3 =	vadd.f32 v33, v3  }
0x2df: {  	v53 =	vld [tilespmem:s16+$0xD410];
	v0 =	vadd.f32 v44, v0;
	v2 =	vadd.f32 v35, v2  }
0x2e0: {  	v55 =	vld [tilespmem:s16+$0xD440];
	v1 =	vadd.f32 v48, v1;
	v3 =	vadd.f32 v37, v3  }
0x2e1: {  	v59 =	vld [tilespmem:$0x1FCA0];
	v0 =	vadd.f32 v50, v0;
	v2 =	vadd.f32 v39, v2  }
0x2e2: {  	v57 =	vld [tilespmem:s16+$0xD450];
	v1 =	vadd.f32 v52, v1;
	v3 =	vadd.f32 v41, v3  }
0x2e3: {  	v61 =	vld [tilespmem:$0x1FCC0];
	v0 =	vadd.f32 v54, v0;
	v2 =	vadd.f32 v43, v2  }
0x2e4: {  	v63 =	vld [tilespmem:$0x1FCF0];
	v1 =	vadd.f32 v56, v1;
	v3 =	vadd.f32 v45, v3  }
0x2e5: {  	v0 =	vadd.f32 v58, v0;
	v2 =	vadd.f32 v49, v2  }
0x2e6: {  	v1 =	vadd.f32 v59, v1;
	v3 =	vadd.f32 v51, v3  }
0x2e7: {  	v0 =	vadd.f32 v60, v0;
	v2 =	vadd.f32 v53, v2  }
0x2e8: {  	v1 =	vadd.f32 v61, v1;
	v3 =	vadd.f32 v55, v3  }
0x2e9: {  	v0 =	vadd.f32 v62, v0;
	v2 =	vadd.f32 v57, v2  }
0x2ea: {  	s15 =	sshll.u32 s15, $0x6;
	v1 =	vadd.f32 v47, v1;
	v3 =	vmul.f32 $1.999999960e-02, v3  }
.Ltmp6:
0x2eb: {  	s15 =	sand.u32 $0x3FFFFFC0, s15;
	v0 =	vadd.f32 v46, v0;
	v2 =	vmul.f32 $1.999999960e-02, v2;
	(pc) =	sbr.rel .LBB2_9-.Ltmp6, $4  }
0x2ec: {  	v1 =	vmul.f32 $1.999999960e-02, v1;
	[tilespmem:v63+s15+$0x0 ss:$0x1] =	vst.idx.msk $0xffff, v3  }
0x2ed: {  	v0 =	vmul.f32 $1.999999960e-02, v0;
	[tilespmem:v63+s15+$0x10 ss:$0x1] =	vst.idx.msk $0xffff, v2  }
0x2ee: {  	[tilespmem:v63+s15+$0x20 ss:$0x1] =	vst.idx.msk $0xffff, v1  }
0x2ef: {  	[tilespmem:v63+s15+$0x30 ss:$0x1] =	vst.idx.msk $0xffff, v0  }
.LBB2_3:
0x2f0: {  	_ =	swait.ge [sflag:s12], $0x6400;
	s16 =	smul.u32 $0x3200, s15  }
0x2f1: {  	[sflag:s12] =	ssyncset.done $0x0  }
0x2f2: {  	[sflag:s12] =	ssyncadd.s32 $0xFFFF9C00;
	s16 =	sshra.s32 s16, $0x2  }
0x2f3: {  	v29 =	vld [tilespmem:s16+$0x6420]  }
0x2f4: {  	v39 =	vld [tilespmem:s16+$0x6400]  }
0x2f5: {  	v34 =	vld [tilespmem:s16+$0x6460]  }
0x2f6: {  	v41 =	vld [tilespmem:s16+$0x6440]  }
0x2f7: {  	v36 =	vld [tilespmem:s16+$0x6480]  }
0x2f8: {  	v31 =	vld [tilespmem:s16+$0x64A0]  }
0x2f9: {  	v38 =	vld [tilespmem:s16+$0x6430]  }
0x2fa: {  	v40 =	vld [tilespmem:s16+$0x6470]  }
0x2fb: {  	v35 =	vld [tilespmem:s16+$0x64C0]  }
0x2fc: {  	v30 =	vld [tilespmem:s16+$0x64E0]  }
0x2fd: {  	v37 =	vld [tilespmem:s16+$0x64B0]  }
0x2fe: {  	v32 =	vld [tilespmem:s16+$0x6500]  }
0x2ff: {  	v27 =	vld [tilespmem:s16+$0x6520]  }
0x300: {  	v33 =	vld [tilespmem:s16+$0x64F0]  }
0x301: {  	v25 =	vld [tilespmem:s16+$0x6560]  }
0x302: {  	v28 =	vld [tilespmem:s16+$0x6530]  }
0x303: {  	v23 =	vld [tilespmem:s16+$0x65A0]  }
0x304: {  	v26 =	vld [tilespmem:s16+$0x6570]  }
0x305: {  	v21 =	vld [tilespmem:s16+$0x65E0]  }
0x306: {  	v24 =	vld [tilespmem:s16+$0x65B0]  }
0x307: {  	v19 =	vld [tilespmem:s16+$0x6620]  }
0x308: {  	v22 =	vld [tilespmem:s16+$0x65F0]  }
0x309: {  	v17 =	vld [tilespmem:s16+$0x6660]  }
0x30a: {  	v20 =	vld [tilespmem:s16+$0x6630]  }
0x30b: {  	v15 =	vld [tilespmem:s16+$0x66A0]  }
0x30c: {  	v18 =	vld [tilespmem:s16+$0x6670]  }
0x30d: {  	v13 =	vld [tilespmem:s16+$0x66E0]  }
0x30e: {  	v16 =	vld [tilespmem:s16+$0x66B0]  }
0x30f: {  	v11 =	vld [tilespmem:s16+$0x6720]  }
0x310: {  	v14 =	vld [tilespmem:s16+$0x66F0]  }
0x311: {  	v45 =	vld [tilespmem:s16+$0x6AE0]  }
0x312: {  	v46 =	vld [tilespmem:s16+$0x6B20]  }
0x313: {  	v9 =	vld [tilespmem:s16+$0x6760]  }
0x314: {  	v12 =	vld [tilespmem:s16+$0x6730]  }
0x315: {  	v47 =	vld [tilespmem:s16+$0x6AF0]  }
0x316: {  	[tilespmem:$0x1FD30] =	vst v45;
	v45 =	vld [tilespmem:s16+$0x6B60]  }
0x317: {  	[tilespmem:$0x1FD40] =	vst v46;
	v46 =	vld [tilespmem:s16+$0x6B30]  }
0x318: {  	v7 =	vld [tilespmem:s16+$0x67A0]  }
0x319: {  	v10 =	vld [tilespmem:s16+$0x6770]  }
0x31a: {  	[tilespmem:$0x1FD50] =	vst v47;
	v47 =	vld [tilespmem:s16+$0x6BA0]  }
0x31b: {  	[tilespmem:$0x1FD60] =	vst v45;
	v45 =	vld [tilespmem:s16+$0x6B70]  }
0x31c: {  	[tilespmem:$0x1FD70] =	vst v46;
	v46 =	vld [tilespmem:s16+$0x6BE0]  }
0x31d: {  	v5 =	vld [tilespmem:s16+$0x67E0]  }
0x31e: {  	v8 =	vld [tilespmem:s16+$0x67B0]  }
0x31f: {  	[tilespmem:$0x1FD80] =	vst v47;
	v47 =	vld [tilespmem:s16+$0x6BB0]  }
0x320: {  	[tilespmem:$0x1FD90] =	vst v45;
	v45 =	vld [tilespmem:s16+$0x6C20]  }
0x321: {  	[tilespmem:$0x1FDA0] =	vst v46;
	v46 =	vld [tilespmem:s16+$0x6BF0]  }
0x322: {  	v3 =	vld [tilespmem:s16+$0x6820]  }
0x323: {  	v6 =	vld [tilespmem:s16+$0x67F0]  }
0x324: {  	[tilespmem:$0x1FDB0] =	vst v47;
	v47 =	vld [tilespmem:s16+$0x6C60]  }
0x325: {  	[tilespmem:$0x1FDC0] =	vst v45;
	v45 =	vld [tilespmem:s16+$0x6C30]  }
0x326: {  	[tilespmem:$0x1FDD0] =	vst v46;
	v46 =	vld [tilespmem:s16+$0x6CA0]  }
0x327: {  	v1 =	vld [tilespmem:s16+$0x6860]  }
0x328: {  	v4 =	vld [tilespmem:s16+$0x6830]  }
0x329: {  	[tilespmem:$0x1FDE0] =	vst v47;
	v47 =	vld [tilespmem:s16+$0x6C70]  }
0x32a: {  	[tilespmem:$0x1FDF0] =	vst v45;
	v45 =	vld [tilespmem:s16+$0x6CE0]  }
0x32b: {  	[tilespmem:$0x1FE00] =	vst v46;
	v46 =	vld [tilespmem:s16+$0x6CB0]  }
0x32c: {  	v63 =	vld [tilespmem:s16+$0x68A0]  }
0x32d: {  	v2 =	vld [tilespmem:s16+$0x6870]  }
0x32e: {  	[tilespmem:$0x1FE10] =	vst v47;
	v47 =	vld [tilespmem:s16+$0x6D20]  }
0x32f: {  	[tilespmem:$0x1FE20] =	vst v45;
	v45 =	vld [tilespmem:s16+$0x6CF0]  }
0x330: {  	[tilespmem:$0x1FE30] =	vst v46;
	v46 =	vld [tilespmem:s16+$0x6D60]  }
0x331: {  	v61 =	vld [tilespmem:s16+$0x68E0]  }
0x332: {  	v0 =	vld [tilespmem:s16+$0x68B0]  }
0x333: {  	[tilespmem:$0x1FE40] =	vst v47;
	v47 =	vld [tilespmem:s16+$0x6D30]  }
0x334: {  	[tilespmem:$0x1FE50] =	vst v45;
	v45 =	vld [tilespmem:s16+$0x6DA0]  }
0x335: {  	[tilespmem:$0x1FE60] =	vst v46;
	v46 =	vld [tilespmem:s16+$0x6D70]  }
0x336: {  	v59 =	vld [tilespmem:s16+$0x6920]  }
0x337: {  	v62 =	vld [tilespmem:s16+$0x68F0]  }
0x338: {  	[tilespmem:$0x1FE70] =	vst v47;
	v47 =	vld [tilespmem:s16+$0x6DE0]  }
0x339: {  	[tilespmem:$0x1FE80] =	vst v45;
	v45 =	vld [tilespmem:s16+$0x6DB0]  }
0x33a: {  	[tilespmem:$0x1FE90] =	vst v46;
	v46 =	vld [tilespmem:s16+$0x6E20]  }
0x33b: {  	v57 =	vld [tilespmem:s16+$0x6960]  }
0x33c: {  	v60 =	vld [tilespmem:s16+$0x6930]  }
0x33d: {  	[tilespmem:$0x1FEA0] =	vst v47;
	v47 =	vld [tilespmem:s16+$0x6DF0]  }
0x33e: {  	[tilespmem:$0x1FEB0] =	vst v45;
	v45 =	vld [tilespmem:s16+$0x6E60]  }
0x33f: {  	[tilespmem:$0x1FEC0] =	vst v46;
	v46 =	vld [tilespmem:s16+$0x6E30]  }
0x340: {  	v55 =	vld [tilespmem:s16+$0x69A0]  }
0x341: {  	v58 =	vld [tilespmem:s16+$0x6970]  }
0x342: {  	[tilespmem:$0x1FED0] =	vst v47;
	v47 =	vld [tilespmem:s16+$0x6EA0]  }
0x343: {  	[tilespmem:$0x1FEE0] =	vst v45;
	v45 =	vld [tilespmem:s16+$0x6E70]  }
0x344: {  	[tilespmem:$0x1FEF0] =	vst v46;
	v46 =	vld [tilespmem:s16+$0x6EE0]  }
0x345: {  	v53 =	vld [tilespmem:s16+$0x69E0]  }
0x346: {  	v56 =	vld [tilespmem:s16+$0x69B0]  }
0x347: {  	[tilespmem:$0x1FF00] =	vst v47;
	v47 =	vld [tilespmem:s16+$0x6EB0]  }
0x348: {  	[tilespmem:$0x1FF10] =	vst v45;
	v45 =	vld [tilespmem:s16+$0x6F20]  }
0x349: {  	[tilespmem:$0x1FF20] =	vst v46;
	v46 =	vld [tilespmem:s16+$0x6EF0]  }
0x34a: {  	v51 =	vld [tilespmem:s16+$0x6A20]  }
0x34b: {  	v54 =	vld [tilespmem:s16+$0x69F0]  }
0x34c: {  	[tilespmem:$0x1FF30] =	vst v47;
	v47 =	vld [tilespmem:s16+$0x6F60]  }
0x34d: {  	[tilespmem:$0x1FF40] =	vst v45;
	v45 =	vld [tilespmem:s16+$0x6F30]  }
0x34e: {  	[tilespmem:$0x1FF50] =	vst v46;
	v46 =	vld [tilespmem:s16+$0x6FA0]  }
0x34f: {  	v49 =	vld [tilespmem:s16+$0x6A60]  }
0x350: {  	v52 =	vld [tilespmem:s16+$0x6A30]  }
0x351: {  	[tilespmem:$0x1FF60] =	vst v47;
	v47 =	vld [tilespmem:s16+$0x6F70]  }
0x352: {  	[tilespmem:$0x1FF70] =	vst v45;
	v45 =	vld [tilespmem:s16+$0x6FE0]  }
0x353: {  	[tilespmem:$0x1FF80] =	vst v46;
	v46 =	vld [tilespmem:s16+$0x6FB0]  }
0x354: {  	v42 =	vld [tilespmem:s16+$0x6AA0]  }
0x355: {  	v50 =	vld [tilespmem:s16+$0x6A70]  }
0x356: {  	[tilespmem:$0x1FF90] =	vst v47;
	v47 =	vld [tilespmem:s16+$0x7020]  }
0x357: {  	s18 =	sadd.s32 $0x12C00, s17;
	[tilespmem:$0x1FFA0] =	vst v45;
	v45 =	vld [tilespmem:s16+$0x6FF0]  }
0x358: {  	v43 =	vmov s18;
	[tilespmem:$0x1FFB0] =	vst v46;
	v46 =	vld [tilespmem:s16+$0x7030]  }
0x359: {  	[tilespmem:$0x1FFF0] =	vst v43;
	v48 =	vld [tilespmem:s16+$0x6AB0]  }
0x35a: {  	v43 =	vld [tilespmem:s16+$0x6450];
	[tilespmem:$0x1FD20] =	vst v42  }
0x35b: {  	v42 =	vld [tilespmem:s16+$0x6540];
	[tilespmem:$0x1FFC0] =	vst v47  }
0x35c: {  	v47 =	vld [tilespmem:s16+$0x7060];
	[tilespmem:$0x1FFD0] =	vst v45  }
0x35d: {  	s17 =	simm.s32 $0x1;
	[tilespmem:$0x1FFE0] =	vst v46;
	v46 =	vld [tilespmem:s16+$0x7070]  }
.LBB2_4:
0x35e: {  	v29 =	vadd.f32 v34, v29;
	_ =	sdelay $0x1  }
0x35f: {  	v44 =	vld [tilespmem:s16+$0x6410];
	v29 =	vadd.f32 v31, v29;
	_ =	sdelay $0x1  }
0x360: {  	v45 =	vld [tilespmem:s16+$0x6490];
	v29 =	vadd.f32 v30, v29;
	_ =	sdelay $0x1  }
0x361: {  	[tilespmem:$0x1FD10] =	vst v46;
	v46 =	vld [tilespmem:s16+$0x64D0];
	v27 =	vadd.f32 v27, v29  }
0x362: {  	v43 =	vadd.f32 v43, v44  }
0x363: {  	v38 =	vadd.f32 v40, v38;
	v25 =	vadd.f32 v25, v27  }
0x364: {  	v45 =	vadd.f32 v45, v43  }
0x365: {  	v43 =	vadd.f32 v37, v38;
	v23 =	vadd.f32 v23, v25  }
0x366: {  	v39 =	vadd.f32 v41, v39;
	v45 =	vadd.f32 v46, v45  }
0x367: {  	v46 =	vadd.f32 v33, v43;
	v21 =	vadd.f32 v21, v23  }
0x368: {  	v34 =	vadd.f32 v36, v39  }
0x369: {  	v28 =	vadd.f32 v28, v46;
	v19 =	vadd.f32 v19, v21  }
0x36a: {  	v31 =	vadd.f32 v35, v34  }
0x36b: {  	v36 =	vld [tilespmem:s16+$0x6580];
	v26 =	vadd.f32 v26, v28;
	v17 =	vadd.f32 v17, v19  }
0x36c: {  	v30 =	vadd.f32 v32, v31  }
0x36d: {  	v34 =	vld [tilespmem:s16+$0x65C0];
	v24 =	vadd.f32 v24, v26;
	v15 =	vadd.f32 v15, v17  }
0x36e: {  	v29 =	vadd.f32 v42, v30  }
0x36f: {  	v31 =	vld [tilespmem:s16+$0x6600];
	v22 =	vadd.f32 v22, v24;
	v13 =	vadd.f32 v13, v15  }
0x370: {  	v27 =	vadd.f32 v36, v29  }
0x371: {  	v30 =	vld [tilespmem:s16+$0x6640];
	v20 =	vadd.f32 v20, v22;
	v11 =	vadd.f32 v11, v13  }
0x372: {  	v25 =	vadd.f32 v34, v27  }
0x373: {  	v29 =	vld [tilespmem:s16+$0x6680];
	v18 =	vadd.f32 v18, v20;
	v9 =	vadd.f32 v9, v11  }
0x374: {  	v23 =	vadd.f32 v31, v25  }
0x375: {  	v27 =	vld [tilespmem:s16+$0x66C0];
	v16 =	vadd.f32 v16, v18;
	v7 =	vadd.f32 v7, v9  }
0x376: {  	v21 =	vadd.f32 v30, v23  }
0x377: {  	v25 =	vld [tilespmem:s16+$0x6700];
	v14 =	vadd.f32 v14, v16;
	v5 =	vadd.f32 v5, v7  }
0x378: {  	v19 =	vadd.f32 v29, v21  }
0x379: {  	v23 =	vld [tilespmem:s16+$0x6740];
	v12 =	vadd.f32 v12, v14;
	v3 =	vadd.f32 v3, v5  }
0x37a: {  	v17 =	vadd.f32 v27, v19  }
0x37b: {  	v21 =	vld [tilespmem:s16+$0x6780];
	v10 =	vadd.f32 v10, v12;
	v1 =	vadd.f32 v1, v3  }
0x37c: {  	v15 =	vadd.f32 v25, v17  }
0x37d: {  	v19 =	vld [tilespmem:s16+$0x67C0];
	v8 =	vadd.f32 v8, v10;
	v1 =	vadd.f32 v63, v1  }
0x37e: {  	v13 =	vadd.f32 v23, v15  }
0x37f: {  	v17 =	vld [tilespmem:s16+$0x6800];
	v6 =	vadd.f32 v6, v8;
	v1 =	vadd.f32 v61, v1  }
0x380: {  	v11 =	vadd.f32 v21, v13  }
0x381: {  	v15 =	vld [tilespmem:s16+$0x6840];
	v4 =	vadd.f32 v4, v6;
	v1 =	vadd.f32 v59, v1  }
0x382: {  	v9 =	vadd.f32 v19, v11  }
0x383: {  	v13 =	vld [tilespmem:s16+$0x6880];
	v2 =	vadd.f32 v2, v4;
	v1 =	vadd.f32 v57, v1  }
0x384: {  	v7 =	vadd.f32 v17, v9  }
0x385: {  	v0 =	vadd.f32 v0, v2;
	v1 =	vadd.f32 v55, v1  }
0x386: {  	v5 =	vadd.f32 v15, v7  }
0x387: {  	v0 =	vadd.f32 v62, v0;
	v1 =	vadd.f32 v53, v1  }
0x388: {  	v3 =	vadd.f32 v13, v5;
	v13 =	vld [tilespmem:$0x1FD20]  }
0x389: {  	v0 =	vadd.f32 v60, v0;
	v1 =	vadd.f32 v51, v1;
	_ =	sdelay $0x1  }
0x38a: {  	v0 =	vadd.f32 v58, v0;
	v1 =	vadd.f32 v49, v1;
	_ =	sdelay $0x1  }
0x38b: {  	v0 =	vadd.f32 v56, v0;
	v1 =	vadd.f32 v13, v1;
	v13 =	vld [tilespmem:$0x1FD30];
	_ =	sdelay $0x1  }
0x38c: {  	v0 =	vadd.f32 v54, v0;
	_ =	sdelay $0x1  }
0x38d: {  	v0 =	vadd.f32 v52, v0  }
0x38e: {  	v1 =	vadd.f32 v13, v1;
	v13 =	vld [tilespmem:$0x1FD50]  }
0x38f: {  	v0 =	vadd.f32 v50, v0;
	_ =	sdelay $0x1  }
0x390: {  	v0 =	vadd.f32 v48, v0;
	_ =	sdelay $0x1  }
0x391: {  	v0 =	vadd.f32 v13, v0;
	v13 =	vld [tilespmem:$0x1FD40];
	_ =	sdelay $0x4  }
0x392: {  	v1 =	vadd.f32 v13, v1;
	v13 =	vld [tilespmem:$0x1FD70];
	_ =	sdelay $0x4  }
0x393: {  	v0 =	vadd.f32 v13, v0;
	v13 =	vld [tilespmem:$0x1FD60];
	_ =	sdelay $0x4  }
0x394: {  	v1 =	vadd.f32 v13, v1;
	v13 =	vld [tilespmem:$0x1FD90];
	_ =	sdelay $0x4  }
0x395: {  	v0 =	vadd.f32 v13, v0;
	v13 =	vld [tilespmem:$0x1FD80];
	_ =	sdelay $0x4  }
0x396: {  	v1 =	vadd.f32 v13, v1;
	v13 =	vld [tilespmem:$0x1FDB0];
	_ =	sdelay $0x4  }
0x397: {  	v0 =	vadd.f32 v13, v0;
	v13 =	vld [tilespmem:$0x1FDA0];
	_ =	sdelay $0x4  }
0x398: {  	v1 =	vadd.f32 v13, v1;
	v13 =	vld [tilespmem:$0x1FDD0];
	_ =	sdelay $0x4  }
0x399: {  	v0 =	vadd.f32 v13, v0;
	v13 =	vld [tilespmem:$0x1FDC0];
	_ =	sdelay $0x4  }
0x39a: {  	v1 =	vadd.f32 v13, v1;
	v13 =	vld [tilespmem:$0x1FDF0];
	_ =	sdelay $0x4  }
0x39b: {  	v0 =	vadd.f32 v13, v0;
	v13 =	vld [tilespmem:$0x1FDE0];
	_ =	sdelay $0x4  }
0x39c: {  	v1 =	vadd.f32 v13, v1;
	v13 =	vld [tilespmem:$0x1FE10];
	_ =	sdelay $0x4  }
0x39d: {  	v0 =	vadd.f32 v13, v0;
	v13 =	vld [tilespmem:$0x1FE00];
	_ =	sdelay $0x4  }
0x39e: {  	v1 =	vadd.f32 v13, v1;
	v13 =	vld [tilespmem:$0x1FE30];
	_ =	sdelay $0x4  }
0x39f: {  	v0 =	vadd.f32 v13, v0;
	v13 =	vld [tilespmem:$0x1FE20];
	_ =	sdelay $0x2  }
0x3a0: {  	[tilespmem:$0x1FD00] =	vst v47;
	v47 =	vld [tilespmem:s16+$0x6510]  }
0x3a1: {  	v41 =	vld [tilespmem:s16+$0x6550]  }
0x3a2: {  	v1 =	vadd.f32 v13, v1;
	v13 =	vld [tilespmem:$0x1FE50];
	_ =	sdelay $0x1  }
0x3a3: {  	v44 =	vld [tilespmem:s16+$0x6590]  }
0x3a4: {  	v39 =	vadd.f32 v47, v45  }
0x3a5: {  	v40 =	vld [tilespmem:s16+$0x65D0]  }
0x3a6: {  	v45 =	vadd.f32 v41, v39;
	v0 =	vadd.f32 v13, v0;
	v13 =	vld [tilespmem:$0x1FE40]  }
0x3a7: {  	v38 =	vld [tilespmem:s16+$0x6610]  }
0x3a8: {  	v28 =	vadd.f32 v44, v45  }
0x3a9: {  	v43 =	vld [tilespmem:s16+$0x6650]  }
0x3aa: {  	v46 =	vld [tilespmem:s16+$0x6690];
	v26 =	vadd.f32 v40, v28  }
0x3ab: {  	v1 =	vadd.f32 v13, v1;
	v13 =	vld [tilespmem:$0x1FE70]  }
0x3ac: {  	v24 =	vadd.f32 v38, v26  }
0x3ad: {  	v47 =	vld [tilespmem:s16+$0x66D0]  }
0x3ae: {  	v28 =	vld [tilespmem:s16+$0x6710];
	v22 =	vadd.f32 v43, v24  }
0x3af: {  	v26 =	vld [tilespmem:s16+$0x6750]  }
0x3b0: {  	v20 =	vadd.f32 v46, v22;
	v0 =	vadd.f32 v13, v0;
	v13 =	vld [tilespmem:$0x1FE60]  }
0x3b1: {  	v24 =	vld [tilespmem:s16+$0x6790]  }
0x3b2: {  	v22 =	vld [tilespmem:s16+$0x67D0];
	v18 =	vadd.f32 v47, v20  }
0x3b3: {  	v20 =	vld [tilespmem:s16+$0x6810]  }
0x3b4: {  	v16 =	vadd.f32 v28, v18;
	v18 =	vld [tilespmem:s16+$0x6850]  }
0x3b5: {  	v1 =	vadd.f32 v13, v1;
	v13 =	vld [tilespmem:$0x1FE90]  }
0x3b6: {  	v11 =	vld [tilespmem:s16+$0x68C0]  }
0x3b7: {  	v14 =	vadd.f32 v26, v16;
	v16 =	vld [tilespmem:s16+$0x6890]  }
0x3b8: {  	v9 =	vld [tilespmem:s16+$0x6900]  }
0x3b9: {  	v12 =	vadd.f32 v24, v14;
	v14 =	vld [tilespmem:s16+$0x68D0]  }
0x3ba: {  	v0 =	vadd.f32 v13, v0;
	v13 =	vld [tilespmem:$0x1FE80]  }
0x3bb: {  	v7 =	vld [tilespmem:s16+$0x6940]  }
0x3bc: {  	v10 =	vadd.f32 v22, v12;
	v12 =	vld [tilespmem:s16+$0x6910]  }
0x3bd: {  	v5 =	vld [tilespmem:s16+$0x6980]  }
0x3be: {  	v8 =	vadd.f32 v20, v10;
	v10 =	vld [tilespmem:s16+$0x6950]  }
0x3bf: {  	v1 =	vadd.f32 v13, v1;
	v13 =	vld [tilespmem:$0x1FEB0]  }
0x3c0: {  	v3 =	vadd.f32 v11, v3;
	v11 =	vld [tilespmem:s16+$0x69C0]  }
0x3c1: {  	v6 =	vadd.f32 v18, v8;
	v8 =	vld [tilespmem:s16+$0x6990]  }
0x3c2: {  	v3 =	vadd.f32 v9, v3;
	v9 =	vld [tilespmem:s16+$0x6A00]  }
0x3c3: {  	v4 =	vadd.f32 v16, v6;
	v6 =	vld [tilespmem:s16+$0x69D0]  }
0x3c4: {  	v0 =	vadd.f32 v13, v0;
	v13 =	vld [tilespmem:$0x1FEA0]  }
0x3c5: {  	v3 =	vadd.f32 v7, v3;
	v7 =	vld [tilespmem:s16+$0x6A40]  }
0x3c6: {  	v2 =	vadd.f32 v14, v4;
	v4 =	vld [tilespmem:s16+$0x6A10]  }
0x3c7: {  	v3 =	vadd.f32 v5, v3;
	v5 =	vld [tilespmem:s16+$0x6A80]  }
0x3c8: {  	v2 =	vadd.f32 v12, v2;
	v12 =	vld [tilespmem:s16+$0x6A50]  }
0x3c9: {  	v1 =	vadd.f32 v13, v1;
	v13 =	vld [tilespmem:$0x1FED0]  }
0x3ca: {  	v3 =	vadd.f32 v11, v3;
	v11 =	vld [tilespmem:s16+$0x6AC0]  }
0x3cb: {  	v2 =	vadd.f32 v10, v2;
	v10 =	vld [tilespmem:s16+$0x6A90]  }
0x3cc: {  	v3 =	vadd.f32 v9, v3;
	v9 =	vld [tilespmem:s16+$0x6B00]  }
0x3cd: {  	v2 =	vadd.f32 v8, v2;
	v8 =	vld [tilespmem:s16+$0x6AD0]  }
0x3ce: {  	v0 =	vadd.f32 v13, v0;
	v13 =	vld [tilespmem:$0x1FEC0]  }
0x3cf: {  	v3 =	vadd.f32 v7, v3;
	v7 =	vld [tilespmem:s16+$0x6B40]  }
0x3d0: {  	v2 =	vadd.f32 v6, v2;
	v6 =	vld [tilespmem:s16+$0x6B10]  }
0x3d1: {  	v3 =	vadd.f32 v5, v3;
	v5 =	vld [tilespmem:s16+$0x6B80]  }
0x3d2: {  	v2 =	vadd.f32 v4, v2;
	v4 =	vld [tilespmem:s16+$0x6B50]  }
0x3d3: {  	v1 =	vadd.f32 v13, v1;
	v13 =	vld [tilespmem:$0x1FEF0]  }
0x3d4: {  	v3 =	vadd.f32 v11, v3;
	v11 =	vld [tilespmem:s16+$0x6BC0]  }
0x3d5: {  	v2 =	vadd.f32 v12, v2;
	v12 =	vld [tilespmem:s16+$0x6B90]  }
0x3d6: {  	v3 =	vadd.f32 v9, v3;
	v9 =	vld [tilespmem:s16+$0x6C00]  }
0x3d7: {  	v2 =	vadd.f32 v10, v2;
	v10 =	vld [tilespmem:s16+$0x6BD0]  }
0x3d8: {  	v0 =	vadd.f32 v13, v0;
	v13 =	vld [tilespmem:$0x1FEE0]  }
0x3d9: {  	v3 =	vadd.f32 v7, v3;
	v7 =	vld [tilespmem:s16+$0x6C40]  }
0x3da: {  	v2 =	vadd.f32 v8, v2;
	v8 =	vld [tilespmem:s16+$0x6C10]  }
0x3db: {  	v3 =	vadd.f32 v5, v3;
	v5 =	vld [tilespmem:s16+$0x6C80]  }
0x3dc: {  	v2 =	vadd.f32 v6, v2;
	v6 =	vld [tilespmem:s16+$0x6C50]  }
0x3dd: {  	v1 =	vadd.f32 v13, v1;
	v13 =	vld [tilespmem:$0x1FF10]  }
0x3de: {  	v3 =	vadd.f32 v11, v3;
	v11 =	vld [tilespmem:s16+$0x6CC0]  }
0x3df: {  	v2 =	vadd.f32 v4, v2;
	v4 =	vld [tilespmem:s16+$0x6C90]  }
0x3e0: {  	v3 =	vadd.f32 v9, v3;
	v9 =	vld [tilespmem:s16+$0x6D00]  }
0x3e1: {  	v2 =	vadd.f32 v12, v2;
	v12 =	vld [tilespmem:s16+$0x6CD0]  }
0x3e2: {  	v0 =	vadd.f32 v13, v0;
	v13 =	vld [tilespmem:$0x1FF00]  }
0x3e3: {  	v3 =	vadd.f32 v7, v3;
	v7 =	vld [tilespmem:s16+$0x6D40]  }
0x3e4: {  	v2 =	vadd.f32 v10, v2;
	v10 =	vld [tilespmem:s16+$0x6D10]  }
0x3e5: {  	v3 =	vadd.f32 v5, v3;
	v5 =	vld [tilespmem:s16+$0x6D80]  }
0x3e6: {  	v2 =	vadd.f32 v8, v2;
	v8 =	vld [tilespmem:s16+$0x6D50]  }
0x3e7: {  	v3 =	vadd.f32 v11, v3;
	v1 =	vadd.f32 v13, v1;
	v13 =	vld [tilespmem:$0x1FF30]  }
0x3e8: {  	v11 =	vld [tilespmem:s16+$0x6DC0];
	v2 =	vadd.f32 v6, v2  }
0x3e9: {  	v6 =	vld [tilespmem:s16+$0x6D90];
	v3 =	vadd.f32 v9, v3  }
0x3ea: {  	v9 =	vld [tilespmem:s16+$0x6E00];
	v2 =	vadd.f32 v4, v2  }
0x3eb: {  	v4 =	vld [tilespmem:s16+$0x6DD0];
	v3 =	vadd.f32 v7, v3  }
0x3ec: {  	v2 =	vadd.f32 v12, v2;
	v0 =	vadd.f32 v13, v0;
	v13 =	vld [tilespmem:$0x1FF20]  }
0x3ed: {  	v7 =	vld [tilespmem:s16+$0x6E40];
	v3 =	vadd.f32 v5, v3  }
0x3ee: {  	v12 =	vld [tilespmem:s16+$0x6E10];
	v2 =	vadd.f32 v10, v2  }
0x3ef: {  	v5 =	vld [tilespmem:s16+$0x6E80];
	v3 =	vadd.f32 v11, v3  }
0x3f0: {  	v10 =	vld [tilespmem:s16+$0x6E50];
	v2 =	vadd.f32 v8, v2  }
0x3f1: {  	v3 =	vadd.f32 v9, v3;
	v1 =	vadd.f32 v13, v1;
	v13 =	vld [tilespmem:$0x1FF50]  }
0x3f2: {  	v11 =	vld [tilespmem:s16+$0x6EC0];
	v2 =	vadd.f32 v6, v2  }
0x3f3: {  	v8 =	vld [tilespmem:s16+$0x6E90];
	v3 =	vadd.f32 v7, v3  }
0x3f4: {  	v9 =	vld [tilespmem:s16+$0x6F00];
	v2 =	vadd.f32 v4, v2  }
0x3f5: {  	v7 =	vld [tilespmem:s16+$0x6F40];
	v3 =	vadd.f32 v5, v3  }
0x3f6: {  	v2 =	vadd.f32 v12, v2;
	v0 =	vadd.f32 v13, v0;
	v13 =	vld [tilespmem:$0x1FF40]  }
0x3f7: {  	v6 =	vld [tilespmem:s16+$0x6ED0];
	v3 =	vadd.f32 v11, v3  }
0x3f8: {  	v5 =	vld [tilespmem:s16+$0x6F80];
	v2 =	vadd.f32 v10, v2  }
0x3f9: {  	v4 =	vld [tilespmem:s16+$0x6F10];
	v3 =	vadd.f32 v9, v3  }
0x3fa: {  	v12 =	vld [tilespmem:s16+$0x6F50];
	v2 =	vadd.f32 v8, v2  }
0x3fb: {  	v3 =	vadd.f32 v7, v3;
	v1 =	vadd.f32 v13, v1;
	v13 =	vld [tilespmem:$0x1FF70]  }
0x3fc: {  	v2 =	vadd.f32 v6, v2  }
0x3fd: {  	v3 =	vadd.f32 v5, v3;
	v5 =	vld [tilespmem:$0x1FF90]  }
0x3fe: {  	v2 =	vadd.f32 v4, v2;
	_ =	sdelay $0x1  }
0x3ff: {  	v2 =	vadd.f32 v12, v2;
	v12 =	vld [tilespmem:$0x1FF60];
	v0 =	vadd.f32 v13, v0;
	_ =	sdelay $0x1  }
0x400: {  	v0 =	vadd.f32 v5, v0;
	v5 =	vld [tilespmem:$0x1FF80];
	_ =	sdelay $0x2  }
0x401: {  	v1 =	vadd.f32 v12, v1;
	_ =	sdelay $0x1  }
0x402: {  	v1 =	vadd.f32 v5, v1;
	v5 =	vld [tilespmem:$0x1FFB0];
	_ =	sdelay $0x4  }
0x403: {  	v0 =	vadd.f32 v5, v0;
	v5 =	vld [tilespmem:$0x1FFA0]  }
0x404: {  	v10 =	vld [tilespmem:s16+$0x6F90];
	_ =	sdelay $0x1  }
0x405: {  	v8 =	vld [tilespmem:s16+$0x6FD0]  }
0x406: {  	v6 =	vld [tilespmem:s16+$0x7010]  }
0x407: {  	v1 =	vadd.f32 v5, v1;
	v5 =	vld [tilespmem:$0x1FFD0]  }
0x408: {  	v2 =	vadd.f32 v10, v2  }
0x409: {  	v4 =	vld [tilespmem:s16+$0x7050]  }
0x40a: {  	v2 =	vadd.f32 v8, v2;
	_ =	sdelay $0x1  }
0x40b: {  	v2 =	vadd.f32 v6, v2;
	v0 =	vadd.f32 v5, v0;
	v5 =	vld [tilespmem:$0x1FFC0];
	_ =	sdelay $0x1  }
0x40c: {  	v2 =	vadd.f32 v4, v2;
	v4 =	vld [tilespmem:$0x1FD00];
	_ =	sdelay $0x2  }
0x40d: {  	v1 =	vadd.f32 v5, v1;
	v5 =	vld [tilespmem:$0x1FFE0]  }
0x40e: {  	v11 =	vld [tilespmem:s16+$0x6FC0]  }
0x40f: {  	v1 =	vadd.f32 v4, v1;
	v4 =	vld [tilespmem:$0x1FD10];
	_ =	sdelay $0x1  }
0x410: {  	v9 =	vld [tilespmem:s16+$0x7000]  }
0x411: {  	v0 =	vadd.f32 v5, v0  }
0x412: {  	v7 =	vld [tilespmem:s16+$0x7040]  }
0x413: {  	v3 =	vadd.f32 v11, v3;
	v0 =	vadd.f32 v4, v0;
	v4 =	vld [tilespmem:$0x1FFF0];
	_ =	sdelay $0x1  }
0x414: {  	v3 =	vadd.f32 v9, v3;
	_ =	sdelay $0x1  }
0x415: {  	v3 =	vadd.f32 v7, v3;
	_ =	sdelay $0x1  }
0x416: {  	s30 =	sshll.u32 s15, $0x6;
	v3 =	vmul.f32 $1.999999960e-02, v3  }
0x417: {  	s18 =	sand.u32 $0x3FFFFFC0, s30;
	v2 =	vmul.f32 $1.999999960e-02, v2  }
0x418: {  	v1 =	vmul.f32 $1.999999960e-02, v1;
	[tilespmem:v4+s18+$0x0 ss:$0x1] =	vst.idx.msk $0xffff, v3  }
0x419: {  	s31 =	smul.u32 $0x3200, s17;
	v0 =	vmul.f32 $1.999999960e-02, v0;
	[tilespmem:v4+s18+$0x10 ss:$0x1] =	vst.idx.msk $0xffff, v2  }
0x41a: {  	[tilespmem:v4+s18+$0x20 ss:$0x1] =	vst.idx.msk $0xffff, v1  }
0x41b: {  	s16 =	sshra.s32 s31, $0x2;
	[tilespmem:v4+s18+$0x30 ss:$0x1] =	vst.idx.msk $0xffff, v0  }
0x41c: {  	v29 =	vld [tilespmem:s16+$0x6420]  }
0x41d: {  	v39 =	vld [tilespmem:s16+$0x6400]  }
0x41e: {  	v34 =	vld [tilespmem:s16+$0x6460]  }
0x41f: {  	v41 =	vld [tilespmem:s16+$0x6440]  }
0x420: {  	v36 =	vld [tilespmem:s16+$0x6480]  }
0x421: {  	v31 =	vld [tilespmem:s16+$0x64A0]  }
0x422: {  	v38 =	vld [tilespmem:s16+$0x6430]  }
0x423: {  	v40 =	vld [tilespmem:s16+$0x6470]  }
0x424: {  	v35 =	vld [tilespmem:s16+$0x64C0]  }
0x425: {  	v30 =	vld [tilespmem:s16+$0x64E0]  }
0x426: {  	v37 =	vld [tilespmem:s16+$0x64B0]  }
0x427: {  	v32 =	vld [tilespmem:s16+$0x6500]  }
0x428: {  	v27 =	vld [tilespmem:s16+$0x6520]  }
0x429: {  	v33 =	vld [tilespmem:s16+$0x64F0]  }
0x42a: {  	v25 =	vld [tilespmem:s16+$0x6560]  }
0x42b: {  	v28 =	vld [tilespmem:s16+$0x6530]  }
0x42c: {  	v23 =	vld [tilespmem:s16+$0x65A0]  }
0x42d: {  	v26 =	vld [tilespmem:s16+$0x6570]  }
0x42e: {  	v21 =	vld [tilespmem:s16+$0x65E0]  }
0x42f: {  	v24 =	vld [tilespmem:s16+$0x65B0]  }
0x430: {  	v19 =	vld [tilespmem:s16+$0x6620]  }
0x431: {  	v22 =	vld [tilespmem:s16+$0x65F0]  }
0x432: {  	v17 =	vld [tilespmem:s16+$0x6660]  }
0x433: {  	v20 =	vld [tilespmem:s16+$0x6630]  }
0x434: {  	v15 =	vld [tilespmem:s16+$0x66A0]  }
0x435: {  	v18 =	vld [tilespmem:s16+$0x6670]  }
0x436: {  	v13 =	vld [tilespmem:s16+$0x66E0]  }
0x437: {  	v16 =	vld [tilespmem:s16+$0x66B0]  }
0x438: {  	v11 =	vld [tilespmem:s16+$0x6720]  }
0x439: {  	v14 =	vld [tilespmem:s16+$0x66F0]  }
0x43a: {  	v45 =	vld [tilespmem:s16+$0x6AE0]  }
0x43b: {  	v46 =	vld [tilespmem:s16+$0x6B20]  }
0x43c: {  	v9 =	vld [tilespmem:s16+$0x6760]  }
0x43d: {  	v12 =	vld [tilespmem:s16+$0x6730]  }
0x43e: {  	v47 =	vld [tilespmem:s16+$0x6AF0]  }
0x43f: {  	[tilespmem:$0x1FD30] =	vst v45;
	v45 =	vld [tilespmem:s16+$0x6B60]  }
0x440: {  	[tilespmem:$0x1FD40] =	vst v46;
	v46 =	vld [tilespmem:s16+$0x6B30]  }
0x441: {  	v7 =	vld [tilespmem:s16+$0x67A0]  }
0x442: {  	v10 =	vld [tilespmem:s16+$0x6770]  }
0x443: {  	[tilespmem:$0x1FD50] =	vst v47;
	v47 =	vld [tilespmem:s16+$0x6BA0]  }
0x444: {  	[tilespmem:$0x1FD60] =	vst v45;
	v45 =	vld [tilespmem:s16+$0x6B70]  }
0x445: {  	[tilespmem:$0x1FD70] =	vst v46;
	v46 =	vld [tilespmem:s16+$0x6BE0]  }
0x446: {  	v5 =	vld [tilespmem:s16+$0x67E0]  }
0x447: {  	v8 =	vld [tilespmem:s16+$0x67B0]  }
0x448: {  	[tilespmem:$0x1FD80] =	vst v47;
	v47 =	vld [tilespmem:s16+$0x6BB0]  }
0x449: {  	[tilespmem:$0x1FD90] =	vst v45;
	v45 =	vld [tilespmem:s16+$0x6C20]  }
0x44a: {  	[tilespmem:$0x1FDA0] =	vst v46;
	v46 =	vld [tilespmem:s16+$0x6BF0]  }
0x44b: {  	v3 =	vld [tilespmem:s16+$0x6820]  }
0x44c: {  	v6 =	vld [tilespmem:s16+$0x67F0]  }
0x44d: {  	[tilespmem:$0x1FDB0] =	vst v47;
	v47 =	vld [tilespmem:s16+$0x6C60]  }
0x44e: {  	[tilespmem:$0x1FDC0] =	vst v45;
	v45 =	vld [tilespmem:s16+$0x6C30]  }
0x44f: {  	[tilespmem:$0x1FDD0] =	vst v46;
	v46 =	vld [tilespmem:s16+$0x6CA0]  }
0x450: {  	v1 =	vld [tilespmem:s16+$0x6860]  }
0x451: {  	v4 =	vld [tilespmem:s16+$0x6830]  }
0x452: {  	[tilespmem:$0x1FDE0] =	vst v47;
	v47 =	vld [tilespmem:s16+$0x6C70]  }
0x453: {  	[tilespmem:$0x1FDF0] =	vst v45;
	v45 =	vld [tilespmem:s16+$0x6CE0]  }
0x454: {  	[tilespmem:$0x1FE00] =	vst v46;
	v46 =	vld [tilespmem:s16+$0x6CB0]  }
0x455: {  	v63 =	vld [tilespmem:s16+$0x68A0]  }
0x456: {  	v2 =	vld [tilespmem:s16+$0x6870]  }
0x457: {  	[tilespmem:$0x1FE10] =	vst v47;
	v47 =	vld [tilespmem:s16+$0x6D20]  }
0x458: {  	[tilespmem:$0x1FE20] =	vst v45;
	v45 =	vld [tilespmem:s16+$0x6CF0]  }
0x459: {  	[tilespmem:$0x1FE30] =	vst v46;
	v46 =	vld [tilespmem:s16+$0x6D60]  }
0x45a: {  	v61 =	vld [tilespmem:s16+$0x68E0]  }
0x45b: {  	v0 =	vld [tilespmem:s16+$0x68B0]  }
0x45c: {  	[tilespmem:$0x1FE40] =	vst v47;
	v47 =	vld [tilespmem:s16+$0x6D30]  }
0x45d: {  	[tilespmem:$0x1FE50] =	vst v45;
	v45 =	vld [tilespmem:s16+$0x6DA0]  }
0x45e: {  	[tilespmem:$0x1FE60] =	vst v46;
	v46 =	vld [tilespmem:s16+$0x6D70]  }
0x45f: {  	v59 =	vld [tilespmem:s16+$0x6920]  }
0x460: {  	v62 =	vld [tilespmem:s16+$0x68F0]  }
0x461: {  	[tilespmem:$0x1FE70] =	vst v47;
	v47 =	vld [tilespmem:s16+$0x6DE0]  }
0x462: {  	[tilespmem:$0x1FE80] =	vst v45;
	v45 =	vld [tilespmem:s16+$0x6DB0]  }
0x463: {  	[tilespmem:$0x1FE90] =	vst v46;
	v46 =	vld [tilespmem:s16+$0x6E20]  }
0x464: {  	v57 =	vld [tilespmem:s16+$0x6960]  }
0x465: {  	v60 =	vld [tilespmem:s16+$0x6930]  }
0x466: {  	[tilespmem:$0x1FEA0] =	vst v47;
	v47 =	vld [tilespmem:s16+$0x6DF0]  }
0x467: {  	[tilespmem:$0x1FEB0] =	vst v45;
	v45 =	vld [tilespmem:s16+$0x6E60]  }
0x468: {  	[tilespmem:$0x1FEC0] =	vst v46;
	v46 =	vld [tilespmem:s16+$0x6E30]  }
0x469: {  	v55 =	vld [tilespmem:s16+$0x69A0]  }
0x46a: {  	v58 =	vld [tilespmem:s16+$0x6970]  }
0x46b: {  	[tilespmem:$0x1FED0] =	vst v47;
	v47 =	vld [tilespmem:s16+$0x6EA0]  }
0x46c: {  	[tilespmem:$0x1FEE0] =	vst v45;
	v45 =	vld [tilespmem:s16+$0x6E70]  }
0x46d: {  	[tilespmem:$0x1FEF0] =	vst v46;
	v46 =	vld [tilespmem:s16+$0x6EE0]  }
0x46e: {  	v53 =	vld [tilespmem:s16+$0x69E0]  }
0x46f: {  	v56 =	vld [tilespmem:s16+$0x69B0]  }
0x470: {  	[tilespmem:$0x1FF00] =	vst v47;
	v47 =	vld [tilespmem:s16+$0x6EB0]  }
0x471: {  	[tilespmem:$0x1FF10] =	vst v45;
	v45 =	vld [tilespmem:s16+$0x6F20]  }
0x472: {  	[tilespmem:$0x1FF20] =	vst v46;
	v46 =	vld [tilespmem:s16+$0x6EF0]  }
0x473: {  	v51 =	vld [tilespmem:s16+$0x6A20]  }
0x474: {  	v54 =	vld [tilespmem:s16+$0x69F0]  }
0x475: {  	[tilespmem:$0x1FF30] =	vst v47;
	v47 =	vld [tilespmem:s16+$0x6F60]  }
0x476: {  	[tilespmem:$0x1FF40] =	vst v45;
	v45 =	vld [tilespmem:s16+$0x6F30]  }
0x477: {  	[tilespmem:$0x1FF50] =	vst v46;
	v46 =	vld [tilespmem:s16+$0x6FA0]  }
0x478: {  	v49 =	vld [tilespmem:s16+$0x6A60]  }
0x479: {  	v52 =	vld [tilespmem:s16+$0x6A30]  }
0x47a: {  	[tilespmem:$0x1FF60] =	vst v47;
	v47 =	vld [tilespmem:s16+$0x6F70]  }
0x47b: {  	[tilespmem:$0x1FF70] =	vst v45;
	v45 =	vld [tilespmem:s16+$0x6FE0]  }
0x47c: {  	[tilespmem:$0x1FF80] =	vst v46;
	v46 =	vld [tilespmem:s16+$0x6FB0]  }
0x47d: {  	v50 =	vld [tilespmem:s16+$0x6AA0]  }
0x47e: {  	v48 =	vld [tilespmem:s16+$0x6AB0]  }
0x47f: {  	[tilespmem:$0x1FF90] =	vst v47;
	v47 =	vld [tilespmem:s16+$0x7020]  }
0x480: {  	[tilespmem:$0x1FFA0] =	vst v45;
	v45 =	vld [tilespmem:s16+$0x6FF0]  }
0x481: {  	p0 =	seq.s32 s17, $0x7;
	[tilespmem:$0x1FFB0] =	vst v46;
	v46 =	vld [tilespmem:s16+$0x7030]  }
.Ltmp7:
0x482: {  	v42 =	vld [tilespmem:s16+$0x6540];
	(pc) =	sbr.rel @!p0 .LBB2_4-.Ltmp7, $4  }
0x483: {  	v43 =	vld [tilespmem:s16+$0x6450];
	[tilespmem:$0x1FD20] =	vst v50  }
0x484: {  	v50 =	vld [tilespmem:s16+$0x6A70];
	[tilespmem:$0x1FFC0] =	vst v47  }
0x485: {  	v47 =	vld [tilespmem:s16+$0x7060];
	[tilespmem:$0x1FFD0] =	vst v45  }
0x486: {  	s15 =	smov.u32 s17;
	s17 =	sadd.s32 $0x1, s17;
	[tilespmem:$0x1FFE0] =	vst v46;
	v46 =	vld [tilespmem:s16+$0x7070]  }
.Ltmp8:
0x487: {  	_ = 	snop;
	(pc) =	sbr.rel .LBB2_5-.Ltmp8, $1  }
0x488: {  	_ =	sdelay $0x3  }
.LBB2_11:
0x489: {  	_ =	sfence.sel $0x180000  }
0x48a: {  	[bflag:$0x0] =	sbarrier.arrive $0xFFFF  }
0x48b: {  	p0 =	sne.s32 s0, $0x0;
	_ =	strace $0x90000047  }
0x48c: {  	s0 =	sadd.s32 @!p0 $0x100000, s1;
	[bflag:$0x2] =	sbarrier.arrive $0xFFFF  }
0x48d: {  	[sflag:s0] =	ssyncadd.tile.s32 @!p0 $0x1;
	_ =	shalt  }
.Lfunc_end2:
_tile_overlayer_lowered:
.L_overlay_start_2:
0x48e: {  	(tag) =	ssettag $0x2  }
0x48f: {  	s0 =	rddreg [dreg:$0x0];
	s2 =	stileid.u32  }
0x490: {  	s1 =	rddreg [dreg:$0x1];
	p0 =	sne.s32 s2, $0x0  }
0x491: {  	s3 =	rddreg [dreg:$0x2];
	[bflag:$0x3] =	sbarrier.arrive $0xFFFF;
	s2 =	simm.s32 @!p0 $0x1C03  }
0x492: {  	[timem:s3], [sflag:s2] =	dma.local @!p0 [hbm:s0], s1  }
0x493: {  	s0 =	simm.s32 @!p0 $0x3  }
0x494: {  	_ =	swait.ge @!p0 [sflag:s0], s1  }
0x495: {  	s1 =	ssub.s32 @!p0 $0x0, s1;
	[sflag:s0] =	ssyncset.done @!p0 $0x0  }
0x496: {  	[sflag:s0] =	ssyncadd.s32 @!p0 s1  }
0x497: {  	[bflag:$0x3] =	sbarrier.arrive $0xFFFF  }
0x498: {  	_ =	shalt  }

</sc_bundles>
